<compile_context>
chip_gen: v7x
topology: tpu7x:2x2x1
jax: 0.10.2.dev20260603
libtpu: 0.0.44.dev20260713+nightly
codegen_flags: <defaults>
</compile_context>

<pallas_src>
import jax
import jax.numpy as jnp
from jax import lax
from jax.experimental import pallas as pl
from jax.experimental.pallas import tpu as pltpu
from jax.experimental.pallas import tpu_sc as plsc

B = 16384
F = 26
VOCAB1 = 100001
D = 16

_INFO = plsc.get_sparse_core_info()
NC, NS, L = _INFO.num_cores, _INFO.num_subcores, _INFO.num_lanes
NW = NC * NS
ROWS = F * D
RPW = ROWS // NW
QB = 4096
NQ = B // QB


UNROLL = 8


def _body(xT_hbm, tab_hbm, out_hbm, row_v, idx_v, out0_v, out1_v,
          row_sem, idx_sem, out0_sem, out1_sem):
    wid = lax.axis_index("s") * NC + lax.axis_index("c")
    out_bufs = (out0_v, out1_v)
    out_sems = (out0_sem, out1_sem)

    t = 0
    for r in range(RPW):
        c = wid * RPW + r
        f = c // D
        row_cp = pltpu.async_copy(tab_hbm.at[c], row_v, row_sem)
        if r == 0:
            pltpu.async_copy(xT_hbm.at[f], idx_v, idx_sem).wait()
        else:
            @pl.when(c % D == 0)
            def _load_idx(f=f):
                pltpu.async_copy(xT_hbm.at[f], idx_v, idx_sem).wait()
        row_cp.wait()
        for q in range(NQ):
            ob = out_bufs[t % 2]
            if t >= 2:
                pltpu.make_async_copy(ob, out_hbm.at[c, pl.ds(0, QB)],
                                      out_sems[t % 2]).wait()

            @plsc.parallel_loop(0, QB, L, unroll=UNROLL)
            def gbody(off, q=q, ob=ob):
                ob[pl.ds(off, L)] = plsc.load_gather(
                    row_v, [idx_v[pl.ds(q * QB + off, L)]])
            pltpu.async_copy(ob, out_hbm.at[c, pl.ds(q * QB, QB)],
                             out_sems[t % 2])
            t += 1

    pltpu.make_async_copy(out_bufs[0], out_hbm.at[0, pl.ds(0, QB)],
                          out_sems[0]).wait()
    pltpu.make_async_copy(out_bufs[1], out_hbm.at[0, pl.ds(0, QB)],
                          out_sems[1]).wait()


_gather = pl.kernel(
    _body,
    out_type=jax.ShapeDtypeStruct((ROWS, B), jnp.float32),
    mesh=plsc.VectorSubcoreMesh(core_axis_name="c", subcore_axis_name="s"),
    scratch_types=[
        pltpu.VMEM((VOCAB1,), jnp.float32),
        pltpu.VMEM((B,), jnp.int32),
        pltpu.VMEM((QB,), jnp.float32),
        pltpu.VMEM((QB,), jnp.float32),
        pltpu.SemaphoreType.DMA,
        pltpu.SemaphoreType.DMA,
        pltpu.SemaphoreType.DMA,
        pltpu.SemaphoreType.DMA,
    ],
    compiler_params=pltpu.CompilerParams(
        use_tc_tiling_on_sc=True, needs_layout_passes=False
    ),
)


@jax.jit
def kernel(x, tables):
    x_t = x.T
    tab2 = jnp.transpose(tables, (0, 2, 1)).reshape(ROWS, VOCAB1)
    out_t = _gather(x_t, tab2)
    return out_t.T

# --- scband reference (transcript-rebuilt; emitter-appended) ---
"""Pipeline reference for scband-embeddings-43542378447267 (READ-ONLY COPY).

The authoritative reference and input builder live on the scoring server;
editing this copy changes nothing except your own understanding.
"""

import jax, jax.numpy as jnp
import numpy as np

B = 16384
F = 26
VOCAB = 100000
D = 16


def setup_inputs(seed: int = 0) -> dict:
    key = jax.random.key(seed)
    k1, k2 = jax.random.split(key)
    x = jax.random.randint(k1, (B, F), 0, VOCAB, dtype=jnp.int32)
    # one embedding table per field: (num_unique + 1, D), xavier-uniform style init
    limit = float(np.sqrt(6.0 / ((VOCAB + 1) + D)))
    tables = jax.random.uniform(k2, (F, VOCAB + 1, D), dtype=jnp.float32, minval=-limit, maxval=limit)
    return {"x": x, "tables": tables}


def reference(x, tables):
    # torch: cat([emb(x[:, i]) for i, emb in enumerate(self.embeddings)], 1)
    outs = [jnp.take(tables[i], x[:, i], axis=0) for i in range(F)]
    return jnp.concatenate(outs, axis=1)

if __name__ == "__main__":
    import jax
    _d = setup_inputs()
    print(jax.jit(kernel)(*tuple(_d.values())))

</pallas_src>

<mosaic_0001>
#map = affine_map<(d0, d1) -> (0, 0)>
module attributes {stable_mosaic.version = 14 : i64} {
  func.func @_body(%arg0: i32, %arg1: i32, %arg2: memref<26x16384xi32, #tpu.memory_space<hbm>>, %arg3: memref<416x100001xf32, #tpu.memory_space<hbm>>, %arg4: memref<416x16384xf32, #tpu.memory_space<hbm>>, %arg5: memref<100001xf32, #tpu.memory_space<vmem>>, %arg6: memref<16384xi32, #tpu.memory_space<vmem>>, %arg7: memref<4096xf32, #tpu.memory_space<vmem>>, %arg8: memref<4096xf32, #tpu.memory_space<vmem>>, %arg9: memref<!tpu.dma_semaphore, #tpu.memory_space<semaphore_mem>>, %arg10: memref<!tpu.dma_semaphore, #tpu.memory_space<semaphore_mem>>, %arg11: memref<!tpu.dma_semaphore, #tpu.memory_space<semaphore_mem>>, %arg12: memref<!tpu.dma_semaphore, #tpu.memory_space<semaphore_mem>>) attributes {dimension_semantics = [#tpu.dimension_semantics<core_parallel>, #tpu.dimension_semantics<subcore_parallel>], iteration_bounds = array<i64: 2, 16>, scalar_prefetch = 0 : i64, scratch_operands = 8 : i64, tpu.core_type = #tpu.core_type<sc_vector_subcore>, window_params = [{transform_indices = #map}, {transform_indices = #map}, {transform_indices = #map}]} {
    %mul3A = arith.constant 2 : i32
    %mul3A_0 = arith.muli %arg1, %mul3A : i32
    %add3A = arith.addi %mul3A_0, %arg0 : i32
    %mul3A_1 = arith.constant 13 : i32
    %mul3A_2 = arith.muli %add3A, %mul3A_1 : i32
    %add3A_3 = arith.constant 0 : i32
    %add3A_4 = arith.addi %mul3A_2, %add3A_3 : i32
    %jit3A = arith.constant 16 : i32
    %div3A = arith.divsi %add3A_4, %jit3A : i32
    %sign3A = arith.constant 0 : i32
    %sign3A_5 = arith.cmpi sgt, %add3A_4, %sign3A : i32
    %sign3A_6 = arith.extui %sign3A_5 : i1 to i32
    %sign3A_7 = arith.constant 0 : i32
    %sign3A_8 = arith.cmpi slt, %add3A_4, %sign3A_7 : i32
    %sign3A_9 = arith.extui %sign3A_8 : i1 to i32
    %sign3A_10 = arith.subi %sign3A_6, %sign3A_9 : i32
    %sign3A_11 = arith.constant 0 : i32
    %sign3A_12 = arith.cmpi sgt, %jit3A, %sign3A_11 : i32
    %sign3A_13 = arith.extui %sign3A_12 : i1 to i32
    %sign3A_14 = arith.constant 0 : i32
    %sign3A_15 = arith.cmpi slt, %jit3A, %sign3A_14 : i32
    %sign3A_16 = arith.extui %sign3A_15 : i1 to i32
    %sign3A_17 = arith.subi %sign3A_13, %sign3A_16 : i32
    %ne3A = arith.cmpi ne, %sign3A_10, %sign3A_17 : i32
    %rem3A = arith.remsi %add3A_4, %jit3A : i32
    %ne3A_18 = arith.constant 0 : i32
    %ne3A_19 = arith.cmpi ne, %rem3A, %ne3A_18 : i32
    %and3A = arith.andi %ne3A, %ne3A_19 : i1
    %sub3A = arith.constant 1 : i32
    %sub3A_20 = arith.subi %div3A, %sub3A : i32
    %select_n3A = arith.select %and3A, %sub3A_20, %div3A : i32
    %dma_start3A = arith.constant 0 : i32
    %dma_start3A_21 = tpu.memref_slice %arg3[%add3A_4, %dma_start3A] : memref<416x100001xf32, #tpu.memory_space<hbm>> -> memref<1x100001xf32, #tpu.memory_space<hbm>>
    %dma_start3A_22 = tpu.memref_squeeze %dma_start3A_21 : memref<1x100001xf32, #tpu.memory_space<hbm>> -> memref<100001xf32, #tpu.memory_space<hbm>>
    %dma_start3A_23 = arith.constant 0 : i32
    %dma_start3A_24 = tpu.memref_slice %arg3[%add3A_4, %dma_start3A_23] : memref<416x100001xf32, #tpu.memory_space<hbm>> -> memref<1x100001xf32, #tpu.memory_space<hbm>>
    %dma_start3A_25 = tpu.memref_squeeze %dma_start3A_24 : memref<1x100001xf32, #tpu.memory_space<hbm>> -> memref<100001xf32, #tpu.memory_space<hbm>>
    tpu.enqueue_dma source(%dma_start3A_25 : memref<100001xf32, #tpu.memory_space<hbm>>) target(%arg5 : memref<100001xf32, #tpu.memory_space<vmem>>) target_semaphore(%arg9 : memref<!tpu.dma_semaphore, #tpu.memory_space<semaphore_mem>>)
    %dma_start3A_26 = arith.constant 0 : i32
    %dma_start3A_27 = tpu.memref_slice %arg2[%select_n3A, %dma_start3A_26] : memref<26x16384xi32, #tpu.memory_space<hbm>> -> memref<1x16384xi32, #tpu.memory_space<hbm>>
    %dma_start3A_28 = tpu.memref_squeeze %dma_start3A_27 : memref<1x16384xi32, #tpu.memory_space<hbm>> -> memref<16384xi32, #tpu.memory_space<hbm>>
    %dma_start3A_29 = arith.constant 0 : i32
    %dma_start3A_30 = tpu.memref_slice %arg2[%select_n3A, %dma_start3A_29] : memref<26x16384xi32, #tpu.memory_space<hbm>> -> memref<1x16384xi32, #tpu.memory_space<hbm>>
    %dma_start3A_31 = tpu.memref_squeeze %dma_start3A_30 : memref<1x16384xi32, #tpu.memory_space<hbm>> -> memref<16384xi32, #tpu.memory_space<hbm>>
    tpu.enqueue_dma source(%dma_start3A_31 : memref<16384xi32, #tpu.memory_space<hbm>>) target(%arg6 : memref<16384xi32, #tpu.memory_space<vmem>>) target_semaphore(%arg10 : memref<!tpu.dma_semaphore, #tpu.memory_space<semaphore_mem>>)
    %dma_wait3A = arith.constant 0 : i32
    %dma_wait3A_32 = tpu.memref_slice %arg2[%select_n3A, %dma_wait3A] : memref<26x16384xi32, #tpu.memory_space<hbm>> -> memref<1x16384xi32, #tpu.memory_space<hbm>>
    %dma_wait3A_33 = tpu.memref_squeeze %dma_wait3A_32 : memref<1x16384xi32, #tpu.memory_space<hbm>> -> memref<16384xi32, #tpu.memory_space<hbm>>
    %dma_wait3A_34 = arith.constant 0 : i32
    %dma_wait3A_35 = tpu.memref_slice %arg2[%select_n3A, %dma_wait3A_34] : memref<26x16384xi32, #tpu.memory_space<hbm>> -> memref<1x16384xi32, #tpu.memory_space<hbm>>
    %dma_wait3A_36 = tpu.memref_squeeze %dma_wait3A_35 : memref<1x16384xi32, #tpu.memory_space<hbm>> -> memref<16384xi32, #tpu.memory_space<hbm>>
    tpu.wait_dma2 semaphore(%arg10 : memref<!tpu.dma_semaphore, #tpu.memory_space<semaphore_mem>>) src(%dma_wait3A_36 : memref<16384xi32, #tpu.memory_space<hbm>>) dst(%arg6 : memref<16384xi32, #tpu.memory_space<vmem>>)
    %dma_wait3A_37 = arith.constant 0 : i32
    %dma_wait3A_38 = tpu.memref_slice %arg3[%add3A_4, %dma_wait3A_37] : memref<416x100001xf32, #tpu.memory_space<hbm>> -> memref<1x100001xf32, #tpu.memory_space<hbm>>
    %dma_wait3A_39 = tpu.memref_squeeze %dma_wait3A_38 : memref<1x100001xf32, #tpu.memory_space<hbm>> -> memref<100001xf32, #tpu.memory_space<hbm>>
    %dma_wait3A_40 = arith.constant 0 : i32
    %dma_wait3A_41 = tpu.memref_slice %arg3[%add3A_4, %dma_wait3A_40] : memref<416x100001xf32, #tpu.memory_space<hbm>> -> memref<1x100001xf32, #tpu.memory_space<hbm>>
    %dma_wait3A_42 = tpu.memref_squeeze %dma_wait3A_41 : memref<1x100001xf32, #tpu.memory_space<hbm>> -> memref<100001xf32, #tpu.memory_space<hbm>>
    tpu.wait_dma2 semaphore(%arg9 : memref<!tpu.dma_semaphore, #tpu.memory_space<semaphore_mem>>) src(%dma_wait3A_42 : memref<100001xf32, #tpu.memory_space<hbm>>) dst(%arg5 : memref<100001xf32, #tpu.memory_space<vmem>>)
    %parallel_loop3A = arith.constant 0 : i32
    %parallel_loop3A_43 = arith.constant 4096 : i32
    %parallel_loop3A_44 = arith.constant 16 : i32
    scf.for %parallel_loop3A_1552 = %parallel_loop3A to %parallel_loop3A_43 step %parallel_loop3A_44  : i32 {
      %parallel_loop3A_1553 = arith.constant 0 : i32
      %parallel_loop3A_1554 = arith.addi %parallel_loop3A_1553, %parallel_loop3A_1552 : i32
      %parallel_loop3A_1555 = arith.index_cast %parallel_loop3A_1554 : i32 to index
      %parallel_loop3A_1556 = tpu.vector_load %arg6[%parallel_loop3A_1555] {strides = array<i32>} : memref<16384xi32, #tpu.memory_space<vmem>>, vector<16xi32>,
      %parallel_loop3A_1557 = tpu.vector_load_idx %arg5[%parallel_loop3A_1556] : memref<100001xf32, #tpu.memory_space<vmem>>[vector<16xi32>], vector<16xf32>,
      %parallel_loop3A_1558 = arith.index_cast %parallel_loop3A_1552 : i32 to index
      %parallel_loop3A_1559 = tpu.vector_load %arg7[%parallel_loop3A_1558] {strides = array<i32>} : memref<4096xf32, #tpu.memory_space<vmem>>, vector<16xf32>,
      tpu.vector_store %arg7[%parallel_loop3A_1558], %parallel_loop3A_1557 {strides = array<i32>} : memref<4096xf32, #tpu.memory_space<vmem>>, vector<16xf32>,
    } {sc.loop_unroll_factor = 8 : i64, sc.parallel_access}
    %dma_start3A_45 = arith.constant 0 : i32
    %dma_start3A_46 = tpu.memref_slice %arg4[%add3A_4, %dma_start3A_45] : memref<416x16384xf32, #tpu.memory_space<hbm>> -> memref<1x4096xf32, #tpu.memory_space<hbm>>
    %dma_start3A_47 = tpu.memref_squeeze %dma_start3A_46 : memref<1x4096xf32, #tpu.memory_space<hbm>> -> memref<4096xf32, #tpu.memory_space<hbm>>
    %dma_start3A_48 = arith.constant 0 : i32
    %dma_start3A_49 = tpu.memref_slice %arg4[%add3A_4, %dma_start3A_48] : memref<416x16384xf32, #tpu.memory_space<hbm>> -> memref<1x4096xf32, #tpu.memory_space<hbm>>
    %dma_start3A_50 = tpu.memref_squeeze %dma_start3A_49 : memref<1x4096xf32, #tpu.memory_space<hbm>> -> memref<4096xf32, #tpu.memory_space<hbm>>
    tpu.enqueue_dma source(%arg7 : memref<4096xf32, #tpu.memory_space<vmem>>) target(%dma_start3A_50 : memref<4096xf32, #tpu.memory_space<hbm>>) target_semaphore(%arg11 : memref<!tpu.dma_semaphore, #tpu.memory_space<semaphore_mem>>)
    %parallel_loop3A_51 = arith.constant 0 : i32
    %parallel_loop3A_52 = arith.constant 4096 : i32
    %parallel_loop3A_53 = arith.constant 16 : i32
    scf.for %parallel_loop3A_1552 = %parallel_loop3A_51 to %parallel_loop3A_52 step %parallel_loop3A_53  : i32 {
      %parallel_loop3A_1553 = arith.constant 4096 : i32
      %parallel_loop3A_1554 = arith.addi %parallel_loop3A_1553, %parallel_loop3A_1552 : i32
      %parallel_loop3A_1555 = arith.index_cast %parallel_loop3A_1554 : i32 to index
      %parallel_loop3A_1556 = tpu.vector_load %arg6[%parallel_loop3A_1555] {strides = array<i32>} : memref<16384xi32, #tpu.memory_space<vmem>>, vector<16xi32>,
      %parallel_loop3A_1557 = tpu.vector_load_idx %arg5[%parallel_loop3A_1556] : memref<100001xf32, #tpu.memory_space<vmem>>[vector<16xi32>], vector<16xf32>,
      %parallel_loop3A_1558 = arith.index_cast %parallel_loop3A_1552 : i32 to index
      %parallel_loop3A_1559 = tpu.vector_load %arg8[%parallel_loop3A_1558] {strides = array<i32>} : memref<4096xf32, #tpu.memory_space<vmem>>, vector<16xf32>,
      tpu.vector_store %arg8[%parallel_loop3A_1558], %parallel_loop3A_1557 {strides = array<i32>} : memref<4096xf32, #tpu.memory_space<vmem>>, vector<16xf32>,
    } {sc.loop_unroll_factor = 8 : i64, sc.parallel_access}
    %dma_start3A_54 = arith.constant 4096 : i32
    %dma_start3A_55 = tpu.memref_slice %arg4[%add3A_4, %dma_start3A_54] : memref<416x16384xf32, #tpu.memory_space<hbm>> -> memref<1x4096xf32, #tpu.memory_space<hbm>>
    %dma_start3A_56 = tpu.memref_squeeze %dma_start3A_55 : memref<1x4096xf32, #tpu.memory_space<hbm>> -> memref<4096xf32, #tpu.memory_space<hbm>>
    %dma_start3A_57 = arith.constant 4096 : i32
    %dma_start3A_58 = tpu.memref_slice %arg4[%add3A_4, %dma_start3A_57] : memref<416x16384xf32, #tpu.memory_space<hbm>> -> memref<1x4096xf32, #tpu.memory_space<hbm>>
    %dma_start3A_59 = tpu.memref_squeeze %dma_start3A_58 : memref<1x4096xf32, #tpu.memory_space<hbm>> -> memref<4096xf32, #tpu.memory_space<hbm>>
    tpu.enqueue_dma source(%arg8 : memref<4096xf32, #tpu.memory_space<vmem>>) target(%dma_start3A_59 : memref<4096xf32, #tpu.memory_space<hbm>>) target_semaphore(%arg12 : memref<!tpu.dma_semaphore, #tpu.memory_space<semaphore_mem>>)
    %dma_wait3A_60 = arith.constant 0 : i32
    %dma_wait3A_61 = tpu.memref_slice %arg4[%add3A_4, %dma_wait3A_60] : memref<416x16384xf32, #tpu.memory_space<hbm>> -> memref<1x4096xf32, #tpu.memory_space<hbm>>
    %dma_wait3A_62 = tpu.memref_squeeze %dma_wait3A_61 : memref<1x4096xf32, #tpu.memory_space<hbm>> -> memref<4096xf32, #tpu.memory_space<hbm>>
    %dma_wait3A_63 = arith.constant 0 : i32
    %dma_wait3A_64 = tpu.memref_slice %arg4[%add3A_4, %dma_wait3A_63] : memref<416x16384xf32, #tpu.memory_space<hbm>> -> memref<1x4096xf32, #tpu.memory_space<hbm>>
    %dma_wait3A_65 = tpu.memref_squeeze %dma_wait3A_64 : memref<1x4096xf32, #tpu.memory_space<hbm>> -> memref<4096xf32, #tpu.memory_space<hbm>>
    tpu.wait_dma2 semaphore(%arg11 : memref<!tpu.dma_semaphore, #tpu.memory_space<semaphore_mem>>) src(%arg7 : memref<4096xf32, #tpu.memory_space<vmem>>) dst(%dma_wait3A_65 : memref<4096xf32, #tpu.memory_space<hbm>>)
    %parallel_loop3A_66 = arith.constant 0 : i32
    %parallel_loop3A_67 = arith.constant 4096 : i32
    %parallel_loop3A_68 = arith.constant 16 : i32
    scf.for %parallel_loop3A_1552 = %parallel_loop3A_66 to %parallel_loop3A_67 step %parallel_loop3A_68  : i32 {
      %parallel_loop3A_1553 = arith.constant 8192 : i32
      %parallel_loop3A_1554 = arith.addi %parallel_loop3A_1553, %parallel_loop3A_1552 : i32
      %parallel_loop3A_1555 = arith.index_cast %parallel_loop3A_1554 : i32 to index
      %parallel_loop3A_1556 = tpu.vector_load %arg6[%parallel_loop3A_1555] {strides = array<i32>} : memref<16384xi32, #tpu.memory_space<vmem>>, vector<16xi32>,
      %parallel_loop3A_1557 = tpu.vector_load_idx %arg5[%parallel_loop3A_1556] : memref<100001xf32, #tpu.memory_space<vmem>>[vector<16xi32>], vector<16xf32>,
      %parallel_loop3A_1558 = arith.index_cast %parallel_loop3A_1552 : i32 to index
      %parallel_loop3A_1559 = tpu.vector_load %arg7[%parallel_loop3A_1558] {strides = array<i32>} : memref<4096xf32, #tpu.memory_space<vmem>>, vector<16xf32>,
      tpu.vector_store %arg7[%parallel_loop3A_1558], %parallel_loop3A_1557 {strides = array<i32>} : memref<4096xf32, #tpu.memory_space<vmem>>, vector<16xf32>,
    } {sc.loop_unroll_factor = 8 : i64, sc.parallel_access}
    %dma_start3A_69 = arith.constant 8192 : i32
    %dma_start3A_70 = tpu.memref_slice %arg4[%add3A_4, %dma_start3A_69] : memref<416x16384xf32, #tpu.memory_space<hbm>> -> memref<1x4096xf32, #tpu.memory_space<hbm>>
    %dma_start3A_71 = tpu.memref_squeeze %dma_start3A_70 : memref<1x4096xf32, #tpu.memory_space<hbm>> -> memref<4096xf32, #tpu.memory_space<hbm>>
    %dma_start3A_72 = arith.constant 8192 : i32
    %dma_start3A_73 = tpu.memref_slice %arg4[%add3A_4, %dma_start3A_72] : memref<416x16384xf32, #tpu.memory_space<hbm>> -> memref<1x4096xf32, #tpu.memory_space<hbm>>
    %dma_start3A_74 = tpu.memref_squeeze %dma_start3A_73 : memref<1x4096xf32, #tpu.memory_space<hbm>> -> memref<4096xf32, #tpu.memory_space<hbm>>
    tpu.enqueue_dma source(%arg7 : memref<4096xf32, #tpu.memory_space<vmem>>) target(%dma_start3A_74 : memref<4096xf32, #tpu.memory_space<hbm>>) target_semaphore(%arg11 : memref<!tpu.dma_semaphore, #tpu.memory_space<semaphore_mem>>)
    %dma_wait3A_75 = arith.constant 0 : i32
    %dma_wait3A_76 = tpu.memref_slice %arg4[%add3A_4, %dma_wait3A_75] : memref<416x16384xf32, #tpu.memory_space<hbm>> -> memref<1x4096xf32, #tpu.memory_space<hbm>>
    %dma_wait3A_77 = tpu.memref_squeeze %dma_wait3A_76 : memref<1x4096xf32, #tpu.memory_space<hbm>> -> memref<4096xf32, #tpu.memory_space<hbm>>
    %dma_wait3A_78 = arith.constant 0 : i32
    %dma_wait3A_79 = tpu.memref_slice %arg4[%add3A_4, %dma_wait3A_78] : memref<416x16384xf32, #tpu.memory_space<hbm>> -> memref<1x4096xf32, #tpu.memory_space<hbm>>
    %dma_wait3A_80 = tpu.memref_squeeze %dma_wait3A_79 : memref<1x4096xf32, #tpu.memory_space<hbm>> -> memref<4096xf32, #tpu.memory_space<hbm>>
    tpu.wait_dma2 semaphore(%arg12 : memref<!tpu.dma_semaphore, #tpu.memory_space<semaphore_mem>>) src(%arg8 : memref<4096xf32, #tpu.memory_space<vmem>>) dst(%dma_wait3A_80 : memref<4096xf32, #tpu.memory_space<hbm>>)
    %parallel_loop3A_81 = arith.constant 0 : i32
    %parallel_loop3A_82 = arith.constant 4096 : i32
    %parallel_loop3A_83 = arith.constant 16 : i32
    scf.for %parallel_loop3A_1552 = %parallel_loop3A_81 to %parallel_loop3A_82 step %parallel_loop3A_83  : i32 {
      %parallel_loop3A_1553 = arith.constant 12288 : i32
      %parallel_loop3A_1554 = arith.addi %parallel_loop3A_1553, %parallel_loop3A_1552 : i32
      %parallel_loop3A_1555 = arith.index_cast %parallel_loop3A_1554 : i32 to index
      %parallel_loop3A_1556 = tpu.vector_load %arg6[%parallel_loop3A_1555] {strides = array<i32>} : memref<16384xi32, #tpu.memory_space<vmem>>, vector<16xi32>,
      %parallel_loop3A_1557 = tpu.vector_load_idx %arg5[%parallel_loop3A_1556] : memref<100001xf32, #tpu.memory_space<vmem>>[vector<16xi32>], vector<16xf32>,
      %parallel_loop3A_1558 = arith.index_cast %parallel_loop3A_1552 : i32 to index
      %parallel_loop3A_1559 = tpu.vector_load %arg8[%parallel_loop3A_1558] {strides = array<i32>} : memref<4096xf32, #tpu.memory_space<vmem>>, vector<16xf32>,
      tpu.vector_store %arg8[%parallel_loop3A_1558], %parallel_loop3A_1557 {strides = array<i32>} : memref<4096xf32, #tpu.memory_space<vmem>>, vector<16xf32>,
    } {sc.loop_unroll_factor = 8 : i64, sc.parallel_access}
    %dma_start3A_84 = arith.constant 12288 : i32
    %dma_start3A_85 = tpu.memref_slice %arg4[%add3A_4, %dma_start3A_84] : memref<416x16384xf32, #tpu.memory_space<hbm>> -> memref<1x4096xf32, #tpu.memory_space<hbm>>
    %dma_start3A_86 = tpu.memref_squeeze %dma_start3A_85 : memref<1x4096xf32, #tpu.memory_space<hbm>> -> memref<4096xf32, #tpu.memory_space<hbm>>
    %dma_start3A_87 = arith.constant 12288 : i32
    %dma_start3A_88 = tpu.memref_slice %arg4[%add3A_4, %dma_start3A_87] : memref<416x16384xf32, #tpu.memory_space<hbm>> -> memref<1x4096xf32, #tpu.memory_space<hbm>>
    %dma_start3A_89 = tpu.memref_squeeze %dma_start3A_88 : memref<1x4096xf32, #tpu.memory_space<hbm>> -> memref<4096xf32, #tpu.memory_space<hbm>>
    tpu.enqueue_dma source(%arg8 : memref<4096xf32, #tpu.memory_space<vmem>>) target(%dma_start3A_89 : memref<4096xf32, #tpu.memory_space<hbm>>) target_semaphore(%arg12 : memref<!tpu.dma_semaphore, #tpu.memory_space<semaphore_mem>>)
    %mul3A_90 = arith.constant 13 : i32
    %mul3A_91 = arith.muli %add3A, %mul3A_90 : i32
    %add3A_92 = arith.constant 1 : i32
    %add3A_93 = arith.addi %mul3A_91, %add3A_92 : i32
    %jit3A_94 = arith.constant 16 : i32
    %div3A_95 = arith.divsi %add3A_93, %jit3A_94 : i32
    %sign3A_96 = arith.constant 0 : i32
    %sign3A_97 = arith.cmpi sgt, %add3A_93, %sign3A_96 : i32
    %sign3A_98 = arith.extui %sign3A_97 : i1 to i32
    %sign3A_99 = arith.constant 0 : i32
    %sign3A_100 = arith.cmpi slt, %add3A_93, %sign3A_99 : i32
    %sign3A_101 = arith.extui %sign3A_100 : i1 to i32
    %sign3A_102 = arith.subi %sign3A_98, %sign3A_101 : i32
    %sign3A_103 = arith.constant 0 : i32
    %sign3A_104 = arith.cmpi sgt, %jit3A_94, %sign3A_103 : i32
    %sign3A_105 = arith.extui %sign3A_104 : i1 to i32
    %sign3A_106 = arith.constant 0 : i32
    %sign3A_107 = arith.cmpi slt, %jit3A_94, %sign3A_106 : i32
    %sign3A_108 = arith.extui %sign3A_107 : i1 to i32
    %sign3A_109 = arith.subi %sign3A_105, %sign3A_108 : i32
    %ne3A_110 = arith.cmpi ne, %sign3A_102, %sign3A_109 : i32
    %rem3A_111 = arith.remsi %add3A_93, %jit3A_94 : i32
    %ne3A_112 = arith.constant 0 : i32
    %ne3A_113 = arith.cmpi ne, %rem3A_111, %ne3A_112 : i32
    %and3A_114 = arith.andi %ne3A_110, %ne3A_113 : i1
    %sub3A_115 = arith.constant 1 : i32
    %sub3A_116 = arith.subi %div3A_95, %sub3A_115 : i32
    %select_n3A_117 = arith.select %and3A_114, %sub3A_116, %div3A_95 : i32
    %dma_start3A_118 = arith.constant 0 : i32
    %dma_start3A_119 = tpu.memref_slice %arg3[%add3A_93, %dma_start3A_118] : memref<416x100001xf32, #tpu.memory_space<hbm>> -> memref<1x100001xf32, #tpu.memory_space<hbm>>
    %dma_start3A_120 = tpu.memref_squeeze %dma_start3A_119 : memref<1x100001xf32, #tpu.memory_space<hbm>> -> memref<100001xf32, #tpu.memory_space<hbm>>
    %dma_start3A_121 = arith.constant 0 : i32
    %dma_start3A_122 = tpu.memref_slice %arg3[%add3A_93, %dma_start3A_121] : memref<416x100001xf32, #tpu.memory_space<hbm>> -> memref<1x100001xf32, #tpu.memory_space<hbm>>
    %dma_start3A_123 = tpu.memref_squeeze %dma_start3A_122 : memref<1x100001xf32, #tpu.memory_space<hbm>> -> memref<100001xf32, #tpu.memory_space<hbm>>
    tpu.enqueue_dma source(%dma_start3A_123 : memref<100001xf32, #tpu.memory_space<hbm>>) target(%arg5 : memref<100001xf32, #tpu.memory_space<vmem>>) target_semaphore(%arg9 : memref<!tpu.dma_semaphore, #tpu.memory_space<semaphore_mem>>)
    %jit3A_124 = arith.constant 16 : i32
    %eq3A = arith.constant 0 : i32
    %eq3A_125 = arith.cmpi eq, %jit3A_124, %eq3A : i32
    %jit3A_126 = arith.constant 1 : i32
    %select_n3A_127 = arith.select %eq3A_125, %jit3A_126, %jit3A_124 : i32
    %rem3A_128 = arith.remsi %add3A_93, %select_n3A_127 : i32
    %ne3A_129 = arith.constant 0 : i32
    %ne3A_130 = arith.cmpi ne, %rem3A_128, %ne3A_129 : i32
    %lt3A = arith.constant 0 : i32
    %lt3A_131 = arith.cmpi slt, %rem3A_128, %lt3A : i32
    %lt3A_132 = arith.constant 0 : i32
    %lt3A_133 = arith.cmpi slt, %select_n3A_127, %lt3A_132 : i32
    %ne3A_134 = arith.xori %lt3A_131, %lt3A_133 : i1
    %and3A_135 = arith.andi %ne3A_134, %ne3A_130 : i1
    %add3A_136 = arith.addi %rem3A_128, %select_n3A_127 : i32
    %select_n3A_137 = arith.select %and3A_135, %add3A_136, %rem3A_128 : i32
    %eq3A_138 = arith.constant 0 : i32
    %eq3A_139 = arith.cmpi eq, %select_n3A_137, %eq3A_138 : i32
    %convert_element_type3A = arith.extui %eq3A_139 : i1 to i32
    %cond3A = arith.constant 0 : i32
    %cond3A_140 = arith.cmpi ne, %convert_element_type3A, %cond3A : i32
    scf.if %cond3A_140 {
      %dma_start3A_1552 = arith.constant 0 : i32
      %dma_start3A_1553 = tpu.memref_slice %arg2[%select_n3A_117, %dma_start3A_1552] : memref<26x16384xi32, #tpu.memory_space<hbm>> -> memref<1x16384xi32, #tpu.memory_space<hbm>>
      %dma_start3A_1554 = tpu.memref_squeeze %dma_start3A_1553 : memref<1x16384xi32, #tpu.memory_space<hbm>> -> memref<16384xi32, #tpu.memory_space<hbm>>
      %dma_start3A_1555 = arith.constant 0 : i32
      %dma_start3A_1556 = tpu.memref_slice %arg2[%select_n3A_117, %dma_start3A_1555] : memref<26x16384xi32, #tpu.memory_space<hbm>> -> memref<1x16384xi32, #tpu.memory_space<hbm>>
      %dma_start3A_1557 = tpu.memref_squeeze %dma_start3A_1556 : memref<1x16384xi32, #tpu.memory_space<hbm>> -> memref<16384xi32, #tpu.memory_space<hbm>>
      tpu.enqueue_dma source(%dma_start3A_1557 : memref<16384xi32, #tpu.memory_space<hbm>>) target(%arg6 : memref<16384xi32, #tpu.memory_space<vmem>>) target_semaphore(%arg10 : memref<!tpu.dma_semaphore, #tpu.memory_space<semaphore_mem>>)
      %dma_wait3A_1558 = arith.constant 0 : i32
      %dma_wait3A_1559 = tpu.memref_slice %arg2[%select_n3A_117, %dma_wait3A_1558] : memref<26x16384xi32, #tpu.memory_space<hbm>> -> memref<1x16384xi32, #tpu.memory_space<hbm>>
      %dma_wait3A_1560 = tpu.memref_squeeze %dma_wait3A_1559 : memref<1x16384xi32, #tpu.memory_space<hbm>> -> memref<16384xi32, #tpu.memory_space<hbm>>
      %dma_wait3A_1561 = arith.constant 0 : i32
      %dma_wait3A_1562 = tpu.memref_slice %arg2[%select_n3A_117, %dma_wait3A_1561] : memref<26x16384xi32, #tpu.memory_space<hbm>> -> memref<1x16384xi32, #tpu.memory_space<hbm>>
      %dma_wait3A_1563 = tpu.memref_squeeze %dma_wait3A_1562 : memref<1x16384xi32, #tpu.memory_space<hbm>> -> memref<16384xi32, #tpu.memory_space<hbm>>
      tpu.wait_dma2 semaphore(%arg10 : memref<!tpu.dma_semaphore, #tpu.memory_space<semaphore_mem>>) src(%dma_wait3A_1563 : memref<16384xi32, #tpu.memory_space<hbm>>) dst(%arg6 : memref<16384xi32, #tpu.memory_space<vmem>>)
    } else {
    }
    %dma_wait3A_141 = arith.constant 0 : i32
    %dma_wait3A_142 = tpu.memref_slice %arg3[%add3A_93, %dma_wait3A_141] : memref<416x100001xf32, #tpu.memory_space<hbm>> -> memref<1x100001xf32, #tpu.memory_space<hbm>>
    %dma_wait3A_143 = tpu.memref_squeeze %dma_wait3A_142 : memref<1x100001xf32, #tpu.memory_space<hbm>> -> memref<100001xf32, #tpu.memory_space<hbm>>
    %dma_wait3A_144 = arith.constant 0 : i32
    %dma_wait3A_145 = tpu.memref_slice %arg3[%add3A_93, %dma_wait3A_144] : memref<416x100001xf32, #tpu.memory_space<hbm>> -> memref<1x100001xf32, #tpu.memory_space<hbm>>
    %dma_wait3A_146 = tpu.memref_squeeze %dma_wait3A_145 : memref<1x100001xf32, #tpu.memory_space<hbm>> -> memref<100001xf32, #tpu.memory_space<hbm>>
    tpu.wait_dma2 semaphore(%arg9 : memref<!tpu.dma_semaphore, #tpu.memory_space<semaphore_mem>>) src(%dma_wait3A_146 : memref<100001xf32, #tpu.memory_space<hbm>>) dst(%arg5 : memref<100001xf32, #tpu.memory_space<vmem>>)
    %dma_wait3A_147 = arith.constant 0 : i32
    %dma_wait3A_148 = tpu.memref_slice %arg4[%add3A_93, %dma_wait3A_147] : memref<416x16384xf32, #tpu.memory_space<hbm>> -> memref<1x4096xf32, #tpu.memory_space<hbm>>
    %dma_wait3A_149 = tpu.memref_squeeze %dma_wait3A_148 : memref<1x4096xf32, #tpu.memory_space<hbm>> -> memref<4096xf32, #tpu.memory_space<hbm>>
    %dma_wait3A_150 = arith.constant 0 : i32
    %dma_wait3A_151 = tpu.memref_slice %arg4[%add3A_93, %dma_wait3A_150] : memref<416x16384xf32, #tpu.memory_space<hbm>> -> memref<1x4096xf32, #tpu.memory_space<hbm>>
    %dma_wait3A_152 = tpu.memref_squeeze %dma_wait3A_151 : memref<1x4096xf32, #tpu.memory_space<hbm>> -> memref<4096xf32, #tpu.memory_space<hbm>>
    tpu.wait_dma2 semaphore(%arg11 : memref<!tpu.dma_semaphore, #tpu.memory_space<semaphore_mem>>) src(%arg7 : memref<4096xf32, #tpu.memory_space<vmem>>) dst(%dma_wait3A_152 : memref<4096xf32, #tpu.memory_space<hbm>>)
    %parallel_loop3A_153 = arith.constant 0 : i32
    %parallel_loop3A_154 = arith.constant 4096 : i32
    %parallel_loop3A_155 = arith.constant 16 : i32
    scf.for %parallel_loop3A_1552 = %parallel_loop3A_153 to %parallel_loop3A_154 step %parallel_loop3A_155  : i32 {
      %parallel_loop3A_1553 = arith.constant 0 : i32
      %parallel_loop3A_1554 = arith.addi %parallel_loop3A_1553, %parallel_loop3A_1552 : i32
      %parallel_loop3A_1555 = arith.index_cast %parallel_loop3A_1554 : i32 to index
      %parallel_loop3A_1556 = tpu.vector_load %arg6[%parallel_loop3A_1555] {strides = array<i32>} : memref<16384xi32, #tpu.memory_space<vmem>>, vector<16xi32>,
      %parallel_loop3A_1557 = tpu.vector_load_idx %arg5[%parallel_loop3A_1556] : memref<100001xf32, #tpu.memory_space<vmem>>[vector<16xi32>], vector<16xf32>,
      %parallel_loop3A_1558 = arith.index_cast %parallel_loop3A_1552 : i32 to index
      %parallel_loop3A_1559 = tpu.vector_load %arg7[%parallel_loop3A_1558] {strides = array<i32>} : memref<4096xf32, #tpu.memory_space<vmem>>, vector<16xf32>,
      tpu.vector_store %arg7[%parallel_loop3A_1558], %parallel_loop3A_1557 {strides = array<i32>} : memref<4096xf32, #tpu.memory_space<vmem>>, vector<16xf32>,
    } {sc.loop_unroll_factor = 8 : i64, sc.parallel_access}
    %dma_start3A_156 = arith.constant 0 : i32
    %dma_start3A_157 = tpu.memref_slice %arg4[%add3A_93, %dma_start3A_156] : memref<416x16384xf32, #tpu.memory_space<hbm>> -> memref<1x4096xf32, #tpu.memory_space<hbm>>
    %dma_start3A_158 = tpu.memref_squeeze %dma_start3A_157 : memref<1x4096xf32, #tpu.memory_space<hbm>> -> memref<4096xf32, #tpu.memory_space<hbm>>
    %dma_start3A_159 = arith.constant 0 : i32
    %dma_start3A_160 = tpu.memref_slice %arg4[%add3A_93, %dma_start3A_159] : memref<416x16384xf32, #tpu.memory_space<hbm>> -> memref<1x4096xf32, #tpu.memory_space<hbm>>
    %dma_start3A_161 = tpu.memref_squeeze %dma_start3A_160 : memref<1x4096xf32, #tpu.memory_space<hbm>> -> memref<4096xf32, #tpu.memory_space<hbm>>
    tpu.enqueue_dma source(%arg7 : memref<4096xf32, #tpu.memory_space<vmem>>) target(%dma_start3A_161 : memref<4096xf32, #tpu.memory_space<hbm>>) target_semaphore(%arg11 : memref<!tpu.dma_semaphore, #tpu.memory_space<semaphore_mem>>)
    %dma_wait3A_162 = arith.constant 0 : i32
    %dma_wait3A_163 = tpu.memref_slice %arg4[%add3A_93, %dma_wait3A_162] : memref<416x16384xf32, #tpu.memory_space<hbm>> -> memref<1x4096xf32, #tpu.memory_space<hbm>>
    %dma_wait3A_164 = tpu.memref_squeeze %dma_wait3A_163 : memref<1x4096xf32, #tpu.memory_space<hbm>> -> memref<4096xf32, #tpu.memory_space<hbm>>
    %dma_wait3A_165 = arith.constant 0 : i32
    %dma_wait3A_166 = tpu.memref_slice %arg4[%add3A_93, %dma_wait3A_165] : memref<416x16384xf32, #tpu.memory_space<hbm>> -> memref<1x4096xf32, #tpu.memory_space<hbm>>
    %dma_wait3A_167 = tpu.memref_squeeze %dma_wait3A_166 : memref<1x4096xf32, #tpu.memory_space<hbm>> -> memref<4096xf32, #tpu.memory_space<hbm>>
    tpu.wait_dma2 semaphore(%arg12 : memref<!tpu.dma_semaphore, #tpu.memory_space<semaphore_mem>>) src(%arg8 : memref<4096xf32, #tpu.memory_space<vmem>>) dst(%dma_wait3A_167 : memref<4096xf32, #tpu.memory_space<hbm>>)
    %parallel_loop3A_168 = arith.constant 0 : i32
    %parallel_loop3A_169 = arith.constant 4096 : i32
    %parallel_loop3A_170 = arith.constant 16 : i32
    scf.for %parallel_loop3A_1552 = %parallel_loop3A_168 to %parallel_loop3A_169 step %parallel_loop3A_170  : i32 {
      %parallel_loop3A_1553 = arith.constant 4096 : i32
      %parallel_loop3A_1554 = arith.addi %parallel_loop3A_1553, %parallel_loop3A_1552 : i32
      %parallel_loop3A_1555 = arith.index_cast %parallel_loop3A_1554 : i32 to index
      %parallel_loop3A_1556 = tpu.vector_load %arg6[%parallel_loop3A_1555] {strides = array<i32>} : memref<16384xi32, #tpu.memory_space<vmem>>, vector<16xi32>,
      %parallel_loop3A_1557 = tpu.vector_load_idx %arg5[%parallel_loop3A_1556] : memref<100001xf32, #tpu.memory_space<vmem>>[vector<16xi32>], vector<16xf32>,
      %parallel_loop3A_1558 = arith.index_cast %parallel_loop3A_1552 : i32 to index
      %parallel_loop3A_1559 = tpu.vector_load %arg8[%parallel_loop3A_1558] {strides = array<i32>} : memref<4096xf32, #tpu.memory_space<vmem>>, vector<16xf32>,
      tpu.vector_store %arg8[%parallel_loop3A_1558], %parallel_loop3A_1557 {strides = array<i32>} : memref<4096xf32, #tpu.memory_space<vmem>>, vector<16xf32>,
    } {sc.loop_unroll_factor = 8 : i64, sc.parallel_access}
    %dma_start3A_171 = arith.constant 4096 : i32
    %dma_start3A_172 = tpu.memref_slice %arg4[%add3A_93, %dma_start3A_171] : memref<416x16384xf32, #tpu.memory_space<hbm>> -> memref<1x4096xf32, #tpu.memory_space<hbm>>
    %dma_start3A_173 = tpu.memref_squeeze %dma_start3A_172 : memref<1x4096xf32, #tpu.memory_space<hbm>> -> memref<4096xf32, #tpu.memory_space<hbm>>
    %dma_start3A_174 = arith.constant 4096 : i32
    %dma_start3A_175 = tpu.memref_slice %arg4[%add3A_93, %dma_start3A_174] : memref<416x16384xf32, #tpu.memory_space<hbm>> -> memref<1x4096xf32, #tpu.memory_space<hbm>>
    %dma_start3A_176 = tpu.memref_squeeze %dma_start3A_175 : memref<1x4096xf32, #tpu.memory_space<hbm>> -> memref<4096xf32, #tpu.memory_space<hbm>>
    tpu.enqueue_dma source(%arg8 : memref<4096xf32, #tpu.memory_space<vmem>>) target(%dma_start3A_176 : memref<4096xf32, #tpu.memory_space<hbm>>) target_semaphore(%arg12 : memref<!tpu.dma_semaphore, #tpu.memory_space<semaphore_mem>>)
    %dma_wait3A_177 = arith.constant 0 : i32
    %dma_wait3A_178 = tpu.memref_slice %arg4[%add3A_93, %dma_wait3A_177] : memref<416x16384xf32, #tpu.memory_space<hbm>> -> memref<1x4096xf32, #tpu.memory_space<hbm>>
    %dma_wait3A_179 = tpu.memref_squeeze %dma_wait3A_178 : memref<1x4096xf32, #tpu.memory_space<hbm>> -> memref<4096xf32, #tpu.memory_space<hbm>>
    %dma_wait3A_180 = arith.constant 0 : i32
    %dma_wait3A_181 = tpu.memref_slice %arg4[%add3A_93, %dma_wait3A_180] : memref<416x16384xf32, #tpu.memory_space<hbm>> -> memref<1x4096xf32, #tpu.memory_space<hbm>>
    %dma_wait3A_182 = tpu.memref_squeeze %dma_wait3A_181 : memref<1x4096xf32, #tpu.memory_space<hbm>> -> memref<4096xf32, #tpu.memory_space<hbm>>
    tpu.wait_dma2 semaphore(%arg11 : memref<!tpu.dma_semaphore, #tpu.memory_space<semaphore_mem>>) src(%arg7 : memref<4096xf32, #tpu.memory_space<vmem>>) dst(%dma_wait3A_182 : memref<4096xf32, #tpu.memory_space<hbm>>)
    %parallel_loop3A_183 = arith.constant 0 : i32
    %parallel_loop3A_184 = arith.constant 4096 : i32
    %parallel_loop3A_185 = arith.constant 16 : i32
    scf.for %parallel_loop3A_1552 = %parallel_loop3A_183 to %parallel_loop3A_184 step %parallel_loop3A_185  : i32 {
      %parallel_loop3A_1553 = arith.constant 8192 : i32
      %parallel_loop3A_1554 = arith.addi %parallel_loop3A_1553, %parallel_loop3A_1552 : i32
      %parallel_loop3A_1555 = arith.index_cast %parallel_loop3A_1554 : i32 to index
      %parallel_loop3A_1556 = tpu.vector_load %arg6[%parallel_loop3A_1555] {strides = array<i32>} : memref<16384xi32, #tpu.memory_space<vmem>>, vector<16xi32>,
      %parallel_loop3A_1557 = tpu.vector_load_idx %arg5[%parallel_loop3A_1556] : memref<100001xf32, #tpu.memory_space<vmem>>[vector<16xi32>], vector<16xf32>,
      %parallel_loop3A_1558 = arith.index_cast %parallel_loop3A_1552 : i32 to index
      %parallel_loop3A_1559 = tpu.vector_load %arg7[%parallel_loop3A_1558] {strides = array<i32>} : memref<4096xf32, #tpu.memory_space<vmem>>, vector<16xf32>,
      tpu.vector_store %arg7[%parallel_loop3A_1558], %parallel_loop3A_1557 {strides = array<i32>} : memref<4096xf32, #tpu.memory_space<vmem>>, vector<16xf32>,
    } {sc.loop_unroll_factor = 8 : i64, sc.parallel_access}
    %dma_start3A_186 = arith.constant 8192 : i32
    %dma_start3A_187 = tpu.memref_slice %arg4[%add3A_93, %dma_start3A_186] : memref<416x16384xf32, #tpu.memory_space<hbm>> -> memref<1x4096xf32, #tpu.memory_space<hbm>>
    %dma_start3A_188 = tpu.memref_squeeze %dma_start3A_187 : memref<1x4096xf32, #tpu.memory_space<hbm>> -> memref<4096xf32, #tpu.memory_space<hbm>>
    %dma_start3A_189 = arith.constant 8192 : i32
    %dma_start3A_190 = tpu.memref_slice %arg4[%add3A_93, %dma_start3A_189] : memref<416x16384xf32, #tpu.memory_space<hbm>> -> memref<1x4096xf32, #tpu.memory_space<hbm>>
    %dma_start3A_191 = tpu.memref_squeeze %dma_start3A_190 : memref<1x4096xf32, #tpu.memory_space<hbm>> -> memref<4096xf32, #tpu.memory_space<hbm>>
    tpu.enqueue_dma source(%arg7 : memref<4096xf32, #tpu.memory_space<vmem>>) target(%dma_start3A_191 : memref<4096xf32, #tpu.memory_space<hbm>>) target_semaphore(%arg11 : memref<!tpu.dma_semaphore, #tpu.memory_space<semaphore_mem>>)
    %dma_wait3A_192 = arith.constant 0 : i32
    %dma_wait3A_193 = tpu.memref_slice %arg4[%add3A_93, %dma_wait3A_192] : memref<416x16384xf32, #tpu.memory_space<hbm>> -> memref<1x4096xf32, #tpu.memory_space<hbm>>
    %dma_wait3A_194 = tpu.memref_squeeze %dma_wait3A_193 : memref<1x4096xf32, #tpu.memory_space<hbm>> -> memref<4096xf32, #tpu.memory_space<hbm>>
    %dma_wait3A_195 = arith.constant 0 : i32
    %dma_wait3A_196 = tpu.memref_slice %arg4[%add3A_93, %dma_wait3A_195] : memref<416x16384xf32, #tpu.memory_space<hbm>> -> memref<1x4096xf32, #tpu.memory_space<hbm>>
    %dma_wait3A_197 = tpu.memref_squeeze %dma_wait3A_196 : memref<1x4096xf32, #tpu.memory_space<hbm>> -> memref<4096xf32, #tpu.memory_space<hbm>>
    tpu.wait_dma2 semaphore(%arg12 : memref<!tpu.dma_semaphore, #tpu.memory_space<semaphore_mem>>) src(%arg8 : memref<4096xf32, #tpu.memory_space<vmem>>) dst(%dma_wait3A_197 : memref<4096xf32, #tpu.memory_space<hbm>>)
    %parallel_loop3A_198 = arith.constant 0 : i32
    %parallel_loop3A_199 = arith.constant 4096 : i32
    %parallel_loop3A_200 = arith.constant 16 : i32
    scf.for %parallel_loop3A_1552 = %parallel_loop3A_198 to %parallel_loop3A_199 step %parallel_loop3A_200  : i32 {
      %parallel_loop3A_1553 = arith.constant 12288 : i32
      %parallel_loop3A_1554 = arith.addi %parallel_loop3A_1553, %parallel_loop3A_1552 : i32
      %parallel_loop3A_1555 = arith.index_cast %parallel_loop3A_1554 : i32 to index
      %parallel_loop3A_1556 = tpu.vector_load %arg6[%parallel_loop3A_1555] {strides = array<i32>} : memref<16384xi32, #tpu.memory_space<vmem>>, vector<16xi32>,
      %parallel_loop3A_1557 = tpu.vector_load_idx %arg5[%parallel_loop3A_1556] : memref<100001xf32, #tpu.memory_space<vmem>>[vector<16xi32>], vector<16xf32>,
      %parallel_loop3A_1558 = arith.index_cast %parallel_loop3A_1552 : i32 to index
      %parallel_loop3A_1559 = tpu.vector_load %arg8[%parallel_loop3A_1558] {strides = array<i32>} : memref<4096xf32, #tpu.memory_space<vmem>>, vector<16xf32>,
      tpu.vector_store %arg8[%parallel_loop3A_1558], %parallel_loop3A_1557 {strides = array<i32>} : memref<4096xf32, #tpu.memory_space<vmem>>, vector<16xf32>,
    } {sc.loop_unroll_factor = 8 : i64, sc.parallel_access}
    %dma_start3A_201 = arith.constant 12288 : i32
    %dma_start3A_202 = tpu.memref_slice %arg4[%add3A_93, %dma_start3A_201] : memref<416x16384xf32, #tpu.memory_space<hbm>> -> memref<1x4096xf32, #tpu.memory_space<hbm>>
    %dma_start3A_203 = tpu.memref_squeeze %dma_start3A_202 : memref<1x4096xf32, #tpu.memory_space<hbm>> -> memref<4096xf32, #tpu.memory_space<hbm>>
    %dma_start3A_204 = arith.constant 12288 : i32
    %dma_start3A_205 = tpu.memref_slice %arg4[%add3A_93, %dma_start3A_204] : memref<416x16384xf32, #tpu.memory_space<hbm>> -> memref<1x4096xf32, #tpu.memory_space<hbm>>
    %dma_start3A_206 = tpu.memref_squeeze %dma_start3A_205 : memref<1x4096xf32, #tpu.memory_space<hbm>> -> memref<4096xf32, #tpu.memory_space<hbm>>
    tpu.enqueue_dma source(%arg8 : memref<4096xf32, #tpu.memory_space<vmem>>) target(%dma_start3A_206 : memref<4096xf32, #tpu.memory_space<hbm>>) target_semaphore(%arg12 : memref<!tpu.dma_semaphore, #tpu.memory_space<semaphore_mem>>)
    %mul3A_207 = arith.constant 13 : i32
    %mul3A_208 = arith.muli %add3A, %mul3A_207 : i32
    %add3A_209 = arith.constant 2 : i32
    %add3A_210 = arith.addi %mul3A_208, %add3A_209 : i32
    %jit3A_211 = arith.constant 16 : i32
    %div3A_212 = arith.divsi %add3A_210, %jit3A_211 : i32
    %sign3A_213 = arith.constant 0 : i32
    %sign3A_214 = arith.cmpi sgt, %add3A_210, %sign3A_213 : i32
    %sign3A_215 = arith.extui %sign3A_214 : i1 to i32
    %sign3A_216 = arith.constant 0 : i32
    %sign3A_217 = arith.cmpi slt, %add3A_210, %sign3A_216 : i32
    %sign3A_218 = arith.extui %sign3A_217 : i1 to i32
    %sign3A_219 = arith.subi %sign3A_215, %sign3A_218 : i32
    %sign3A_220 = arith.constant 0 : i32
    %sign3A_221 = arith.cmpi sgt, %jit3A_211, %sign3A_220 : i32
    %sign3A_222 = arith.extui %sign3A_221 : i1 to i32
    %sign3A_223 = arith.constant 0 : i32
    %sign3A_224 = arith.cmpi slt, %jit3A_211, %sign3A_223 : i32
    %sign3A_225 = arith.extui %sign3A_224 : i1 to i32
    %sign3A_226 = arith.subi %sign3A_222, %sign3A_225 : i32
    %ne3A_227 = arith.cmpi ne, %sign3A_219, %sign3A_226 : i32
    %rem3A_228 = arith.remsi %add3A_210, %jit3A_211 : i32
    %ne3A_229 = arith.constant 0 : i32
    %ne3A_230 = arith.cmpi ne, %rem3A_228, %ne3A_229 : i32
    %and3A_231 = arith.andi %ne3A_227, %ne3A_230 : i1
    %sub3A_232 = arith.constant 1 : i32
    %sub3A_233 = arith.subi %div3A_212, %sub3A_232 : i32
    %select_n3A_234 = arith.select %and3A_231, %sub3A_233, %div3A_212 : i32
    %dma_start3A_235 = arith.constant 0 : i32
    %dma_start3A_236 = tpu.memref_slice %arg3[%add3A_210, %dma_start3A_235] : memref<416x100001xf32, #tpu.memory_space<hbm>> -> memref<1x100001xf32, #tpu.memory_space<hbm>>
    %dma_start3A_237 = tpu.memref_squeeze %dma_start3A_236 : memref<1x100001xf32, #tpu.memory_space<hbm>> -> memref<100001xf32, #tpu.memory_space<hbm>>
    %dma_start3A_238 = arith.constant 0 : i32
    %dma_start3A_239 = tpu.memref_slice %arg3[%add3A_210, %dma_start3A_238] : memref<416x100001xf32, #tpu.memory_space<hbm>> -> memref<1x100001xf32, #tpu.memory_space<hbm>>
    %dma_start3A_240 = tpu.memref_squeeze %dma_start3A_239 : memref<1x100001xf32, #tpu.memory_space<hbm>> -> memref<100001xf32, #tpu.memory_space<hbm>>
    tpu.enqueue_dma source(%dma_start3A_240 : memref<100001xf32, #tpu.memory_space<hbm>>) target(%arg5 : memref<100001xf32, #tpu.memory_space<vmem>>) target_semaphore(%arg9 : memref<!tpu.dma_semaphore, #tpu.memory_space<semaphore_mem>>)
    %jit3A_241 = arith.constant 16 : i32
    %eq3A_242 = arith.constant 0 : i32
    %eq3A_243 = arith.cmpi eq, %jit3A_241, %eq3A_242 : i32
    %jit3A_244 = arith.constant 1 : i32
    %select_n3A_245 = arith.select %eq3A_243, %jit3A_244, %jit3A_241 : i32
    %rem3A_246 = arith.remsi %add3A_210, %select_n3A_245 : i32
    %ne3A_247 = arith.constant 0 : i32
    %ne3A_248 = arith.cmpi ne, %rem3A_246, %ne3A_247 : i32
    %lt3A_249 = arith.constant 0 : i32
    %lt3A_250 = arith.cmpi slt, %rem3A_246, %lt3A_249 : i32
    %lt3A_251 = arith.constant 0 : i32
    %lt3A_252 = arith.cmpi slt, %select_n3A_245, %lt3A_251 : i32
    %ne3A_253 = arith.xori %lt3A_250, %lt3A_252 : i1
    %and3A_254 = arith.andi %ne3A_253, %ne3A_248 : i1
    %add3A_255 = arith.addi %rem3A_246, %select_n3A_245 : i32
    %select_n3A_256 = arith.select %and3A_254, %add3A_255, %rem3A_246 : i32
    %eq3A_257 = arith.constant 0 : i32
    %eq3A_258 = arith.cmpi eq, %select_n3A_256, %eq3A_257 : i32
    %convert_element_type3A_259 = arith.extui %eq3A_258 : i1 to i32
    %cond3A_260 = arith.constant 0 : i32
    %cond3A_261 = arith.cmpi ne, %convert_element_type3A_259, %cond3A_260 : i32
    scf.if %cond3A_261 {
      %dma_start3A_1552 = arith.constant 0 : i32
      %dma_start3A_1553 = tpu.memref_slice %arg2[%select_n3A_234, %dma_start3A_1552] : memref<26x16384xi32, #tpu.memory_space<hbm>> -> memref<1x16384xi32, #tpu.memory_space<hbm>>
      %dma_start3A_1554 = tpu.memref_squeeze %dma_start3A_1553 : memref<1x16384xi32, #tpu.memory_space<hbm>> -> memref<16384xi32, #tpu.memory_space<hbm>>
      %dma_start3A_1555 = arith.constant 0 : i32
      %dma_start3A_1556 = tpu.memref_slice %arg2[%select_n3A_234, %dma_start3A_1555] : memref<26x16384xi32, #tpu.memory_space<hbm>> -> memref<1x16384xi32, #tpu.memory_space<hbm>>
      %dma_start3A_1557 = tpu.memref_squeeze %dma_start3A_1556 : memref<1x16384xi32, #tpu.memory_space<hbm>> -> memref<16384xi32, #tpu.memory_space<hbm>>
      tpu.enqueue_dma source(%dma_start3A_1557 : memref<16384xi32, #tpu.memory_space<hbm>>) target(%arg6 : memref<16384xi32, #tpu.memory_space<vmem>>) target_semaphore(%arg10 : memref<!tpu.dma_semaphore, #tpu.memory_space<semaphore_mem>>)
      %dma_wait3A_1558 = arith.constant 0 : i32
      %dma_wait3A_1559 = tpu.memref_slice %arg2[%select_n3A_234, %dma_wait3A_1558] : memref<26x16384xi32, #tpu.memory_space<hbm>> -> memref<1x16384xi32, #tpu.memory_space<hbm>>
      %dma_wait3A_1560 = tpu.memref_squeeze %dma_wait3A_1559 : memref<1x16384xi32, #tpu.memory_space<hbm>> -> memref<16384xi32, #tpu.memory_space<hbm>>
      %dma_wait3A_1561 = arith.constant 0 : i32
      %dma_wait3A_1562 = tpu.memref_slice %arg2[%select_n3A_234, %dma_wait3A_1561] : memref<26x16384xi32, #tpu.memory_space<hbm>> -> memref<1x16384xi32, #tpu.memory_space<hbm>>
      %dma_wait3A_1563 = tpu.memref_squeeze %dma_wait3A_1562 : memref<1x16384xi32, #tpu.memory_space<hbm>> -> memref<16384xi32, #tpu.memory_space<hbm>>
      tpu.wait_dma2 semaphore(%arg10 : memref<!tpu.dma_semaphore, #tpu.memory_space<semaphore_mem>>) src(%dma_wait3A_1563 : memref<16384xi32, #tpu.memory_space<hbm>>) dst(%arg6 : memref<16384xi32, #tpu.memory_space<vmem>>)
    } else {
    }
    %dma_wait3A_262 = arith.constant 0 : i32
    %dma_wait3A_263 = tpu.memref_slice %arg3[%add3A_210, %dma_wait3A_262] : memref<416x100001xf32, #tpu.memory_space<hbm>> -> memref<1x100001xf32, #tpu.memory_space<hbm>>
    %dma_wait3A_264 = tpu.memref_squeeze %dma_wait3A_263 : memref<1x100001xf32, #tpu.memory_space<hbm>> -> memref<100001xf32, #tpu.memory_space<hbm>>
    %dma_wait3A_265 = arith.constant 0 : i32
    %dma_wait3A_266 = tpu.memref_slice %arg3[%add3A_210, %dma_wait3A_265] : memref<416x100001xf32, #tpu.memory_space<hbm>> -> memref<1x100001xf32, #tpu.memory_space<hbm>>
    %dma_wait3A_267 = tpu.memref_squeeze %dma_wait3A_266 : memref<1x100001xf32, #tpu.memory_space<hbm>> -> memref<100001xf32, #tpu.memory_space<hbm>>
    tpu.wait_dma2 semaphore(%arg9 : memref<!tpu.dma_semaphore, #tpu.memory_space<semaphore_mem>>) src(%dma_wait3A_267 : memref<100001xf32, #tpu.memory_space<hbm>>) dst(%arg5 : memref<100001xf32, #tpu.memory_space<vmem>>)
    %dma_wait3A_268 = arith.constant 0 : i32
    %dma_wait3A_269 = tpu.memref_slice %arg4[%add3A_210, %dma_wait3A_268] : memref<416x16384xf32, #tpu.memory_space<hbm>> -> memref<1x4096xf32, #tpu.memory_space<hbm>>
    %dma_wait3A_270 = tpu.memref_squeeze %dma_wait3A_269 : memref<1x4096xf32, #tpu.memory_space<hbm>> -> memref<4096xf32, #tpu.memory_space<hbm>>
    %dma_wait3A_271 = arith.constant 0 : i32
    %dma_wait3A_272 = tpu.memref_slice %arg4[%add3A_210, %dma_wait3A_271] : memref<416x16384xf32, #tpu.memory_space<hbm>> -> memref<1x4096xf32, #tpu.memory_space<hbm>>
    %dma_wait3A_273 = tpu.memref_squeeze %dma_wait3A_272 : memref<1x4096xf32, #tpu.memory_space<hbm>> -> memref<4096xf32, #tpu.memory_space<hbm>>
    tpu.wait_dma2 semaphore(%arg11 : memref<!tpu.dma_semaphore, #tpu.memory_space<semaphore_mem>>) src(%arg7 : memref<4096xf32, #tpu.memory_space<vmem>>) dst(%dma_wait3A_273 : memref<4096xf32, #tpu.memory_space<hbm>>)
    %parallel_loop3A_274 = arith.constant 0 : i32
    %parallel_loop3A_275 = arith.constant 4096 : i32
    %parallel_loop3A_276 = arith.constant 16 : i32
    scf.for %parallel_loop3A_1552 = %parallel_loop3A_274 to %parallel_loop3A_275 step %parallel_loop3A_276  : i32 {
      %parallel_loop3A_1553 = arith.constant 0 : i32
      %parallel_loop3A_1554 = arith.addi %parallel_loop3A_1553, %parallel_loop3A_1552 : i32
      %parallel_loop3A_1555 = arith.index_cast %parallel_loop3A_1554 : i32 to index
      %parallel_loop3A_1556 = tpu.vector_load %arg6[%parallel_loop3A_1555] {strides = array<i32>} : memref<16384xi32, #tpu.memory_space<vmem>>, vector<16xi32>,
      %parallel_loop3A_1557 = tpu.vector_load_idx %arg5[%parallel_loop3A_1556] : memref<100001xf32, #tpu.memory_space<vmem>>[vector<16xi32>], vector<16xf32>,
      %parallel_loop3A_1558 = arith.index_cast %parallel_loop3A_1552 : i32 to index
      %parallel_loop3A_1559 = tpu.vector_load %arg7[%parallel_loop3A_1558] {strides = array<i32>} : memref<4096xf32, #tpu.memory_space<vmem>>, vector<16xf32>,
      tpu.vector_store %arg7[%parallel_loop3A_1558], %parallel_loop3A_1557 {strides = array<i32>} : memref<4096xf32, #tpu.memory_space<vmem>>, vector<16xf32>,
    } {sc.loop_unroll_factor = 8 : i64, sc.parallel_access}
    %dma_start3A_277 = arith.constant 0 : i32
    %dma_start3A_278 = tpu.memref_slice %arg4[%add3A_210, %dma_start3A_277] : memref<416x16384xf32, #tpu.memory_space<hbm>> -> memref<1x4096xf32, #tpu.memory_space<hbm>>
    %dma_start3A_279 = tpu.memref_squeeze %dma_start3A_278 : memref<1x4096xf32, #tpu.memory_space<hbm>> -> memref<4096xf32, #tpu.memory_space<hbm>>
    %dma_start3A_280 = arith.constant 0 : i32
    %dma_start3A_281 = tpu.memref_slice %arg4[%add3A_210, %dma_start3A_280] : memref<416x16384xf32, #tpu.memory_space<hbm>> -> memref<1x4096xf32, #tpu.memory_space<hbm>>
    %dma_start3A_282 = tpu.memref_squeeze %dma_start3A_281 : memref<1x4096xf32, #tpu.memory_space<hbm>> -> memref<4096xf32, #tpu.memory_space<hbm>>
    tpu.enqueue_dma source(%arg7 : memref<4096xf32, #tpu.memory_space<vmem>>) target(%dma_start3A_282 : memref<4096xf32, #tpu.memory_space<hbm>>) target_semaphore(%arg11 : memref<!tpu.dma_semaphore, #tpu.memory_space<semaphore_mem>>)
    %dma_wait3A_283 = arith.constant 0 : i32
    %dma_wait3A_284 = tpu.memref_slice %arg4[%add3A_210, %dma_wait3A_283] : memref<416x16384xf32, #tpu.memory_space<hbm>> -> memref<1x4096xf32, #tpu.memory_space<hbm>>
    %dma_wait3A_285 = tpu.memref_squeeze %dma_wait3A_284 : memref<1x4096xf32, #tpu.memory_space<hbm>> -> memref<4096xf32, #tpu.memory_space<hbm>>
    %dma_wait3A_286 = arith.constant 0 : i32
    %dma_wait3A_287 = tpu.memref_slice %arg4[%add3A_210, %dma_wait3A_286] : memref<416x16384xf32, #tpu.memory_space<hbm>> -> memref<1x4096xf32, #tpu.memory_space<hbm>>
    %dma_wait3A_288 = tpu.memref_squeeze %dma_wait3A_287 : memref<1x4096xf32, #tpu.memory_space<hbm>> -> memref<4096xf32, #tpu.memory_space<hbm>>
    tpu.wait_dma2 semaphore(%arg12 : memref<!tpu.dma_semaphore, #tpu.memory_space<semaphore_mem>>) src(%arg8 : memref<4096xf32, #tpu.memory_space<vmem>>) dst(%dma_wait3A_288 : memref<4096xf32, #tpu.memory_space<hbm>>)
    %parallel_loop3A_289 = arith.constant 0 : i32
    %parallel_loop3A_290 = arith.constant 4096 : i32
    %parallel_loop3A_291 = arith.constant 16 : i32
    scf.for %parallel_loop3A_1552 = %parallel_loop3A_289 to %parallel_loop3A_290 step %parallel_loop3A_291  : i32 {
      %parallel_loop3A_1553 = arith.constant 4096 : i32
      %parallel_loop3A_1554 = arith.addi %parallel_loop3A_1553, %parallel_loop3A_1552 : i32
      %parallel_loop3A_1555 = arith.index_cast %parallel_loop3A_1554 : i32 to index
      %parallel_loop3A_1556 = tpu.vector_load %arg6[%parallel_loop3A_1555] {strides = array<i32>} : memref<16384xi32, #tpu.memory_space<vmem>>, vector<16xi32>,
      %parallel_loop3A_1557 = tpu.vector_load_idx %arg5[%parallel_loop3A_1556] : memref<100001xf32, #tpu.memory_space<vmem>>[vector<16xi32>], vector<16xf32>,
      %parallel_loop3A_1558 = arith.index_cast %parallel_loop3A_1552 : i32 to index
      %parallel_loop3A_1559 = tpu.vector_load %arg8[%parallel_loop3A_1558] {strides = array<i32>} : memref<4096xf32, #tpu.memory_space<vmem>>, vector<16xf32>,
      tpu.vector_store %arg8[%parallel_loop3A_1558], %parallel_loop3A_1557 {strides = array<i32>} : memref<4096xf32, #tpu.memory_space<vmem>>, vector<16xf32>,
    } {sc.loop_unroll_factor = 8 : i64, sc.parallel_access}
    %dma_start3A_292 = arith.constant 4096 : i32
    %dma_start3A_293 = tpu.memref_slice %arg4[%add3A_210, %dma_start3A_292] : memref<416x16384xf32, #tpu.memory_space<hbm>> -> memref<1x4096xf32, #tpu.memory_space<hbm>>
    %dma_start3A_294 = tpu.memref_squeeze %dma_start3A_293 : memref<1x4096xf32, #tpu.memory_space<hbm>> -> memref<4096xf32, #tpu.memory_space<hbm>>
    %dma_start3A_295 = arith.constant 4096 : i32
    %dma_start3A_296 = tpu.memref_slice %arg4[%add3A_210, %dma_start3A_295] : memref<416x16384xf32, #tpu.memory_space<hbm>> -> memref<1x4096xf32, #tpu.memory_space<hbm>>
    %dma_start3A_297 = tpu.memref_squeeze %dma_start3A_296 : memref<1x4096xf32, #tpu.memory_space<hbm>> -> memref<4096xf32, #tpu.memory_space<hbm>>
    tpu.enqueue_dma source(%arg8 : memref<4096xf32, #tpu.memory_space<vmem>>) target(%dma_start3A_297 : memref<4096xf32, #tpu.memory_space<hbm>>) target_semaphore(%arg12 : memref<!tpu.dma_semaphore, #tpu.memory_space<semaphore_mem>>)
    %dma_wait3A_298 = arith.constant 0 : i32
    %dma_wait3A_299 = tpu.memref_slice %arg4[%add3A_210, %dma_wait3A_298] : memref<416x16384xf32, #tpu.memory_space<hbm>> -> memref<1x4096xf32, #tpu.memory_space<hbm>>
    %dma_wait3A_300 = tpu.memref_squeeze %dma_wait3A_299 : memref<1x4096xf32, #tpu.memory_space<hbm>> -> memref<4096xf32, #tpu.memory_space<hbm>>
    %dma_wait3A_301 = arith.constant 0 : i32
    %dma_wait3A_302 = tpu.memref_slice %arg4[%add3A_210, %dma_wait3A_301] : memref<416x16384xf32, #tpu.memory_space<hbm>> -> memref<1x4096xf32, #tpu.memory_space<hbm>>
    %dma_wait3A_303 = tpu.memref_squeeze %dma_wait3A_302 : memref<1x4096xf32, #tpu.memory_space<hbm>> -> memref<4096xf32, #tpu.memory_space<hbm>>
    tpu.wait_dma2 semaphore(%arg11 : memref<!tpu.dma_semaphore, #tpu.memory_space<semaphore_mem>>) src(%arg7 : memref<4096xf32, #tpu.memory_space<vmem>>) dst(%dma_wait3A_303 : memref<4096xf32, #tpu.memory_space<hbm>>)
    %parallel_loop3A_304 = arith.constant 0 : i32
    %parallel_loop3A_305 = arith.constant 4096 : i32
    %parallel_loop3A_306 = arith.constant 16 : i32
    scf.for %parallel_loop3A_1552 = %parallel_loop3A_304 to %parallel_loop3A_305 step %parallel_loop3A_306  : i32 {
      %parallel_loop3A_1553 = arith.constant 8192 : i32
      %parallel_loop3A_1554 = arith.addi %parallel_loop3A_1553, %parallel_loop3A_1552 : i32
      %parallel_loop3A_1555 = arith.index_cast %parallel_loop3A_1554 : i32 to index
      %parallel_loop3A_1556 = tpu.vector_load %arg6[%parallel_loop3A_1555] {strides = array<i32>} : memref<16384xi32, #tpu.memory_space<vmem>>, vector<16xi32>,
      %parallel_loop3A_1557 = tpu.vector_load_idx %arg5[%parallel_loop3A_1556] : memref<100001xf32, #tpu.memory_space<vmem>>[vector<16xi32>], vector<16xf32>,
      %parallel_loop3A_1558 = arith.index_cast %parallel_loop3A_1552 : i32 to index
      %parallel_loop3A_1559 = tpu.vector_load %arg7[%parallel_loop3A_1558] {strides = array<i32>} : memref<4096xf32, #tpu.memory_space<vmem>>, vector<16xf32>,
      tpu.vector_store %arg7[%parallel_loop3A_1558], %parallel_loop3A_1557 {strides = array<i32>} : memref<4096xf32, #tpu.memory_space<vmem>>, vector<16xf32>,
    } {sc.loop_unroll_factor = 8 : i64, sc.parallel_access}
    %dma_start3A_307 = arith.constant 8192 : i32
    %dma_start3A_308 = tpu.memref_slice %arg4[%add3A_210, %dma_start3A_307] : memref<416x16384xf32, #tpu.memory_space<hbm>> -> memref<1x4096xf32, #tpu.memory_space<hbm>>
    %dma_start3A_309 = tpu.memref_squeeze %dma_start3A_308 : memref<1x4096xf32, #tpu.memory_space<hbm>> -> memref<4096xf32, #tpu.memory_space<hbm>>
    %dma_start3A_310 = arith.constant 8192 : i32
    %dma_start3A_311 = tpu.memref_slice %arg4[%add3A_210, %dma_start3A_310] : memref<416x16384xf32, #tpu.memory_space<hbm>> -> memref<1x4096xf32, #tpu.memory_space<hbm>>
    %dma_start3A_312 = tpu.memref_squeeze %dma_start3A_311 : memref<1x4096xf32, #tpu.memory_space<hbm>> -> memref<4096xf32, #tpu.memory_space<hbm>>
    tpu.enqueue_dma source(%arg7 : memref<4096xf32, #tpu.memory_space<vmem>>) target(%dma_start3A_312 : memref<4096xf32, #tpu.memory_space<hbm>>) target_semaphore(%arg11 : memref<!tpu.dma_semaphore, #tpu.memory_space<semaphore_mem>>)
    %dma_wait3A_313 = arith.constant 0 : i32
    %dma_wait3A_314 = tpu.memref_slice %arg4[%add3A_210, %dma_wait3A_313] : memref<416x16384xf32, #tpu.memory_space<hbm>> -> memref<1x4096xf32, #tpu.memory_space<hbm>>
    %dma_wait3A_315 = tpu.memref_squeeze %dma_wait3A_314 : memref<1x4096xf32, #tpu.memory_space<hbm>> -> memref<4096xf32, #tpu.memory_space<hbm>>
    %dma_wait3A_316 = arith.constant 0 : i32
    %dma_wait3A_317 = tpu.memref_slice %arg4[%add3A_210, %dma_wait3A_316] : memref<416x16384xf32, #tpu.memory_space<hbm>> -> memref<1x4096xf32, #tpu.memory_space<hbm>>
    %dma_wait3A_318 = tpu.memref_squeeze %dma_wait3A_317 : memref<1x4096xf32, #tpu.memory_space<hbm>> -> memref<4096xf32, #tpu.memory_space<hbm>>
    tpu.wait_dma2 semaphore(%arg12 : memref<!tpu.dma_semaphore, #tpu.memory_space<semaphore_mem>>) src(%arg8 : memref<4096xf32, #tpu.memory_space<vmem>>) dst(%dma_wait3A_318 : memref<4096xf32, #tpu.memory_space<hbm>>)
    %parallel_loop3A_319 = arith.constant 0 : i32
    %parallel_loop3A_320 = arith.constant 4096 : i32
    %parallel_loop3A_321 = arith.constant 16 : i32
    scf.for %parallel_loop3A_1552 = %parallel_loop3A_319 to %parallel_loop3A_320 step %parallel_loop3A_321  : i32 {
      %parallel_loop3A_1553 = arith.constant 12288 : i32
      %parallel_loop3A_1554 = arith.addi %parallel_loop3A_1553, %parallel_loop3A_1552 : i32
      %parallel_loop3A_1555 = arith.index_cast %parallel_loop3A_1554 : i32 to index
      %parallel_loop3A_1556 = tpu.vector_load %arg6[%parallel_loop3A_1555] {strides = array<i32>} : memref<16384xi32, #tpu.memory_space<vmem>>, vector<16xi32>,
      %parallel_loop3A_1557 = tpu.vector_load_idx %arg5[%parallel_loop3A_1556] : memref<100001xf32, #tpu.memory_space<vmem>>[vector<16xi32>], vector<16xf32>,
      %parallel_loop3A_1558 = arith.index_cast %parallel_loop3A_1552 : i32 to index
      %parallel_loop3A_1559 = tpu.vector_load %arg8[%parallel_loop3A_1558] {strides = array<i32>} : memref<4096xf32, #tpu.memory_space<vmem>>, vector<16xf32>,
      tpu.vector_store %arg8[%parallel_loop3A_1558], %parallel_loop3A_1557 {strides = array<i32>} : memref<4096xf32, #tpu.memory_space<vmem>>, vector<16xf32>,
    } {sc.loop_unroll_factor = 8 : i64, sc.parallel_access}
    %dma_start3A_322 = arith.constant 12288 : i32
    %dma_start3A_323 = tpu.memref_slice %arg4[%add3A_210, %dma_start3A_322] : memref<416x16384xf32, #tpu.memory_space<hbm>> -> memref<1x4096xf32, #tpu.memory_space<hbm>>
    %dma_start3A_324 = tpu.memref_squeeze %dma_start3A_323 : memref<1x4096xf32, #tpu.memory_space<hbm>> -> memref<4096xf32, #tpu.memory_space<hbm>>
    %dma_start3A_325 = arith.constant 12288 : i32
    %dma_start3A_326 = tpu.memref_slice %arg4[%add3A_210, %dma_start3A_325] : memref<416x16384xf32, #tpu.memory_space<hbm>> -> memref<1x4096xf32, #tpu.memory_space<hbm>>
    %dma_start3A_327 = tpu.memref_squeeze %dma_start3A_326 : memref<1x4096xf32, #tpu.memory_space<hbm>> -> memref<4096xf32, #tpu.memory_space<hbm>>
    tpu.enqueue_dma source(%arg8 : memref<4096xf32, #tpu.memory_space<vmem>>) target(%dma_start3A_327 : memref<4096xf32, #tpu.memory_space<hbm>>) target_semaphore(%arg12 : memref<!tpu.dma_semaphore, #tpu.memory_space<semaphore_mem>>)
    %mul3A_328 = arith.constant 13 : i32
    %mul3A_329 = arith.muli %add3A, %mul3A_328 : i32
    %add3A_330 = arith.constant 3 : i32
    %add3A_331 = arith.addi %mul3A_329, %add3A_330 : i32
    %jit3A_332 = arith.constant 16 : i32
    %div3A_333 = arith.divsi %add3A_331, %jit3A_332 : i32
    %sign3A_334 = arith.constant 0 : i32
    %sign3A_335 = arith.cmpi sgt, %add3A_331, %sign3A_334 : i32
    %sign3A_336 = arith.extui %sign3A_335 : i1 to i32
    %sign3A_337 = arith.constant 0 : i32
    %sign3A_338 = arith.cmpi slt, %add3A_331, %sign3A_337 : i32
    %sign3A_339 = arith.extui %sign3A_338 : i1 to i32
    %sign3A_340 = arith.subi %sign3A_336, %sign3A_339 : i32
    %sign3A_341 = arith.constant 0 : i32
    %sign3A_342 = arith.cmpi sgt, %jit3A_332, %sign3A_341 : i32
    %sign3A_343 = arith.extui %sign3A_342 : i1 to i32
    %sign3A_344 = arith.constant 0 : i32
    %sign3A_345 = arith.cmpi slt, %jit3A_332, %sign3A_344 : i32
    %sign3A_346 = arith.extui %sign3A_345 : i1 to i32
    %sign3A_347 = arith.subi %sign3A_343, %sign3A_346 : i32
    %ne3A_348 = arith.cmpi ne, %sign3A_340, %sign3A_347 : i32
    %rem3A_349 = arith.remsi %add3A_331, %jit3A_332 : i32
    %ne3A_350 = arith.constant 0 : i32
    %ne3A_351 = arith.cmpi ne, %rem3A_349, %ne3A_350 : i32
    %and3A_352 = arith.andi %ne3A_348, %ne3A_351 : i1
    %sub3A_353 = arith.constant 1 : i32
    %sub3A_354 = arith.subi %div3A_333, %sub3A_353 : i32
    %select_n3A_355 = arith.select %and3A_352, %sub3A_354, %div3A_333 : i32
    %dma_start3A_356 = arith.constant 0 : i32
    %dma_start3A_357 = tpu.memref_slice %arg3[%add3A_331, %dma_start3A_356] : memref<416x100001xf32, #tpu.memory_space<hbm>> -> memref<1x100001xf32, #tpu.memory_space<hbm>>
    %dma_start3A_358 = tpu.memref_squeeze %dma_start3A_357 : memref<1x100001xf32, #tpu.memory_space<hbm>> -> memref<100001xf32, #tpu.memory_space<hbm>>
    %dma_start3A_359 = arith.constant 0 : i32
    %dma_start3A_360 = tpu.memref_slice %arg3[%add3A_331, %dma_start3A_359] : memref<416x100001xf32, #tpu.memory_space<hbm>> -> memref<1x100001xf32, #tpu.memory_space<hbm>>
    %dma_start3A_361 = tpu.memref_squeeze %dma_start3A_360 : memref<1x100001xf32, #tpu.memory_space<hbm>> -> memref<100001xf32, #tpu.memory_space<hbm>>
    tpu.enqueue_dma source(%dma_start3A_361 : memref<100001xf32, #tpu.memory_space<hbm>>) target(%arg5 : memref<100001xf32, #tpu.memory_space<vmem>>) target_semaphore(%arg9 : memref<!tpu.dma_semaphore, #tpu.memory_space<semaphore_mem>>)
    %jit3A_362 = arith.constant 16 : i32
    %eq3A_363 = arith.constant 0 : i32
    %eq3A_364 = arith.cmpi eq, %jit3A_362, %eq3A_363 : i32
    %jit3A_365 = arith.constant 1 : i32
    %select_n3A_366 = arith.select %eq3A_364, %jit3A_365, %jit3A_362 : i32
    %rem3A_367 = arith.remsi %add3A_331, %select_n3A_366 : i32
    %ne3A_368 = arith.constant 0 : i32
    %ne3A_369 = arith.cmpi ne, %rem3A_367, %ne3A_368 : i32
    %lt3A_370 = arith.constant 0 : i32
    %lt3A_371 = arith.cmpi slt, %rem3A_367, %lt3A_370 : i32
    %lt3A_372 = arith.constant 0 : i32
    %lt3A_373 = arith.cmpi slt, %select_n3A_366, %lt3A_372 : i32
    %ne3A_374 = arith.xori %lt3A_371, %lt3A_373 : i1
    %and3A_375 = arith.andi %ne3A_374, %ne3A_369 : i1
    %add3A_376 = arith.addi %rem3A_367, %select_n3A_366 : i32
    %select_n3A_377 = arith.select %and3A_375, %add3A_376, %rem3A_367 : i32
    %eq3A_378 = arith.constant 0 : i32
    %eq3A_379 = arith.cmpi eq, %select_n3A_377, %eq3A_378 : i32
    %convert_element_type3A_380 = arith.extui %eq3A_379 : i1 to i32
    %cond3A_381 = arith.constant 0 : i32
    %cond3A_382 = arith.cmpi ne, %convert_element_type3A_380, %cond3A_381 : i32
    scf.if %cond3A_382 {
      %dma_start3A_1552 = arith.constant 0 : i32
      %dma_start3A_1553 = tpu.memref_slice %arg2[%select_n3A_355, %dma_start3A_1552] : memref<26x16384xi32, #tpu.memory_space<hbm>> -> memref<1x16384xi32, #tpu.memory_space<hbm>>
      %dma_start3A_1554 = tpu.memref_squeeze %dma_start3A_1553 : memref<1x16384xi32, #tpu.memory_space<hbm>> -> memref<16384xi32, #tpu.memory_space<hbm>>
      %dma_start3A_1555 = arith.constant 0 : i32
      %dma_start3A_1556 = tpu.memref_slice %arg2[%select_n3A_355, %dma_start3A_1555] : memref<26x16384xi32, #tpu.memory_space<hbm>> -> memref<1x16384xi32, #tpu.memory_space<hbm>>
      %dma_start3A_1557 = tpu.memref_squeeze %dma_start3A_1556 : memref<1x16384xi32, #tpu.memory_space<hbm>> -> memref<16384xi32, #tpu.memory_space<hbm>>
      tpu.enqueue_dma source(%dma_start3A_1557 : memref<16384xi32, #tpu.memory_space<hbm>>) target(%arg6 : memref<16384xi32, #tpu.memory_space<vmem>>) target_semaphore(%arg10 : memref<!tpu.dma_semaphore, #tpu.memory_space<semaphore_mem>>)
      %dma_wait3A_1558 = arith.constant 0 : i32
      %dma_wait3A_1559 = tpu.memref_slice %arg2[%select_n3A_355, %dma_wait3A_1558] : memref<26x16384xi32, #tpu.memory_space<hbm>> -> memref<1x16384xi32, #tpu.memory_space<hbm>>
      %dma_wait3A_1560 = tpu.memref_squeeze %dma_wait3A_1559 : memref<1x16384xi32, #tpu.memory_space<hbm>> -> memref<16384xi32, #tpu.memory_space<hbm>>
      %dma_wait3A_1561 = arith.constant 0 : i32
      %dma_wait3A_1562 = tpu.memref_slice %arg2[%select_n3A_355, %dma_wait3A_1561] : memref<26x16384xi32, #tpu.memory_space<hbm>> -> memref<1x16384xi32, #tpu.memory_space<hbm>>
      %dma_wait3A_1563 = tpu.memref_squeeze %dma_wait3A_1562 : memref<1x16384xi32, #tpu.memory_space<hbm>> -> memref<16384xi32, #tpu.memory_space<hbm>>
      tpu.wait_dma2 semaphore(%arg10 : memref<!tpu.dma_semaphore, #tpu.memory_space<semaphore_mem>>) src(%dma_wait3A_1563 : memref<16384xi32, #tpu.memory_space<hbm>>) dst(%arg6 : memref<16384xi32, #tpu.memory_space<vmem>>)
    } else {
    }
    %dma_wait3A_383 = arith.constant 0 : i32
    %dma_wait3A_384 = tpu.memref_slice %arg3[%add3A_331, %dma_wait3A_383] : memref<416x100001xf32, #tpu.memory_space<hbm>> -> memref<1x100001xf32, #tpu.memory_space<hbm>>
    %dma_wait3A_385 = tpu.memref_squeeze %dma_wait3A_384 : memref<1x100001xf32, #tpu.memory_space<hbm>> -> memref<100001xf32, #tpu.memory_space<hbm>>
    %dma_wait3A_386 = arith.constant 0 : i32
    %dma_wait3A_387 = tpu.memref_slice %arg3[%add3A_331, %dma_wait3A_386] : memref<416x100001xf32, #tpu.memory_space<hbm>> -> memref<1x100001xf32, #tpu.memory_space<hbm>>
    %dma_wait3A_388 = tpu.memref_squeeze %dma_wait3A_387 : memref<1x100001xf32, #tpu.memory_space<hbm>> -> memref<100001xf32, #tpu.memory_space<hbm>>
    tpu.wait_dma2 semaphore(%arg9 : memref<!tpu.dma_semaphore, #tpu.memory_space<semaphore_mem>>) src(%dma_wait3A_388 : memref<100001xf32, #tpu.memory_space<hbm>>) dst(%arg5 : memref<100001xf32, #tpu.memory_space<vmem>>)
    %dma_wait3A_389 = arith.constant 0 : i32
    %dma_wait3A_390 = tpu.memref_slice %arg4[%add3A_331, %dma_wait3A_389] : memref<416x16384xf32, #tpu.memory_space<hbm>> -> memref<1x4096xf32, #tpu.memory_space<hbm>>
    %dma_wait3A_391 = tpu.memref_squeeze %dma_wait3A_390 : memref<1x4096xf32, #tpu.memory_space<hbm>> -> memref<4096xf32, #tpu.memory_space<hbm>>
    %dma_wait3A_392 = arith.constant 0 : i32
    %dma_wait3A_393 = tpu.memref_slice %arg4[%add3A_331, %dma_wait3A_392] : memref<416x16384xf32, #tpu.memory_space<hbm>> -> memref<1x4096xf32, #tpu.memory_space<hbm>>
    %dma_wait3A_394 = tpu.memref_squeeze %dma_wait3A_393 : memref<1x4096xf32, #tpu.memory_space<hbm>> -> memref<4096xf32, #tpu.memory_space<hbm>>
    tpu.wait_dma2 semaphore(%arg11 : memref<!tpu.dma_semaphore, #tpu.memory_space<semaphore_mem>>) src(%arg7 : memref<4096xf32, #tpu.memory_space<vmem>>) dst(%dma_wait3A_394 : memref<4096xf32, #tpu.memory_space<hbm>>)
    %parallel_loop3A_395 = arith.constant 0 : i32
    %parallel_loop3A_396 = arith.constant 4096 : i32
    %parallel_loop3A_397 = arith.constant 16 : i32
    scf.for %parallel_loop3A_1552 = %parallel_loop3A_395 to %parallel_loop3A_396 step %parallel_loop3A_397  : i32 {
      %parallel_loop3A_1553 = arith.constant 0 : i32
      %parallel_loop3A_1554 = arith.addi %parallel_loop3A_1553, %parallel_loop3A_1552 : i32
      %parallel_loop3A_1555 = arith.index_cast %parallel_loop3A_1554 : i32 to index
      %parallel_loop3A_1556 = tpu.vector_load %arg6[%parallel_loop3A_1555] {strides = array<i32>} : memref<16384xi32, #tpu.memory_space<vmem>>, vector<16xi32>,
      %parallel_loop3A_1557 = tpu.vector_load_idx %arg5[%parallel_loop3A_1556] : memref<100001xf32, #tpu.memory_space<vmem>>[vector<16xi32>], vector<16xf32>,
      %parallel_loop3A_1558 = arith.index_cast %parallel_loop3A_1552 : i32 to index
      %parallel_loop3A_1559 = tpu.vector_load %arg7[%parallel_loop3A_1558] {strides = array<i32>} : memref<4096xf32, #tpu.memory_space<vmem>>, vector<16xf32>,
      tpu.vector_store %arg7[%parallel_loop3A_1558], %parallel_loop3A_1557 {strides = array<i32>} : memref<4096xf32, #tpu.memory_space<vmem>>, vector<16xf32>,
    } {sc.loop_unroll_factor = 8 : i64, sc.parallel_access}
    %dma_start3A_398 = arith.constant 0 : i32
    %dma_start3A_399 = tpu.memref_slice %arg4[%add3A_331, %dma_start3A_398] : memref<416x16384xf32, #tpu.memory_space<hbm>> -> memref<1x4096xf32, #tpu.memory_space<hbm>>
    %dma_start3A_400 = tpu.memref_squeeze %dma_start3A_399 : memref<1x4096xf32, #tpu.memory_space<hbm>> -> memref<4096xf32, #tpu.memory_space<hbm>>
    %dma_start3A_401 = arith.constant 0 : i32
    %dma_start3A_402 = tpu.memref_slice %arg4[%add3A_331, %dma_start3A_401] : memref<416x16384xf32, #tpu.memory_space<hbm>> -> memref<1x4096xf32, #tpu.memory_space<hbm>>
    %dma_start3A_403 = tpu.memref_squeeze %dma_start3A_402 : memref<1x4096xf32, #tpu.memory_space<hbm>> -> memref<4096xf32, #tpu.memory_space<hbm>>
    tpu.enqueue_dma source(%arg7 : memref<4096xf32, #tpu.memory_space<vmem>>) target(%dma_start3A_403 : memref<4096xf32, #tpu.memory_space<hbm>>) target_semaphore(%arg11 : memref<!tpu.dma_semaphore, #tpu.memory_space<semaphore_mem>>)
    %dma_wait3A_404 = arith.constant 0 : i32
    %dma_wait3A_405 = tpu.memref_slice %arg4[%add3A_331, %dma_wait3A_404] : memref<416x16384xf32, #tpu.memory_space<hbm>> -> memref<1x4096xf32, #tpu.memory_space<hbm>>
    %dma_wait3A_406 = tpu.memref_squeeze %dma_wait3A_405 : memref<1x4096xf32, #tpu.memory_space<hbm>> -> memref<4096xf32, #tpu.memory_space<hbm>>
    %dma_wait3A_407 = arith.constant 0 : i32
    %dma_wait3A_408 = tpu.memref_slice %arg4[%add3A_331, %dma_wait3A_407] : memref<416x16384xf32, #tpu.memory_space<hbm>> -> memref<1x4096xf32, #tpu.memory_space<hbm>>
    %dma_wait3A_409 = tpu.memref_squeeze %dma_wait3A_408 : memref<1x4096xf32, #tpu.memory_space<hbm>> -> memref<4096xf32, #tpu.memory_space<hbm>>
    tpu.wait_dma2 semaphore(%arg12 : memref<!tpu.dma_semaphore, #tpu.memory_space<semaphore_mem>>) src(%arg8 : memref<4096xf32, #tpu.memory_space<vmem>>) dst(%dma_wait3A_409 : memref<4096xf32, #tpu.memory_space<hbm>>)
    %parallel_loop3A_410 = arith.constant 0 : i32
    %parallel_loop3A_411 = arith.constant 4096 : i32
    %parallel_loop3A_412 = arith.constant 16 : i32
    scf.for %parallel_loop3A_1552 = %parallel_loop3A_410 to %parallel_loop3A_411 step %parallel_loop3A_412  : i32 {
      %parallel_loop3A_1553 = arith.constant 4096 : i32
      %parallel_loop3A_1554 = arith.addi %parallel_loop3A_1553, %parallel_loop3A_1552 : i32
      %parallel_loop3A_1555 = arith.index_cast %parallel_loop3A_1554 : i32 to index
      %parallel_loop3A_1556 = tpu.vector_load %arg6[%parallel_loop3A_1555] {strides = array<i32>} : memref<16384xi32, #tpu.memory_space<vmem>>, vector<16xi32>,
      %parallel_loop3A_1557 = tpu.vector_load_idx %arg5[%parallel_loop3A_1556] : memref<100001xf32, #tpu.memory_space<vmem>>[vector<16xi32>], vector<16xf32>,
      %parallel_loop3A_1558 = arith.index_cast %parallel_loop3A_1552 : i32 to index
      %parallel_loop3A_1559 = tpu.vector_load %arg8[%parallel_loop3A_1558] {strides = array<i32>} : memref<4096xf32, #tpu.memory_space<vmem>>, vector<16xf32>,
      tpu.vector_store %arg8[%parallel_loop3A_1558], %parallel_loop3A_1557 {strides = array<i32>} : memref<4096xf32, #tpu.memory_space<vmem>>, vector<16xf32>,
    } {sc.loop_unroll_factor = 8 : i64, sc.parallel_access}
    %dma_start3A_413 = arith.constant 4096 : i32
    %dma_start3A_414 = tpu.memref_slice %arg4[%add3A_331, %dma_start3A_413] : memref<416x16384xf32, #tpu.memory_space<hbm>> -> memref<1x4096xf32, #tpu.memory_space<hbm>>
    %dma_start3A_415 = tpu.memref_squeeze %dma_start3A_414 : memref<1x4096xf32, #tpu.memory_space<hbm>> -> memref<4096xf32, #tpu.memory_space<hbm>>
    %dma_start3A_416 = arith.constant 4096 : i32
    %dma_start3A_417 = tpu.memref_slice %arg4[%add3A_331, %dma_start3A_416] : memref<416x16384xf32, #tpu.memory_space<hbm>> -> memref<1x4096xf32, #tpu.memory_space<hbm>>
    %dma_start3A_418 = tpu.memref_squeeze %dma_start3A_417 : memref<1x4096xf32, #tpu.memory_space<hbm>> -> memref<4096xf32, #tpu.memory_space<hbm>>
    tpu.enqueue_dma source(%arg8 : memref<4096xf32, #tpu.memory_space<vmem>>) target(%dma_start3A_418 : memref<4096xf32, #tpu.memory_space<hbm>>) target_semaphore(%arg12 : memref<!tpu.dma_semaphore, #tpu.memory_space<semaphore_mem>>)
    %dma_wait3A_419 = arith.constant 0 : i32
    %dma_wait3A_420 = tpu.memref_slice %arg4[%add3A_331, %dma_wait3A_419] : memref<416x16384xf32, #tpu.memory_space<hbm>> -> memref<1x4096xf32, #tpu.memory_space<hbm>>
    %dma_wait3A_421 = tpu.memref_squeeze %dma_wait3A_420 : memref<1x4096xf32, #tpu.memory_space<hbm>> -> memref<4096xf32, #tpu.memory_space<hbm>>
    %dma_wait3A_422 = arith.constant 0 : i32
    %dma_wait3A_423 = tpu.memref_slice %arg4[%add3A_331, %dma_wait3A_422] : memref<416x16384xf32, #tpu.memory_space<hbm>> -> memref<1x4096xf32, #tpu.memory_space<hbm>>
    %dma_wait3A_424 = tpu.memref_squeeze %dma_wait3A_423 : memref<1x4096xf32, #tpu.memory_space<hbm>> -> memref<4096xf32, #tpu.memory_space<hbm>>
    tpu.wait_dma2 semaphore(%arg11 : memref<!tpu.dma_semaphore, #tpu.memory_space<semaphore_mem>>) src(%arg7 : memref<4096xf32, #tpu.memory_space<vmem>>) dst(%dma_wait3A_424 : memref<4096xf32, #tpu.memory_space<hbm>>)
    %parallel_loop3A_425 = arith.constant 0 : i32
    %parallel_loop3A_426 = arith.constant 4096 : i32
    %parallel_loop3A_427 = arith.constant 16 : i32
    scf.for %parallel_loop3A_1552 = %parallel_loop3A_425 to %parallel_loop3A_426 step %parallel_loop3A_427  : i32 {
      %parallel_loop3A_1553 = arith.constant 8192 : i32
      %parallel_loop3A_1554 = arith.addi %parallel_loop3A_1553, %parallel_loop3A_1552 : i32
      %parallel_loop3A_1555 = arith.index_cast %parallel_loop3A_1554 : i32 to index
      %parallel_loop3A_1556 = tpu.vector_load %arg6[%parallel_loop3A_1555] {strides = array<i32>} : memref<16384xi32, #tpu.memory_space<vmem>>, vector<16xi32>,
      %parallel_loop3A_1557 = tpu.vector_load_idx %arg5[%parallel_loop3A_1556] : memref<100001xf32, #tpu.memory_space<vmem>>[vector<16xi32>], vector<16xf32>,
      %parallel_loop3A_1558 = arith.index_cast %parallel_loop3A_1552 : i32 to index
      %parallel_loop3A_1559 = tpu.vector_load %arg7[%parallel_loop3A_1558] {strides = array<i32>} : memref<4096xf32, #tpu.memory_space<vmem>>, vector<16xf32>,
      tpu.vector_store %arg7[%parallel_loop3A_1558], %parallel_loop3A_1557 {strides = array<i32>} : memref<4096xf32, #tpu.memory_space<vmem>>, vector<16xf32>,
    } {sc.loop_unroll_factor = 8 : i64, sc.parallel_access}
    %dma_start3A_428 = arith.constant 8192 : i32
    %dma_start3A_429 = tpu.memref_slice %arg4[%add3A_331, %dma_start3A_428] : memref<416x16384xf32, #tpu.memory_space<hbm>> -> memref<1x4096xf32, #tpu.memory_space<hbm>>
    %dma_start3A_430 = tpu.memref_squeeze %dma_start3A_429 : memref<1x4096xf32, #tpu.memory_space<hbm>> -> memref<4096xf32, #tpu.memory_space<hbm>>
    %dma_start3A_431 = arith.constant 8192 : i32
    %dma_start3A_432 = tpu.memref_slice %arg4[%add3A_331, %dma_start3A_431] : memref<416x16384xf32, #tpu.memory_space<hbm>> -> memref<1x4096xf32, #tpu.memory_space<hbm>>
    %dma_start3A_433 = tpu.memref_squeeze %dma_start3A_432 : memref<1x4096xf32, #tpu.memory_space<hbm>> -> memref<4096xf32, #tpu.memory_space<hbm>>
    tpu.enqueue_dma source(%arg7 : memref<4096xf32, #tpu.memory_space<vmem>>) target(%dma_start3A_433 : memref<4096xf32, #tpu.memory_space<hbm>>) target_semaphore(%arg11 : memref<!tpu.dma_semaphore, #tpu.memory_space<semaphore_mem>>)
    %dma_wait3A_434 = arith.constant 0 : i32
    %dma_wait3A_435 = tpu.memref_slice %arg4[%add3A_331, %dma_wait3A_434] : memref<416x16384xf32, #tpu.memory_space<hbm>> -> memref<1x4096xf32, #tpu.memory_space<hbm>>
    %dma_wait3A_436 = tpu.memref_squeeze %dma_wait3A_435 : memref<1x4096xf32, #tpu.memory_space<hbm>> -> memref<4096xf32, #tpu.memory_space<hbm>>
    %dma_wait3A_437 = arith.constant 0 : i32
    %dma_wait3A_438 = tpu.memref_slice %arg4[%add3A_331, %dma_wait3A_437] : memref<416x16384xf32, #tpu.memory_space<hbm>> -> memref<1x4096xf32, #tpu.memory_space<hbm>>
    %dma_wait3A_439 = tpu.memref_squeeze %dma_wait3A_438 : memref<1x4096xf32, #tpu.memory_space<hbm>> -> memref<4096xf32, #tpu.memory_space<hbm>>
    tpu.wait_dma2 semaphore(%arg12 : memref<!tpu.dma_semaphore, #tpu.memory_space<semaphore_mem>>) src(%arg8 : memref<4096xf32, #tpu.memory_space<vmem>>) dst(%dma_wait3A_439 : memref<4096xf32, #tpu.memory_space<hbm>>)
    %parallel_loop3A_440 = arith.constant 0 : i32
    %parallel_loop3A_441 = arith.constant 4096 : i32
    %parallel_loop3A_442 = arith.constant 16 : i32
    scf.for %parallel_loop3A_1552 = %parallel_loop3A_440 to %parallel_loop3A_441 step %parallel_loop3A_442  : i32 {
      %parallel_loop3A_1553 = arith.constant 12288 : i32
      %parallel_loop3A_1554 = arith.addi %parallel_loop3A_1553, %parallel_loop3A_1552 : i32
      %parallel_loop3A_1555 = arith.index_cast %parallel_loop3A_1554 : i32 to index
      %parallel_loop3A_1556 = tpu.vector_load %arg6[%parallel_loop3A_1555] {strides = array<i32>} : memref<16384xi32, #tpu.memory_space<vmem>>, vector<16xi32>,
      %parallel_loop3A_1557 = tpu.vector_load_idx %arg5[%parallel_loop3A_1556] : memref<100001xf32, #tpu.memory_space<vmem>>[vector<16xi32>], vector<16xf32>,
      %parallel_loop3A_1558 = arith.index_cast %parallel_loop3A_1552 : i32 to index
      %parallel_loop3A_1559 = tpu.vector_load %arg8[%parallel_loop3A_1558] {strides = array<i32>} : memref<4096xf32, #tpu.memory_space<vmem>>, vector<16xf32>,
      tpu.vector_store %arg8[%parallel_loop3A_1558], %parallel_loop3A_1557 {strides = array<i32>} : memref<4096xf32, #tpu.memory_space<vmem>>, vector<16xf32>,
    } {sc.loop_unroll_factor = 8 : i64, sc.parallel_access}
    %dma_start3A_443 = arith.constant 12288 : i32
    %dma_start3A_444 = tpu.memref_slice %arg4[%add3A_331, %dma_start3A_443] : memref<416x16384xf32, #tpu.memory_space<hbm>> -> memref<1x4096xf32, #tpu.memory_space<hbm>>
    %dma_start3A_445 = tpu.memref_squeeze %dma_start3A_444 : memref<1x4096xf32, #tpu.memory_space<hbm>> -> memref<4096xf32, #tpu.memory_space<hbm>>
    %dma_start3A_446 = arith.constant 12288 : i32
    %dma_start3A_447 = tpu.memref_slice %arg4[%add3A_331, %dma_start3A_446] : memref<416x16384xf32, #tpu.memory_space<hbm>> -> memref<1x4096xf32, #tpu.memory_space<hbm>>
    %dma_start3A_448 = tpu.memref_squeeze %dma_start3A_447 : memref<1x4096xf32, #tpu.memory_space<hbm>> -> memref<4096xf32, #tpu.memory_space<hbm>>
    tpu.enqueue_dma source(%arg8 : memref<4096xf32, #tpu.memory_space<vmem>>) target(%dma_start3A_448 : memref<4096xf32, #tpu.memory_space<hbm>>) target_semaphore(%arg12 : memref<!tpu.dma_semaphore, #tpu.memory_space<semaphore_mem>>)
    %mul3A_449 = arith.constant 13 : i32
    %mul3A_450 = arith.muli %add3A, %mul3A_449 : i32
    %add3A_451 = arith.constant 4 : i32
    %add3A_452 = arith.addi %mul3A_450, %add3A_451 : i32
    %jit3A_453 = arith.constant 16 : i32
    %div3A_454 = arith.divsi %add3A_452, %jit3A_453 : i32
    %sign3A_455 = arith.constant 0 : i32
    %sign3A_456 = arith.cmpi sgt, %add3A_452, %sign3A_455 : i32
    %sign3A_457 = arith.extui %sign3A_456 : i1 to i32
    %sign3A_458 = arith.constant 0 : i32
    %sign3A_459 = arith.cmpi slt, %add3A_452, %sign3A_458 : i32
    %sign3A_460 = arith.extui %sign3A_459 : i1 to i32
    %sign3A_461 = arith.subi %sign3A_457, %sign3A_460 : i32
    %sign3A_462 = arith.constant 0 : i32
    %sign3A_463 = arith.cmpi sgt, %jit3A_453, %sign3A_462 : i32
    %sign3A_464 = arith.extui %sign3A_463 : i1 to i32
    %sign3A_465 = arith.constant 0 : i32
    %sign3A_466 = arith.cmpi slt, %jit3A_453, %sign3A_465 : i32
    %sign3A_467 = arith.extui %sign3A_466 : i1 to i32
    %sign3A_468 = arith.subi %sign3A_464, %sign3A_467 : i32
    %ne3A_469 = arith.cmpi ne, %sign3A_461, %sign3A_468 : i32
    %rem3A_470 = arith.remsi %add3A_452, %jit3A_453 : i32
    %ne3A_471 = arith.constant 0 : i32
    %ne3A_472 = arith.cmpi ne, %rem3A_470, %ne3A_471 : i32
    %and3A_473 = arith.andi %ne3A_469, %ne3A_472 : i1
    %sub3A_474 = arith.constant 1 : i32
    %sub3A_475 = arith.subi %div3A_454, %sub3A_474 : i32
    %select_n3A_476 = arith.select %and3A_473, %sub3A_475, %div3A_454 : i32
    %dma_start3A_477 = arith.constant 0 : i32
    %dma_start3A_478 = tpu.memref_slice %arg3[%add3A_452, %dma_start3A_477] : memref<416x100001xf32, #tpu.memory_space<hbm>> -> memref<1x100001xf32, #tpu.memory_space<hbm>>
    %dma_start3A_479 = tpu.memref_squeeze %dma_start3A_478 : memref<1x100001xf32, #tpu.memory_space<hbm>> -> memref<100001xf32, #tpu.memory_space<hbm>>
    %dma_start3A_480 = arith.constant 0 : i32
    %dma_start3A_481 = tpu.memref_slice %arg3[%add3A_452, %dma_start3A_480] : memref<416x100001xf32, #tpu.memory_space<hbm>> -> memref<1x100001xf32, #tpu.memory_space<hbm>>
    %dma_start3A_482 = tpu.memref_squeeze %dma_start3A_481 : memref<1x100001xf32, #tpu.memory_space<hbm>> -> memref<100001xf32, #tpu.memory_space<hbm>>
    tpu.enqueue_dma source(%dma_start3A_482 : memref<100001xf32, #tpu.memory_space<hbm>>) target(%arg5 : memref<100001xf32, #tpu.memory_space<vmem>>) target_semaphore(%arg9 : memref<!tpu.dma_semaphore, #tpu.memory_space<semaphore_mem>>)
    %jit3A_483 = arith.constant 16 : i32
    %eq3A_484 = arith.constant 0 : i32
    %eq3A_485 = arith.cmpi eq, %jit3A_483, %eq3A_484 : i32
    %jit3A_486 = arith.constant 1 : i32
    %select_n3A_487 = arith.select %eq3A_485, %jit3A_486, %jit3A_483 : i32
    %rem3A_488 = arith.remsi %add3A_452, %select_n3A_487 : i32
    %ne3A_489 = arith.constant 0 : i32
    %ne3A_490 = arith.cmpi ne, %rem3A_488, %ne3A_489 : i32
    %lt3A_491 = arith.constant 0 : i32
    %lt3A_492 = arith.cmpi slt, %rem3A_488, %lt3A_491 : i32
    %lt3A_493 = arith.constant 0 : i32
    %lt3A_494 = arith.cmpi slt, %select_n3A_487, %lt3A_493 : i32
    %ne3A_495 = arith.xori %lt3A_492, %lt3A_494 : i1
    %and3A_496 = arith.andi %ne3A_495, %ne3A_490 : i1
    %add3A_497 = arith.addi %rem3A_488, %select_n3A_487 : i32
    %select_n3A_498 = arith.select %and3A_496, %add3A_497, %rem3A_488 : i32
    %eq3A_499 = arith.constant 0 : i32
    %eq3A_500 = arith.cmpi eq, %select_n3A_498, %eq3A_499 : i32
    %convert_element_type3A_501 = arith.extui %eq3A_500 : i1 to i32
    %cond3A_502 = arith.constant 0 : i32
    %cond3A_503 = arith.cmpi ne, %convert_element_type3A_501, %cond3A_502 : i32
    scf.if %cond3A_503 {
      %dma_start3A_1552 = arith.constant 0 : i32
      %dma_start3A_1553 = tpu.memref_slice %arg2[%select_n3A_476, %dma_start3A_1552] : memref<26x16384xi32, #tpu.memory_space<hbm>> -> memref<1x16384xi32, #tpu.memory_space<hbm>>
      %dma_start3A_1554 = tpu.memref_squeeze %dma_start3A_1553 : memref<1x16384xi32, #tpu.memory_space<hbm>> -> memref<16384xi32, #tpu.memory_space<hbm>>
      %dma_start3A_1555 = arith.constant 0 : i32
      %dma_start3A_1556 = tpu.memref_slice %arg2[%select_n3A_476, %dma_start3A_1555] : memref<26x16384xi32, #tpu.memory_space<hbm>> -> memref<1x16384xi32, #tpu.memory_space<hbm>>
      %dma_start3A_1557 = tpu.memref_squeeze %dma_start3A_1556 : memref<1x16384xi32, #tpu.memory_space<hbm>> -> memref<16384xi32, #tpu.memory_space<hbm>>
      tpu.enqueue_dma source(%dma_start3A_1557 : memref<16384xi32, #tpu.memory_space<hbm>>) target(%arg6 : memref<16384xi32, #tpu.memory_space<vmem>>) target_semaphore(%arg10 : memref<!tpu.dma_semaphore, #tpu.memory_space<semaphore_mem>>)
      %dma_wait3A_1558 = arith.constant 0 : i32
      %dma_wait3A_1559 = tpu.memref_slice %arg2[%select_n3A_476, %dma_wait3A_1558] : memref<26x16384xi32, #tpu.memory_space<hbm>> -> memref<1x16384xi32, #tpu.memory_space<hbm>>
      %dma_wait3A_1560 = tpu.memref_squeeze %dma_wait3A_1559 : memref<1x16384xi32, #tpu.memory_space<hbm>> -> memref<16384xi32, #tpu.memory_space<hbm>>
      %dma_wait3A_1561 = arith.constant 0 : i32
      %dma_wait3A_1562 = tpu.memref_slice %arg2[%select_n3A_476, %dma_wait3A_1561] : memref<26x16384xi32, #tpu.memory_space<hbm>> -> memref<1x16384xi32, #tpu.memory_space<hbm>>
      %dma_wait3A_1563 = tpu.memref_squeeze %dma_wait3A_1562 : memref<1x16384xi32, #tpu.memory_space<hbm>> -> memref<16384xi32, #tpu.memory_space<hbm>>
      tpu.wait_dma2 semaphore(%arg10 : memref<!tpu.dma_semaphore, #tpu.memory_space<semaphore_mem>>) src(%dma_wait3A_1563 : memref<16384xi32, #tpu.memory_space<hbm>>) dst(%arg6 : memref<16384xi32, #tpu.memory_space<vmem>>)
    } else {
    }
    %dma_wait3A_504 = arith.constant 0 : i32
    %dma_wait3A_505 = tpu.memref_slice %arg3[%add3A_452, %dma_wait3A_504] : memref<416x100001xf32, #tpu.memory_space<hbm>> -> memref<1x100001xf32, #tpu.memory_space<hbm>>
    %dma_wait3A_506 = tpu.memref_squeeze %dma_wait3A_505 : memref<1x100001xf32, #tpu.memory_space<hbm>> -> memref<100001xf32, #tpu.memory_space<hbm>>
    %dma_wait3A_507 = arith.constant 0 : i32
    %dma_wait3A_508 = tpu.memref_slice %arg3[%add3A_452, %dma_wait3A_507] : memref<416x100001xf32, #tpu.memory_space<hbm>> -> memref<1x100001xf32, #tpu.memory_space<hbm>>
    %dma_wait3A_509 = tpu.memref_squeeze %dma_wait3A_508 : memref<1x100001xf32, #tpu.memory_space<hbm>> -> memref<100001xf32, #tpu.memory_space<hbm>>
    tpu.wait_dma2 semaphore(%arg9 : memref<!tpu.dma_semaphore, #tpu.memory_space<semaphore_mem>>) src(%dma_wait3A_509 : memref<100001xf32, #tpu.memory_space<hbm>>) dst(%arg5 : memref<100001xf32, #tpu.memory_space<vmem>>)
    %dma_wait3A_510 = arith.constant 0 : i32
    %dma_wait3A_511 = tpu.memref_slice %arg4[%add3A_452, %dma_wait3A_510] : memref<416x16384xf32, #tpu.memory_space<hbm>> -> memref<1x4096xf32, #tpu.memory_space<hbm>>
    %dma_wait3A_512 = tpu.memref_squeeze %dma_wait3A_511 : memref<1x4096xf32, #tpu.memory_space<hbm>> -> memref<4096xf32, #tpu.memory_space<hbm>>
    %dma_wait3A_513 = arith.constant 0 : i32
    %dma_wait3A_514 = tpu.memref_slice %arg4[%add3A_452, %dma_wait3A_513] : memref<416x16384xf32, #tpu.memory_space<hbm>> -> memref<1x4096xf32, #tpu.memory_space<hbm>>
    %dma_wait3A_515 = tpu.memref_squeeze %dma_wait3A_514 : memref<1x4096xf32, #tpu.memory_space<hbm>> -> memref<4096xf32, #tpu.memory_space<hbm>>
    tpu.wait_dma2 semaphore(%arg11 : memref<!tpu.dma_semaphore, #tpu.memory_space<semaphore_mem>>) src(%arg7 : memref<4096xf32, #tpu.memory_space<vmem>>) dst(%dma_wait3A_515 : memref<4096xf32, #tpu.memory_space<hbm>>)
    %parallel_loop3A_516 = arith.constant 0 : i32
    %parallel_loop3A_517 = arith.constant 4096 : i32
    %parallel_loop3A_518 = arith.constant 16 : i32
    scf.for %parallel_loop3A_1552 = %parallel_loop3A_516 to %parallel_loop3A_517 step %parallel_loop3A_518  : i32 {
      %parallel_loop3A_1553 = arith.constant 0 : i32
      %parallel_loop3A_1554 = arith.addi %parallel_loop3A_1553, %parallel_loop3A_1552 : i32
      %parallel_loop3A_1555 = arith.index_cast %parallel_loop3A_1554 : i32 to index
      %parallel_loop3A_1556 = tpu.vector_load %arg6[%parallel_loop3A_1555] {strides = array<i32>} : memref<16384xi32, #tpu.memory_space<vmem>>, vector<16xi32>,
      %parallel_loop3A_1557 = tpu.vector_load_idx %arg5[%parallel_loop3A_1556] : memref<100001xf32, #tpu.memory_space<vmem>>[vector<16xi32>], vector<16xf32>,
      %parallel_loop3A_1558 = arith.index_cast %parallel_loop3A_1552 : i32 to index
      %parallel_loop3A_1559 = tpu.vector_load %arg7[%parallel_loop3A_1558] {strides = array<i32>} : memref<4096xf32, #tpu.memory_space<vmem>>, vector<16xf32>,
      tpu.vector_store %arg7[%parallel_loop3A_1558], %parallel_loop3A_1557 {strides = array<i32>} : memref<4096xf32, #tpu.memory_space<vmem>>, vector<16xf32>,
    } {sc.loop_unroll_factor = 8 : i64, sc.parallel_access}
    %dma_start3A_519 = arith.constant 0 : i32
    %dma_start3A_520 = tpu.memref_slice %arg4[%add3A_452, %dma_start3A_519] : memref<416x16384xf32, #tpu.memory_space<hbm>> -> memref<1x4096xf32, #tpu.memory_space<hbm>>
    %dma_start3A_521 = tpu.memref_squeeze %dma_start3A_520 : memref<1x4096xf32, #tpu.memory_space<hbm>> -> memref<4096xf32, #tpu.memory_space<hbm>>
    %dma_start3A_522 = arith.constant 0 : i32
    %dma_start3A_523 = tpu.memref_slice %arg4[%add3A_452, %dma_start3A_522] : memref<416x16384xf32, #tpu.memory_space<hbm>> -> memref<1x4096xf32, #tpu.memory_space<hbm>>
    %dma_start3A_524 = tpu.memref_squeeze %dma_start3A_523 : memref<1x4096xf32, #tpu.memory_space<hbm>> -> memref<4096xf32, #tpu.memory_space<hbm>>
    tpu.enqueue_dma source(%arg7 : memref<4096xf32, #tpu.memory_space<vmem>>) target(%dma_start3A_524 : memref<4096xf32, #tpu.memory_space<hbm>>) target_semaphore(%arg11 : memref<!tpu.dma_semaphore, #tpu.memory_space<semaphore_mem>>)
    %dma_wait3A_525 = arith.constant 0 : i32
    %dma_wait3A_526 = tpu.memref_slice %arg4[%add3A_452, %dma_wait3A_525] : memref<416x16384xf32, #tpu.memory_space<hbm>> -> memref<1x4096xf32, #tpu.memory_space<hbm>>
    %dma_wait3A_527 = tpu.memref_squeeze %dma_wait3A_526 : memref<1x4096xf32, #tpu.memory_space<hbm>> -> memref<4096xf32, #tpu.memory_space<hbm>>
    %dma_wait3A_528 = arith.constant 0 : i32
    %dma_wait3A_529 = tpu.memref_slice %arg4[%add3A_452, %dma_wait3A_528] : memref<416x16384xf32, #tpu.memory_space<hbm>> -> memref<1x4096xf32, #tpu.memory_space<hbm>>
    %dma_wait3A_530 = tpu.memref_squeeze %dma_wait3A_529 : memref<1x4096xf32, #tpu.memory_space<hbm>> -> memref<4096xf32, #tpu.memory_space<hbm>>
    tpu.wait_dma2 semaphore(%arg12 : memref<!tpu.dma_semaphore, #tpu.memory_space<semaphore_mem>>) src(%arg8 : memref<4096xf32, #tpu.memory_space<vmem>>) dst(%dma_wait3A_530 : memref<4096xf32, #tpu.memory_space<hbm>>)
    %parallel_loop3A_531 = arith.constant 0 : i32
    %parallel_loop3A_532 = arith.constant 4096 : i32
    %parallel_loop3A_533 = arith.constant 16 : i32
    scf.for %parallel_loop3A_1552 = %parallel_loop3A_531 to %parallel_loop3A_532 step %parallel_loop3A_533  : i32 {
      %parallel_loop3A_1553 = arith.constant 4096 : i32
      %parallel_loop3A_1554 = arith.addi %parallel_loop3A_1553, %parallel_loop3A_1552 : i32
      %parallel_loop3A_1555 = arith.index_cast %parallel_loop3A_1554 : i32 to index
      %parallel_loop3A_1556 = tpu.vector_load %arg6[%parallel_loop3A_1555] {strides = array<i32>} : memref<16384xi32, #tpu.memory_space<vmem>>, vector<16xi32>,
      %parallel_loop3A_1557 = tpu.vector_load_idx %arg5[%parallel_loop3A_1556] : memref<100001xf32, #tpu.memory_space<vmem>>[vector<16xi32>], vector<16xf32>,
      %parallel_loop3A_1558 = arith.index_cast %parallel_loop3A_1552 : i32 to index
      %parallel_loop3A_1559 = tpu.vector_load %arg8[%parallel_loop3A_1558] {strides = array<i32>} : memref<4096xf32, #tpu.memory_space<vmem>>, vector<16xf32>,
      tpu.vector_store %arg8[%parallel_loop3A_1558], %parallel_loop3A_1557 {strides = array<i32>} : memref<4096xf32, #tpu.memory_space<vmem>>, vector<16xf32>,
    } {sc.loop_unroll_factor = 8 : i64, sc.parallel_access}
    %dma_start3A_534 = arith.constant 4096 : i32
    %dma_start3A_535 = tpu.memref_slice %arg4[%add3A_452, %dma_start3A_534] : memref<416x16384xf32, #tpu.memory_space<hbm>> -> memref<1x4096xf32, #tpu.memory_space<hbm>>
    %dma_start3A_536 = tpu.memref_squeeze %dma_start3A_535 : memref<1x4096xf32, #tpu.memory_space<hbm>> -> memref<4096xf32, #tpu.memory_space<hbm>>
    %dma_start3A_537 = arith.constant 4096 : i32
    %dma_start3A_538 = tpu.memref_slice %arg4[%add3A_452, %dma_start3A_537] : memref<416x16384xf32, #tpu.memory_space<hbm>> -> memref<1x4096xf32, #tpu.memory_space<hbm>>
    %dma_start3A_539 = tpu.memref_squeeze %dma_start3A_538 : memref<1x4096xf32, #tpu.memory_space<hbm>> -> memref<4096xf32, #tpu.memory_space<hbm>>
    tpu.enqueue_dma source(%arg8 : memref<4096xf32, #tpu.memory_space<vmem>>) target(%dma_start3A_539 : memref<4096xf32, #tpu.memory_space<hbm>>) target_semaphore(%arg12 : memref<!tpu.dma_semaphore, #tpu.memory_space<semaphore_mem>>)
    %dma_wait3A_540 = arith.constant 0 : i32
    %dma_wait3A_541 = tpu.memref_slice %arg4[%add3A_452, %dma_wait3A_540] : memref<416x16384xf32, #tpu.memory_space<hbm>> -> memref<1x4096xf32, #tpu.memory_space<hbm>>
    %dma_wait3A_542 = tpu.memref_squeeze %dma_wait3A_541 : memref<1x4096xf32, #tpu.memory_space<hbm>> -> memref<4096xf32, #tpu.memory_space<hbm>>
    %dma_wait3A_543 = arith.constant 0 : i32
    %dma_wait3A_544 = tpu.memref_slice %arg4[%add3A_452, %dma_wait3A_543] : memref<416x16384xf32, #tpu.memory_space<hbm>> -> memref<1x4096xf32, #tpu.memory_space<hbm>>
    %dma_wait3A_545 = tpu.memref_squeeze %dma_wait3A_544 : memref<1x4096xf32, #tpu.memory_space<hbm>> -> memref<4096xf32, #tpu.memory_space<hbm>>
    tpu.wait_dma2 semaphore(%arg11 : memref<!tpu.dma_semaphore, #tpu.memory_space<semaphore_mem>>) src(%arg7 : memref<4096xf32, #tpu.memory_space<vmem>>) dst(%dma_wait3A_545 : memref<4096xf32, #tpu.memory_space<hbm>>)
    %parallel_loop3A_546 = arith.constant 0 : i32
    %parallel_loop3A_547 = arith.constant 4096 : i32
    %parallel_loop3A_548 = arith.constant 16 : i32
    scf.for %parallel_loop3A_1552 = %parallel_loop3A_546 to %parallel_loop3A_547 step %parallel_loop3A_548  : i32 {
      %parallel_loop3A_1553 = arith.constant 8192 : i32
      %parallel_loop3A_1554 = arith.addi %parallel_loop3A_1553, %parallel_loop3A_1552 : i32
      %parallel_loop3A_1555 = arith.index_cast %parallel_loop3A_1554 : i32 to index
      %parallel_loop3A_1556 = tpu.vector_load %arg6[%parallel_loop3A_1555] {strides = array<i32>} : memref<16384xi32, #tpu.memory_space<vmem>>, vector<16xi32>,
      %parallel_loop3A_1557 = tpu.vector_load_idx %arg5[%parallel_loop3A_1556] : memref<100001xf32, #tpu.memory_space<vmem>>[vector<16xi32>], vector<16xf32>,
      %parallel_loop3A_1558 = arith.index_cast %parallel_loop3A_1552 : i32 to index
      %parallel_loop3A_1559 = tpu.vector_load %arg7[%parallel_loop3A_1558] {strides = array<i32>} : memref<4096xf32, #tpu.memory_space<vmem>>, vector<16xf32>,
      tpu.vector_store %arg7[%parallel_loop3A_1558], %parallel_loop3A_1557 {strides = array<i32>} : memref<4096xf32, #tpu.memory_space<vmem>>, vector<16xf32>,
    } {sc.loop_unroll_factor = 8 : i64, sc.parallel_access}
    %dma_start3A_549 = arith.constant 8192 : i32
    %dma_start3A_550 = tpu.memref_slice %arg4[%add3A_452, %dma_start3A_549] : memref<416x16384xf32, #tpu.memory_space<hbm>> -> memref<1x4096xf32, #tpu.memory_space<hbm>>
    %dma_start3A_551 = tpu.memref_squeeze %dma_start3A_550 : memref<1x4096xf32, #tpu.memory_space<hbm>> -> memref<4096xf32, #tpu.memory_space<hbm>>
    %dma_start3A_552 = arith.constant 8192 : i32
    %dma_start3A_553 = tpu.memref_slice %arg4[%add3A_452, %dma_start3A_552] : memref<416x16384xf32, #tpu.memory_space<hbm>> -> memref<1x4096xf32, #tpu.memory_space<hbm>>
    %dma_start3A_554 = tpu.memref_squeeze %dma_start3A_553 : memref<1x4096xf32, #tpu.memory_space<hbm>> -> memref<4096xf32, #tpu.memory_space<hbm>>
    tpu.enqueue_dma source(%arg7 : memref<4096xf32, #tpu.memory_space<vmem>>) target(%dma_start3A_554 : memref<4096xf32, #tpu.memory_space<hbm>>) target_semaphore(%arg11 : memref<!tpu.dma_semaphore, #tpu.memory_space<semaphore_mem>>)
    %dma_wait3A_555 = arith.constant 0 : i32
    %dma_wait3A_556 = tpu.memref_slice %arg4[%add3A_452, %dma_wait3A_555] : memref<416x16384xf32, #tpu.memory_space<hbm>> -> memref<1x4096xf32, #tpu.memory_space<hbm>>
    %dma_wait3A_557 = tpu.memref_squeeze %dma_wait3A_556 : memref<1x4096xf32, #tpu.memory_space<hbm>> -> memref<4096xf32, #tpu.memory_space<hbm>>
    %dma_wait3A_558 = arith.constant 0 : i32
    %dma_wait3A_559 = tpu.memref_slice %arg4[%add3A_452, %dma_wait3A_558] : memref<416x16384xf32, #tpu.memory_space<hbm>> -> memref<1x4096xf32, #tpu.memory_space<hbm>>
    %dma_wait3A_560 = tpu.memref_squeeze %dma_wait3A_559 : memref<1x4096xf32, #tpu.memory_space<hbm>> -> memref<4096xf32, #tpu.memory_space<hbm>>
    tpu.wait_dma2 semaphore(%arg12 : memref<!tpu.dma_semaphore, #tpu.memory_space<semaphore_mem>>) src(%arg8 : memref<4096xf32, #tpu.memory_space<vmem>>) dst(%dma_wait3A_560 : memref<4096xf32, #tpu.memory_space<hbm>>)
    %parallel_loop3A_561 = arith.constant 0 : i32
    %parallel_loop3A_562 = arith.constant 4096 : i32
    %parallel_loop3A_563 = arith.constant 16 : i32
    scf.for %parallel_loop3A_1552 = %parallel_loop3A_561 to %parallel_loop3A_562 step %parallel_loop3A_563  : i32 {
      %parallel_loop3A_1553 = arith.constant 12288 : i32
      %parallel_loop3A_1554 = arith.addi %parallel_loop3A_1553, %parallel_loop3A_1552 : i32
      %parallel_loop3A_1555 = arith.index_cast %parallel_loop3A_1554 : i32 to index
      %parallel_loop3A_1556 = tpu.vector_load %arg6[%parallel_loop3A_1555] {strides = array<i32>} : memref<16384xi32, #tpu.memory_space<vmem>>, vector<16xi32>,
      %parallel_loop3A_1557 = tpu.vector_load_idx %arg5[%parallel_loop3A_1556] : memref<100001xf32, #tpu.memory_space<vmem>>[vector<16xi32>], vector<16xf32>,
      %parallel_loop3A_1558 = arith.index_cast %parallel_loop3A_1552 : i32 to index
      %parallel_loop3A_1559 = tpu.vector_load %arg8[%parallel_loop3A_1558] {strides = array<i32>} : memref<4096xf32, #tpu.memory_space<vmem>>, vector<16xf32>,
      tpu.vector_store %arg8[%parallel_loop3A_1558], %parallel_loop3A_1557 {strides = array<i32>} : memref<4096xf32, #tpu.memory_space<vmem>>, vector<16xf32>,
    } {sc.loop_unroll_factor = 8 : i64, sc.parallel_access}
    %dma_start3A_564 = arith.constant 12288 : i32
    %dma_start3A_565 = tpu.memref_slice %arg4[%add3A_452, %dma_start3A_564] : memref<416x16384xf32, #tpu.memory_space<hbm>> -> memref<1x4096xf32, #tpu.memory_space<hbm>>
    %dma_start3A_566 = tpu.memref_squeeze %dma_start3A_565 : memref<1x4096xf32, #tpu.memory_space<hbm>> -> memref<4096xf32, #tpu.memory_space<hbm>>
    %dma_start3A_567 = arith.constant 12288 : i32
    %dma_start3A_568 = tpu.memref_slice %arg4[%add3A_452, %dma_start3A_567] : memref<416x16384xf32, #tpu.memory_space<hbm>> -> memref<1x4096xf32, #tpu.memory_space<hbm>>
    %dma_start3A_569 = tpu.memref_squeeze %dma_start3A_568 : memref<1x4096xf32, #tpu.memory_space<hbm>> -> memref<4096xf32, #tpu.memory_space<hbm>>
    tpu.enqueue_dma source(%arg8 : memref<4096xf32, #tpu.memory_space<vmem>>) target(%dma_start3A_569 : memref<4096xf32, #tpu.memory_space<hbm>>) target_semaphore(%arg12 : memref<!tpu.dma_semaphore, #tpu.memory_space<semaphore_mem>>)
    %mul3A_570 = arith.constant 13 : i32
    %mul3A_571 = arith.muli %add3A, %mul3A_570 : i32
    %add3A_572 = arith.constant 5 : i32
    %add3A_573 = arith.addi %mul3A_571, %add3A_572 : i32
    %jit3A_574 = arith.constant 16 : i32
    %div3A_575 = arith.divsi %add3A_573, %jit3A_574 : i32
    %sign3A_576 = arith.constant 0 : i32
    %sign3A_577 = arith.cmpi sgt, %add3A_573, %sign3A_576 : i32
    %sign3A_578 = arith.extui %sign3A_577 : i1 to i32
    %sign3A_579 = arith.constant 0 : i32
    %sign3A_580 = arith.cmpi slt, %add3A_573, %sign3A_579 : i32
    %sign3A_581 = arith.extui %sign3A_580 : i1 to i32
    %sign3A_582 = arith.subi %sign3A_578, %sign3A_581 : i32
    %sign3A_583 = arith.constant 0 : i32
    %sign3A_584 = arith.cmpi sgt, %jit3A_574, %sign3A_583 : i32
    %sign3A_585 = arith.extui %sign3A_584 : i1 to i32
    %sign3A_586 = arith.constant 0 : i32
    %sign3A_587 = arith.cmpi slt, %jit3A_574, %sign3A_586 : i32
    %sign3A_588 = arith.extui %sign3A_587 : i1 to i32
    %sign3A_589 = arith.subi %sign3A_585, %sign3A_588 : i32
    %ne3A_590 = arith.cmpi ne, %sign3A_582, %sign3A_589 : i32
    %rem3A_591 = arith.remsi %add3A_573, %jit3A_574 : i32
    %ne3A_592 = arith.constant 0 : i32
    %ne3A_593 = arith.cmpi ne, %rem3A_591, %ne3A_592 : i32
    %and3A_594 = arith.andi %ne3A_590, %ne3A_593 : i1
    %sub3A_595 = arith.constant 1 : i32
    %sub3A_596 = arith.subi %div3A_575, %sub3A_595 : i32
    %select_n3A_597 = arith.select %and3A_594, %sub3A_596, %div3A_575 : i32
    %dma_start3A_598 = arith.constant 0 : i32
    %dma_start3A_599 = tpu.memref_slice %arg3[%add3A_573, %dma_start3A_598] : memref<416x100001xf32, #tpu.memory_space<hbm>> -> memref<1x100001xf32, #tpu.memory_space<hbm>>
    %dma_start3A_600 = tpu.memref_squeeze %dma_start3A_599 : memref<1x100001xf32, #tpu.memory_space<hbm>> -> memref<100001xf32, #tpu.memory_space<hbm>>
    %dma_start3A_601 = arith.constant 0 : i32
    %dma_start3A_602 = tpu.memref_slice %arg3[%add3A_573, %dma_start3A_601] : memref<416x100001xf32, #tpu.memory_space<hbm>> -> memref<1x100001xf32, #tpu.memory_space<hbm>>
    %dma_start3A_603 = tpu.memref_squeeze %dma_start3A_602 : memref<1x100001xf32, #tpu.memory_space<hbm>> -> memref<100001xf32, #tpu.memory_space<hbm>>
    tpu.enqueue_dma source(%dma_start3A_603 : memref<100001xf32, #tpu.memory_space<hbm>>) target(%arg5 : memref<100001xf32, #tpu.memory_space<vmem>>) target_semaphore(%arg9 : memref<!tpu.dma_semaphore, #tpu.memory_space<semaphore_mem>>)
    %jit3A_604 = arith.constant 16 : i32
    %eq3A_605 = arith.constant 0 : i32
    %eq3A_606 = arith.cmpi eq, %jit3A_604, %eq3A_605 : i32
    %jit3A_607 = arith.constant 1 : i32
    %select_n3A_608 = arith.select %eq3A_606, %jit3A_607, %jit3A_604 : i32
    %rem3A_609 = arith.remsi %add3A_573, %select_n3A_608 : i32
    %ne3A_610 = arith.constant 0 : i32
    %ne3A_611 = arith.cmpi ne, %rem3A_609, %ne3A_610 : i32
    %lt3A_612 = arith.constant 0 : i32
    %lt3A_613 = arith.cmpi slt, %rem3A_609, %lt3A_612 : i32
    %lt3A_614 = arith.constant 0 : i32
    %lt3A_615 = arith.cmpi slt, %select_n3A_608, %lt3A_614 : i32
    %ne3A_616 = arith.xori %lt3A_613, %lt3A_615 : i1
    %and3A_617 = arith.andi %ne3A_616, %ne3A_611 : i1
    %add3A_618 = arith.addi %rem3A_609, %select_n3A_608 : i32
    %select_n3A_619 = arith.select %and3A_617, %add3A_618, %rem3A_609 : i32
    %eq3A_620 = arith.constant 0 : i32
    %eq3A_621 = arith.cmpi eq, %select_n3A_619, %eq3A_620 : i32
    %convert_element_type3A_622 = arith.extui %eq3A_621 : i1 to i32
    %cond3A_623 = arith.constant 0 : i32
    %cond3A_624 = arith.cmpi ne, %convert_element_type3A_622, %cond3A_623 : i32
    scf.if %cond3A_624 {
      %dma_start3A_1552 = arith.constant 0 : i32
      %dma_start3A_1553 = tpu.memref_slice %arg2[%select_n3A_597, %dma_start3A_1552] : memref<26x16384xi32, #tpu.memory_space<hbm>> -> memref<1x16384xi32, #tpu.memory_space<hbm>>
      %dma_start3A_1554 = tpu.memref_squeeze %dma_start3A_1553 : memref<1x16384xi32, #tpu.memory_space<hbm>> -> memref<16384xi32, #tpu.memory_space<hbm>>
      %dma_start3A_1555 = arith.constant 0 : i32
      %dma_start3A_1556 = tpu.memref_slice %arg2[%select_n3A_597, %dma_start3A_1555] : memref<26x16384xi32, #tpu.memory_space<hbm>> -> memref<1x16384xi32, #tpu.memory_space<hbm>>
      %dma_start3A_1557 = tpu.memref_squeeze %dma_start3A_1556 : memref<1x16384xi32, #tpu.memory_space<hbm>> -> memref<16384xi32, #tpu.memory_space<hbm>>
      tpu.enqueue_dma source(%dma_start3A_1557 : memref<16384xi32, #tpu.memory_space<hbm>>) target(%arg6 : memref<16384xi32, #tpu.memory_space<vmem>>) target_semaphore(%arg10 : memref<!tpu.dma_semaphore, #tpu.memory_space<semaphore_mem>>)
      %dma_wait3A_1558 = arith.constant 0 : i32
      %dma_wait3A_1559 = tpu.memref_slice %arg2[%select_n3A_597, %dma_wait3A_1558] : memref<26x16384xi32, #tpu.memory_space<hbm>> -> memref<1x16384xi32, #tpu.memory_space<hbm>>
      %dma_wait3A_1560 = tpu.memref_squeeze %dma_wait3A_1559 : memref<1x16384xi32, #tpu.memory_space<hbm>> -> memref<16384xi32, #tpu.memory_space<hbm>>
      %dma_wait3A_1561 = arith.constant 0 : i32
      %dma_wait3A_1562 = tpu.memref_slice %arg2[%select_n3A_597, %dma_wait3A_1561] : memref<26x16384xi32, #tpu.memory_space<hbm>> -> memref<1x16384xi32, #tpu.memory_space<hbm>>
      %dma_wait3A_1563 = tpu.memref_squeeze %dma_wait3A_1562 : memref<1x16384xi32, #tpu.memory_space<hbm>> -> memref<16384xi32, #tpu.memory_space<hbm>>
      tpu.wait_dma2 semaphore(%arg10 : memref<!tpu.dma_semaphore, #tpu.memory_space<semaphore_mem>>) src(%dma_wait3A_1563 : memref<16384xi32, #tpu.memory_space<hbm>>) dst(%arg6 : memref<16384xi32, #tpu.memory_space<vmem>>)
    } else {
    }
    %dma_wait3A_625 = arith.constant 0 : i32
    %dma_wait3A_626 = tpu.memref_slice %arg3[%add3A_573, %dma_wait3A_625] : memref<416x100001xf32, #tpu.memory_space<hbm>> -> memref<1x100001xf32, #tpu.memory_space<hbm>>
    %dma_wait3A_627 = tpu.memref_squeeze %dma_wait3A_626 : memref<1x100001xf32, #tpu.memory_space<hbm>> -> memref<100001xf32, #tpu.memory_space<hbm>>
    %dma_wait3A_628 = arith.constant 0 : i32
    %dma_wait3A_629 = tpu.memref_slice %arg3[%add3A_573, %dma_wait3A_628] : memref<416x100001xf32, #tpu.memory_space<hbm>> -> memref<1x100001xf32, #tpu.memory_space<hbm>>
    %dma_wait3A_630 = tpu.memref_squeeze %dma_wait3A_629 : memref<1x100001xf32, #tpu.memory_space<hbm>> -> memref<100001xf32, #tpu.memory_space<hbm>>
    tpu.wait_dma2 semaphore(%arg9 : memref<!tpu.dma_semaphore, #tpu.memory_space<semaphore_mem>>) src(%dma_wait3A_630 : memref<100001xf32, #tpu.memory_space<hbm>>) dst(%arg5 : memref<100001xf32, #tpu.memory_space<vmem>>)
    %dma_wait3A_631 = arith.constant 0 : i32
    %dma_wait3A_632 = tpu.memref_slice %arg4[%add3A_573, %dma_wait3A_631] : memref<416x16384xf32, #tpu.memory_space<hbm>> -> memref<1x4096xf32, #tpu.memory_space<hbm>>
    %dma_wait3A_633 = tpu.memref_squeeze %dma_wait3A_632 : memref<1x4096xf32, #tpu.memory_space<hbm>> -> memref<4096xf32, #tpu.memory_space<hbm>>
    %dma_wait3A_634 = arith.constant 0 : i32
    %dma_wait3A_635 = tpu.memref_slice %arg4[%add3A_573, %dma_wait3A_634] : memref<416x16384xf32, #tpu.memory_space<hbm>> -> memref<1x4096xf32, #tpu.memory_space<hbm>>
    %dma_wait3A_636 = tpu.memref_squeeze %dma_wait3A_635 : memref<1x4096xf32, #tpu.memory_space<hbm>> -> memref<4096xf32, #tpu.memory_space<hbm>>
    tpu.wait_dma2 semaphore(%arg11 : memref<!tpu.dma_semaphore, #tpu.memory_space<semaphore_mem>>) src(%arg7 : memref<4096xf32, #tpu.memory_space<vmem>>) dst(%dma_wait3A_636 : memref<4096xf32, #tpu.memory_space<hbm>>)
    %parallel_loop3A_637 = arith.constant 0 : i32
    %parallel_loop3A_638 = arith.constant 4096 : i32
    %parallel_loop3A_639 = arith.constant 16 : i32
    scf.for %parallel_loop3A_1552 = %parallel_loop3A_637 to %parallel_loop3A_638 step %parallel_loop3A_639  : i32 {
      %parallel_loop3A_1553 = arith.constant 0 : i32
      %parallel_loop3A_1554 = arith.addi %parallel_loop3A_1553, %parallel_loop3A_1552 : i32
      %parallel_loop3A_1555 = arith.index_cast %parallel_loop3A_1554 : i32 to index
      %parallel_loop3A_1556 = tpu.vector_load %arg6[%parallel_loop3A_1555] {strides = array<i32>} : memref<16384xi32, #tpu.memory_space<vmem>>, vector<16xi32>,
      %parallel_loop3A_1557 = tpu.vector_load_idx %arg5[%parallel_loop3A_1556] : memref<100001xf32, #tpu.memory_space<vmem>>[vector<16xi32>], vector<16xf32>,
      %parallel_loop3A_1558 = arith.index_cast %parallel_loop3A_1552 : i32 to index
      %parallel_loop3A_1559 = tpu.vector_load %arg7[%parallel_loop3A_1558] {strides = array<i32>} : memref<4096xf32, #tpu.memory_space<vmem>>, vector<16xf32>,
      tpu.vector_store %arg7[%parallel_loop3A_1558], %parallel_loop3A_1557 {strides = array<i32>} : memref<4096xf32, #tpu.memory_space<vmem>>, vector<16xf32>,
    } {sc.loop_unroll_factor = 8 : i64, sc.parallel_access}
    %dma_start3A_640 = arith.constant 0 : i32
    %dma_start3A_641 = tpu.memref_slice %arg4[%add3A_573, %dma_start3A_640] : memref<416x16384xf32, #tpu.memory_space<hbm>> -> memref<1x4096xf32, #tpu.memory_space<hbm>>
    %dma_start3A_642 = tpu.memref_squeeze %dma_start3A_641 : memref<1x4096xf32, #tpu.memory_space<hbm>> -> memref<4096xf32, #tpu.memory_space<hbm>>
    %dma_start3A_643 = arith.constant 0 : i32
    %dma_start3A_644 = tpu.memref_slice %arg4[%add3A_573, %dma_start3A_643] : memref<416x16384xf32, #tpu.memory_space<hbm>> -> memref<1x4096xf32, #tpu.memory_space<hbm>>
    %dma_start3A_645 = tpu.memref_squeeze %dma_start3A_644 : memref<1x4096xf32, #tpu.memory_space<hbm>> -> memref<4096xf32, #tpu.memory_space<hbm>>
    tpu.enqueue_dma source(%arg7 : memref<4096xf32, #tpu.memory_space<vmem>>) target(%dma_start3A_645 : memref<4096xf32, #tpu.memory_space<hbm>>) target_semaphore(%arg11 : memref<!tpu.dma_semaphore, #tpu.memory_space<semaphore_mem>>)
    %dma_wait3A_646 = arith.constant 0 : i32
    %dma_wait3A_647 = tpu.memref_slice %arg4[%add3A_573, %dma_wait3A_646] : memref<416x16384xf32, #tpu.memory_space<hbm>> -> memref<1x4096xf32, #tpu.memory_space<hbm>>
    %dma_wait3A_648 = tpu.memref_squeeze %dma_wait3A_647 : memref<1x4096xf32, #tpu.memory_space<hbm>> -> memref<4096xf32, #tpu.memory_space<hbm>>
    %dma_wait3A_649 = arith.constant 0 : i32
    %dma_wait3A_650 = tpu.memref_slice %arg4[%add3A_573, %dma_wait3A_649] : memref<416x16384xf32, #tpu.memory_space<hbm>> -> memref<1x4096xf32, #tpu.memory_space<hbm>>
    %dma_wait3A_651 = tpu.memref_squeeze %dma_wait3A_650 : memref<1x4096xf32, #tpu.memory_space<hbm>> -> memref<4096xf32, #tpu.memory_space<hbm>>
    tpu.wait_dma2 semaphore(%arg12 : memref<!tpu.dma_semaphore, #tpu.memory_space<semaphore_mem>>) src(%arg8 : memref<4096xf32, #tpu.memory_space<vmem>>) dst(%dma_wait3A_651 : memref<4096xf32, #tpu.memory_space<hbm>>)
    %parallel_loop3A_652 = arith.constant 0 : i32
    %parallel_loop3A_653 = arith.constant 4096 : i32
    %parallel_loop3A_654 = arith.constant 16 : i32
    scf.for %parallel_loop3A_1552 = %parallel_loop3A_652 to %parallel_loop3A_653 step %parallel_loop3A_654  : i32 {
      %parallel_loop3A_1553 = arith.constant 4096 : i32
      %parallel_loop3A_1554 = arith.addi %parallel_loop3A_1553, %parallel_loop3A_1552 : i32
      %parallel_loop3A_1555 = arith.index_cast %parallel_loop3A_1554 : i32 to index
      %parallel_loop3A_1556 = tpu.vector_load %arg6[%parallel_loop3A_1555] {strides = array<i32>} : memref<16384xi32, #tpu.memory_space<vmem>>, vector<16xi32>,
      %parallel_loop3A_1557 = tpu.vector_load_idx %arg5[%parallel_loop3A_1556] : memref<100001xf32, #tpu.memory_space<vmem>>[vector<16xi32>], vector<16xf32>,
      %parallel_loop3A_1558 = arith.index_cast %parallel_loop3A_1552 : i32 to index
      %parallel_loop3A_1559 = tpu.vector_load %arg8[%parallel_loop3A_1558] {strides = array<i32>} : memref<4096xf32, #tpu.memory_space<vmem>>, vector<16xf32>,
      tpu.vector_store %arg8[%parallel_loop3A_1558], %parallel_loop3A_1557 {strides = array<i32>} : memref<4096xf32, #tpu.memory_space<vmem>>, vector<16xf32>,
    } {sc.loop_unroll_factor = 8 : i64, sc.parallel_access}
    %dma_start3A_655 = arith.constant 4096 : i32
    %dma_start3A_656 = tpu.memref_slice %arg4[%add3A_573, %dma_start3A_655] : memref<416x16384xf32, #tpu.memory_space<hbm>> -> memref<1x4096xf32, #tpu.memory_space<hbm>>
    %dma_start3A_657 = tpu.memref_squeeze %dma_start3A_656 : memref<1x4096xf32, #tpu.memory_space<hbm>> -> memref<4096xf32, #tpu.memory_space<hbm>>
    %dma_start3A_658 = arith.constant 4096 : i32
    %dma_start3A_659 = tpu.memref_slice %arg4[%add3A_573, %dma_start3A_658] : memref<416x16384xf32, #tpu.memory_space<hbm>> -> memref<1x4096xf32, #tpu.memory_space<hbm>>
    %dma_start3A_660 = tpu.memref_squeeze %dma_start3A_659 : memref<1x4096xf32, #tpu.memory_space<hbm>> -> memref<4096xf32, #tpu.memory_space<hbm>>
    tpu.enqueue_dma source(%arg8 : memref<4096xf32, #tpu.memory_space<vmem>>) target(%dma_start3A_660 : memref<4096xf32, #tpu.memory_space<hbm>>) target_semaphore(%arg12 : memref<!tpu.dma_semaphore, #tpu.memory_space<semaphore_mem>>)
    %dma_wait3A_661 = arith.constant 0 : i32
    %dma_wait3A_662 = tpu.memref_slice %arg4[%add3A_573, %dma_wait3A_661] : memref<416x16384xf32, #tpu.memory_space<hbm>> -> memref<1x4096xf32, #tpu.memory_space<hbm>>
    %dma_wait3A_663 = tpu.memref_squeeze %dma_wait3A_662 : memref<1x4096xf32, #tpu.memory_space<hbm>> -> memref<4096xf32, #tpu.memory_space<hbm>>
    %dma_wait3A_664 = arith.constant 0 : i32
    %dma_wait3A_665 = tpu.memref_slice %arg4[%add3A_573, %dma_wait3A_664] : memref<416x16384xf32, #tpu.memory_space<hbm>> -> memref<1x4096xf32, #tpu.memory_space<hbm>>
    %dma_wait3A_666 = tpu.memref_squeeze %dma_wait3A_665 : memref<1x4096xf32, #tpu.memory_space<hbm>> -> memref<4096xf32, #tpu.memory_space<hbm>>
    tpu.wait_dma2 semaphore(%arg11 : memref<!tpu.dma_semaphore, #tpu.memory_space<semaphore_mem>>) src(%arg7 : memref<4096xf32, #tpu.memory_space<vmem>>) dst(%dma_wait3A_666 : memref<4096xf32, #tpu.memory_space<hbm>>)
    %parallel_loop3A_667 = arith.constant 0 : i32
    %parallel_loop3A_668 = arith.constant 4096 : i32
    %parallel_loop3A_669 = arith.constant 16 : i32
    scf.for %parallel_loop3A_1552 = %parallel_loop3A_667 to %parallel_loop3A_668 step %parallel_loop3A_669  : i32 {
      %parallel_loop3A_1553 = arith.constant 8192 : i32
      %parallel_loop3A_1554 = arith.addi %parallel_loop3A_1553, %parallel_loop3A_1552 : i32
      %parallel_loop3A_1555 = arith.index_cast %parallel_loop3A_1554 : i32 to index
      %parallel_loop3A_1556 = tpu.vector_load %arg6[%parallel_loop3A_1555] {strides = array<i32>} : memref<16384xi32, #tpu.memory_space<vmem>>, vector<16xi32>,
      %parallel_loop3A_1557 = tpu.vector_load_idx %arg5[%parallel_loop3A_1556] : memref<100001xf32, #tpu.memory_space<vmem>>[vector<16xi32>], vector<16xf32>,
      %parallel_loop3A_1558 = arith.index_cast %parallel_loop3A_1552 : i32 to index
      %parallel_loop3A_1559 = tpu.vector_load %arg7[%parallel_loop3A_1558] {strides = array<i32>} : memref<4096xf32, #tpu.memory_space<vmem>>, vector<16xf32>,
      tpu.vector_store %arg7[%parallel_loop3A_1558], %parallel_loop3A_1557 {strides = array<i32>} : memref<4096xf32, #tpu.memory_space<vmem>>, vector<16xf32>,
    } {sc.loop_unroll_factor = 8 : i64, sc.parallel_access}
    %dma_start3A_670 = arith.constant 8192 : i32
    %dma_start3A_671 = tpu.memref_slice %arg4[%add3A_573, %dma_start3A_670] : memref<416x16384xf32, #tpu.memory_space<hbm>> -> memref<1x4096xf32, #tpu.memory_space<hbm>>
    %dma_start3A_672 = tpu.memref_squeeze %dma_start3A_671 : memref<1x4096xf32, #tpu.memory_space<hbm>> -> memref<4096xf32, #tpu.memory_space<hbm>>
    %dma_start3A_673 = arith.constant 8192 : i32
    %dma_start3A_674 = tpu.memref_slice %arg4[%add3A_573, %dma_start3A_673] : memref<416x16384xf32, #tpu.memory_space<hbm>> -> memref<1x4096xf32, #tpu.memory_space<hbm>>
    %dma_start3A_675 = tpu.memref_squeeze %dma_start3A_674 : memref<1x4096xf32, #tpu.memory_space<hbm>> -> memref<4096xf32, #tpu.memory_space<hbm>>
    tpu.enqueue_dma source(%arg7 : memref<4096xf32, #tpu.memory_space<vmem>>) target(%dma_start3A_675 : memref<4096xf32, #tpu.memory_space<hbm>>) target_semaphore(%arg11 : memref<!tpu.dma_semaphore, #tpu.memory_space<semaphore_mem>>)
    %dma_wait3A_676 = arith.constant 0 : i32
    %dma_wait3A_677 = tpu.memref_slice %arg4[%add3A_573, %dma_wait3A_676] : memref<416x16384xf32, #tpu.memory_space<hbm>> -> memref<1x4096xf32, #tpu.memory_space<hbm>>
    %dma_wait3A_678 = tpu.memref_squeeze %dma_wait3A_677 : memref<1x4096xf32, #tpu.memory_space<hbm>> -> memref<4096xf32, #tpu.memory_space<hbm>>
    %dma_wait3A_679 = arith.constant 0 : i32
    %dma_wait3A_680 = tpu.memref_slice %arg4[%add3A_573, %dma_wait3A_679] : memref<416x16384xf32, #tpu.memory_space<hbm>> -> memref<1x4096xf32, #tpu.memory_space<hbm>>
    %dma_wait3A_681 = tpu.memref_squeeze %dma_wait3A_680 : memref<1x4096xf32, #tpu.memory_space<hbm>> -> memref<4096xf32, #tpu.memory_space<hbm>>
    tpu.wait_dma2 semaphore(%arg12 : memref<!tpu.dma_semaphore, #tpu.memory_space<semaphore_mem>>) src(%arg8 : memref<4096xf32, #tpu.memory_space<vmem>>) dst(%dma_wait3A_681 : memref<4096xf32, #tpu.memory_space<hbm>>)
    %parallel_loop3A_682 = arith.constant 0 : i32
    %parallel_loop3A_683 = arith.constant 4096 : i32
    %parallel_loop3A_684 = arith.constant 16 : i32
    scf.for %parallel_loop3A_1552 = %parallel_loop3A_682 to %parallel_loop3A_683 step %parallel_loop3A_684  : i32 {
      %parallel_loop3A_1553 = arith.constant 12288 : i32
      %parallel_loop3A_1554 = arith.addi %parallel_loop3A_1553, %parallel_loop3A_1552 : i32
      %parallel_loop3A_1555 = arith.index_cast %parallel_loop3A_1554 : i32 to index
      %parallel_loop3A_1556 = tpu.vector_load %arg6[%parallel_loop3A_1555] {strides = array<i32>} : memref<16384xi32, #tpu.memory_space<vmem>>, vector<16xi32>,
      %parallel_loop3A_1557 = tpu.vector_load_idx %arg5[%parallel_loop3A_1556] : memref<100001xf32, #tpu.memory_space<vmem>>[vector<16xi32>], vector<16xf32>,
      %parallel_loop3A_1558 = arith.index_cast %parallel_loop3A_1552 : i32 to index
      %parallel_loop3A_1559 = tpu.vector_load %arg8[%parallel_loop3A_1558] {strides = array<i32>} : memref<4096xf32, #tpu.memory_space<vmem>>, vector<16xf32>,
      tpu.vector_store %arg8[%parallel_loop3A_1558], %parallel_loop3A_1557 {strides = array<i32>} : memref<4096xf32, #tpu.memory_space<vmem>>, vector<16xf32>,
    } {sc.loop_unroll_factor = 8 : i64, sc.parallel_access}
    %dma_start3A_685 = arith.constant 12288 : i32
    %dma_start3A_686 = tpu.memref_slice %arg4[%add3A_573, %dma_start3A_685] : memref<416x16384xf32, #tpu.memory_space<hbm>> -> memref<1x4096xf32, #tpu.memory_space<hbm>>
    %dma_start3A_687 = tpu.memref_squeeze %dma_start3A_686 : memref<1x4096xf32, #tpu.memory_space<hbm>> -> memref<4096xf32, #tpu.memory_space<hbm>>
    %dma_start3A_688 = arith.constant 12288 : i32
    %dma_start3A_689 = tpu.memref_slice %arg4[%add3A_573, %dma_start3A_688] : memref<416x16384xf32, #tpu.memory_space<hbm>> -> memref<1x4096xf32, #tpu.memory_space<hbm>>
    %dma_start3A_690 = tpu.memref_squeeze %dma_start3A_689 : memref<1x4096xf32, #tpu.memory_space<hbm>> -> memref<4096xf32, #tpu.memory_space<hbm>>
    tpu.enqueue_dma source(%arg8 : memref<4096xf32, #tpu.memory_space<vmem>>) target(%dma_start3A_690 : memref<4096xf32, #tpu.memory_space<hbm>>) target_semaphore(%arg12 : memref<!tpu.dma_semaphore, #tpu.memory_space<semaphore_mem>>)
    %mul3A_691 = arith.constant 13 : i32
    %mul3A_692 = arith.muli %add3A, %mul3A_691 : i32
    %add3A_693 = arith.constant 6 : i32
    %add3A_694 = arith.addi %mul3A_692, %add3A_693 : i32
    %jit3A_695 = arith.constant 16 : i32
    %div3A_696 = arith.divsi %add3A_694, %jit3A_695 : i32
    %sign3A_697 = arith.constant 0 : i32
    %sign3A_698 = arith.cmpi sgt, %add3A_694, %sign3A_697 : i32
    %sign3A_699 = arith.extui %sign3A_698 : i1 to i32
    %sign3A_700 = arith.constant 0 : i32
    %sign3A_701 = arith.cmpi slt, %add3A_694, %sign3A_700 : i32
    %sign3A_702 = arith.extui %sign3A_701 : i1 to i32
    %sign3A_703 = arith.subi %sign3A_699, %sign3A_702 : i32
    %sign3A_704 = arith.constant 0 : i32
    %sign3A_705 = arith.cmpi sgt, %jit3A_695, %sign3A_704 : i32
    %sign3A_706 = arith.extui %sign3A_705 : i1 to i32
    %sign3A_707 = arith.constant 0 : i32
    %sign3A_708 = arith.cmpi slt, %jit3A_695, %sign3A_707 : i32
    %sign3A_709 = arith.extui %sign3A_708 : i1 to i32
    %sign3A_710 = arith.subi %sign3A_706, %sign3A_709 : i32
    %ne3A_711 = arith.cmpi ne, %sign3A_703, %sign3A_710 : i32
    %rem3A_712 = arith.remsi %add3A_694, %jit3A_695 : i32
    %ne3A_713 = arith.constant 0 : i32
    %ne3A_714 = arith.cmpi ne, %rem3A_712, %ne3A_713 : i32
    %and3A_715 = arith.andi %ne3A_711, %ne3A_714 : i1
    %sub3A_716 = arith.constant 1 : i32
    %sub3A_717 = arith.subi %div3A_696, %sub3A_716 : i32
    %select_n3A_718 = arith.select %and3A_715, %sub3A_717, %div3A_696 : i32
    %dma_start3A_719 = arith.constant 0 : i32
    %dma_start3A_720 = tpu.memref_slice %arg3[%add3A_694, %dma_start3A_719] : memref<416x100001xf32, #tpu.memory_space<hbm>> -> memref<1x100001xf32, #tpu.memory_space<hbm>>
    %dma_start3A_721 = tpu.memref_squeeze %dma_start3A_720 : memref<1x100001xf32, #tpu.memory_space<hbm>> -> memref<100001xf32, #tpu.memory_space<hbm>>
    %dma_start3A_722 = arith.constant 0 : i32
    %dma_start3A_723 = tpu.memref_slice %arg3[%add3A_694, %dma_start3A_722] : memref<416x100001xf32, #tpu.memory_space<hbm>> -> memref<1x100001xf32, #tpu.memory_space<hbm>>
    %dma_start3A_724 = tpu.memref_squeeze %dma_start3A_723 : memref<1x100001xf32, #tpu.memory_space<hbm>> -> memref<100001xf32, #tpu.memory_space<hbm>>
    tpu.enqueue_dma source(%dma_start3A_724 : memref<100001xf32, #tpu.memory_space<hbm>>) target(%arg5 : memref<100001xf32, #tpu.memory_space<vmem>>) target_semaphore(%arg9 : memref<!tpu.dma_semaphore, #tpu.memory_space<semaphore_mem>>)
    %jit3A_725 = arith.constant 16 : i32
    %eq3A_726 = arith.constant 0 : i32
    %eq3A_727 = arith.cmpi eq, %jit3A_725, %eq3A_726 : i32
    %jit3A_728 = arith.constant 1 : i32
    %select_n3A_729 = arith.select %eq3A_727, %jit3A_728, %jit3A_725 : i32
    %rem3A_730 = arith.remsi %add3A_694, %select_n3A_729 : i32
    %ne3A_731 = arith.constant 0 : i32
    %ne3A_732 = arith.cmpi ne, %rem3A_730, %ne3A_731 : i32
    %lt3A_733 = arith.constant 0 : i32
    %lt3A_734 = arith.cmpi slt, %rem3A_730, %lt3A_733 : i32
    %lt3A_735 = arith.constant 0 : i32
    %lt3A_736 = arith.cmpi slt, %select_n3A_729, %lt3A_735 : i32
    %ne3A_737 = arith.xori %lt3A_734, %lt3A_736 : i1
    %and3A_738 = arith.andi %ne3A_737, %ne3A_732 : i1
    %add3A_739 = arith.addi %rem3A_730, %select_n3A_729 : i32
    %select_n3A_740 = arith.select %and3A_738, %add3A_739, %rem3A_730 : i32
    %eq3A_741 = arith.constant 0 : i32
    %eq3A_742 = arith.cmpi eq, %select_n3A_740, %eq3A_741 : i32
    %convert_element_type3A_743 = arith.extui %eq3A_742 : i1 to i32
    %cond3A_744 = arith.constant 0 : i32
    %cond3A_745 = arith.cmpi ne, %convert_element_type3A_743, %cond3A_744 : i32
    scf.if %cond3A_745 {
      %dma_start3A_1552 = arith.constant 0 : i32
      %dma_start3A_1553 = tpu.memref_slice %arg2[%select_n3A_718, %dma_start3A_1552] : memref<26x16384xi32, #tpu.memory_space<hbm>> -> memref<1x16384xi32, #tpu.memory_space<hbm>>
      %dma_start3A_1554 = tpu.memref_squeeze %dma_start3A_1553 : memref<1x16384xi32, #tpu.memory_space<hbm>> -> memref<16384xi32, #tpu.memory_space<hbm>>
      %dma_start3A_1555 = arith.constant 0 : i32
      %dma_start3A_1556 = tpu.memref_slice %arg2[%select_n3A_718, %dma_start3A_1555] : memref<26x16384xi32, #tpu.memory_space<hbm>> -> memref<1x16384xi32, #tpu.memory_space<hbm>>
      %dma_start3A_1557 = tpu.memref_squeeze %dma_start3A_1556 : memref<1x16384xi32, #tpu.memory_space<hbm>> -> memref<16384xi32, #tpu.memory_space<hbm>>
      tpu.enqueue_dma source(%dma_start3A_1557 : memref<16384xi32, #tpu.memory_space<hbm>>) target(%arg6 : memref<16384xi32, #tpu.memory_space<vmem>>) target_semaphore(%arg10 : memref<!tpu.dma_semaphore, #tpu.memory_space<semaphore_mem>>)
      %dma_wait3A_1558 = arith.constant 0 : i32
      %dma_wait3A_1559 = tpu.memref_slice %arg2[%select_n3A_718, %dma_wait3A_1558] : memref<26x16384xi32, #tpu.memory_space<hbm>> -> memref<1x16384xi32, #tpu.memory_space<hbm>>
      %dma_wait3A_1560 = tpu.memref_squeeze %dma_wait3A_1559 : memref<1x16384xi32, #tpu.memory_space<hbm>> -> memref<16384xi32, #tpu.memory_space<hbm>>
      %dma_wait3A_1561 = arith.constant 0 : i32
      %dma_wait3A_1562 = tpu.memref_slice %arg2[%select_n3A_718, %dma_wait3A_1561] : memref<26x16384xi32, #tpu.memory_space<hbm>> -> memref<1x16384xi32, #tpu.memory_space<hbm>>
      %dma_wait3A_1563 = tpu.memref_squeeze %dma_wait3A_1562 : memref<1x16384xi32, #tpu.memory_space<hbm>> -> memref<16384xi32, #tpu.memory_space<hbm>>
      tpu.wait_dma2 semaphore(%arg10 : memref<!tpu.dma_semaphore, #tpu.memory_space<semaphore_mem>>) src(%dma_wait3A_1563 : memref<16384xi32, #tpu.memory_space<hbm>>) dst(%arg6 : memref<16384xi32, #tpu.memory_space<vmem>>)
    } else {
    }
    %dma_wait3A_746 = arith.constant 0 : i32
    %dma_wait3A_747 = tpu.memref_slice %arg3[%add3A_694, %dma_wait3A_746] : memref<416x100001xf32, #tpu.memory_space<hbm>> -> memref<1x100001xf32, #tpu.memory_space<hbm>>
    %dma_wait3A_748 = tpu.memref_squeeze %dma_wait3A_747 : memref<1x100001xf32, #tpu.memory_space<hbm>> -> memref<100001xf32, #tpu.memory_space<hbm>>
    %dma_wait3A_749 = arith.constant 0 : i32
    %dma_wait3A_750 = tpu.memref_slice %arg3[%add3A_694, %dma_wait3A_749] : memref<416x100001xf32, #tpu.memory_space<hbm>> -> memref<1x100001xf32, #tpu.memory_space<hbm>>
    %dma_wait3A_751 = tpu.memref_squeeze %dma_wait3A_750 : memref<1x100001xf32, #tpu.memory_space<hbm>> -> memref<100001xf32, #tpu.memory_space<hbm>>
    tpu.wait_dma2 semaphore(%arg9 : memref<!tpu.dma_semaphore, #tpu.memory_space<semaphore_mem>>) src(%dma_wait3A_751 : memref<100001xf32, #tpu.memory_space<hbm>>) dst(%arg5 : memref<100001xf32, #tpu.memory_space<vmem>>)
    %dma_wait3A_752 = arith.constant 0 : i32
    %dma_wait3A_753 = tpu.memref_slice %arg4[%add3A_694, %dma_wait3A_752] : memref<416x16384xf32, #tpu.memory_space<hbm>> -> memref<1x4096xf32, #tpu.memory_space<hbm>>
    %dma_wait3A_754 = tpu.memref_squeeze %dma_wait3A_753 : memref<1x4096xf32, #tpu.memory_space<hbm>> -> memref<4096xf32, #tpu.memory_space<hbm>>
    %dma_wait3A_755 = arith.constant 0 : i32
    %dma_wait3A_756 = tpu.memref_slice %arg4[%add3A_694, %dma_wait3A_755] : memref<416x16384xf32, #tpu.memory_space<hbm>> -> memref<1x4096xf32, #tpu.memory_space<hbm>>
    %dma_wait3A_757 = tpu.memref_squeeze %dma_wait3A_756 : memref<1x4096xf32, #tpu.memory_space<hbm>> -> memref<4096xf32, #tpu.memory_space<hbm>>
    tpu.wait_dma2 semaphore(%arg11 : memref<!tpu.dma_semaphore, #tpu.memory_space<semaphore_mem>>) src(%arg7 : memref<4096xf32, #tpu.memory_space<vmem>>) dst(%dma_wait3A_757 : memref<4096xf32, #tpu.memory_space<hbm>>)
    %parallel_loop3A_758 = arith.constant 0 : i32
    %parallel_loop3A_759 = arith.constant 4096 : i32
    %parallel_loop3A_760 = arith.constant 16 : i32
    scf.for %parallel_loop3A_1552 = %parallel_loop3A_758 to %parallel_loop3A_759 step %parallel_loop3A_760  : i32 {
      %parallel_loop3A_1553 = arith.constant 0 : i32
      %parallel_loop3A_1554 = arith.addi %parallel_loop3A_1553, %parallel_loop3A_1552 : i32
      %parallel_loop3A_1555 = arith.index_cast %parallel_loop3A_1554 : i32 to index
      %parallel_loop3A_1556 = tpu.vector_load %arg6[%parallel_loop3A_1555] {strides = array<i32>} : memref<16384xi32, #tpu.memory_space<vmem>>, vector<16xi32>,
      %parallel_loop3A_1557 = tpu.vector_load_idx %arg5[%parallel_loop3A_1556] : memref<100001xf32, #tpu.memory_space<vmem>>[vector<16xi32>], vector<16xf32>,
      %parallel_loop3A_1558 = arith.index_cast %parallel_loop3A_1552 : i32 to index
      %parallel_loop3A_1559 = tpu.vector_load %arg7[%parallel_loop3A_1558] {strides = array<i32>} : memref<4096xf32, #tpu.memory_space<vmem>>, vector<16xf32>,
      tpu.vector_store %arg7[%parallel_loop3A_1558], %parallel_loop3A_1557 {strides = array<i32>} : memref<4096xf32, #tpu.memory_space<vmem>>, vector<16xf32>,
    } {sc.loop_unroll_factor = 8 : i64, sc.parallel_access}
    %dma_start3A_761 = arith.constant 0 : i32
    %dma_start3A_762 = tpu.memref_slice %arg4[%add3A_694, %dma_start3A_761] : memref<416x16384xf32, #tpu.memory_space<hbm>> -> memref<1x4096xf32, #tpu.memory_space<hbm>>
    %dma_start3A_763 = tpu.memref_squeeze %dma_start3A_762 : memref<1x4096xf32, #tpu.memory_space<hbm>> -> memref<4096xf32, #tpu.memory_space<hbm>>
    %dma_start3A_764 = arith.constant 0 : i32
    %dma_start3A_765 = tpu.memref_slice %arg4[%add3A_694, %dma_start3A_764] : memref<416x16384xf32, #tpu.memory_space<hbm>> -> memref<1x4096xf32, #tpu.memory_space<hbm>>
    %dma_start3A_766 = tpu.memref_squeeze %dma_start3A_765 : memref<1x4096xf32, #tpu.memory_space<hbm>> -> memref<4096xf32, #tpu.memory_space<hbm>>
    tpu.enqueue_dma source(%arg7 : memref<4096xf32, #tpu.memory_space<vmem>>) target(%dma_start3A_766 : memref<4096xf32, #tpu.memory_space<hbm>>) target_semaphore(%arg11 : memref<!tpu.dma_semaphore, #tpu.memory_space<semaphore_mem>>)
    %dma_wait3A_767 = arith.constant 0 : i32
    %dma_wait3A_768 = tpu.memref_slice %arg4[%add3A_694, %dma_wait3A_767] : memref<416x16384xf32, #tpu.memory_space<hbm>> -> memref<1x4096xf32, #tpu.memory_space<hbm>>
    %dma_wait3A_769 = tpu.memref_squeeze %dma_wait3A_768 : memref<1x4096xf32, #tpu.memory_space<hbm>> -> memref<4096xf32, #tpu.memory_space<hbm>>
    %dma_wait3A_770 = arith.constant 0 : i32
    %dma_wait3A_771 = tpu.memref_slice %arg4[%add3A_694, %dma_wait3A_770] : memref<416x16384xf32, #tpu.memory_space<hbm>> -> memref<1x4096xf32, #tpu.memory_space<hbm>>
    %dma_wait3A_772 = tpu.memref_squeeze %dma_wait3A_771 : memref<1x4096xf32, #tpu.memory_space<hbm>> -> memref<4096xf32, #tpu.memory_space<hbm>>
    tpu.wait_dma2 semaphore(%arg12 : memref<!tpu.dma_semaphore, #tpu.memory_space<semaphore_mem>>) src(%arg8 : memref<4096xf32, #tpu.memory_space<vmem>>) dst(%dma_wait3A_772 : memref<4096xf32, #tpu.memory_space<hbm>>)
    %parallel_loop3A_773 = arith.constant 0 : i32
    %parallel_loop3A_774 = arith.constant 4096 : i32
    %parallel_loop3A_775 = arith.constant 16 : i32
    scf.for %parallel_loop3A_1552 = %parallel_loop3A_773 to %parallel_loop3A_774 step %parallel_loop3A_775  : i32 {
      %parallel_loop3A_1553 = arith.constant 4096 : i32
      %parallel_loop3A_1554 = arith.addi %parallel_loop3A_1553, %parallel_loop3A_1552 : i32
      %parallel_loop3A_1555 = arith.index_cast %parallel_loop3A_1554 : i32 to index
      %parallel_loop3A_1556 = tpu.vector_load %arg6[%parallel_loop3A_1555] {strides = array<i32>} : memref<16384xi32, #tpu.memory_space<vmem>>, vector<16xi32>,
      %parallel_loop3A_1557 = tpu.vector_load_idx %arg5[%parallel_loop3A_1556] : memref<100001xf32, #tpu.memory_space<vmem>>[vector<16xi32>], vector<16xf32>,
      %parallel_loop3A_1558 = arith.index_cast %parallel_loop3A_1552 : i32 to index
      %parallel_loop3A_1559 = tpu.vector_load %arg8[%parallel_loop3A_1558] {strides = array<i32>} : memref<4096xf32, #tpu.memory_space<vmem>>, vector<16xf32>,
      tpu.vector_store %arg8[%parallel_loop3A_1558], %parallel_loop3A_1557 {strides = array<i32>} : memref<4096xf32, #tpu.memory_space<vmem>>, vector<16xf32>,
    } {sc.loop_unroll_factor = 8 : i64, sc.parallel_access}
    %dma_start3A_776 = arith.constant 4096 : i32
    %dma_start3A_777 = tpu.memref_slice %arg4[%add3A_694, %dma_start3A_776] : memref<416x16384xf32, #tpu.memory_space<hbm>> -> memref<1x4096xf32, #tpu.memory_space<hbm>>
    %dma_start3A_778 = tpu.memref_squeeze %dma_start3A_777 : memref<1x4096xf32, #tpu.memory_space<hbm>> -> memref<4096xf32, #tpu.memory_space<hbm>>
    %dma_start3A_779 = arith.constant 4096 : i32
    %dma_start3A_780 = tpu.memref_slice %arg4[%add3A_694, %dma_start3A_779] : memref<416x16384xf32, #tpu.memory_space<hbm>> -> memref<1x4096xf32, #tpu.memory_space<hbm>>
    %dma_start3A_781 = tpu.memref_squeeze %dma_start3A_780 : memref<1x4096xf32, #tpu.memory_space<hbm>> -> memref<4096xf32, #tpu.memory_space<hbm>>
    tpu.enqueue_dma source(%arg8 : memref<4096xf32, #tpu.memory_space<vmem>>) target(%dma_start3A_781 : memref<4096xf32, #tpu.memory_space<hbm>>) target_semaphore(%arg12 : memref<!tpu.dma_semaphore, #tpu.memory_space<semaphore_mem>>)
    %dma_wait3A_782 = arith.constant 0 : i32
    %dma_wait3A_783 = tpu.memref_slice %arg4[%add3A_694, %dma_wait3A_782] : memref<416x16384xf32, #tpu.memory_space<hbm>> -> memref<1x4096xf32, #tpu.memory_space<hbm>>
    %dma_wait3A_784 = tpu.memref_squeeze %dma_wait3A_783 : memref<1x4096xf32, #tpu.memory_space<hbm>> -> memref<4096xf32, #tpu.memory_space<hbm>>
    %dma_wait3A_785 = arith.constant 0 : i32
    %dma_wait3A_786 = tpu.memref_slice %arg4[%add3A_694, %dma_wait3A_785] : memref<416x16384xf32, #tpu.memory_space<hbm>> -> memref<1x4096xf32, #tpu.memory_space<hbm>>
    %dma_wait3A_787 = tpu.memref_squeeze %dma_wait3A_786 : memref<1x4096xf32, #tpu.memory_space<hbm>> -> memref<4096xf32, #tpu.memory_space<hbm>>
    tpu.wait_dma2 semaphore(%arg11 : memref<!tpu.dma_semaphore, #tpu.memory_space<semaphore_mem>>) src(%arg7 : memref<4096xf32, #tpu.memory_space<vmem>>) dst(%dma_wait3A_787 : memref<4096xf32, #tpu.memory_space<hbm>>)
    %parallel_loop3A_788 = arith.constant 0 : i32
    %parallel_loop3A_789 = arith.constant 4096 : i32
    %parallel_loop3A_790 = arith.constant 16 : i32
    scf.for %parallel_loop3A_1552 = %parallel_loop3A_788 to %parallel_loop3A_789 step %parallel_loop3A_790  : i32 {
      %parallel_loop3A_1553 = arith.constant 8192 : i32
      %parallel_loop3A_1554 = arith.addi %parallel_loop3A_1553, %parallel_loop3A_1552 : i32
      %parallel_loop3A_1555 = arith.index_cast %parallel_loop3A_1554 : i32 to index
      %parallel_loop3A_1556 = tpu.vector_load %arg6[%parallel_loop3A_1555] {strides = array<i32>} : memref<16384xi32, #tpu.memory_space<vmem>>, vector<16xi32>,
      %parallel_loop3A_1557 = tpu.vector_load_idx %arg5[%parallel_loop3A_1556] : memref<100001xf32, #tpu.memory_space<vmem>>[vector<16xi32>], vector<16xf32>,
      %parallel_loop3A_1558 = arith.index_cast %parallel_loop3A_1552 : i32 to index
      %parallel_loop3A_1559 = tpu.vector_load %arg7[%parallel_loop3A_1558] {strides = array<i32>} : memref<4096xf32, #tpu.memory_space<vmem>>, vector<16xf32>,
      tpu.vector_store %arg7[%parallel_loop3A_1558], %parallel_loop3A_1557 {strides = array<i32>} : memref<4096xf32, #tpu.memory_space<vmem>>, vector<16xf32>,
    } {sc.loop_unroll_factor = 8 : i64, sc.parallel_access}
    %dma_start3A_791 = arith.constant 8192 : i32
    %dma_start3A_792 = tpu.memref_slice %arg4[%add3A_694, %dma_start3A_791] : memref<416x16384xf32, #tpu.memory_space<hbm>> -> memref<1x4096xf32, #tpu.memory_space<hbm>>
    %dma_start3A_793 = tpu.memref_squeeze %dma_start3A_792 : memref<1x4096xf32, #tpu.memory_space<hbm>> -> memref<4096xf32, #tpu.memory_space<hbm>>
    %dma_start3A_794 = arith.constant 8192 : i32
    %dma_start3A_795 = tpu.memref_slice %arg4[%add3A_694, %dma_start3A_794] : memref<416x16384xf32, #tpu.memory_space<hbm>> -> memref<1x4096xf32, #tpu.memory_space<hbm>>
    %dma_start3A_796 = tpu.memref_squeeze %dma_start3A_795 : memref<1x4096xf32, #tpu.memory_space<hbm>> -> memref<4096xf32, #tpu.memory_space<hbm>>
    tpu.enqueue_dma source(%arg7 : memref<4096xf32, #tpu.memory_space<vmem>>) target(%dma_start3A_796 : memref<4096xf32, #tpu.memory_space<hbm>>) target_semaphore(%arg11 : memref<!tpu.dma_semaphore, #tpu.memory_space<semaphore_mem>>)
    %dma_wait3A_797 = arith.constant 0 : i32
    %dma_wait3A_798 = tpu.memref_slice %arg4[%add3A_694, %dma_wait3A_797] : memref<416x16384xf32, #tpu.memory_space<hbm>> -> memref<1x4096xf32, #tpu.memory_space<hbm>>
    %dma_wait3A_799 = tpu.memref_squeeze %dma_wait3A_798 : memref<1x4096xf32, #tpu.memory_space<hbm>> -> memref<4096xf32, #tpu.memory_space<hbm>>
    %dma_wait3A_800 = arith.constant 0 : i32
    %dma_wait3A_801 = tpu.memref_slice %arg4[%add3A_694, %dma_wait3A_800] : memref<416x16384xf32, #tpu.memory_space<hbm>> -> memref<1x4096xf32, #tpu.memory_space<hbm>>
    %dma_wait3A_802 = tpu.memref_squeeze %dma_wait3A_801 : memref<1x4096xf32, #tpu.memory_space<hbm>> -> memref<4096xf32, #tpu.memory_space<hbm>>
    tpu.wait_dma2 semaphore(%arg12 : memref<!tpu.dma_semaphore, #tpu.memory_space<semaphore_mem>>) src(%arg8 : memref<4096xf32, #tpu.memory_space<vmem>>) dst(%dma_wait3A_802 : memref<4096xf32, #tpu.memory_space<hbm>>)
    %parallel_loop3A_803 = arith.constant 0 : i32
    %parallel_loop3A_804 = arith.constant 4096 : i32
    %parallel_loop3A_805 = arith.constant 16 : i32
    scf.for %parallel_loop3A_1552 = %parallel_loop3A_803 to %parallel_loop3A_804 step %parallel_loop3A_805  : i32 {
      %parallel_loop3A_1553 = arith.constant 12288 : i32
      %parallel_loop3A_1554 = arith.addi %parallel_loop3A_1553, %parallel_loop3A_1552 : i32
      %parallel_loop3A_1555 = arith.index_cast %parallel_loop3A_1554 : i32 to index
      %parallel_loop3A_1556 = tpu.vector_load %arg6[%parallel_loop3A_1555] {strides = array<i32>} : memref<16384xi32, #tpu.memory_space<vmem>>, vector<16xi32>,
      %parallel_loop3A_1557 = tpu.vector_load_idx %arg5[%parallel_loop3A_1556] : memref<100001xf32, #tpu.memory_space<vmem>>[vector<16xi32>], vector<16xf32>,
      %parallel_loop3A_1558 = arith.index_cast %parallel_loop3A_1552 : i32 to index
      %parallel_loop3A_1559 = tpu.vector_load %arg8[%parallel_loop3A_1558] {strides = array<i32>} : memref<4096xf32, #tpu.memory_space<vmem>>, vector<16xf32>,
      tpu.vector_store %arg8[%parallel_loop3A_1558], %parallel_loop3A_1557 {strides = array<i32>} : memref<4096xf32, #tpu.memory_space<vmem>>, vector<16xf32>,
    } {sc.loop_unroll_factor = 8 : i64, sc.parallel_access}
    %dma_start3A_806 = arith.constant 12288 : i32
    %dma_start3A_807 = tpu.memref_slice %arg4[%add3A_694, %dma_start3A_806] : memref<416x16384xf32, #tpu.memory_space<hbm>> -> memref<1x4096xf32, #tpu.memory_space<hbm>>
    %dma_start3A_808 = tpu.memref_squeeze %dma_start3A_807 : memref<1x4096xf32, #tpu.memory_space<hbm>> -> memref<4096xf32, #tpu.memory_space<hbm>>
    %dma_start3A_809 = arith.constant 12288 : i32
    %dma_start3A_810 = tpu.memref_slice %arg4[%add3A_694, %dma_start3A_809] : memref<416x16384xf32, #tpu.memory_space<hbm>> -> memref<1x4096xf32, #tpu.memory_space<hbm>>
    %dma_start3A_811 = tpu.memref_squeeze %dma_start3A_810 : memref<1x4096xf32, #tpu.memory_space<hbm>> -> memref<4096xf32, #tpu.memory_space<hbm>>
    tpu.enqueue_dma source(%arg8 : memref<4096xf32, #tpu.memory_space<vmem>>) target(%dma_start3A_811 : memref<4096xf32, #tpu.memory_space<hbm>>) target_semaphore(%arg12 : memref<!tpu.dma_semaphore, #tpu.memory_space<semaphore_mem>>)
    %mul3A_812 = arith.constant 13 : i32
    %mul3A_813 = arith.muli %add3A, %mul3A_812 : i32
    %add3A_814 = arith.constant 7 : i32
    %add3A_815 = arith.addi %mul3A_813, %add3A_814 : i32
    %jit3A_816 = arith.constant 16 : i32
    %div3A_817 = arith.divsi %add3A_815, %jit3A_816 : i32
    %sign3A_818 = arith.constant 0 : i32
    %sign3A_819 = arith.cmpi sgt, %add3A_815, %sign3A_818 : i32
    %sign3A_820 = arith.extui %sign3A_819 : i1 to i32
    %sign3A_821 = arith.constant 0 : i32
    %sign3A_822 = arith.cmpi slt, %add3A_815, %sign3A_821 : i32
    %sign3A_823 = arith.extui %sign3A_822 : i1 to i32
    %sign3A_824 = arith.subi %sign3A_820, %sign3A_823 : i32
    %sign3A_825 = arith.constant 0 : i32
    %sign3A_826 = arith.cmpi sgt, %jit3A_816, %sign3A_825 : i32
    %sign3A_827 = arith.extui %sign3A_826 : i1 to i32
    %sign3A_828 = arith.constant 0 : i32
    %sign3A_829 = arith.cmpi slt, %jit3A_816, %sign3A_828 : i32
    %sign3A_830 = arith.extui %sign3A_829 : i1 to i32
    %sign3A_831 = arith.subi %sign3A_827, %sign3A_830 : i32
    %ne3A_832 = arith.cmpi ne, %sign3A_824, %sign3A_831 : i32
    %rem3A_833 = arith.remsi %add3A_815, %jit3A_816 : i32
    %ne3A_834 = arith.constant 0 : i32
    %ne3A_835 = arith.cmpi ne, %rem3A_833, %ne3A_834 : i32
    %and3A_836 = arith.andi %ne3A_832, %ne3A_835 : i1
    %sub3A_837 = arith.constant 1 : i32
    %sub3A_838 = arith.subi %div3A_817, %sub3A_837 : i32
    %select_n3A_839 = arith.select %and3A_836, %sub3A_838, %div3A_817 : i32
    %dma_start3A_840 = arith.constant 0 : i32
    %dma_start3A_841 = tpu.memref_slice %arg3[%add3A_815, %dma_start3A_840] : memref<416x100001xf32, #tpu.memory_space<hbm>> -> memref<1x100001xf32, #tpu.memory_space<hbm>>
    %dma_start3A_842 = tpu.memref_squeeze %dma_start3A_841 : memref<1x100001xf32, #tpu.memory_space<hbm>> -> memref<100001xf32, #tpu.memory_space<hbm>>
    %dma_start3A_843 = arith.constant 0 : i32
    %dma_start3A_844 = tpu.memref_slice %arg3[%add3A_815, %dma_start3A_843] : memref<416x100001xf32, #tpu.memory_space<hbm>> -> memref<1x100001xf32, #tpu.memory_space<hbm>>
    %dma_start3A_845 = tpu.memref_squeeze %dma_start3A_844 : memref<1x100001xf32, #tpu.memory_space<hbm>> -> memref<100001xf32, #tpu.memory_space<hbm>>
    tpu.enqueue_dma source(%dma_start3A_845 : memref<100001xf32, #tpu.memory_space<hbm>>) target(%arg5 : memref<100001xf32, #tpu.memory_space<vmem>>) target_semaphore(%arg9 : memref<!tpu.dma_semaphore, #tpu.memory_space<semaphore_mem>>)
    %jit3A_846 = arith.constant 16 : i32
    %eq3A_847 = arith.constant 0 : i32
    %eq3A_848 = arith.cmpi eq, %jit3A_846, %eq3A_847 : i32
    %jit3A_849 = arith.constant 1 : i32
    %select_n3A_850 = arith.select %eq3A_848, %jit3A_849, %jit3A_846 : i32
    %rem3A_851 = arith.remsi %add3A_815, %select_n3A_850 : i32
    %ne3A_852 = arith.constant 0 : i32
    %ne3A_853 = arith.cmpi ne, %rem3A_851, %ne3A_852 : i32
    %lt3A_854 = arith.constant 0 : i32
    %lt3A_855 = arith.cmpi slt, %rem3A_851, %lt3A_854 : i32
    %lt3A_856 = arith.constant 0 : i32
    %lt3A_857 = arith.cmpi slt, %select_n3A_850, %lt3A_856 : i32
    %ne3A_858 = arith.xori %lt3A_855, %lt3A_857 : i1
    %and3A_859 = arith.andi %ne3A_858, %ne3A_853 : i1
    %add3A_860 = arith.addi %rem3A_851, %select_n3A_850 : i32
    %select_n3A_861 = arith.select %and3A_859, %add3A_860, %rem3A_851 : i32
    %eq3A_862 = arith.constant 0 : i32
    %eq3A_863 = arith.cmpi eq, %select_n3A_861, %eq3A_862 : i32
    %convert_element_type3A_864 = arith.extui %eq3A_863 : i1 to i32
    %cond3A_865 = arith.constant 0 : i32
    %cond3A_866 = arith.cmpi ne, %convert_element_type3A_864, %cond3A_865 : i32
    scf.if %cond3A_866 {
      %dma_start3A_1552 = arith.constant 0 : i32
      %dma_start3A_1553 = tpu.memref_slice %arg2[%select_n3A_839, %dma_start3A_1552] : memref<26x16384xi32, #tpu.memory_space<hbm>> -> memref<1x16384xi32, #tpu.memory_space<hbm>>
      %dma_start3A_1554 = tpu.memref_squeeze %dma_start3A_1553 : memref<1x16384xi32, #tpu.memory_space<hbm>> -> memref<16384xi32, #tpu.memory_space<hbm>>
      %dma_start3A_1555 = arith.constant 0 : i32
      %dma_start3A_1556 = tpu.memref_slice %arg2[%select_n3A_839, %dma_start3A_1555] : memref<26x16384xi32, #tpu.memory_space<hbm>> -> memref<1x16384xi32, #tpu.memory_space<hbm>>
      %dma_start3A_1557 = tpu.memref_squeeze %dma_start3A_1556 : memref<1x16384xi32, #tpu.memory_space<hbm>> -> memref<16384xi32, #tpu.memory_space<hbm>>
      tpu.enqueue_dma source(%dma_start3A_1557 : memref<16384xi32, #tpu.memory_space<hbm>>) target(%arg6 : memref<16384xi32, #tpu.memory_space<vmem>>) target_semaphore(%arg10 : memref<!tpu.dma_semaphore, #tpu.memory_space<semaphore_mem>>)
      %dma_wait3A_1558 = arith.constant 0 : i32
      %dma_wait3A_1559 = tpu.memref_slice %arg2[%select_n3A_839, %dma_wait3A_1558] : memref<26x16384xi32, #tpu.memory_space<hbm>> -> memref<1x16384xi32, #tpu.memory_space<hbm>>
      %dma_wait3A_1560 = tpu.memref_squeeze %dma_wait3A_1559 : memref<1x16384xi32, #tpu.memory_space<hbm>> -> memref<16384xi32, #tpu.memory_space<hbm>>
      %dma_wait3A_1561 = arith.constant 0 : i32
      %dma_wait3A_1562 = tpu.memref_slice %arg2[%select_n3A_839, %dma_wait3A_1561] : memref<26x16384xi32, #tpu.memory_space<hbm>> -> memref<1x16384xi32, #tpu.memory_space<hbm>>
      %dma_wait3A_1563 = tpu.memref_squeeze %dma_wait3A_1562 : memref<1x16384xi32, #tpu.memory_space<hbm>> -> memref<16384xi32, #tpu.memory_space<hbm>>
      tpu.wait_dma2 semaphore(%arg10 : memref<!tpu.dma_semaphore, #tpu.memory_space<semaphore_mem>>) src(%dma_wait3A_1563 : memref<16384xi32, #tpu.memory_space<hbm>>) dst(%arg6 : memref<16384xi32, #tpu.memory_space<vmem>>)
    } else {
    }
    %dma_wait3A_867 = arith.constant 0 : i32
    %dma_wait3A_868 = tpu.memref_slice %arg3[%add3A_815, %dma_wait3A_867] : memref<416x100001xf32, #tpu.memory_space<hbm>> -> memref<1x100001xf32, #tpu.memory_space<hbm>>
    %dma_wait3A_869 = tpu.memref_squeeze %dma_wait3A_868 : memref<1x100001xf32, #tpu.memory_space<hbm>> -> memref<100001xf32, #tpu.memory_space<hbm>>
    %dma_wait3A_870 = arith.constant 0 : i32
    %dma_wait3A_871 = tpu.memref_slice %arg3[%add3A_815, %dma_wait3A_870] : memref<416x100001xf32, #tpu.memory_space<hbm>> -> memref<1x100001xf32, #tpu.memory_space<hbm>>
    %dma_wait3A_872 = tpu.memref_squeeze %dma_wait3A_871 : memref<1x100001xf32, #tpu.memory_space<hbm>> -> memref<100001xf32, #tpu.memory_space<hbm>>
    tpu.wait_dma2 semaphore(%arg9 : memref<!tpu.dma_semaphore, #tpu.memory_space<semaphore_mem>>) src(%dma_wait3A_872 : memref<100001xf32, #tpu.memory_space<hbm>>) dst(%arg5 : memref<100001xf32, #tpu.memory_space<vmem>>)
    %dma_wait3A_873 = arith.constant 0 : i32
    %dma_wait3A_874 = tpu.memref_slice %arg4[%add3A_815, %dma_wait3A_873] : memref<416x16384xf32, #tpu.memory_space<hbm>> -> memref<1x4096xf32, #tpu.memory_space<hbm>>
    %dma_wait3A_875 = tpu.memref_squeeze %dma_wait3A_874 : memref<1x4096xf32, #tpu.memory_space<hbm>> -> memref<4096xf32, #tpu.memory_space<hbm>>
    %dma_wait3A_876 = arith.constant 0 : i32
    %dma_wait3A_877 = tpu.memref_slice %arg4[%add3A_815, %dma_wait3A_876] : memref<416x16384xf32, #tpu.memory_space<hbm>> -> memref<1x4096xf32, #tpu.memory_space<hbm>>
    %dma_wait3A_878 = tpu.memref_squeeze %dma_wait3A_877 : memref<1x4096xf32, #tpu.memory_space<hbm>> -> memref<4096xf32, #tpu.memory_space<hbm>>
    tpu.wait_dma2 semaphore(%arg11 : memref<!tpu.dma_semaphore, #tpu.memory_space<semaphore_mem>>) src(%arg7 : memref<4096xf32, #tpu.memory_space<vmem>>) dst(%dma_wait3A_878 : memref<4096xf32, #tpu.memory_space<hbm>>)
    %parallel_loop3A_879 = arith.constant 0 : i32
    %parallel_loop3A_880 = arith.constant 4096 : i32
    %parallel_loop3A_881 = arith.constant 16 : i32
    scf.for %parallel_loop3A_1552 = %parallel_loop3A_879 to %parallel_loop3A_880 step %parallel_loop3A_881  : i32 {
      %parallel_loop3A_1553 = arith.constant 0 : i32
      %parallel_loop3A_1554 = arith.addi %parallel_loop3A_1553, %parallel_loop3A_1552 : i32
      %parallel_loop3A_1555 = arith.index_cast %parallel_loop3A_1554 : i32 to index
      %parallel_loop3A_1556 = tpu.vector_load %arg6[%parallel_loop3A_1555] {strides = array<i32>} : memref<16384xi32, #tpu.memory_space<vmem>>, vector<16xi32>,
      %parallel_loop3A_1557 = tpu.vector_load_idx %arg5[%parallel_loop3A_1556] : memref<100001xf32, #tpu.memory_space<vmem>>[vector<16xi32>], vector<16xf32>,
      %parallel_loop3A_1558 = arith.index_cast %parallel_loop3A_1552 : i32 to index
      %parallel_loop3A_1559 = tpu.vector_load %arg7[%parallel_loop3A_1558] {strides = array<i32>} : memref<4096xf32, #tpu.memory_space<vmem>>, vector<16xf32>,
      tpu.vector_store %arg7[%parallel_loop3A_1558], %parallel_loop3A_1557 {strides = array<i32>} : memref<4096xf32, #tpu.memory_space<vmem>>, vector<16xf32>,
    } {sc.loop_unroll_factor = 8 : i64, sc.parallel_access}
    %dma_start3A_882 = arith.constant 0 : i32
    %dma_start3A_883 = tpu.memref_slice %arg4[%add3A_815, %dma_start3A_882] : memref<416x16384xf32, #tpu.memory_space<hbm>> -> memref<1x4096xf32, #tpu.memory_space<hbm>>
    %dma_start3A_884 = tpu.memref_squeeze %dma_start3A_883 : memref<1x4096xf32, #tpu.memory_space<hbm>> -> memref<4096xf32, #tpu.memory_space<hbm>>
    %dma_start3A_885 = arith.constant 0 : i32
    %dma_start3A_886 = tpu.memref_slice %arg4[%add3A_815, %dma_start3A_885] : memref<416x16384xf32, #tpu.memory_space<hbm>> -> memref<1x4096xf32, #tpu.memory_space<hbm>>
    %dma_start3A_887 = tpu.memref_squeeze %dma_start3A_886 : memref<1x4096xf32, #tpu.memory_space<hbm>> -> memref<4096xf32, #tpu.memory_space<hbm>>
    tpu.enqueue_dma source(%arg7 : memref<4096xf32, #tpu.memory_space<vmem>>) target(%dma_start3A_887 : memref<4096xf32, #tpu.memory_space<hbm>>) target_semaphore(%arg11 : memref<!tpu.dma_semaphore, #tpu.memory_space<semaphore_mem>>)
    %dma_wait3A_888 = arith.constant 0 : i32
    %dma_wait3A_889 = tpu.memref_slice %arg4[%add3A_815, %dma_wait3A_888] : memref<416x16384xf32, #tpu.memory_space<hbm>> -> memref<1x4096xf32, #tpu.memory_space<hbm>>
    %dma_wait3A_890 = tpu.memref_squeeze %dma_wait3A_889 : memref<1x4096xf32, #tpu.memory_space<hbm>> -> memref<4096xf32, #tpu.memory_space<hbm>>
    %dma_wait3A_891 = arith.constant 0 : i32
    %dma_wait3A_892 = tpu.memref_slice %arg4[%add3A_815, %dma_wait3A_891] : memref<416x16384xf32, #tpu.memory_space<hbm>> -> memref<1x4096xf32, #tpu.memory_space<hbm>>
    %dma_wait3A_893 = tpu.memref_squeeze %dma_wait3A_892 : memref<1x4096xf32, #tpu.memory_space<hbm>> -> memref<4096xf32, #tpu.memory_space<hbm>>
    tpu.wait_dma2 semaphore(%arg12 : memref<!tpu.dma_semaphore, #tpu.memory_space<semaphore_mem>>) src(%arg8 : memref<4096xf32, #tpu.memory_space<vmem>>) dst(%dma_wait3A_893 : memref<4096xf32, #tpu.memory_space<hbm>>)
    %parallel_loop3A_894 = arith.constant 0 : i32
    %parallel_loop3A_895 = arith.constant 4096 : i32
    %parallel_loop3A_896 = arith.constant 16 : i32
    scf.for %parallel_loop3A_1552 = %parallel_loop3A_894 to %parallel_loop3A_895 step %parallel_loop3A_896  : i32 {
      %parallel_loop3A_1553 = arith.constant 4096 : i32
      %parallel_loop3A_1554 = arith.addi %parallel_loop3A_1553, %parallel_loop3A_1552 : i32
      %parallel_loop3A_1555 = arith.index_cast %parallel_loop3A_1554 : i32 to index
      %parallel_loop3A_1556 = tpu.vector_load %arg6[%parallel_loop3A_1555] {strides = array<i32>} : memref<16384xi32, #tpu.memory_space<vmem>>, vector<16xi32>,
      %parallel_loop3A_1557 = tpu.vector_load_idx %arg5[%parallel_loop3A_1556] : memref<100001xf32, #tpu.memory_space<vmem>>[vector<16xi32>], vector<16xf32>,
      %parallel_loop3A_1558 = arith.index_cast %parallel_loop3A_1552 : i32 to index
      %parallel_loop3A_1559 = tpu.vector_load %arg8[%parallel_loop3A_1558] {strides = array<i32>} : memref<4096xf32, #tpu.memory_space<vmem>>, vector<16xf32>,
      tpu.vector_store %arg8[%parallel_loop3A_1558], %parallel_loop3A_1557 {strides = array<i32>} : memref<4096xf32, #tpu.memory_space<vmem>>, vector<16xf32>,
    } {sc.loop_unroll_factor = 8 : i64, sc.parallel_access}
    %dma_start3A_897 = arith.constant 4096 : i32
    %dma_start3A_898 = tpu.memref_slice %arg4[%add3A_815, %dma_start3A_897] : memref<416x16384xf32, #tpu.memory_space<hbm>> -> memref<1x4096xf32, #tpu.memory_space<hbm>>
    %dma_start3A_899 = tpu.memref_squeeze %dma_start3A_898 : memref<1x4096xf32, #tpu.memory_space<hbm>> -> memref<4096xf32, #tpu.memory_space<hbm>>
    %dma_start3A_900 = arith.constant 4096 : i32
    %dma_start3A_901 = tpu.memref_slice %arg4[%add3A_815, %dma_start3A_900] : memref<416x16384xf32, #tpu.memory_space<hbm>> -> memref<1x4096xf32, #tpu.memory_space<hbm>>
    %dma_start3A_902 = tpu.memref_squeeze %dma_start3A_901 : memref<1x4096xf32, #tpu.memory_space<hbm>> -> memref<4096xf32, #tpu.memory_space<hbm>>
    tpu.enqueue_dma source(%arg8 : memref<4096xf32, #tpu.memory_space<vmem>>) target(%dma_start3A_902 : memref<4096xf32, #tpu.memory_space<hbm>>) target_semaphore(%arg12 : memref<!tpu.dma_semaphore, #tpu.memory_space<semaphore_mem>>)
    %dma_wait3A_903 = arith.constant 0 : i32
    %dma_wait3A_904 = tpu.memref_slice %arg4[%add3A_815, %dma_wait3A_903] : memref<416x16384xf32, #tpu.memory_space<hbm>> -> memref<1x4096xf32, #tpu.memory_space<hbm>>
    %dma_wait3A_905 = tpu.memref_squeeze %dma_wait3A_904 : memref<1x4096xf32, #tpu.memory_space<hbm>> -> memref<4096xf32, #tpu.memory_space<hbm>>
    %dma_wait3A_906 = arith.constant 0 : i32
    %dma_wait3A_907 = tpu.memref_slice %arg4[%add3A_815, %dma_wait3A_906] : memref<416x16384xf32, #tpu.memory_space<hbm>> -> memref<1x4096xf32, #tpu.memory_space<hbm>>
    %dma_wait3A_908 = tpu.memref_squeeze %dma_wait3A_907 : memref<1x4096xf32, #tpu.memory_space<hbm>> -> memref<4096xf32, #tpu.memory_space<hbm>>
    tpu.wait_dma2 semaphore(%arg11 : memref<!tpu.dma_semaphore, #tpu.memory_space<semaphore_mem>>) src(%arg7 : memref<4096xf32, #tpu.memory_space<vmem>>) dst(%dma_wait3A_908 : memref<4096xf32, #tpu.memory_space<hbm>>)
    %parallel_loop3A_909 = arith.constant 0 : i32
    %parallel_loop3A_910 = arith.constant 4096 : i32
    %parallel_loop3A_911 = arith.constant 16 : i32
    scf.for %parallel_loop3A_1552 = %parallel_loop3A_909 to %parallel_loop3A_910 step %parallel_loop3A_911  : i32 {
      %parallel_loop3A_1553 = arith.constant 8192 : i32
      %parallel_loop3A_1554 = arith.addi %parallel_loop3A_1553, %parallel_loop3A_1552 : i32
      %parallel_loop3A_1555 = arith.index_cast %parallel_loop3A_1554 : i32 to index
      %parallel_loop3A_1556 = tpu.vector_load %arg6[%parallel_loop3A_1555] {strides = array<i32>} : memref<16384xi32, #tpu.memory_space<vmem>>, vector<16xi32>,
      %parallel_loop3A_1557 = tpu.vector_load_idx %arg5[%parallel_loop3A_1556] : memref<100001xf32, #tpu.memory_space<vmem>>[vector<16xi32>], vector<16xf32>,
      %parallel_loop3A_1558 = arith.index_cast %parallel_loop3A_1552 : i32 to index
      %parallel_loop3A_1559 = tpu.vector_load %arg7[%parallel_loop3A_1558] {strides = array<i32>} : memref<4096xf32, #tpu.memory_space<vmem>>, vector<16xf32>,
      tpu.vector_store %arg7[%parallel_loop3A_1558], %parallel_loop3A_1557 {strides = array<i32>} : memref<4096xf32, #tpu.memory_space<vmem>>, vector<16xf32>,
    } {sc.loop_unroll_factor = 8 : i64, sc.parallel_access}
    %dma_start3A_912 = arith.constant 8192 : i32
    %dma_start3A_913 = tpu.memref_slice %arg4[%add3A_815, %dma_start3A_912] : memref<416x16384xf32, #tpu.memory_space<hbm>> -> memref<1x4096xf32, #tpu.memory_space<hbm>>
    %dma_start3A_914 = tpu.memref_squeeze %dma_start3A_913 : memref<1x4096xf32, #tpu.memory_space<hbm>> -> memref<4096xf32, #tpu.memory_space<hbm>>
    %dma_start3A_915 = arith.constant 8192 : i32
    %dma_start3A_916 = tpu.memref_slice %arg4[%add3A_815, %dma_start3A_915] : memref<416x16384xf32, #tpu.memory_space<hbm>> -> memref<1x4096xf32, #tpu.memory_space<hbm>>
    %dma_start3A_917 = tpu.memref_squeeze %dma_start3A_916 : memref<1x4096xf32, #tpu.memory_space<hbm>> -> memref<4096xf32, #tpu.memory_space<hbm>>
    tpu.enqueue_dma source(%arg7 : memref<4096xf32, #tpu.memory_space<vmem>>) target(%dma_start3A_917 : memref<4096xf32, #tpu.memory_space<hbm>>) target_semaphore(%arg11 : memref<!tpu.dma_semaphore, #tpu.memory_space<semaphore_mem>>)
    %dma_wait3A_918 = arith.constant 0 : i32
    %dma_wait3A_919 = tpu.memref_slice %arg4[%add3A_815, %dma_wait3A_918] : memref<416x16384xf32, #tpu.memory_space<hbm>> -> memref<1x4096xf32, #tpu.memory_space<hbm>>
    %dma_wait3A_920 = tpu.memref_squeeze %dma_wait3A_919 : memref<1x4096xf32, #tpu.memory_space<hbm>> -> memref<4096xf32, #tpu.memory_space<hbm>>
    %dma_wait3A_921 = arith.constant 0 : i32
    %dma_wait3A_922 = tpu.memref_slice %arg4[%add3A_815, %dma_wait3A_921] : memref<416x16384xf32, #tpu.memory_space<hbm>> -> memref<1x4096xf32, #tpu.memory_space<hbm>>
    %dma_wait3A_923 = tpu.memref_squeeze %dma_wait3A_922 : memref<1x4096xf32, #tpu.memory_space<hbm>> -> memref<4096xf32, #tpu.memory_space<hbm>>
    tpu.wait_dma2 semaphore(%arg12 : memref<!tpu.dma_semaphore, #tpu.memory_space<semaphore_mem>>) src(%arg8 : memref<4096xf32, #tpu.memory_space<vmem>>) dst(%dma_wait3A_923 : memref<4096xf32, #tpu.memory_space<hbm>>)
    %parallel_loop3A_924 = arith.constant 0 : i32
    %parallel_loop3A_925 = arith.constant 4096 : i32
    %parallel_loop3A_926 = arith.constant 16 : i32
    scf.for %parallel_loop3A_1552 = %parallel_loop3A_924 to %parallel_loop3A_925 step %parallel_loop3A_926  : i32 {
      %parallel_loop3A_1553 = arith.constant 12288 : i32
      %parallel_loop3A_1554 = arith.addi %parallel_loop3A_1553, %parallel_loop3A_1552 : i32
      %parallel_loop3A_1555 = arith.index_cast %parallel_loop3A_1554 : i32 to index
      %parallel_loop3A_1556 = tpu.vector_load %arg6[%parallel_loop3A_1555] {strides = array<i32>} : memref<16384xi32, #tpu.memory_space<vmem>>, vector<16xi32>,
      %parallel_loop3A_1557 = tpu.vector_load_idx %arg5[%parallel_loop3A_1556] : memref<100001xf32, #tpu.memory_space<vmem>>[vector<16xi32>], vector<16xf32>,
      %parallel_loop3A_1558 = arith.index_cast %parallel_loop3A_1552 : i32 to index
      %parallel_loop3A_1559 = tpu.vector_load %arg8[%parallel_loop3A_1558] {strides = array<i32>} : memref<4096xf32, #tpu.memory_space<vmem>>, vector<16xf32>,
      tpu.vector_store %arg8[%parallel_loop3A_1558], %parallel_loop3A_1557 {strides = array<i32>} : memref<4096xf32, #tpu.memory_space<vmem>>, vector<16xf32>,
    } {sc.loop_unroll_factor = 8 : i64, sc.parallel_access}
    %dma_start3A_927 = arith.constant 12288 : i32
    %dma_start3A_928 = tpu.memref_slice %arg4[%add3A_815, %dma_start3A_927] : memref<416x16384xf32, #tpu.memory_space<hbm>> -> memref<1x4096xf32, #tpu.memory_space<hbm>>
    %dma_start3A_929 = tpu.memref_squeeze %dma_start3A_928 : memref<1x4096xf32, #tpu.memory_space<hbm>> -> memref<4096xf32, #tpu.memory_space<hbm>>
    %dma_start3A_930 = arith.constant 12288 : i32
    %dma_start3A_931 = tpu.memref_slice %arg4[%add3A_815, %dma_start3A_930] : memref<416x16384xf32, #tpu.memory_space<hbm>> -> memref<1x4096xf32, #tpu.memory_space<hbm>>
    %dma_start3A_932 = tpu.memref_squeeze %dma_start3A_931 : memref<1x4096xf32, #tpu.memory_space<hbm>> -> memref<4096xf32, #tpu.memory_space<hbm>>
    tpu.enqueue_dma source(%arg8 : memref<4096xf32, #tpu.memory_space<vmem>>) target(%dma_start3A_932 : memref<4096xf32, #tpu.memory_space<hbm>>) target_semaphore(%arg12 : memref<!tpu.dma_semaphore, #tpu.memory_space<semaphore_mem>>)
    %mul3A_933 = arith.constant 13 : i32
    %mul3A_934 = arith.muli %add3A, %mul3A_933 : i32
    %add3A_935 = arith.constant 8 : i32
    %add3A_936 = arith.addi %mul3A_934, %add3A_935 : i32
    %jit3A_937 = arith.constant 16 : i32
    %div3A_938 = arith.divsi %add3A_936, %jit3A_937 : i32
    %sign3A_939 = arith.constant 0 : i32
    %sign3A_940 = arith.cmpi sgt, %add3A_936, %sign3A_939 : i32
    %sign3A_941 = arith.extui %sign3A_940 : i1 to i32
    %sign3A_942 = arith.constant 0 : i32
    %sign3A_943 = arith.cmpi slt, %add3A_936, %sign3A_942 : i32
    %sign3A_944 = arith.extui %sign3A_943 : i1 to i32
    %sign3A_945 = arith.subi %sign3A_941, %sign3A_944 : i32
    %sign3A_946 = arith.constant 0 : i32
    %sign3A_947 = arith.cmpi sgt, %jit3A_937, %sign3A_946 : i32
    %sign3A_948 = arith.extui %sign3A_947 : i1 to i32
    %sign3A_949 = arith.constant 0 : i32
    %sign3A_950 = arith.cmpi slt, %jit3A_937, %sign3A_949 : i32
    %sign3A_951 = arith.extui %sign3A_950 : i1 to i32
    %sign3A_952 = arith.subi %sign3A_948, %sign3A_951 : i32
    %ne3A_953 = arith.cmpi ne, %sign3A_945, %sign3A_952 : i32
    %rem3A_954 = arith.remsi %add3A_936, %jit3A_937 : i32
    %ne3A_955 = arith.constant 0 : i32
    %ne3A_956 = arith.cmpi ne, %rem3A_954, %ne3A_955 : i32
    %and3A_957 = arith.andi %ne3A_953, %ne3A_956 : i1
    %sub3A_958 = arith.constant 1 : i32
    %sub3A_959 = arith.subi %div3A_938, %sub3A_958 : i32
    %select_n3A_960 = arith.select %and3A_957, %sub3A_959, %div3A_938 : i32
    %dma_start3A_961 = arith.constant 0 : i32
    %dma_start3A_962 = tpu.memref_slice %arg3[%add3A_936, %dma_start3A_961] : memref<416x100001xf32, #tpu.memory_space<hbm>> -> memref<1x100001xf32, #tpu.memory_space<hbm>>
    %dma_start3A_963 = tpu.memref_squeeze %dma_start3A_962 : memref<1x100001xf32, #tpu.memory_space<hbm>> -> memref<100001xf32, #tpu.memory_space<hbm>>
    %dma_start3A_964 = arith.constant 0 : i32
    %dma_start3A_965 = tpu.memref_slice %arg3[%add3A_936, %dma_start3A_964] : memref<416x100001xf32, #tpu.memory_space<hbm>> -> memref<1x100001xf32, #tpu.memory_space<hbm>>
    %dma_start3A_966 = tpu.memref_squeeze %dma_start3A_965 : memref<1x100001xf32, #tpu.memory_space<hbm>> -> memref<100001xf32, #tpu.memory_space<hbm>>
    tpu.enqueue_dma source(%dma_start3A_966 : memref<100001xf32, #tpu.memory_space<hbm>>) target(%arg5 : memref<100001xf32, #tpu.memory_space<vmem>>) target_semaphore(%arg9 : memref<!tpu.dma_semaphore, #tpu.memory_space<semaphore_mem>>)
    %jit3A_967 = arith.constant 16 : i32
    %eq3A_968 = arith.constant 0 : i32
    %eq3A_969 = arith.cmpi eq, %jit3A_967, %eq3A_968 : i32
    %jit3A_970 = arith.constant 1 : i32
    %select_n3A_971 = arith.select %eq3A_969, %jit3A_970, %jit3A_967 : i32
    %rem3A_972 = arith.remsi %add3A_936, %select_n3A_971 : i32
    %ne3A_973 = arith.constant 0 : i32
    %ne3A_974 = arith.cmpi ne, %rem3A_972, %ne3A_973 : i32
    %lt3A_975 = arith.constant 0 : i32
    %lt3A_976 = arith.cmpi slt, %rem3A_972, %lt3A_975 : i32
    %lt3A_977 = arith.constant 0 : i32
    %lt3A_978 = arith.cmpi slt, %select_n3A_971, %lt3A_977 : i32
    %ne3A_979 = arith.xori %lt3A_976, %lt3A_978 : i1
    %and3A_980 = arith.andi %ne3A_979, %ne3A_974 : i1
    %add3A_981 = arith.addi %rem3A_972, %select_n3A_971 : i32
    %select_n3A_982 = arith.select %and3A_980, %add3A_981, %rem3A_972 : i32
    %eq3A_983 = arith.constant 0 : i32
    %eq3A_984 = arith.cmpi eq, %select_n3A_982, %eq3A_983 : i32
    %convert_element_type3A_985 = arith.extui %eq3A_984 : i1 to i32
    %cond3A_986 = arith.constant 0 : i32
    %cond3A_987 = arith.cmpi ne, %convert_element_type3A_985, %cond3A_986 : i32
    scf.if %cond3A_987 {
      %dma_start3A_1552 = arith.constant 0 : i32
      %dma_start3A_1553 = tpu.memref_slice %arg2[%select_n3A_960, %dma_start3A_1552] : memref<26x16384xi32, #tpu.memory_space<hbm>> -> memref<1x16384xi32, #tpu.memory_space<hbm>>
      %dma_start3A_1554 = tpu.memref_squeeze %dma_start3A_1553 : memref<1x16384xi32, #tpu.memory_space<hbm>> -> memref<16384xi32, #tpu.memory_space<hbm>>
      %dma_start3A_1555 = arith.constant 0 : i32
      %dma_start3A_1556 = tpu.memref_slice %arg2[%select_n3A_960, %dma_start3A_1555] : memref<26x16384xi32, #tpu.memory_space<hbm>> -> memref<1x16384xi32, #tpu.memory_space<hbm>>
      %dma_start3A_1557 = tpu.memref_squeeze %dma_start3A_1556 : memref<1x16384xi32, #tpu.memory_space<hbm>> -> memref<16384xi32, #tpu.memory_space<hbm>>
      tpu.enqueue_dma source(%dma_start3A_1557 : memref<16384xi32, #tpu.memory_space<hbm>>) target(%arg6 : memref<16384xi32, #tpu.memory_space<vmem>>) target_semaphore(%arg10 : memref<!tpu.dma_semaphore, #tpu.memory_space<semaphore_mem>>)
      %dma_wait3A_1558 = arith.constant 0 : i32
      %dma_wait3A_1559 = tpu.memref_slice %arg2[%select_n3A_960, %dma_wait3A_1558] : memref<26x16384xi32, #tpu.memory_space<hbm>> -> memref<1x16384xi32, #tpu.memory_space<hbm>>
      %dma_wait3A_1560 = tpu.memref_squeeze %dma_wait3A_1559 : memref<1x16384xi32, #tpu.memory_space<hbm>> -> memref<16384xi32, #tpu.memory_space<hbm>>
      %dma_wait3A_1561 = arith.constant 0 : i32
      %dma_wait3A_1562 = tpu.memref_slice %arg2[%select_n3A_960, %dma_wait3A_1561] : memref<26x16384xi32, #tpu.memory_space<hbm>> -> memref<1x16384xi32, #tpu.memory_space<hbm>>
      %dma_wait3A_1563 = tpu.memref_squeeze %dma_wait3A_1562 : memref<1x16384xi32, #tpu.memory_space<hbm>> -> memref<16384xi32, #tpu.memory_space<hbm>>
      tpu.wait_dma2 semaphore(%arg10 : memref<!tpu.dma_semaphore, #tpu.memory_space<semaphore_mem>>) src(%dma_wait3A_1563 : memref<16384xi32, #tpu.memory_space<hbm>>) dst(%arg6 : memref<16384xi32, #tpu.memory_space<vmem>>)
    } else {
    }
    %dma_wait3A_988 = arith.constant 0 : i32
    %dma_wait3A_989 = tpu.memref_slice %arg3[%add3A_936, %dma_wait3A_988] : memref<416x100001xf32, #tpu.memory_space<hbm>> -> memref<1x100001xf32, #tpu.memory_space<hbm>>
    %dma_wait3A_990 = tpu.memref_squeeze %dma_wait3A_989 : memref<1x100001xf32, #tpu.memory_space<hbm>> -> memref<100001xf32, #tpu.memory_space<hbm>>
    %dma_wait3A_991 = arith.constant 0 : i32
    %dma_wait3A_992 = tpu.memref_slice %arg3[%add3A_936, %dma_wait3A_991] : memref<416x100001xf32, #tpu.memory_space<hbm>> -> memref<1x100001xf32, #tpu.memory_space<hbm>>
    %dma_wait3A_993 = tpu.memref_squeeze %dma_wait3A_992 : memref<1x100001xf32, #tpu.memory_space<hbm>> -> memref<100001xf32, #tpu.memory_space<hbm>>
    tpu.wait_dma2 semaphore(%arg9 : memref<!tpu.dma_semaphore, #tpu.memory_space<semaphore_mem>>) src(%dma_wait3A_993 : memref<100001xf32, #tpu.memory_space<hbm>>) dst(%arg5 : memref<100001xf32, #tpu.memory_space<vmem>>)
    %dma_wait3A_994 = arith.constant 0 : i32
    %dma_wait3A_995 = tpu.memref_slice %arg4[%add3A_936, %dma_wait3A_994] : memref<416x16384xf32, #tpu.memory_space<hbm>> -> memref<1x4096xf32, #tpu.memory_space<hbm>>
    %dma_wait3A_996 = tpu.memref_squeeze %dma_wait3A_995 : memref<1x4096xf32, #tpu.memory_space<hbm>> -> memref<4096xf32, #tpu.memory_space<hbm>>
    %dma_wait3A_997 = arith.constant 0 : i32
    %dma_wait3A_998 = tpu.memref_slice %arg4[%add3A_936, %dma_wait3A_997] : memref<416x16384xf32, #tpu.memory_space<hbm>> -> memref<1x4096xf32, #tpu.memory_space<hbm>>
    %dma_wait3A_999 = tpu.memref_squeeze %dma_wait3A_998 : memref<1x4096xf32, #tpu.memory_space<hbm>> -> memref<4096xf32, #tpu.memory_space<hbm>>
    tpu.wait_dma2 semaphore(%arg11 : memref<!tpu.dma_semaphore, #tpu.memory_space<semaphore_mem>>) src(%arg7 : memref<4096xf32, #tpu.memory_space<vmem>>) dst(%dma_wait3A_999 : memref<4096xf32, #tpu.memory_space<hbm>>)
    %parallel_loop3A_1000 = arith.constant 0 : i32
    %parallel_loop3A_1001 = arith.constant 4096 : i32
    %parallel_loop3A_1002 = arith.constant 16 : i32
    scf.for %parallel_loop3A_1552 = %parallel_loop3A_1000 to %parallel_loop3A_1001 step %parallel_loop3A_1002  : i32 {
      %parallel_loop3A_1553 = arith.constant 0 : i32
      %parallel_loop3A_1554 = arith.addi %parallel_loop3A_1553, %parallel_loop3A_1552 : i32
      %parallel_loop3A_1555 = arith.index_cast %parallel_loop3A_1554 : i32 to index
      %parallel_loop3A_1556 = tpu.vector_load %arg6[%parallel_loop3A_1555] {strides = array<i32>} : memref<16384xi32, #tpu.memory_space<vmem>>, vector<16xi32>,
      %parallel_loop3A_1557 = tpu.vector_load_idx %arg5[%parallel_loop3A_1556] : memref<100001xf32, #tpu.memory_space<vmem>>[vector<16xi32>], vector<16xf32>,
      %parallel_loop3A_1558 = arith.index_cast %parallel_loop3A_1552 : i32 to index
      %parallel_loop3A_1559 = tpu.vector_load %arg7[%parallel_loop3A_1558] {strides = array<i32>} : memref<4096xf32, #tpu.memory_space<vmem>>, vector<16xf32>,
      tpu.vector_store %arg7[%parallel_loop3A_1558], %parallel_loop3A_1557 {strides = array<i32>} : memref<4096xf32, #tpu.memory_space<vmem>>, vector<16xf32>,
    } {sc.loop_unroll_factor = 8 : i64, sc.parallel_access}
    %dma_start3A_1003 = arith.constant 0 : i32
    %dma_start3A_1004 = tpu.memref_slice %arg4[%add3A_936, %dma_start3A_1003] : memref<416x16384xf32, #tpu.memory_space<hbm>> -> memref<1x4096xf32, #tpu.memory_space<hbm>>
    %dma_start3A_1005 = tpu.memref_squeeze %dma_start3A_1004 : memref<1x4096xf32, #tpu.memory_space<hbm>> -> memref<4096xf32, #tpu.memory_space<hbm>>
    %dma_start3A_1006 = arith.constant 0 : i32
    %dma_start3A_1007 = tpu.memref_slice %arg4[%add3A_936, %dma_start3A_1006] : memref<416x16384xf32, #tpu.memory_space<hbm>> -> memref<1x4096xf32, #tpu.memory_space<hbm>>
    %dma_start3A_1008 = tpu.memref_squeeze %dma_start3A_1007 : memref<1x4096xf32, #tpu.memory_space<hbm>> -> memref<4096xf32, #tpu.memory_space<hbm>>
    tpu.enqueue_dma source(%arg7 : memref<4096xf32, #tpu.memory_space<vmem>>) target(%dma_start3A_1008 : memref<4096xf32, #tpu.memory_space<hbm>>) target_semaphore(%arg11 : memref<!tpu.dma_semaphore, #tpu.memory_space<semaphore_mem>>)
    %dma_wait3A_1009 = arith.constant 0 : i32
    %dma_wait3A_1010 = tpu.memref_slice %arg4[%add3A_936, %dma_wait3A_1009] : memref<416x16384xf32, #tpu.memory_space<hbm>> -> memref<1x4096xf32, #tpu.memory_space<hbm>>
    %dma_wait3A_1011 = tpu.memref_squeeze %dma_wait3A_1010 : memref<1x4096xf32, #tpu.memory_space<hbm>> -> memref<4096xf32, #tpu.memory_space<hbm>>
    %dma_wait3A_1012 = arith.constant 0 : i32
    %dma_wait3A_1013 = tpu.memref_slice %arg4[%add3A_936, %dma_wait3A_1012] : memref<416x16384xf32, #tpu.memory_space<hbm>> -> memref<1x4096xf32, #tpu.memory_space<hbm>>
    %dma_wait3A_1014 = tpu.memref_squeeze %dma_wait3A_1013 : memref<1x4096xf32, #tpu.memory_space<hbm>> -> memref<4096xf32, #tpu.memory_space<hbm>>
    tpu.wait_dma2 semaphore(%arg12 : memref<!tpu.dma_semaphore, #tpu.memory_space<semaphore_mem>>) src(%arg8 : memref<4096xf32, #tpu.memory_space<vmem>>) dst(%dma_wait3A_1014 : memref<4096xf32, #tpu.memory_space<hbm>>)
    %parallel_loop3A_1015 = arith.constant 0 : i32
    %parallel_loop3A_1016 = arith.constant 4096 : i32
    %parallel_loop3A_1017 = arith.constant 16 : i32
    scf.for %parallel_loop3A_1552 = %parallel_loop3A_1015 to %parallel_loop3A_1016 step %parallel_loop3A_1017  : i32 {
      %parallel_loop3A_1553 = arith.constant 4096 : i32
      %parallel_loop3A_1554 = arith.addi %parallel_loop3A_1553, %parallel_loop3A_1552 : i32
      %parallel_loop3A_1555 = arith.index_cast %parallel_loop3A_1554 : i32 to index
      %parallel_loop3A_1556 = tpu.vector_load %arg6[%parallel_loop3A_1555] {strides = array<i32>} : memref<16384xi32, #tpu.memory_space<vmem>>, vector<16xi32>,
      %parallel_loop3A_1557 = tpu.vector_load_idx %arg5[%parallel_loop3A_1556] : memref<100001xf32, #tpu.memory_space<vmem>>[vector<16xi32>], vector<16xf32>,
      %parallel_loop3A_1558 = arith.index_cast %parallel_loop3A_1552 : i32 to index
      %parallel_loop3A_1559 = tpu.vector_load %arg8[%parallel_loop3A_1558] {strides = array<i32>} : memref<4096xf32, #tpu.memory_space<vmem>>, vector<16xf32>,
      tpu.vector_store %arg8[%parallel_loop3A_1558], %parallel_loop3A_1557 {strides = array<i32>} : memref<4096xf32, #tpu.memory_space<vmem>>, vector<16xf32>,
    } {sc.loop_unroll_factor = 8 : i64, sc.parallel_access}
    %dma_start3A_1018 = arith.constant 4096 : i32
    %dma_start3A_1019 = tpu.memref_slice %arg4[%add3A_936, %dma_start3A_1018] : memref<416x16384xf32, #tpu.memory_space<hbm>> -> memref<1x4096xf32, #tpu.memory_space<hbm>>
    %dma_start3A_1020 = tpu.memref_squeeze %dma_start3A_1019 : memref<1x4096xf32, #tpu.memory_space<hbm>> -> memref<4096xf32, #tpu.memory_space<hbm>>
    %dma_start3A_1021 = arith.constant 4096 : i32
    %dma_start3A_1022 = tpu.memref_slice %arg4[%add3A_936, %dma_start3A_1021] : memref<416x16384xf32, #tpu.memory_space<hbm>> -> memref<1x4096xf32, #tpu.memory_space<hbm>>
    %dma_start3A_1023 = tpu.memref_squeeze %dma_start3A_1022 : memref<1x4096xf32, #tpu.memory_space<hbm>> -> memref<4096xf32, #tpu.memory_space<hbm>>
    tpu.enqueue_dma source(%arg8 : memref<4096xf32, #tpu.memory_space<vmem>>) target(%dma_start3A_1023 : memref<4096xf32, #tpu.memory_space<hbm>>) target_semaphore(%arg12 : memref<!tpu.dma_semaphore, #tpu.memory_space<semaphore_mem>>)
    %dma_wait3A_1024 = arith.constant 0 : i32
    %dma_wait3A_1025 = tpu.memref_slice %arg4[%add3A_936, %dma_wait3A_1024] : memref<416x16384xf32, #tpu.memory_space<hbm>> -> memref<1x4096xf32, #tpu.memory_space<hbm>>
    %dma_wait3A_1026 = tpu.memref_squeeze %dma_wait3A_1025 : memref<1x4096xf32, #tpu.memory_space<hbm>> -> memref<4096xf32, #tpu.memory_space<hbm>>
    %dma_wait3A_1027 = arith.constant 0 : i32
    %dma_wait3A_1028 = tpu.memref_slice %arg4[%add3A_936, %dma_wait3A_1027] : memref<416x16384xf32, #tpu.memory_space<hbm>> -> memref<1x4096xf32, #tpu.memory_space<hbm>>
    %dma_wait3A_1029 = tpu.memref_squeeze %dma_wait3A_1028 : memref<1x4096xf32, #tpu.memory_space<hbm>> -> memref<4096xf32, #tpu.memory_space<hbm>>
    tpu.wait_dma2 semaphore(%arg11 : memref<!tpu.dma_semaphore, #tpu.memory_space<semaphore_mem>>) src(%arg7 : memref<4096xf32, #tpu.memory_space<vmem>>) dst(%dma_wait3A_1029 : memref<4096xf32, #tpu.memory_space<hbm>>)
    %parallel_loop3A_1030 = arith.constant 0 : i32
    %parallel_loop3A_1031 = arith.constant 4096 : i32
    %parallel_loop3A_1032 = arith.constant 16 : i32
    scf.for %parallel_loop3A_1552 = %parallel_loop3A_1030 to %parallel_loop3A_1031 step %parallel_loop3A_1032  : i32 {
      %parallel_loop3A_1553 = arith.constant 8192 : i32
      %parallel_loop3A_1554 = arith.addi %parallel_loop3A_1553, %parallel_loop3A_1552 : i32
      %parallel_loop3A_1555 = arith.index_cast %parallel_loop3A_1554 : i32 to index
      %parallel_loop3A_1556 = tpu.vector_load %arg6[%parallel_loop3A_1555] {strides = array<i32>} : memref<16384xi32, #tpu.memory_space<vmem>>, vector<16xi32>,
      %parallel_loop3A_1557 = tpu.vector_load_idx %arg5[%parallel_loop3A_1556] : memref<100001xf32, #tpu.memory_space<vmem>>[vector<16xi32>], vector<16xf32>,
      %parallel_loop3A_1558 = arith.index_cast %parallel_loop3A_1552 : i32 to index
      %parallel_loop3A_1559 = tpu.vector_load %arg7[%parallel_loop3A_1558] {strides = array<i32>} : memref<4096xf32, #tpu.memory_space<vmem>>, vector<16xf32>,
      tpu.vector_store %arg7[%parallel_loop3A_1558], %parallel_loop3A_1557 {strides = array<i32>} : memref<4096xf32, #tpu.memory_space<vmem>>, vector<16xf32>,
    } {sc.loop_unroll_factor = 8 : i64, sc.parallel_access}
    %dma_start3A_1033 = arith.constant 8192 : i32
    %dma_start3A_1034 = tpu.memref_slice %arg4[%add3A_936, %dma_start3A_1033] : memref<416x16384xf32, #tpu.memory_space<hbm>> -> memref<1x4096xf32, #tpu.memory_space<hbm>>
    %dma_start3A_1035 = tpu.memref_squeeze %dma_start3A_1034 : memref<1x4096xf32, #tpu.memory_space<hbm>> -> memref<4096xf32, #tpu.memory_space<hbm>>
    %dma_start3A_1036 = arith.constant 8192 : i32
    %dma_start3A_1037 = tpu.memref_slice %arg4[%add3A_936, %dma_start3A_1036] : memref<416x16384xf32, #tpu.memory_space<hbm>> -> memref<1x4096xf32, #tpu.memory_space<hbm>>
    %dma_start3A_1038 = tpu.memref_squeeze %dma_start3A_1037 : memref<1x4096xf32, #tpu.memory_space<hbm>> -> memref<4096xf32, #tpu.memory_space<hbm>>
    tpu.enqueue_dma source(%arg7 : memref<4096xf32, #tpu.memory_space<vmem>>) target(%dma_start3A_1038 : memref<4096xf32, #tpu.memory_space<hbm>>) target_semaphore(%arg11 : memref<!tpu.dma_semaphore, #tpu.memory_space<semaphore_mem>>)
    %dma_wait3A_1039 = arith.constant 0 : i32
    %dma_wait3A_1040 = tpu.memref_slice %arg4[%add3A_936, %dma_wait3A_1039] : memref<416x16384xf32, #tpu.memory_space<hbm>> -> memref<1x4096xf32, #tpu.memory_space<hbm>>
    %dma_wait3A_1041 = tpu.memref_squeeze %dma_wait3A_1040 : memref<1x4096xf32, #tpu.memory_space<hbm>> -> memref<4096xf32, #tpu.memory_space<hbm>>
    %dma_wait3A_1042 = arith.constant 0 : i32
    %dma_wait3A_1043 = tpu.memref_slice %arg4[%add3A_936, %dma_wait3A_1042] : memref<416x16384xf32, #tpu.memory_space<hbm>> -> memref<1x4096xf32, #tpu.memory_space<hbm>>
    %dma_wait3A_1044 = tpu.memref_squeeze %dma_wait3A_1043 : memref<1x4096xf32, #tpu.memory_space<hbm>> -> memref<4096xf32, #tpu.memory_space<hbm>>
    tpu.wait_dma2 semaphore(%arg12 : memref<!tpu.dma_semaphore, #tpu.memory_space<semaphore_mem>>) src(%arg8 : memref<4096xf32, #tpu.memory_space<vmem>>) dst(%dma_wait3A_1044 : memref<4096xf32, #tpu.memory_space<hbm>>)
    %parallel_loop3A_1045 = arith.constant 0 : i32
    %parallel_loop3A_1046 = arith.constant 4096 : i32
    %parallel_loop3A_1047 = arith.constant 16 : i32
    scf.for %parallel_loop3A_1552 = %parallel_loop3A_1045 to %parallel_loop3A_1046 step %parallel_loop3A_1047  : i32 {
      %parallel_loop3A_1553 = arith.constant 12288 : i32
      %parallel_loop3A_1554 = arith.addi %parallel_loop3A_1553, %parallel_loop3A_1552 : i32
      %parallel_loop3A_1555 = arith.index_cast %parallel_loop3A_1554 : i32 to index
      %parallel_loop3A_1556 = tpu.vector_load %arg6[%parallel_loop3A_1555] {strides = array<i32>} : memref<16384xi32, #tpu.memory_space<vmem>>, vector<16xi32>,
      %parallel_loop3A_1557 = tpu.vector_load_idx %arg5[%parallel_loop3A_1556] : memref<100001xf32, #tpu.memory_space<vmem>>[vector<16xi32>], vector<16xf32>,
      %parallel_loop3A_1558 = arith.index_cast %parallel_loop3A_1552 : i32 to index
      %parallel_loop3A_1559 = tpu.vector_load %arg8[%parallel_loop3A_1558] {strides = array<i32>} : memref<4096xf32, #tpu.memory_space<vmem>>, vector<16xf32>,
      tpu.vector_store %arg8[%parallel_loop3A_1558], %parallel_loop3A_1557 {strides = array<i32>} : memref<4096xf32, #tpu.memory_space<vmem>>, vector<16xf32>,
    } {sc.loop_unroll_factor = 8 : i64, sc.parallel_access}
    %dma_start3A_1048 = arith.constant 12288 : i32
    %dma_start3A_1049 = tpu.memref_slice %arg4[%add3A_936, %dma_start3A_1048] : memref<416x16384xf32, #tpu.memory_space<hbm>> -> memref<1x4096xf32, #tpu.memory_space<hbm>>
    %dma_start3A_1050 = tpu.memref_squeeze %dma_start3A_1049 : memref<1x4096xf32, #tpu.memory_space<hbm>> -> memref<4096xf32, #tpu.memory_space<hbm>>
    %dma_start3A_1051 = arith.constant 12288 : i32
    %dma_start3A_1052 = tpu.memref_slice %arg4[%add3A_936, %dma_start3A_1051] : memref<416x16384xf32, #tpu.memory_space<hbm>> -> memref<1x4096xf32, #tpu.memory_space<hbm>>
    %dma_start3A_1053 = tpu.memref_squeeze %dma_start3A_1052 : memref<1x4096xf32, #tpu.memory_space<hbm>> -> memref<4096xf32, #tpu.memory_space<hbm>>
    tpu.enqueue_dma source(%arg8 : memref<4096xf32, #tpu.memory_space<vmem>>) target(%dma_start3A_1053 : memref<4096xf32, #tpu.memory_space<hbm>>) target_semaphore(%arg12 : memref<!tpu.dma_semaphore, #tpu.memory_space<semaphore_mem>>)
    %mul3A_1054 = arith.constant 13 : i32
    %mul3A_1055 = arith.muli %add3A, %mul3A_1054 : i32
    %add3A_1056 = arith.constant 9 : i32
    %add3A_1057 = arith.addi %mul3A_1055, %add3A_1056 : i32
    %jit3A_1058 = arith.constant 16 : i32
    %div3A_1059 = arith.divsi %add3A_1057, %jit3A_1058 : i32
    %sign3A_1060 = arith.constant 0 : i32
    %sign3A_1061 = arith.cmpi sgt, %add3A_1057, %sign3A_1060 : i32
    %sign3A_1062 = arith.extui %sign3A_1061 : i1 to i32
    %sign3A_1063 = arith.constant 0 : i32
    %sign3A_1064 = arith.cmpi slt, %add3A_1057, %sign3A_1063 : i32
    %sign3A_1065 = arith.extui %sign3A_1064 : i1 to i32
    %sign3A_1066 = arith.subi %sign3A_1062, %sign3A_1065 : i32
    %sign3A_1067 = arith.constant 0 : i32
    %sign3A_1068 = arith.cmpi sgt, %jit3A_1058, %sign3A_1067 : i32
    %sign3A_1069 = arith.extui %sign3A_1068 : i1 to i32
    %sign3A_1070 = arith.constant 0 : i32
    %sign3A_1071 = arith.cmpi slt, %jit3A_1058, %sign3A_1070 : i32
    %sign3A_1072 = arith.extui %sign3A_1071 : i1 to i32
    %sign3A_1073 = arith.subi %sign3A_1069, %sign3A_1072 : i32
    %ne3A_1074 = arith.cmpi ne, %sign3A_1066, %sign3A_1073 : i32
    %rem3A_1075 = arith.remsi %add3A_1057, %jit3A_1058 : i32
    %ne3A_1076 = arith.constant 0 : i32
    %ne3A_1077 = arith.cmpi ne, %rem3A_1075, %ne3A_1076 : i32
    %and3A_1078 = arith.andi %ne3A_1074, %ne3A_1077 : i1
    %sub3A_1079 = arith.constant 1 : i32
    %sub3A_1080 = arith.subi %div3A_1059, %sub3A_1079 : i32
    %select_n3A_1081 = arith.select %and3A_1078, %sub3A_1080, %div3A_1059 : i32
    %dma_start3A_1082 = arith.constant 0 : i32
    %dma_start3A_1083 = tpu.memref_slice %arg3[%add3A_1057, %dma_start3A_1082] : memref<416x100001xf32, #tpu.memory_space<hbm>> -> memref<1x100001xf32, #tpu.memory_space<hbm>>
    %dma_start3A_1084 = tpu.memref_squeeze %dma_start3A_1083 : memref<1x100001xf32, #tpu.memory_space<hbm>> -> memref<100001xf32, #tpu.memory_space<hbm>>
    %dma_start3A_1085 = arith.constant 0 : i32
    %dma_start3A_1086 = tpu.memref_slice %arg3[%add3A_1057, %dma_start3A_1085] : memref<416x100001xf32, #tpu.memory_space<hbm>> -> memref<1x100001xf32, #tpu.memory_space<hbm>>
    %dma_start3A_1087 = tpu.memref_squeeze %dma_start3A_1086 : memref<1x100001xf32, #tpu.memory_space<hbm>> -> memref<100001xf32, #tpu.memory_space<hbm>>
    tpu.enqueue_dma source(%dma_start3A_1087 : memref<100001xf32, #tpu.memory_space<hbm>>) target(%arg5 : memref<100001xf32, #tpu.memory_space<vmem>>) target_semaphore(%arg9 : memref<!tpu.dma_semaphore, #tpu.memory_space<semaphore_mem>>)
    %jit3A_1088 = arith.constant 16 : i32
    %eq3A_1089 = arith.constant 0 : i32
    %eq3A_1090 = arith.cmpi eq, %jit3A_1088, %eq3A_1089 : i32
    %jit3A_1091 = arith.constant 1 : i32
    %select_n3A_1092 = arith.select %eq3A_1090, %jit3A_1091, %jit3A_1088 : i32
    %rem3A_1093 = arith.remsi %add3A_1057, %select_n3A_1092 : i32
    %ne3A_1094 = arith.constant 0 : i32
    %ne3A_1095 = arith.cmpi ne, %rem3A_1093, %ne3A_1094 : i32
    %lt3A_1096 = arith.constant 0 : i32
    %lt3A_1097 = arith.cmpi slt, %rem3A_1093, %lt3A_1096 : i32
    %lt3A_1098 = arith.constant 0 : i32
    %lt3A_1099 = arith.cmpi slt, %select_n3A_1092, %lt3A_1098 : i32
    %ne3A_1100 = arith.xori %lt3A_1097, %lt3A_1099 : i1
    %and3A_1101 = arith.andi %ne3A_1100, %ne3A_1095 : i1
    %add3A_1102 = arith.addi %rem3A_1093, %select_n3A_1092 : i32
    %select_n3A_1103 = arith.select %and3A_1101, %add3A_1102, %rem3A_1093 : i32
    %eq3A_1104 = arith.constant 0 : i32
    %eq3A_1105 = arith.cmpi eq, %select_n3A_1103, %eq3A_1104 : i32
    %convert_element_type3A_1106 = arith.extui %eq3A_1105 : i1 to i32
    %cond3A_1107 = arith.constant 0 : i32
    %cond3A_1108 = arith.cmpi ne, %convert_element_type3A_1106, %cond3A_1107 : i32
    scf.if %cond3A_1108 {
      %dma_start3A_1552 = arith.constant 0 : i32
      %dma_start3A_1553 = tpu.memref_slice %arg2[%select_n3A_1081, %dma_start3A_1552] : memref<26x16384xi32, #tpu.memory_space<hbm>> -> memref<1x16384xi32, #tpu.memory_space<hbm>>
      %dma_start3A_1554 = tpu.memref_squeeze %dma_start3A_1553 : memref<1x16384xi32, #tpu.memory_space<hbm>> -> memref<16384xi32, #tpu.memory_space<hbm>>
      %dma_start3A_1555 = arith.constant 0 : i32
      %dma_start3A_1556 = tpu.memref_slice %arg2[%select_n3A_1081, %dma_start3A_1555] : memref<26x16384xi32, #tpu.memory_space<hbm>> -> memref<1x16384xi32, #tpu.memory_space<hbm>>
      %dma_start3A_1557 = tpu.memref_squeeze %dma_start3A_1556 : memref<1x16384xi32, #tpu.memory_space<hbm>> -> memref<16384xi32, #tpu.memory_space<hbm>>
      tpu.enqueue_dma source(%dma_start3A_1557 : memref<16384xi32, #tpu.memory_space<hbm>>) target(%arg6 : memref<16384xi32, #tpu.memory_space<vmem>>) target_semaphore(%arg10 : memref<!tpu.dma_semaphore, #tpu.memory_space<semaphore_mem>>)
      %dma_wait3A_1558 = arith.constant 0 : i32
      %dma_wait3A_1559 = tpu.memref_slice %arg2[%select_n3A_1081, %dma_wait3A_1558] : memref<26x16384xi32, #tpu.memory_space<hbm>> -> memref<1x16384xi32, #tpu.memory_space<hbm>>
      %dma_wait3A_1560 = tpu.memref_squeeze %dma_wait3A_1559 : memref<1x16384xi32, #tpu.memory_space<hbm>> -> memref<16384xi32, #tpu.memory_space<hbm>>
      %dma_wait3A_1561 = arith.constant 0 : i32
      %dma_wait3A_1562 = tpu.memref_slice %arg2[%select_n3A_1081, %dma_wait3A_1561] : memref<26x16384xi32, #tpu.memory_space<hbm>> -> memref<1x16384xi32, #tpu.memory_space<hbm>>
      %dma_wait3A_1563 = tpu.memref_squeeze %dma_wait3A_1562 : memref<1x16384xi32, #tpu.memory_space<hbm>> -> memref<16384xi32, #tpu.memory_space<hbm>>
      tpu.wait_dma2 semaphore(%arg10 : memref<!tpu.dma_semaphore, #tpu.memory_space<semaphore_mem>>) src(%dma_wait3A_1563 : memref<16384xi32, #tpu.memory_space<hbm>>) dst(%arg6 : memref<16384xi32, #tpu.memory_space<vmem>>)
    } else {
    }
    %dma_wait3A_1109 = arith.constant 0 : i32
    %dma_wait3A_1110 = tpu.memref_slice %arg3[%add3A_1057, %dma_wait3A_1109] : memref<416x100001xf32, #tpu.memory_space<hbm>> -> memref<1x100001xf32, #tpu.memory_space<hbm>>
    %dma_wait3A_1111 = tpu.memref_squeeze %dma_wait3A_1110 : memref<1x100001xf32, #tpu.memory_space<hbm>> -> memref<100001xf32, #tpu.memory_space<hbm>>
    %dma_wait3A_1112 = arith.constant 0 : i32
    %dma_wait3A_1113 = tpu.memref_slice %arg3[%add3A_1057, %dma_wait3A_1112] : memref<416x100001xf32, #tpu.memory_space<hbm>> -> memref<1x100001xf32, #tpu.memory_space<hbm>>
    %dma_wait3A_1114 = tpu.memref_squeeze %dma_wait3A_1113 : memref<1x100001xf32, #tpu.memory_space<hbm>> -> memref<100001xf32, #tpu.memory_space<hbm>>
    tpu.wait_dma2 semaphore(%arg9 : memref<!tpu.dma_semaphore, #tpu.memory_space<semaphore_mem>>) src(%dma_wait3A_1114 : memref<100001xf32, #tpu.memory_space<hbm>>) dst(%arg5 : memref<100001xf32, #tpu.memory_space<vmem>>)
    %dma_wait3A_1115 = arith.constant 0 : i32
    %dma_wait3A_1116 = tpu.memref_slice %arg4[%add3A_1057, %dma_wait3A_1115] : memref<416x16384xf32, #tpu.memory_space<hbm>> -> memref<1x4096xf32, #tpu.memory_space<hbm>>
    %dma_wait3A_1117 = tpu.memref_squeeze %dma_wait3A_1116 : memref<1x4096xf32, #tpu.memory_space<hbm>> -> memref<4096xf32, #tpu.memory_space<hbm>>
    %dma_wait3A_1118 = arith.constant 0 : i32
    %dma_wait3A_1119 = tpu.memref_slice %arg4[%add3A_1057, %dma_wait3A_1118] : memref<416x16384xf32, #tpu.memory_space<hbm>> -> memref<1x4096xf32, #tpu.memory_space<hbm>>
    %dma_wait3A_1120 = tpu.memref_squeeze %dma_wait3A_1119 : memref<1x4096xf32, #tpu.memory_space<hbm>> -> memref<4096xf32, #tpu.memory_space<hbm>>
    tpu.wait_dma2 semaphore(%arg11 : memref<!tpu.dma_semaphore, #tpu.memory_space<semaphore_mem>>) src(%arg7 : memref<4096xf32, #tpu.memory_space<vmem>>) dst(%dma_wait3A_1120 : memref<4096xf32, #tpu.memory_space<hbm>>)
    %parallel_loop3A_1121 = arith.constant 0 : i32
    %parallel_loop3A_1122 = arith.constant 4096 : i32
    %parallel_loop3A_1123 = arith.constant 16 : i32
    scf.for %parallel_loop3A_1552 = %parallel_loop3A_1121 to %parallel_loop3A_1122 step %parallel_loop3A_1123  : i32 {
      %parallel_loop3A_1553 = arith.constant 0 : i32
      %parallel_loop3A_1554 = arith.addi %parallel_loop3A_1553, %parallel_loop3A_1552 : i32
      %parallel_loop3A_1555 = arith.index_cast %parallel_loop3A_1554 : i32 to index
      %parallel_loop3A_1556 = tpu.vector_load %arg6[%parallel_loop3A_1555] {strides = array<i32>} : memref<16384xi32, #tpu.memory_space<vmem>>, vector<16xi32>,
      %parallel_loop3A_1557 = tpu.vector_load_idx %arg5[%parallel_loop3A_1556] : memref<100001xf32, #tpu.memory_space<vmem>>[vector<16xi32>], vector<16xf32>,
      %parallel_loop3A_1558 = arith.index_cast %parallel_loop3A_1552 : i32 to index
      %parallel_loop3A_1559 = tpu.vector_load %arg7[%parallel_loop3A_1558] {strides = array<i32>} : memref<4096xf32, #tpu.memory_space<vmem>>, vector<16xf32>,
      tpu.vector_store %arg7[%parallel_loop3A_1558], %parallel_loop3A_1557 {strides = array<i32>} : memref<4096xf32, #tpu.memory_space<vmem>>, vector<16xf32>,
    } {sc.loop_unroll_factor = 8 : i64, sc.parallel_access}
    %dma_start3A_1124 = arith.constant 0 : i32
    %dma_start3A_1125 = tpu.memref_slice %arg4[%add3A_1057, %dma_start3A_1124] : memref<416x16384xf32, #tpu.memory_space<hbm>> -> memref<1x4096xf32, #tpu.memory_space<hbm>>
    %dma_start3A_1126 = tpu.memref_squeeze %dma_start3A_1125 : memref<1x4096xf32, #tpu.memory_space<hbm>> -> memref<4096xf32, #tpu.memory_space<hbm>>
    %dma_start3A_1127 = arith.constant 0 : i32
    %dma_start3A_1128 = tpu.memref_slice %arg4[%add3A_1057, %dma_start3A_1127] : memref<416x16384xf32, #tpu.memory_space<hbm>> -> memref<1x4096xf32, #tpu.memory_space<hbm>>
    %dma_start3A_1129 = tpu.memref_squeeze %dma_start3A_1128 : memref<1x4096xf32, #tpu.memory_space<hbm>> -> memref<4096xf32, #tpu.memory_space<hbm>>
    tpu.enqueue_dma source(%arg7 : memref<4096xf32, #tpu.memory_space<vmem>>) target(%dma_start3A_1129 : memref<4096xf32, #tpu.memory_space<hbm>>) target_semaphore(%arg11 : memref<!tpu.dma_semaphore, #tpu.memory_space<semaphore_mem>>)
    %dma_wait3A_1130 = arith.constant 0 : i32
    %dma_wait3A_1131 = tpu.memref_slice %arg4[%add3A_1057, %dma_wait3A_1130] : memref<416x16384xf32, #tpu.memory_space<hbm>> -> memref<1x4096xf32, #tpu.memory_space<hbm>>
    %dma_wait3A_1132 = tpu.memref_squeeze %dma_wait3A_1131 : memref<1x4096xf32, #tpu.memory_space<hbm>> -> memref<4096xf32, #tpu.memory_space<hbm>>
    %dma_wait3A_1133 = arith.constant 0 : i32
    %dma_wait3A_1134 = tpu.memref_slice %arg4[%add3A_1057, %dma_wait3A_1133] : memref<416x16384xf32, #tpu.memory_space<hbm>> -> memref<1x4096xf32, #tpu.memory_space<hbm>>
    %dma_wait3A_1135 = tpu.memref_squeeze %dma_wait3A_1134 : memref<1x4096xf32, #tpu.memory_space<hbm>> -> memref<4096xf32, #tpu.memory_space<hbm>>
    tpu.wait_dma2 semaphore(%arg12 : memref<!tpu.dma_semaphore, #tpu.memory_space<semaphore_mem>>) src(%arg8 : memref<4096xf32, #tpu.memory_space<vmem>>) dst(%dma_wait3A_1135 : memref<4096xf32, #tpu.memory_space<hbm>>)
    %parallel_loop3A_1136 = arith.constant 0 : i32
    %parallel_loop3A_1137 = arith.constant 4096 : i32
    %parallel_loop3A_1138 = arith.constant 16 : i32
    scf.for %parallel_loop3A_1552 = %parallel_loop3A_1136 to %parallel_loop3A_1137 step %parallel_loop3A_1138  : i32 {
      %parallel_loop3A_1553 = arith.constant 4096 : i32
      %parallel_loop3A_1554 = arith.addi %parallel_loop3A_1553, %parallel_loop3A_1552 : i32
      %parallel_loop3A_1555 = arith.index_cast %parallel_loop3A_1554 : i32 to index
      %parallel_loop3A_1556 = tpu.vector_load %arg6[%parallel_loop3A_1555] {strides = array<i32>} : memref<16384xi32, #tpu.memory_space<vmem>>, vector<16xi32>,
      %parallel_loop3A_1557 = tpu.vector_load_idx %arg5[%parallel_loop3A_1556] : memref<100001xf32, #tpu.memory_space<vmem>>[vector<16xi32>], vector<16xf32>,
      %parallel_loop3A_1558 = arith.index_cast %parallel_loop3A_1552 : i32 to index
      %parallel_loop3A_1559 = tpu.vector_load %arg8[%parallel_loop3A_1558] {strides = array<i32>} : memref<4096xf32, #tpu.memory_space<vmem>>, vector<16xf32>,
      tpu.vector_store %arg8[%parallel_loop3A_1558], %parallel_loop3A_1557 {strides = array<i32>} : memref<4096xf32, #tpu.memory_space<vmem>>, vector<16xf32>,
    } {sc.loop_unroll_factor = 8 : i64, sc.parallel_access}
    %dma_start3A_1139 = arith.constant 4096 : i32
    %dma_start3A_1140 = tpu.memref_slice %arg4[%add3A_1057, %dma_start3A_1139] : memref<416x16384xf32, #tpu.memory_space<hbm>> -> memref<1x4096xf32, #tpu.memory_space<hbm>>
    %dma_start3A_1141 = tpu.memref_squeeze %dma_start3A_1140 : memref<1x4096xf32, #tpu.memory_space<hbm>> -> memref<4096xf32, #tpu.memory_space<hbm>>
    %dma_start3A_1142 = arith.constant 4096 : i32
    %dma_start3A_1143 = tpu.memref_slice %arg4[%add3A_1057, %dma_start3A_1142] : memref<416x16384xf32, #tpu.memory_space<hbm>> -> memref<1x4096xf32, #tpu.memory_space<hbm>>
    %dma_start3A_1144 = tpu.memref_squeeze %dma_start3A_1143 : memref<1x4096xf32, #tpu.memory_space<hbm>> -> memref<4096xf32, #tpu.memory_space<hbm>>
    tpu.enqueue_dma source(%arg8 : memref<4096xf32, #tpu.memory_space<vmem>>) target(%dma_start3A_1144 : memref<4096xf32, #tpu.memory_space<hbm>>) target_semaphore(%arg12 : memref<!tpu.dma_semaphore, #tpu.memory_space<semaphore_mem>>)
    %dma_wait3A_1145 = arith.constant 0 : i32
    %dma_wait3A_1146 = tpu.memref_slice %arg4[%add3A_1057, %dma_wait3A_1145] : memref<416x16384xf32, #tpu.memory_space<hbm>> -> memref<1x4096xf32, #tpu.memory_space<hbm>>
    %dma_wait3A_1147 = tpu.memref_squeeze %dma_wait3A_1146 : memref<1x4096xf32, #tpu.memory_space<hbm>> -> memref<4096xf32, #tpu.memory_space<hbm>>
    %dma_wait3A_1148 = arith.constant 0 : i32
    %dma_wait3A_1149 = tpu.memref_slice %arg4[%add3A_1057, %dma_wait3A_1148] : memref<416x16384xf32, #tpu.memory_space<hbm>> -> memref<1x4096xf32, #tpu.memory_space<hbm>>
    %dma_wait3A_1150 = tpu.memref_squeeze %dma_wait3A_1149 : memref<1x4096xf32, #tpu.memory_space<hbm>> -> memref<4096xf32, #tpu.memory_space<hbm>>
    tpu.wait_dma2 semaphore(%arg11 : memref<!tpu.dma_semaphore, #tpu.memory_space<semaphore_mem>>) src(%arg7 : memref<4096xf32, #tpu.memory_space<vmem>>) dst(%dma_wait3A_1150 : memref<4096xf32, #tpu.memory_space<hbm>>)
    %parallel_loop3A_1151 = arith.constant 0 : i32
    %parallel_loop3A_1152 = arith.constant 4096 : i32
    %parallel_loop3A_1153 = arith.constant 16 : i32
    scf.for %parallel_loop3A_1552 = %parallel_loop3A_1151 to %parallel_loop3A_1152 step %parallel_loop3A_1153  : i32 {
      %parallel_loop3A_1553 = arith.constant 8192 : i32
      %parallel_loop3A_1554 = arith.addi %parallel_loop3A_1553, %parallel_loop3A_1552 : i32
      %parallel_loop3A_1555 = arith.index_cast %parallel_loop3A_1554 : i32 to index
      %parallel_loop3A_1556 = tpu.vector_load %arg6[%parallel_loop3A_1555] {strides = array<i32>} : memref<16384xi32, #tpu.memory_space<vmem>>, vector<16xi32>,
      %parallel_loop3A_1557 = tpu.vector_load_idx %arg5[%parallel_loop3A_1556] : memref<100001xf32, #tpu.memory_space<vmem>>[vector<16xi32>], vector<16xf32>,
      %parallel_loop3A_1558 = arith.index_cast %parallel_loop3A_1552 : i32 to index
      %parallel_loop3A_1559 = tpu.vector_load %arg7[%parallel_loop3A_1558] {strides = array<i32>} : memref<4096xf32, #tpu.memory_space<vmem>>, vector<16xf32>,
      tpu.vector_store %arg7[%parallel_loop3A_1558], %parallel_loop3A_1557 {strides = array<i32>} : memref<4096xf32, #tpu.memory_space<vmem>>, vector<16xf32>,
    } {sc.loop_unroll_factor = 8 : i64, sc.parallel_access}
    %dma_start3A_1154 = arith.constant 8192 : i32
    %dma_start3A_1155 = tpu.memref_slice %arg4[%add3A_1057, %dma_start3A_1154] : memref<416x16384xf32, #tpu.memory_space<hbm>> -> memref<1x4096xf32, #tpu.memory_space<hbm>>
    %dma_start3A_1156 = tpu.memref_squeeze %dma_start3A_1155 : memref<1x4096xf32, #tpu.memory_space<hbm>> -> memref<4096xf32, #tpu.memory_space<hbm>>
    %dma_start3A_1157 = arith.constant 8192 : i32
    %dma_start3A_1158 = tpu.memref_slice %arg4[%add3A_1057, %dma_start3A_1157] : memref<416x16384xf32, #tpu.memory_space<hbm>> -> memref<1x4096xf32, #tpu.memory_space<hbm>>
    %dma_start3A_1159 = tpu.memref_squeeze %dma_start3A_1158 : memref<1x4096xf32, #tpu.memory_space<hbm>> -> memref<4096xf32, #tpu.memory_space<hbm>>
    tpu.enqueue_dma source(%arg7 : memref<4096xf32, #tpu.memory_space<vmem>>) target(%dma_start3A_1159 : memref<4096xf32, #tpu.memory_space<hbm>>) target_semaphore(%arg11 : memref<!tpu.dma_semaphore, #tpu.memory_space<semaphore_mem>>)
    %dma_wait3A_1160 = arith.constant 0 : i32
    %dma_wait3A_1161 = tpu.memref_slice %arg4[%add3A_1057, %dma_wait3A_1160] : memref<416x16384xf32, #tpu.memory_space<hbm>> -> memref<1x4096xf32, #tpu.memory_space<hbm>>
    %dma_wait3A_1162 = tpu.memref_squeeze %dma_wait3A_1161 : memref<1x4096xf32, #tpu.memory_space<hbm>> -> memref<4096xf32, #tpu.memory_space<hbm>>
    %dma_wait3A_1163 = arith.constant 0 : i32
    %dma_wait3A_1164 = tpu.memref_slice %arg4[%add3A_1057, %dma_wait3A_1163] : memref<416x16384xf32, #tpu.memory_space<hbm>> -> memref<1x4096xf32, #tpu.memory_space<hbm>>
    %dma_wait3A_1165 = tpu.memref_squeeze %dma_wait3A_1164 : memref<1x4096xf32, #tpu.memory_space<hbm>> -> memref<4096xf32, #tpu.memory_space<hbm>>
    tpu.wait_dma2 semaphore(%arg12 : memref<!tpu.dma_semaphore, #tpu.memory_space<semaphore_mem>>) src(%arg8 : memref<4096xf32, #tpu.memory_space<vmem>>) dst(%dma_wait3A_1165 : memref<4096xf32, #tpu.memory_space<hbm>>)
    %parallel_loop3A_1166 = arith.constant 0 : i32
    %parallel_loop3A_1167 = arith.constant 4096 : i32
    %parallel_loop3A_1168 = arith.constant 16 : i32
    scf.for %parallel_loop3A_1552 = %parallel_loop3A_1166 to %parallel_loop3A_1167 step %parallel_loop3A_1168  : i32 {
      %parallel_loop3A_1553 = arith.constant 12288 : i32
      %parallel_loop3A_1554 = arith.addi %parallel_loop3A_1553, %parallel_loop3A_1552 : i32
      %parallel_loop3A_1555 = arith.index_cast %parallel_loop3A_1554 : i32 to index
      %parallel_loop3A_1556 = tpu.vector_load %arg6[%parallel_loop3A_1555] {strides = array<i32>} : memref<16384xi32, #tpu.memory_space<vmem>>, vector<16xi32>,
      %parallel_loop3A_1557 = tpu.vector_load_idx %arg5[%parallel_loop3A_1556] : memref<100001xf32, #tpu.memory_space<vmem>>[vector<16xi32>], vector<16xf32>,
      %parallel_loop3A_1558 = arith.index_cast %parallel_loop3A_1552 : i32 to index
      %parallel_loop3A_1559 = tpu.vector_load %arg8[%parallel_loop3A_1558] {strides = array<i32>} : memref<4096xf32, #tpu.memory_space<vmem>>, vector<16xf32>,
      tpu.vector_store %arg8[%parallel_loop3A_1558], %parallel_loop3A_1557 {strides = array<i32>} : memref<4096xf32, #tpu.memory_space<vmem>>, vector<16xf32>,
    } {sc.loop_unroll_factor = 8 : i64, sc.parallel_access}
    %dma_start3A_1169 = arith.constant 12288 : i32
    %dma_start3A_1170 = tpu.memref_slice %arg4[%add3A_1057, %dma_start3A_1169] : memref<416x16384xf32, #tpu.memory_space<hbm>> -> memref<1x4096xf32, #tpu.memory_space<hbm>>
    %dma_start3A_1171 = tpu.memref_squeeze %dma_start3A_1170 : memref<1x4096xf32, #tpu.memory_space<hbm>> -> memref<4096xf32, #tpu.memory_space<hbm>>
    %dma_start3A_1172 = arith.constant 12288 : i32
    %dma_start3A_1173 = tpu.memref_slice %arg4[%add3A_1057, %dma_start3A_1172] : memref<416x16384xf32, #tpu.memory_space<hbm>> -> memref<1x4096xf32, #tpu.memory_space<hbm>>
    %dma_start3A_1174 = tpu.memref_squeeze %dma_start3A_1173 : memref<1x4096xf32, #tpu.memory_space<hbm>> -> memref<4096xf32, #tpu.memory_space<hbm>>
    tpu.enqueue_dma source(%arg8 : memref<4096xf32, #tpu.memory_space<vmem>>) target(%dma_start3A_1174 : memref<4096xf32, #tpu.memory_space<hbm>>) target_semaphore(%arg12 : memref<!tpu.dma_semaphore, #tpu.memory_space<semaphore_mem>>)
    %mul3A_1175 = arith.constant 13 : i32
    %mul3A_1176 = arith.muli %add3A, %mul3A_1175 : i32
    %add3A_1177 = arith.constant 10 : i32
    %add3A_1178 = arith.addi %mul3A_1176, %add3A_1177 : i32
    %jit3A_1179 = arith.constant 16 : i32
    %div3A_1180 = arith.divsi %add3A_1178, %jit3A_1179 : i32
    %sign3A_1181 = arith.constant 0 : i32
    %sign3A_1182 = arith.cmpi sgt, %add3A_1178, %sign3A_1181 : i32
    %sign3A_1183 = arith.extui %sign3A_1182 : i1 to i32
    %sign3A_1184 = arith.constant 0 : i32
    %sign3A_1185 = arith.cmpi slt, %add3A_1178, %sign3A_1184 : i32
    %sign3A_1186 = arith.extui %sign3A_1185 : i1 to i32
    %sign3A_1187 = arith.subi %sign3A_1183, %sign3A_1186 : i32
    %sign3A_1188 = arith.constant 0 : i32
    %sign3A_1189 = arith.cmpi sgt, %jit3A_1179, %sign3A_1188 : i32
    %sign3A_1190 = arith.extui %sign3A_1189 : i1 to i32
    %sign3A_1191 = arith.constant 0 : i32
    %sign3A_1192 = arith.cmpi slt, %jit3A_1179, %sign3A_1191 : i32
    %sign3A_1193 = arith.extui %sign3A_1192 : i1 to i32
    %sign3A_1194 = arith.subi %sign3A_1190, %sign3A_1193 : i32
    %ne3A_1195 = arith.cmpi ne, %sign3A_1187, %sign3A_1194 : i32
    %rem3A_1196 = arith.remsi %add3A_1178, %jit3A_1179 : i32
    %ne3A_1197 = arith.constant 0 : i32
    %ne3A_1198 = arith.cmpi ne, %rem3A_1196, %ne3A_1197 : i32
    %and3A_1199 = arith.andi %ne3A_1195, %ne3A_1198 : i1
    %sub3A_1200 = arith.constant 1 : i32
    %sub3A_1201 = arith.subi %div3A_1180, %sub3A_1200 : i32
    %select_n3A_1202 = arith.select %and3A_1199, %sub3A_1201, %div3A_1180 : i32
    %dma_start3A_1203 = arith.constant 0 : i32
    %dma_start3A_1204 = tpu.memref_slice %arg3[%add3A_1178, %dma_start3A_1203] : memref<416x100001xf32, #tpu.memory_space<hbm>> -> memref<1x100001xf32, #tpu.memory_space<hbm>>
    %dma_start3A_1205 = tpu.memref_squeeze %dma_start3A_1204 : memref<1x100001xf32, #tpu.memory_space<hbm>> -> memref<100001xf32, #tpu.memory_space<hbm>>
    %dma_start3A_1206 = arith.constant 0 : i32
    %dma_start3A_1207 = tpu.memref_slice %arg3[%add3A_1178, %dma_start3A_1206] : memref<416x100001xf32, #tpu.memory_space<hbm>> -> memref<1x100001xf32, #tpu.memory_space<hbm>>
    %dma_start3A_1208 = tpu.memref_squeeze %dma_start3A_1207 : memref<1x100001xf32, #tpu.memory_space<hbm>> -> memref<100001xf32, #tpu.memory_space<hbm>>
    tpu.enqueue_dma source(%dma_start3A_1208 : memref<100001xf32, #tpu.memory_space<hbm>>) target(%arg5 : memref<100001xf32, #tpu.memory_space<vmem>>) target_semaphore(%arg9 : memref<!tpu.dma_semaphore, #tpu.memory_space<semaphore_mem>>)
    %jit3A_1209 = arith.constant 16 : i32
    %eq3A_1210 = arith.constant 0 : i32
    %eq3A_1211 = arith.cmpi eq, %jit3A_1209, %eq3A_1210 : i32
    %jit3A_1212 = arith.constant 1 : i32
    %select_n3A_1213 = arith.select %eq3A_1211, %jit3A_1212, %jit3A_1209 : i32
    %rem3A_1214 = arith.remsi %add3A_1178, %select_n3A_1213 : i32
    %ne3A_1215 = arith.constant 0 : i32
    %ne3A_1216 = arith.cmpi ne, %rem3A_1214, %ne3A_1215 : i32
    %lt3A_1217 = arith.constant 0 : i32
    %lt3A_1218 = arith.cmpi slt, %rem3A_1214, %lt3A_1217 : i32
    %lt3A_1219 = arith.constant 0 : i32
    %lt3A_1220 = arith.cmpi slt, %select_n3A_1213, %lt3A_1219 : i32
    %ne3A_1221 = arith.xori %lt3A_1218, %lt3A_1220 : i1
    %and3A_1222 = arith.andi %ne3A_1221, %ne3A_1216 : i1
    %add3A_1223 = arith.addi %rem3A_1214, %select_n3A_1213 : i32
    %select_n3A_1224 = arith.select %and3A_1222, %add3A_1223, %rem3A_1214 : i32
    %eq3A_1225 = arith.constant 0 : i32
    %eq3A_1226 = arith.cmpi eq, %select_n3A_1224, %eq3A_1225 : i32
    %convert_element_type3A_1227 = arith.extui %eq3A_1226 : i1 to i32
    %cond3A_1228 = arith.constant 0 : i32
    %cond3A_1229 = arith.cmpi ne, %convert_element_type3A_1227, %cond3A_1228 : i32
    scf.if %cond3A_1229 {
      %dma_start3A_1552 = arith.constant 0 : i32
      %dma_start3A_1553 = tpu.memref_slice %arg2[%select_n3A_1202, %dma_start3A_1552] : memref<26x16384xi32, #tpu.memory_space<hbm>> -> memref<1x16384xi32, #tpu.memory_space<hbm>>
      %dma_start3A_1554 = tpu.memref_squeeze %dma_start3A_1553 : memref<1x16384xi32, #tpu.memory_space<hbm>> -> memref<16384xi32, #tpu.memory_space<hbm>>
      %dma_start3A_1555 = arith.constant 0 : i32
      %dma_start3A_1556 = tpu.memref_slice %arg2[%select_n3A_1202, %dma_start3A_1555] : memref<26x16384xi32, #tpu.memory_space<hbm>> -> memref<1x16384xi32, #tpu.memory_space<hbm>>
      %dma_start3A_1557 = tpu.memref_squeeze %dma_start3A_1556 : memref<1x16384xi32, #tpu.memory_space<hbm>> -> memref<16384xi32, #tpu.memory_space<hbm>>
      tpu.enqueue_dma source(%dma_start3A_1557 : memref<16384xi32, #tpu.memory_space<hbm>>) target(%arg6 : memref<16384xi32, #tpu.memory_space<vmem>>) target_semaphore(%arg10 : memref<!tpu.dma_semaphore, #tpu.memory_space<semaphore_mem>>)
      %dma_wait3A_1558 = arith.constant 0 : i32
      %dma_wait3A_1559 = tpu.memref_slice %arg2[%select_n3A_1202, %dma_wait3A_1558] : memref<26x16384xi32, #tpu.memory_space<hbm>> -> memref<1x16384xi32, #tpu.memory_space<hbm>>
      %dma_wait3A_1560 = tpu.memref_squeeze %dma_wait3A_1559 : memref<1x16384xi32, #tpu.memory_space<hbm>> -> memref<16384xi32, #tpu.memory_space<hbm>>
      %dma_wait3A_1561 = arith.constant 0 : i32
      %dma_wait3A_1562 = tpu.memref_slice %arg2[%select_n3A_1202, %dma_wait3A_1561] : memref<26x16384xi32, #tpu.memory_space<hbm>> -> memref<1x16384xi32, #tpu.memory_space<hbm>>
      %dma_wait3A_1563 = tpu.memref_squeeze %dma_wait3A_1562 : memref<1x16384xi32, #tpu.memory_space<hbm>> -> memref<16384xi32, #tpu.memory_space<hbm>>
      tpu.wait_dma2 semaphore(%arg10 : memref<!tpu.dma_semaphore, #tpu.memory_space<semaphore_mem>>) src(%dma_wait3A_1563 : memref<16384xi32, #tpu.memory_space<hbm>>) dst(%arg6 : memref<16384xi32, #tpu.memory_space<vmem>>)
    } else {
    }
    %dma_wait3A_1230 = arith.constant 0 : i32
    %dma_wait3A_1231 = tpu.memref_slice %arg3[%add3A_1178, %dma_wait3A_1230] : memref<416x100001xf32, #tpu.memory_space<hbm>> -> memref<1x100001xf32, #tpu.memory_space<hbm>>
    %dma_wait3A_1232 = tpu.memref_squeeze %dma_wait3A_1231 : memref<1x100001xf32, #tpu.memory_space<hbm>> -> memref<100001xf32, #tpu.memory_space<hbm>>
    %dma_wait3A_1233 = arith.constant 0 : i32
    %dma_wait3A_1234 = tpu.memref_slice %arg3[%add3A_1178, %dma_wait3A_1233] : memref<416x100001xf32, #tpu.memory_space<hbm>> -> memref<1x100001xf32, #tpu.memory_space<hbm>>
    %dma_wait3A_1235 = tpu.memref_squeeze %dma_wait3A_1234 : memref<1x100001xf32, #tpu.memory_space<hbm>> -> memref<100001xf32, #tpu.memory_space<hbm>>
    tpu.wait_dma2 semaphore(%arg9 : memref<!tpu.dma_semaphore, #tpu.memory_space<semaphore_mem>>) src(%dma_wait3A_1235 : memref<100001xf32, #tpu.memory_space<hbm>>) dst(%arg5 : memref<100001xf32, #tpu.memory_space<vmem>>)
    %dma_wait3A_1236 = arith.constant 0 : i32
    %dma_wait3A_1237 = tpu.memref_slice %arg4[%add3A_1178, %dma_wait3A_1236] : memref<416x16384xf32, #tpu.memory_space<hbm>> -> memref<1x4096xf32, #tpu.memory_space<hbm>>
    %dma_wait3A_1238 = tpu.memref_squeeze %dma_wait3A_1237 : memref<1x4096xf32, #tpu.memory_space<hbm>> -> memref<4096xf32, #tpu.memory_space<hbm>>
    %dma_wait3A_1239 = arith.constant 0 : i32
    %dma_wait3A_1240 = tpu.memref_slice %arg4[%add3A_1178, %dma_wait3A_1239] : memref<416x16384xf32, #tpu.memory_space<hbm>> -> memref<1x4096xf32, #tpu.memory_space<hbm>>
    %dma_wait3A_1241 = tpu.memref_squeeze %dma_wait3A_1240 : memref<1x4096xf32, #tpu.memory_space<hbm>> -> memref<4096xf32, #tpu.memory_space<hbm>>
    tpu.wait_dma2 semaphore(%arg11 : memref<!tpu.dma_semaphore, #tpu.memory_space<semaphore_mem>>) src(%arg7 : memref<4096xf32, #tpu.memory_space<vmem>>) dst(%dma_wait3A_1241 : memref<4096xf32, #tpu.memory_space<hbm>>)
    %parallel_loop3A_1242 = arith.constant 0 : i32
    %parallel_loop3A_1243 = arith.constant 4096 : i32
    %parallel_loop3A_1244 = arith.constant 16 : i32
    scf.for %parallel_loop3A_1552 = %parallel_loop3A_1242 to %parallel_loop3A_1243 step %parallel_loop3A_1244  : i32 {
      %parallel_loop3A_1553 = arith.constant 0 : i32
      %parallel_loop3A_1554 = arith.addi %parallel_loop3A_1553, %parallel_loop3A_1552 : i32
      %parallel_loop3A_1555 = arith.index_cast %parallel_loop3A_1554 : i32 to index
      %parallel_loop3A_1556 = tpu.vector_load %arg6[%parallel_loop3A_1555] {strides = array<i32>} : memref<16384xi32, #tpu.memory_space<vmem>>, vector<16xi32>,
      %parallel_loop3A_1557 = tpu.vector_load_idx %arg5[%parallel_loop3A_1556] : memref<100001xf32, #tpu.memory_space<vmem>>[vector<16xi32>], vector<16xf32>,
      %parallel_loop3A_1558 = arith.index_cast %parallel_loop3A_1552 : i32 to index
      %parallel_loop3A_1559 = tpu.vector_load %arg7[%parallel_loop3A_1558] {strides = array<i32>} : memref<4096xf32, #tpu.memory_space<vmem>>, vector<16xf32>,
      tpu.vector_store %arg7[%parallel_loop3A_1558], %parallel_loop3A_1557 {strides = array<i32>} : memref<4096xf32, #tpu.memory_space<vmem>>, vector<16xf32>,
    } {sc.loop_unroll_factor = 8 : i64, sc.parallel_access}
    %dma_start3A_1245 = arith.constant 0 : i32
    %dma_start3A_1246 = tpu.memref_slice %arg4[%add3A_1178, %dma_start3A_1245] : memref<416x16384xf32, #tpu.memory_space<hbm>> -> memref<1x4096xf32, #tpu.memory_space<hbm>>
    %dma_start3A_1247 = tpu.memref_squeeze %dma_start3A_1246 : memref<1x4096xf32, #tpu.memory_space<hbm>> -> memref<4096xf32, #tpu.memory_space<hbm>>
    %dma_start3A_1248 = arith.constant 0 : i32
    %dma_start3A_1249 = tpu.memref_slice %arg4[%add3A_1178, %dma_start3A_1248] : memref<416x16384xf32, #tpu.memory_space<hbm>> -> memref<1x4096xf32, #tpu.memory_space<hbm>>
    %dma_start3A_1250 = tpu.memref_squeeze %dma_start3A_1249 : memref<1x4096xf32, #tpu.memory_space<hbm>> -> memref<4096xf32, #tpu.memory_space<hbm>>
    tpu.enqueue_dma source(%arg7 : memref<4096xf32, #tpu.memory_space<vmem>>) target(%dma_start3A_1250 : memref<4096xf32, #tpu.memory_space<hbm>>) target_semaphore(%arg11 : memref<!tpu.dma_semaphore, #tpu.memory_space<semaphore_mem>>)
    %dma_wait3A_1251 = arith.constant 0 : i32
    %dma_wait3A_1252 = tpu.memref_slice %arg4[%add3A_1178, %dma_wait3A_1251] : memref<416x16384xf32, #tpu.memory_space<hbm>> -> memref<1x4096xf32, #tpu.memory_space<hbm>>
    %dma_wait3A_1253 = tpu.memref_squeeze %dma_wait3A_1252 : memref<1x4096xf32, #tpu.memory_space<hbm>> -> memref<4096xf32, #tpu.memory_space<hbm>>
    %dma_wait3A_1254 = arith.constant 0 : i32
    %dma_wait3A_1255 = tpu.memref_slice %arg4[%add3A_1178, %dma_wait3A_1254] : memref<416x16384xf32, #tpu.memory_space<hbm>> -> memref<1x4096xf32, #tpu.memory_space<hbm>>
    %dma_wait3A_1256 = tpu.memref_squeeze %dma_wait3A_1255 : memref<1x4096xf32, #tpu.memory_space<hbm>> -> memref<4096xf32, #tpu.memory_space<hbm>>
    tpu.wait_dma2 semaphore(%arg12 : memref<!tpu.dma_semaphore, #tpu.memory_space<semaphore_mem>>) src(%arg8 : memref<4096xf32, #tpu.memory_space<vmem>>) dst(%dma_wait3A_1256 : memref<4096xf32, #tpu.memory_space<hbm>>)
    %parallel_loop3A_1257 = arith.constant 0 : i32
    %parallel_loop3A_1258 = arith.constant 4096 : i32
    %parallel_loop3A_1259 = arith.constant 16 : i32
    scf.for %parallel_loop3A_1552 = %parallel_loop3A_1257 to %parallel_loop3A_1258 step %parallel_loop3A_1259  : i32 {
      %parallel_loop3A_1553 = arith.constant 4096 : i32
      %parallel_loop3A_1554 = arith.addi %parallel_loop3A_1553, %parallel_loop3A_1552 : i32
      %parallel_loop3A_1555 = arith.index_cast %parallel_loop3A_1554 : i32 to index
      %parallel_loop3A_1556 = tpu.vector_load %arg6[%parallel_loop3A_1555] {strides = array<i32>} : memref<16384xi32, #tpu.memory_space<vmem>>, vector<16xi32>,
      %parallel_loop3A_1557 = tpu.vector_load_idx %arg5[%parallel_loop3A_1556] : memref<100001xf32, #tpu.memory_space<vmem>>[vector<16xi32>], vector<16xf32>,
      %parallel_loop3A_1558 = arith.index_cast %parallel_loop3A_1552 : i32 to index
      %parallel_loop3A_1559 = tpu.vector_load %arg8[%parallel_loop3A_1558] {strides = array<i32>} : memref<4096xf32, #tpu.memory_space<vmem>>, vector<16xf32>,
      tpu.vector_store %arg8[%parallel_loop3A_1558], %parallel_loop3A_1557 {strides = array<i32>} : memref<4096xf32, #tpu.memory_space<vmem>>, vector<16xf32>,
    } {sc.loop_unroll_factor = 8 : i64, sc.parallel_access}
    %dma_start3A_1260 = arith.constant 4096 : i32
    %dma_start3A_1261 = tpu.memref_slice %arg4[%add3A_1178, %dma_start3A_1260] : memref<416x16384xf32, #tpu.memory_space<hbm>> -> memref<1x4096xf32, #tpu.memory_space<hbm>>
    %dma_start3A_1262 = tpu.memref_squeeze %dma_start3A_1261 : memref<1x4096xf32, #tpu.memory_space<hbm>> -> memref<4096xf32, #tpu.memory_space<hbm>>
    %dma_start3A_1263 = arith.constant 4096 : i32
    %dma_start3A_1264 = tpu.memref_slice %arg4[%add3A_1178, %dma_start3A_1263] : memref<416x16384xf32, #tpu.memory_space<hbm>> -> memref<1x4096xf32, #tpu.memory_space<hbm>>
    %dma_start3A_1265 = tpu.memref_squeeze %dma_start3A_1264 : memref<1x4096xf32, #tpu.memory_space<hbm>> -> memref<4096xf32, #tpu.memory_space<hbm>>
    tpu.enqueue_dma source(%arg8 : memref<4096xf32, #tpu.memory_space<vmem>>) target(%dma_start3A_1265 : memref<4096xf32, #tpu.memory_space<hbm>>) target_semaphore(%arg12 : memref<!tpu.dma_semaphore, #tpu.memory_space<semaphore_mem>>)
    %dma_wait3A_1266 = arith.constant 0 : i32
    %dma_wait3A_1267 = tpu.memref_slice %arg4[%add3A_1178, %dma_wait3A_1266] : memref<416x16384xf32, #tpu.memory_space<hbm>> -> memref<1x4096xf32, #tpu.memory_space<hbm>>
    %dma_wait3A_1268 = tpu.memref_squeeze %dma_wait3A_1267 : memref<1x4096xf32, #tpu.memory_space<hbm>> -> memref<4096xf32, #tpu.memory_space<hbm>>
    %dma_wait3A_1269 = arith.constant 0 : i32
    %dma_wait3A_1270 = tpu.memref_slice %arg4[%add3A_1178, %dma_wait3A_1269] : memref<416x16384xf32, #tpu.memory_space<hbm>> -> memref<1x4096xf32, #tpu.memory_space<hbm>>
    %dma_wait3A_1271 = tpu.memref_squeeze %dma_wait3A_1270 : memref<1x4096xf32, #tpu.memory_space<hbm>> -> memref<4096xf32, #tpu.memory_space<hbm>>
    tpu.wait_dma2 semaphore(%arg11 : memref<!tpu.dma_semaphore, #tpu.memory_space<semaphore_mem>>) src(%arg7 : memref<4096xf32, #tpu.memory_space<vmem>>) dst(%dma_wait3A_1271 : memref<4096xf32, #tpu.memory_space<hbm>>)
    %parallel_loop3A_1272 = arith.constant 0 : i32
    %parallel_loop3A_1273 = arith.constant 4096 : i32
    %parallel_loop3A_1274 = arith.constant 16 : i32
    scf.for %parallel_loop3A_1552 = %parallel_loop3A_1272 to %parallel_loop3A_1273 step %parallel_loop3A_1274  : i32 {
      %parallel_loop3A_1553 = arith.constant 8192 : i32
      %parallel_loop3A_1554 = arith.addi %parallel_loop3A_1553, %parallel_loop3A_1552 : i32
      %parallel_loop3A_1555 = arith.index_cast %parallel_loop3A_1554 : i32 to index
      %parallel_loop3A_1556 = tpu.vector_load %arg6[%parallel_loop3A_1555] {strides = array<i32>} : memref<16384xi32, #tpu.memory_space<vmem>>, vector<16xi32>,
      %parallel_loop3A_1557 = tpu.vector_load_idx %arg5[%parallel_loop3A_1556] : memref<100001xf32, #tpu.memory_space<vmem>>[vector<16xi32>], vector<16xf32>,
      %parallel_loop3A_1558 = arith.index_cast %parallel_loop3A_1552 : i32 to index
      %parallel_loop3A_1559 = tpu.vector_load %arg7[%parallel_loop3A_1558] {strides = array<i32>} : memref<4096xf32, #tpu.memory_space<vmem>>, vector<16xf32>,
      tpu.vector_store %arg7[%parallel_loop3A_1558], %parallel_loop3A_1557 {strides = array<i32>} : memref<4096xf32, #tpu.memory_space<vmem>>, vector<16xf32>,
    } {sc.loop_unroll_factor = 8 : i64, sc.parallel_access}
    %dma_start3A_1275 = arith.constant 8192 : i32
    %dma_start3A_1276 = tpu.memref_slice %arg4[%add3A_1178, %dma_start3A_1275] : memref<416x16384xf32, #tpu.memory_space<hbm>> -> memref<1x4096xf32, #tpu.memory_space<hbm>>
    %dma_start3A_1277 = tpu.memref_squeeze %dma_start3A_1276 : memref<1x4096xf32, #tpu.memory_space<hbm>> -> memref<4096xf32, #tpu.memory_space<hbm>>
    %dma_start3A_1278 = arith.constant 8192 : i32
    %dma_start3A_1279 = tpu.memref_slice %arg4[%add3A_1178, %dma_start3A_1278] : memref<416x16384xf32, #tpu.memory_space<hbm>> -> memref<1x4096xf32, #tpu.memory_space<hbm>>
    %dma_start3A_1280 = tpu.memref_squeeze %dma_start3A_1279 : memref<1x4096xf32, #tpu.memory_space<hbm>> -> memref<4096xf32, #tpu.memory_space<hbm>>
    tpu.enqueue_dma source(%arg7 : memref<4096xf32, #tpu.memory_space<vmem>>) target(%dma_start3A_1280 : memref<4096xf32, #tpu.memory_space<hbm>>) target_semaphore(%arg11 : memref<!tpu.dma_semaphore, #tpu.memory_space<semaphore_mem>>)
    %dma_wait3A_1281 = arith.constant 0 : i32
    %dma_wait3A_1282 = tpu.memref_slice %arg4[%add3A_1178, %dma_wait3A_1281] : memref<416x16384xf32, #tpu.memory_space<hbm>> -> memref<1x4096xf32, #tpu.memory_space<hbm>>
    %dma_wait3A_1283 = tpu.memref_squeeze %dma_wait3A_1282 : memref<1x4096xf32, #tpu.memory_space<hbm>> -> memref<4096xf32, #tpu.memory_space<hbm>>
    %dma_wait3A_1284 = arith.constant 0 : i32
    %dma_wait3A_1285 = tpu.memref_slice %arg4[%add3A_1178, %dma_wait3A_1284] : memref<416x16384xf32, #tpu.memory_space<hbm>> -> memref<1x4096xf32, #tpu.memory_space<hbm>>
    %dma_wait3A_1286 = tpu.memref_squeeze %dma_wait3A_1285 : memref<1x4096xf32, #tpu.memory_space<hbm>> -> memref<4096xf32, #tpu.memory_space<hbm>>
    tpu.wait_dma2 semaphore(%arg12 : memref<!tpu.dma_semaphore, #tpu.memory_space<semaphore_mem>>) src(%arg8 : memref<4096xf32, #tpu.memory_space<vmem>>) dst(%dma_wait3A_1286 : memref<4096xf32, #tpu.memory_space<hbm>>)
    %parallel_loop3A_1287 = arith.constant 0 : i32
    %parallel_loop3A_1288 = arith.constant 4096 : i32
    %parallel_loop3A_1289 = arith.constant 16 : i32
    scf.for %parallel_loop3A_1552 = %parallel_loop3A_1287 to %parallel_loop3A_1288 step %parallel_loop3A_1289  : i32 {
      %parallel_loop3A_1553 = arith.constant 12288 : i32
      %parallel_loop3A_1554 = arith.addi %parallel_loop3A_1553, %parallel_loop3A_1552 : i32
      %parallel_loop3A_1555 = arith.index_cast %parallel_loop3A_1554 : i32 to index
      %parallel_loop3A_1556 = tpu.vector_load %arg6[%parallel_loop3A_1555] {strides = array<i32>} : memref<16384xi32, #tpu.memory_space<vmem>>, vector<16xi32>,
      %parallel_loop3A_1557 = tpu.vector_load_idx %arg5[%parallel_loop3A_1556] : memref<100001xf32, #tpu.memory_space<vmem>>[vector<16xi32>], vector<16xf32>,
      %parallel_loop3A_1558 = arith.index_cast %parallel_loop3A_1552 : i32 to index
      %parallel_loop3A_1559 = tpu.vector_load %arg8[%parallel_loop3A_1558] {strides = array<i32>} : memref<4096xf32, #tpu.memory_space<vmem>>, vector<16xf32>,
      tpu.vector_store %arg8[%parallel_loop3A_1558], %parallel_loop3A_1557 {strides = array<i32>} : memref<4096xf32, #tpu.memory_space<vmem>>, vector<16xf32>,
    } {sc.loop_unroll_factor = 8 : i64, sc.parallel_access}
    %dma_start3A_1290 = arith.constant 12288 : i32
    %dma_start3A_1291 = tpu.memref_slice %arg4[%add3A_1178, %dma_start3A_1290] : memref<416x16384xf32, #tpu.memory_space<hbm>> -> memref<1x4096xf32, #tpu.memory_space<hbm>>
    %dma_start3A_1292 = tpu.memref_squeeze %dma_start3A_1291 : memref<1x4096xf32, #tpu.memory_space<hbm>> -> memref<4096xf32, #tpu.memory_space<hbm>>
    %dma_start3A_1293 = arith.constant 12288 : i32
    %dma_start3A_1294 = tpu.memref_slice %arg4[%add3A_1178, %dma_start3A_1293] : memref<416x16384xf32, #tpu.memory_space<hbm>> -> memref<1x4096xf32, #tpu.memory_space<hbm>>
    %dma_start3A_1295 = tpu.memref_squeeze %dma_start3A_1294 : memref<1x4096xf32, #tpu.memory_space<hbm>> -> memref<4096xf32, #tpu.memory_space<hbm>>
    tpu.enqueue_dma source(%arg8 : memref<4096xf32, #tpu.memory_space<vmem>>) target(%dma_start3A_1295 : memref<4096xf32, #tpu.memory_space<hbm>>) target_semaphore(%arg12 : memref<!tpu.dma_semaphore, #tpu.memory_space<semaphore_mem>>)
    %mul3A_1296 = arith.constant 13 : i32
    %mul3A_1297 = arith.muli %add3A, %mul3A_1296 : i32
    %add3A_1298 = arith.constant 11 : i32
    %add3A_1299 = arith.addi %mul3A_1297, %add3A_1298 : i32
    %jit3A_1300 = arith.constant 16 : i32
    %div3A_1301 = arith.divsi %add3A_1299, %jit3A_1300 : i32
    %sign3A_1302 = arith.constant 0 : i32
    %sign3A_1303 = arith.cmpi sgt, %add3A_1299, %sign3A_1302 : i32
    %sign3A_1304 = arith.extui %sign3A_1303 : i1 to i32
    %sign3A_1305 = arith.constant 0 : i32
    %sign3A_1306 = arith.cmpi slt, %add3A_1299, %sign3A_1305 : i32
    %sign3A_1307 = arith.extui %sign3A_1306 : i1 to i32
    %sign3A_1308 = arith.subi %sign3A_1304, %sign3A_1307 : i32
    %sign3A_1309 = arith.constant 0 : i32
    %sign3A_1310 = arith.cmpi sgt, %jit3A_1300, %sign3A_1309 : i32
    %sign3A_1311 = arith.extui %sign3A_1310 : i1 to i32
    %sign3A_1312 = arith.constant 0 : i32
    %sign3A_1313 = arith.cmpi slt, %jit3A_1300, %sign3A_1312 : i32
    %sign3A_1314 = arith.extui %sign3A_1313 : i1 to i32
    %sign3A_1315 = arith.subi %sign3A_1311, %sign3A_1314 : i32
    %ne3A_1316 = arith.cmpi ne, %sign3A_1308, %sign3A_1315 : i32
    %rem3A_1317 = arith.remsi %add3A_1299, %jit3A_1300 : i32
    %ne3A_1318 = arith.constant 0 : i32
    %ne3A_1319 = arith.cmpi ne, %rem3A_1317, %ne3A_1318 : i32
    %and3A_1320 = arith.andi %ne3A_1316, %ne3A_1319 : i1
    %sub3A_1321 = arith.constant 1 : i32
    %sub3A_1322 = arith.subi %div3A_1301, %sub3A_1321 : i32
    %select_n3A_1323 = arith.select %and3A_1320, %sub3A_1322, %div3A_1301 : i32
    %dma_start3A_1324 = arith.constant 0 : i32
    %dma_start3A_1325 = tpu.memref_slice %arg3[%add3A_1299, %dma_start3A_1324] : memref<416x100001xf32, #tpu.memory_space<hbm>> -> memref<1x100001xf32, #tpu.memory_space<hbm>>
    %dma_start3A_1326 = tpu.memref_squeeze %dma_start3A_1325 : memref<1x100001xf32, #tpu.memory_space<hbm>> -> memref<100001xf32, #tpu.memory_space<hbm>>
    %dma_start3A_1327 = arith.constant 0 : i32
    %dma_start3A_1328 = tpu.memref_slice %arg3[%add3A_1299, %dma_start3A_1327] : memref<416x100001xf32, #tpu.memory_space<hbm>> -> memref<1x100001xf32, #tpu.memory_space<hbm>>
    %dma_start3A_1329 = tpu.memref_squeeze %dma_start3A_1328 : memref<1x100001xf32, #tpu.memory_space<hbm>> -> memref<100001xf32, #tpu.memory_space<hbm>>
    tpu.enqueue_dma source(%dma_start3A_1329 : memref<100001xf32, #tpu.memory_space<hbm>>) target(%arg5 : memref<100001xf32, #tpu.memory_space<vmem>>) target_semaphore(%arg9 : memref<!tpu.dma_semaphore, #tpu.memory_space<semaphore_mem>>)
    %jit3A_1330 = arith.constant 16 : i32
    %eq3A_1331 = arith.constant 0 : i32
    %eq3A_1332 = arith.cmpi eq, %jit3A_1330, %eq3A_1331 : i32
    %jit3A_1333 = arith.constant 1 : i32
    %select_n3A_1334 = arith.select %eq3A_1332, %jit3A_1333, %jit3A_1330 : i32
    %rem3A_1335 = arith.remsi %add3A_1299, %select_n3A_1334 : i32
    %ne3A_1336 = arith.constant 0 : i32
    %ne3A_1337 = arith.cmpi ne, %rem3A_1335, %ne3A_1336 : i32
    %lt3A_1338 = arith.constant 0 : i32
    %lt3A_1339 = arith.cmpi slt, %rem3A_1335, %lt3A_1338 : i32
    %lt3A_1340 = arith.constant 0 : i32
    %lt3A_1341 = arith.cmpi slt, %select_n3A_1334, %lt3A_1340 : i32
    %ne3A_1342 = arith.xori %lt3A_1339, %lt3A_1341 : i1
    %and3A_1343 = arith.andi %ne3A_1342, %ne3A_1337 : i1
    %add3A_1344 = arith.addi %rem3A_1335, %select_n3A_1334 : i32
    %select_n3A_1345 = arith.select %and3A_1343, %add3A_1344, %rem3A_1335 : i32
    %eq3A_1346 = arith.constant 0 : i32
    %eq3A_1347 = arith.cmpi eq, %select_n3A_1345, %eq3A_1346 : i32
    %convert_element_type3A_1348 = arith.extui %eq3A_1347 : i1 to i32
    %cond3A_1349 = arith.constant 0 : i32
    %cond3A_1350 = arith.cmpi ne, %convert_element_type3A_1348, %cond3A_1349 : i32
    scf.if %cond3A_1350 {
      %dma_start3A_1552 = arith.constant 0 : i32
      %dma_start3A_1553 = tpu.memref_slice %arg2[%select_n3A_1323, %dma_start3A_1552] : memref<26x16384xi32, #tpu.memory_space<hbm>> -> memref<1x16384xi32, #tpu.memory_space<hbm>>
      %dma_start3A_1554 = tpu.memref_squeeze %dma_start3A_1553 : memref<1x16384xi32, #tpu.memory_space<hbm>> -> memref<16384xi32, #tpu.memory_space<hbm>>
      %dma_start3A_1555 = arith.constant 0 : i32
      %dma_start3A_1556 = tpu.memref_slice %arg2[%select_n3A_1323, %dma_start3A_1555] : memref<26x16384xi32, #tpu.memory_space<hbm>> -> memref<1x16384xi32, #tpu.memory_space<hbm>>
      %dma_start3A_1557 = tpu.memref_squeeze %dma_start3A_1556 : memref<1x16384xi32, #tpu.memory_space<hbm>> -> memref<16384xi32, #tpu.memory_space<hbm>>
      tpu.enqueue_dma source(%dma_start3A_1557 : memref<16384xi32, #tpu.memory_space<hbm>>) target(%arg6 : memref<16384xi32, #tpu.memory_space<vmem>>) target_semaphore(%arg10 : memref<!tpu.dma_semaphore, #tpu.memory_space<semaphore_mem>>)
      %dma_wait3A_1558 = arith.constant 0 : i32
      %dma_wait3A_1559 = tpu.memref_slice %arg2[%select_n3A_1323, %dma_wait3A_1558] : memref<26x16384xi32, #tpu.memory_space<hbm>> -> memref<1x16384xi32, #tpu.memory_space<hbm>>
      %dma_wait3A_1560 = tpu.memref_squeeze %dma_wait3A_1559 : memref<1x16384xi32, #tpu.memory_space<hbm>> -> memref<16384xi32, #tpu.memory_space<hbm>>
      %dma_wait3A_1561 = arith.constant 0 : i32
      %dma_wait3A_1562 = tpu.memref_slice %arg2[%select_n3A_1323, %dma_wait3A_1561] : memref<26x16384xi32, #tpu.memory_space<hbm>> -> memref<1x16384xi32, #tpu.memory_space<hbm>>
      %dma_wait3A_1563 = tpu.memref_squeeze %dma_wait3A_1562 : memref<1x16384xi32, #tpu.memory_space<hbm>> -> memref<16384xi32, #tpu.memory_space<hbm>>
      tpu.wait_dma2 semaphore(%arg10 : memref<!tpu.dma_semaphore, #tpu.memory_space<semaphore_mem>>) src(%dma_wait3A_1563 : memref<16384xi32, #tpu.memory_space<hbm>>) dst(%arg6 : memref<16384xi32, #tpu.memory_space<vmem>>)
    } else {
    }
    %dma_wait3A_1351 = arith.constant 0 : i32
    %dma_wait3A_1352 = tpu.memref_slice %arg3[%add3A_1299, %dma_wait3A_1351] : memref<416x100001xf32, #tpu.memory_space<hbm>> -> memref<1x100001xf32, #tpu.memory_space<hbm>>
    %dma_wait3A_1353 = tpu.memref_squeeze %dma_wait3A_1352 : memref<1x100001xf32, #tpu.memory_space<hbm>> -> memref<100001xf32, #tpu.memory_space<hbm>>
    %dma_wait3A_1354 = arith.constant 0 : i32
    %dma_wait3A_1355 = tpu.memref_slice %arg3[%add3A_1299, %dma_wait3A_1354] : memref<416x100001xf32, #tpu.memory_space<hbm>> -> memref<1x100001xf32, #tpu.memory_space<hbm>>
    %dma_wait3A_1356 = tpu.memref_squeeze %dma_wait3A_1355 : memref<1x100001xf32, #tpu.memory_space<hbm>> -> memref<100001xf32, #tpu.memory_space<hbm>>
    tpu.wait_dma2 semaphore(%arg9 : memref<!tpu.dma_semaphore, #tpu.memory_space<semaphore_mem>>) src(%dma_wait3A_1356 : memref<100001xf32, #tpu.memory_space<hbm>>) dst(%arg5 : memref<100001xf32, #tpu.memory_space<vmem>>)
    %dma_wait3A_1357 = arith.constant 0 : i32
    %dma_wait3A_1358 = tpu.memref_slice %arg4[%add3A_1299, %dma_wait3A_1357] : memref<416x16384xf32, #tpu.memory_space<hbm>> -> memref<1x4096xf32, #tpu.memory_space<hbm>>
    %dma_wait3A_1359 = tpu.memref_squeeze %dma_wait3A_1358 : memref<1x4096xf32, #tpu.memory_space<hbm>> -> memref<4096xf32, #tpu.memory_space<hbm>>
    %dma_wait3A_1360 = arith.constant 0 : i32
    %dma_wait3A_1361 = tpu.memref_slice %arg4[%add3A_1299, %dma_wait3A_1360] : memref<416x16384xf32, #tpu.memory_space<hbm>> -> memref<1x4096xf32, #tpu.memory_space<hbm>>
    %dma_wait3A_1362 = tpu.memref_squeeze %dma_wait3A_1361 : memref<1x4096xf32, #tpu.memory_space<hbm>> -> memref<4096xf32, #tpu.memory_space<hbm>>
    tpu.wait_dma2 semaphore(%arg11 : memref<!tpu.dma_semaphore, #tpu.memory_space<semaphore_mem>>) src(%arg7 : memref<4096xf32, #tpu.memory_space<vmem>>) dst(%dma_wait3A_1362 : memref<4096xf32, #tpu.memory_space<hbm>>)
    %parallel_loop3A_1363 = arith.constant 0 : i32
    %parallel_loop3A_1364 = arith.constant 4096 : i32
    %parallel_loop3A_1365 = arith.constant 16 : i32
    scf.for %parallel_loop3A_1552 = %parallel_loop3A_1363 to %parallel_loop3A_1364 step %parallel_loop3A_1365  : i32 {
      %parallel_loop3A_1553 = arith.constant 0 : i32
      %parallel_loop3A_1554 = arith.addi %parallel_loop3A_1553, %parallel_loop3A_1552 : i32
      %parallel_loop3A_1555 = arith.index_cast %parallel_loop3A_1554 : i32 to index
      %parallel_loop3A_1556 = tpu.vector_load %arg6[%parallel_loop3A_1555] {strides = array<i32>} : memref<16384xi32, #tpu.memory_space<vmem>>, vector<16xi32>,
      %parallel_loop3A_1557 = tpu.vector_load_idx %arg5[%parallel_loop3A_1556] : memref<100001xf32, #tpu.memory_space<vmem>>[vector<16xi32>], vector<16xf32>,
      %parallel_loop3A_1558 = arith.index_cast %parallel_loop3A_1552 : i32 to index
      %parallel_loop3A_1559 = tpu.vector_load %arg7[%parallel_loop3A_1558] {strides = array<i32>} : memref<4096xf32, #tpu.memory_space<vmem>>, vector<16xf32>,
      tpu.vector_store %arg7[%parallel_loop3A_1558], %parallel_loop3A_1557 {strides = array<i32>} : memref<4096xf32, #tpu.memory_space<vmem>>, vector<16xf32>,
    } {sc.loop_unroll_factor = 8 : i64, sc.parallel_access}
    %dma_start3A_1366 = arith.constant 0 : i32
    %dma_start3A_1367 = tpu.memref_slice %arg4[%add3A_1299, %dma_start3A_1366] : memref<416x16384xf32, #tpu.memory_space<hbm>> -> memref<1x4096xf32, #tpu.memory_space<hbm>>
    %dma_start3A_1368 = tpu.memref_squeeze %dma_start3A_1367 : memref<1x4096xf32, #tpu.memory_space<hbm>> -> memref<4096xf32, #tpu.memory_space<hbm>>
    %dma_start3A_1369 = arith.constant 0 : i32
    %dma_start3A_1370 = tpu.memref_slice %arg4[%add3A_1299, %dma_start3A_1369] : memref<416x16384xf32, #tpu.memory_space<hbm>> -> memref<1x4096xf32, #tpu.memory_space<hbm>>
    %dma_start3A_1371 = tpu.memref_squeeze %dma_start3A_1370 : memref<1x4096xf32, #tpu.memory_space<hbm>> -> memref<4096xf32, #tpu.memory_space<hbm>>
    tpu.enqueue_dma source(%arg7 : memref<4096xf32, #tpu.memory_space<vmem>>) target(%dma_start3A_1371 : memref<4096xf32, #tpu.memory_space<hbm>>) target_semaphore(%arg11 : memref<!tpu.dma_semaphore, #tpu.memory_space<semaphore_mem>>)
    %dma_wait3A_1372 = arith.constant 0 : i32
    %dma_wait3A_1373 = tpu.memref_slice %arg4[%add3A_1299, %dma_wait3A_1372] : memref<416x16384xf32, #tpu.memory_space<hbm>> -> memref<1x4096xf32, #tpu.memory_space<hbm>>
    %dma_wait3A_1374 = tpu.memref_squeeze %dma_wait3A_1373 : memref<1x4096xf32, #tpu.memory_space<hbm>> -> memref<4096xf32, #tpu.memory_space<hbm>>
    %dma_wait3A_1375 = arith.constant 0 : i32
    %dma_wait3A_1376 = tpu.memref_slice %arg4[%add3A_1299, %dma_wait3A_1375] : memref<416x16384xf32, #tpu.memory_space<hbm>> -> memref<1x4096xf32, #tpu.memory_space<hbm>>
    %dma_wait3A_1377 = tpu.memref_squeeze %dma_wait3A_1376 : memref<1x4096xf32, #tpu.memory_space<hbm>> -> memref<4096xf32, #tpu.memory_space<hbm>>
    tpu.wait_dma2 semaphore(%arg12 : memref<!tpu.dma_semaphore, #tpu.memory_space<semaphore_mem>>) src(%arg8 : memref<4096xf32, #tpu.memory_space<vmem>>) dst(%dma_wait3A_1377 : memref<4096xf32, #tpu.memory_space<hbm>>)
    %parallel_loop3A_1378 = arith.constant 0 : i32
    %parallel_loop3A_1379 = arith.constant 4096 : i32
    %parallel_loop3A_1380 = arith.constant 16 : i32
    scf.for %parallel_loop3A_1552 = %parallel_loop3A_1378 to %parallel_loop3A_1379 step %parallel_loop3A_1380  : i32 {
      %parallel_loop3A_1553 = arith.constant 4096 : i32
      %parallel_loop3A_1554 = arith.addi %parallel_loop3A_1553, %parallel_loop3A_1552 : i32
      %parallel_loop3A_1555 = arith.index_cast %parallel_loop3A_1554 : i32 to index
      %parallel_loop3A_1556 = tpu.vector_load %arg6[%parallel_loop3A_1555] {strides = array<i32>} : memref<16384xi32, #tpu.memory_space<vmem>>, vector<16xi32>,
      %parallel_loop3A_1557 = tpu.vector_load_idx %arg5[%parallel_loop3A_1556] : memref<100001xf32, #tpu.memory_space<vmem>>[vector<16xi32>], vector<16xf32>,
      %parallel_loop3A_1558 = arith.index_cast %parallel_loop3A_1552 : i32 to index
      %parallel_loop3A_1559 = tpu.vector_load %arg8[%parallel_loop3A_1558] {strides = array<i32>} : memref<4096xf32, #tpu.memory_space<vmem>>, vector<16xf32>,
      tpu.vector_store %arg8[%parallel_loop3A_1558], %parallel_loop3A_1557 {strides = array<i32>} : memref<4096xf32, #tpu.memory_space<vmem>>, vector<16xf32>,
    } {sc.loop_unroll_factor = 8 : i64, sc.parallel_access}
    %dma_start3A_1381 = arith.constant 4096 : i32
    %dma_start3A_1382 = tpu.memref_slice %arg4[%add3A_1299, %dma_start3A_1381] : memref<416x16384xf32, #tpu.memory_space<hbm>> -> memref<1x4096xf32, #tpu.memory_space<hbm>>
    %dma_start3A_1383 = tpu.memref_squeeze %dma_start3A_1382 : memref<1x4096xf32, #tpu.memory_space<hbm>> -> memref<4096xf32, #tpu.memory_space<hbm>>
    %dma_start3A_1384 = arith.constant 4096 : i32
    %dma_start3A_1385 = tpu.memref_slice %arg4[%add3A_1299, %dma_start3A_1384] : memref<416x16384xf32, #tpu.memory_space<hbm>> -> memref<1x4096xf32, #tpu.memory_space<hbm>>
    %dma_start3A_1386 = tpu.memref_squeeze %dma_start3A_1385 : memref<1x4096xf32, #tpu.memory_space<hbm>> -> memref<4096xf32, #tpu.memory_space<hbm>>
    tpu.enqueue_dma source(%arg8 : memref<4096xf32, #tpu.memory_space<vmem>>) target(%dma_start3A_1386 : memref<4096xf32, #tpu.memory_space<hbm>>) target_semaphore(%arg12 : memref<!tpu.dma_semaphore, #tpu.memory_space<semaphore_mem>>)
    %dma_wait3A_1387 = arith.constant 0 : i32
    %dma_wait3A_1388 = tpu.memref_slice %arg4[%add3A_1299, %dma_wait3A_1387] : memref<416x16384xf32, #tpu.memory_space<hbm>> -> memref<1x4096xf32, #tpu.memory_space<hbm>>
    %dma_wait3A_1389 = tpu.memref_squeeze %dma_wait3A_1388 : memref<1x4096xf32, #tpu.memory_space<hbm>> -> memref<4096xf32, #tpu.memory_space<hbm>>
    %dma_wait3A_1390 = arith.constant 0 : i32
    %dma_wait3A_1391 = tpu.memref_slice %arg4[%add3A_1299, %dma_wait3A_1390] : memref<416x16384xf32, #tpu.memory_space<hbm>> -> memref<1x4096xf32, #tpu.memory_space<hbm>>
    %dma_wait3A_1392 = tpu.memref_squeeze %dma_wait3A_1391 : memref<1x4096xf32, #tpu.memory_space<hbm>> -> memref<4096xf32, #tpu.memory_space<hbm>>
    tpu.wait_dma2 semaphore(%arg11 : memref<!tpu.dma_semaphore, #tpu.memory_space<semaphore_mem>>) src(%arg7 : memref<4096xf32, #tpu.memory_space<vmem>>) dst(%dma_wait3A_1392 : memref<4096xf32, #tpu.memory_space<hbm>>)
    %parallel_loop3A_1393 = arith.constant 0 : i32
    %parallel_loop3A_1394 = arith.constant 4096 : i32
    %parallel_loop3A_1395 = arith.constant 16 : i32
    scf.for %parallel_loop3A_1552 = %parallel_loop3A_1393 to %parallel_loop3A_1394 step %parallel_loop3A_1395  : i32 {
      %parallel_loop3A_1553 = arith.constant 8192 : i32
      %parallel_loop3A_1554 = arith.addi %parallel_loop3A_1553, %parallel_loop3A_1552 : i32
      %parallel_loop3A_1555 = arith.index_cast %parallel_loop3A_1554 : i32 to index
      %parallel_loop3A_1556 = tpu.vector_load %arg6[%parallel_loop3A_1555] {strides = array<i32>} : memref<16384xi32, #tpu.memory_space<vmem>>, vector<16xi32>,
      %parallel_loop3A_1557 = tpu.vector_load_idx %arg5[%parallel_loop3A_1556] : memref<100001xf32, #tpu.memory_space<vmem>>[vector<16xi32>], vector<16xf32>,
      %parallel_loop3A_1558 = arith.index_cast %parallel_loop3A_1552 : i32 to index
      %parallel_loop3A_1559 = tpu.vector_load %arg7[%parallel_loop3A_1558] {strides = array<i32>} : memref<4096xf32, #tpu.memory_space<vmem>>, vector<16xf32>,
      tpu.vector_store %arg7[%parallel_loop3A_1558], %parallel_loop3A_1557 {strides = array<i32>} : memref<4096xf32, #tpu.memory_space<vmem>>, vector<16xf32>,
    } {sc.loop_unroll_factor = 8 : i64, sc.parallel_access}
    %dma_start3A_1396 = arith.constant 8192 : i32
    %dma_start3A_1397 = tpu.memref_slice %arg4[%add3A_1299, %dma_start3A_1396] : memref<416x16384xf32, #tpu.memory_space<hbm>> -> memref<1x4096xf32, #tpu.memory_space<hbm>>
    %dma_start3A_1398 = tpu.memref_squeeze %dma_start3A_1397 : memref<1x4096xf32, #tpu.memory_space<hbm>> -> memref<4096xf32, #tpu.memory_space<hbm>>
    %dma_start3A_1399 = arith.constant 8192 : i32
    %dma_start3A_1400 = tpu.memref_slice %arg4[%add3A_1299, %dma_start3A_1399] : memref<416x16384xf32, #tpu.memory_space<hbm>> -> memref<1x4096xf32, #tpu.memory_space<hbm>>
    %dma_start3A_1401 = tpu.memref_squeeze %dma_start3A_1400 : memref<1x4096xf32, #tpu.memory_space<hbm>> -> memref<4096xf32, #tpu.memory_space<hbm>>
    tpu.enqueue_dma source(%arg7 : memref<4096xf32, #tpu.memory_space<vmem>>) target(%dma_start3A_1401 : memref<4096xf32, #tpu.memory_space<hbm>>) target_semaphore(%arg11 : memref<!tpu.dma_semaphore, #tpu.memory_space<semaphore_mem>>)
    %dma_wait3A_1402 = arith.constant 0 : i32
    %dma_wait3A_1403 = tpu.memref_slice %arg4[%add3A_1299, %dma_wait3A_1402] : memref<416x16384xf32, #tpu.memory_space<hbm>> -> memref<1x4096xf32, #tpu.memory_space<hbm>>
    %dma_wait3A_1404 = tpu.memref_squeeze %dma_wait3A_1403 : memref<1x4096xf32, #tpu.memory_space<hbm>> -> memref<4096xf32, #tpu.memory_space<hbm>>
    %dma_wait3A_1405 = arith.constant 0 : i32
    %dma_wait3A_1406 = tpu.memref_slice %arg4[%add3A_1299, %dma_wait3A_1405] : memref<416x16384xf32, #tpu.memory_space<hbm>> -> memref<1x4096xf32, #tpu.memory_space<hbm>>
    %dma_wait3A_1407 = tpu.memref_squeeze %dma_wait3A_1406 : memref<1x4096xf32, #tpu.memory_space<hbm>> -> memref<4096xf32, #tpu.memory_space<hbm>>
    tpu.wait_dma2 semaphore(%arg12 : memref<!tpu.dma_semaphore, #tpu.memory_space<semaphore_mem>>) src(%arg8 : memref<4096xf32, #tpu.memory_space<vmem>>) dst(%dma_wait3A_1407 : memref<4096xf32, #tpu.memory_space<hbm>>)
    %parallel_loop3A_1408 = arith.constant 0 : i32
    %parallel_loop3A_1409 = arith.constant 4096 : i32
    %parallel_loop3A_1410 = arith.constant 16 : i32
    scf.for %parallel_loop3A_1552 = %parallel_loop3A_1408 to %parallel_loop3A_1409 step %parallel_loop3A_1410  : i32 {
      %parallel_loop3A_1553 = arith.constant 12288 : i32
      %parallel_loop3A_1554 = arith.addi %parallel_loop3A_1553, %parallel_loop3A_1552 : i32
      %parallel_loop3A_1555 = arith.index_cast %parallel_loop3A_1554 : i32 to index
      %parallel_loop3A_1556 = tpu.vector_load %arg6[%parallel_loop3A_1555] {strides = array<i32>} : memref<16384xi32, #tpu.memory_space<vmem>>, vector<16xi32>,
      %parallel_loop3A_1557 = tpu.vector_load_idx %arg5[%parallel_loop3A_1556] : memref<100001xf32, #tpu.memory_space<vmem>>[vector<16xi32>], vector<16xf32>,
      %parallel_loop3A_1558 = arith.index_cast %parallel_loop3A_1552 : i32 to index
      %parallel_loop3A_1559 = tpu.vector_load %arg8[%parallel_loop3A_1558] {strides = array<i32>} : memref<4096xf32, #tpu.memory_space<vmem>>, vector<16xf32>,
      tpu.vector_store %arg8[%parallel_loop3A_1558], %parallel_loop3A_1557 {strides = array<i32>} : memref<4096xf32, #tpu.memory_space<vmem>>, vector<16xf32>,
    } {sc.loop_unroll_factor = 8 : i64, sc.parallel_access}
    %dma_start3A_1411 = arith.constant 12288 : i32
    %dma_start3A_1412 = tpu.memref_slice %arg4[%add3A_1299, %dma_start3A_1411] : memref<416x16384xf32, #tpu.memory_space<hbm>> -> memref<1x4096xf32, #tpu.memory_space<hbm>>
    %dma_start3A_1413 = tpu.memref_squeeze %dma_start3A_1412 : memref<1x4096xf32, #tpu.memory_space<hbm>> -> memref<4096xf32, #tpu.memory_space<hbm>>
    %dma_start3A_1414 = arith.constant 12288 : i32
    %dma_start3A_1415 = tpu.memref_slice %arg4[%add3A_1299, %dma_start3A_1414] : memref<416x16384xf32, #tpu.memory_space<hbm>> -> memref<1x4096xf32, #tpu.memory_space<hbm>>
    %dma_start3A_1416 = tpu.memref_squeeze %dma_start3A_1415 : memref<1x4096xf32, #tpu.memory_space<hbm>> -> memref<4096xf32, #tpu.memory_space<hbm>>
    tpu.enqueue_dma source(%arg8 : memref<4096xf32, #tpu.memory_space<vmem>>) target(%dma_start3A_1416 : memref<4096xf32, #tpu.memory_space<hbm>>) target_semaphore(%arg12 : memref<!tpu.dma_semaphore, #tpu.memory_space<semaphore_mem>>)
    %mul3A_1417 = arith.constant 13 : i32
    %mul3A_1418 = arith.muli %add3A, %mul3A_1417 : i32
    %add3A_1419 = arith.constant 12 : i32
    %add3A_1420 = arith.addi %mul3A_1418, %add3A_1419 : i32
    %jit3A_1421 = arith.constant 16 : i32
    %div3A_1422 = arith.divsi %add3A_1420, %jit3A_1421 : i32
    %sign3A_1423 = arith.constant 0 : i32
    %sign3A_1424 = arith.cmpi sgt, %add3A_1420, %sign3A_1423 : i32
    %sign3A_1425 = arith.extui %sign3A_1424 : i1 to i32
    %sign3A_1426 = arith.constant 0 : i32
    %sign3A_1427 = arith.cmpi slt, %add3A_1420, %sign3A_1426 : i32
    %sign3A_1428 = arith.extui %sign3A_1427 : i1 to i32
    %sign3A_1429 = arith.subi %sign3A_1425, %sign3A_1428 : i32
    %sign3A_1430 = arith.constant 0 : i32
    %sign3A_1431 = arith.cmpi sgt, %jit3A_1421, %sign3A_1430 : i32
    %sign3A_1432 = arith.extui %sign3A_1431 : i1 to i32
    %sign3A_1433 = arith.constant 0 : i32
    %sign3A_1434 = arith.cmpi slt, %jit3A_1421, %sign3A_1433 : i32
    %sign3A_1435 = arith.extui %sign3A_1434 : i1 to i32
    %sign3A_1436 = arith.subi %sign3A_1432, %sign3A_1435 : i32
    %ne3A_1437 = arith.cmpi ne, %sign3A_1429, %sign3A_1436 : i32
    %rem3A_1438 = arith.remsi %add3A_1420, %jit3A_1421 : i32
    %ne3A_1439 = arith.constant 0 : i32
    %ne3A_1440 = arith.cmpi ne, %rem3A_1438, %ne3A_1439 : i32
    %and3A_1441 = arith.andi %ne3A_1437, %ne3A_1440 : i1
    %sub3A_1442 = arith.constant 1 : i32
    %sub3A_1443 = arith.subi %div3A_1422, %sub3A_1442 : i32
    %select_n3A_1444 = arith.select %and3A_1441, %sub3A_1443, %div3A_1422 : i32
    %dma_start3A_1445 = arith.constant 0 : i32
    %dma_start3A_1446 = tpu.memref_slice %arg3[%add3A_1420, %dma_start3A_1445] : memref<416x100001xf32, #tpu.memory_space<hbm>> -> memref<1x100001xf32, #tpu.memory_space<hbm>>
    %dma_start3A_1447 = tpu.memref_squeeze %dma_start3A_1446 : memref<1x100001xf32, #tpu.memory_space<hbm>> -> memref<100001xf32, #tpu.memory_space<hbm>>
    %dma_start3A_1448 = arith.constant 0 : i32
    %dma_start3A_1449 = tpu.memref_slice %arg3[%add3A_1420, %dma_start3A_1448] : memref<416x100001xf32, #tpu.memory_space<hbm>> -> memref<1x100001xf32, #tpu.memory_space<hbm>>
    %dma_start3A_1450 = tpu.memref_squeeze %dma_start3A_1449 : memref<1x100001xf32, #tpu.memory_space<hbm>> -> memref<100001xf32, #tpu.memory_space<hbm>>
    tpu.enqueue_dma source(%dma_start3A_1450 : memref<100001xf32, #tpu.memory_space<hbm>>) target(%arg5 : memref<100001xf32, #tpu.memory_space<vmem>>) target_semaphore(%arg9 : memref<!tpu.dma_semaphore, #tpu.memory_space<semaphore_mem>>)
    %jit3A_1451 = arith.constant 16 : i32
    %eq3A_1452 = arith.constant 0 : i32
    %eq3A_1453 = arith.cmpi eq, %jit3A_1451, %eq3A_1452 : i32
    %jit3A_1454 = arith.constant 1 : i32
    %select_n3A_1455 = arith.select %eq3A_1453, %jit3A_1454, %jit3A_1451 : i32
    %rem3A_1456 = arith.remsi %add3A_1420, %select_n3A_1455 : i32
    %ne3A_1457 = arith.constant 0 : i32
    %ne3A_1458 = arith.cmpi ne, %rem3A_1456, %ne3A_1457 : i32
    %lt3A_1459 = arith.constant 0 : i32
    %lt3A_1460 = arith.cmpi slt, %rem3A_1456, %lt3A_1459 : i32
    %lt3A_1461 = arith.constant 0 : i32
    %lt3A_1462 = arith.cmpi slt, %select_n3A_1455, %lt3A_1461 : i32
    %ne3A_1463 = arith.xori %lt3A_1460, %lt3A_1462 : i1
    %and3A_1464 = arith.andi %ne3A_1463, %ne3A_1458 : i1
    %add3A_1465 = arith.addi %rem3A_1456, %select_n3A_1455 : i32
    %select_n3A_1466 = arith.select %and3A_1464, %add3A_1465, %rem3A_1456 : i32
    %eq3A_1467 = arith.constant 0 : i32
    %eq3A_1468 = arith.cmpi eq, %select_n3A_1466, %eq3A_1467 : i32
    %convert_element_type3A_1469 = arith.extui %eq3A_1468 : i1 to i32
    %cond3A_1470 = arith.constant 0 : i32
    %cond3A_1471 = arith.cmpi ne, %convert_element_type3A_1469, %cond3A_1470 : i32
    scf.if %cond3A_1471 {
      %dma_start3A_1552 = arith.constant 0 : i32
      %dma_start3A_1553 = tpu.memref_slice %arg2[%select_n3A_1444, %dma_start3A_1552] : memref<26x16384xi32, #tpu.memory_space<hbm>> -> memref<1x16384xi32, #tpu.memory_space<hbm>>
      %dma_start3A_1554 = tpu.memref_squeeze %dma_start3A_1553 : memref<1x16384xi32, #tpu.memory_space<hbm>> -> memref<16384xi32, #tpu.memory_space<hbm>>
      %dma_start3A_1555 = arith.constant 0 : i32
      %dma_start3A_1556 = tpu.memref_slice %arg2[%select_n3A_1444, %dma_start3A_1555] : memref<26x16384xi32, #tpu.memory_space<hbm>> -> memref<1x16384xi32, #tpu.memory_space<hbm>>
      %dma_start3A_1557 = tpu.memref_squeeze %dma_start3A_1556 : memref<1x16384xi32, #tpu.memory_space<hbm>> -> memref<16384xi32, #tpu.memory_space<hbm>>
      tpu.enqueue_dma source(%dma_start3A_1557 : memref<16384xi32, #tpu.memory_space<hbm>>) target(%arg6 : memref<16384xi32, #tpu.memory_space<vmem>>) target_semaphore(%arg10 : memref<!tpu.dma_semaphore, #tpu.memory_space<semaphore_mem>>)
      %dma_wait3A_1558 = arith.constant 0 : i32
      %dma_wait3A_1559 = tpu.memref_slice %arg2[%select_n3A_1444, %dma_wait3A_1558] : memref<26x16384xi32, #tpu.memory_space<hbm>> -> memref<1x16384xi32, #tpu.memory_space<hbm>>
      %dma_wait3A_1560 = tpu.memref_squeeze %dma_wait3A_1559 : memref<1x16384xi32, #tpu.memory_space<hbm>> -> memref<16384xi32, #tpu.memory_space<hbm>>
      %dma_wait3A_1561 = arith.constant 0 : i32
      %dma_wait3A_1562 = tpu.memref_slice %arg2[%select_n3A_1444, %dma_wait3A_1561] : memref<26x16384xi32, #tpu.memory_space<hbm>> -> memref<1x16384xi32, #tpu.memory_space<hbm>>
      %dma_wait3A_1563 = tpu.memref_squeeze %dma_wait3A_1562 : memref<1x16384xi32, #tpu.memory_space<hbm>> -> memref<16384xi32, #tpu.memory_space<hbm>>
      tpu.wait_dma2 semaphore(%arg10 : memref<!tpu.dma_semaphore, #tpu.memory_space<semaphore_mem>>) src(%dma_wait3A_1563 : memref<16384xi32, #tpu.memory_space<hbm>>) dst(%arg6 : memref<16384xi32, #tpu.memory_space<vmem>>)
    } else {
    }
    %dma_wait3A_1472 = arith.constant 0 : i32
    %dma_wait3A_1473 = tpu.memref_slice %arg3[%add3A_1420, %dma_wait3A_1472] : memref<416x100001xf32, #tpu.memory_space<hbm>> -> memref<1x100001xf32, #tpu.memory_space<hbm>>
    %dma_wait3A_1474 = tpu.memref_squeeze %dma_wait3A_1473 : memref<1x100001xf32, #tpu.memory_space<hbm>> -> memref<100001xf32, #tpu.memory_space<hbm>>
    %dma_wait3A_1475 = arith.constant 0 : i32
    %dma_wait3A_1476 = tpu.memref_slice %arg3[%add3A_1420, %dma_wait3A_1475] : memref<416x100001xf32, #tpu.memory_space<hbm>> -> memref<1x100001xf32, #tpu.memory_space<hbm>>
    %dma_wait3A_1477 = tpu.memref_squeeze %dma_wait3A_1476 : memref<1x100001xf32, #tpu.memory_space<hbm>> -> memref<100001xf32, #tpu.memory_space<hbm>>
    tpu.wait_dma2 semaphore(%arg9 : memref<!tpu.dma_semaphore, #tpu.memory_space<semaphore_mem>>) src(%dma_wait3A_1477 : memref<100001xf32, #tpu.memory_space<hbm>>) dst(%arg5 : memref<100001xf32, #tpu.memory_space<vmem>>)
    %dma_wait3A_1478 = arith.constant 0 : i32
    %dma_wait3A_1479 = tpu.memref_slice %arg4[%add3A_1420, %dma_wait3A_1478] : memref<416x16384xf32, #tpu.memory_space<hbm>> -> memref<1x4096xf32, #tpu.memory_space<hbm>>
    %dma_wait3A_1480 = tpu.memref_squeeze %dma_wait3A_1479 : memref<1x4096xf32, #tpu.memory_space<hbm>> -> memref<4096xf32, #tpu.memory_space<hbm>>
    %dma_wait3A_1481 = arith.constant 0 : i32
    %dma_wait3A_1482 = tpu.memref_slice %arg4[%add3A_1420, %dma_wait3A_1481] : memref<416x16384xf32, #tpu.memory_space<hbm>> -> memref<1x4096xf32, #tpu.memory_space<hbm>>
    %dma_wait3A_1483 = tpu.memref_squeeze %dma_wait3A_1482 : memref<1x4096xf32, #tpu.memory_space<hbm>> -> memref<4096xf32, #tpu.memory_space<hbm>>
    tpu.wait_dma2 semaphore(%arg11 : memref<!tpu.dma_semaphore, #tpu.memory_space<semaphore_mem>>) src(%arg7 : memref<4096xf32, #tpu.memory_space<vmem>>) dst(%dma_wait3A_1483 : memref<4096xf32, #tpu.memory_space<hbm>>)
    %parallel_loop3A_1484 = arith.constant 0 : i32
    %parallel_loop3A_1485 = arith.constant 4096 : i32
    %parallel_loop3A_1486 = arith.constant 16 : i32
    scf.for %parallel_loop3A_1552 = %parallel_loop3A_1484 to %parallel_loop3A_1485 step %parallel_loop3A_1486  : i32 {
      %parallel_loop3A_1553 = arith.constant 0 : i32
      %parallel_loop3A_1554 = arith.addi %parallel_loop3A_1553, %parallel_loop3A_1552 : i32
      %parallel_loop3A_1555 = arith.index_cast %parallel_loop3A_1554 : i32 to index
      %parallel_loop3A_1556 = tpu.vector_load %arg6[%parallel_loop3A_1555] {strides = array<i32>} : memref<16384xi32, #tpu.memory_space<vmem>>, vector<16xi32>,
      %parallel_loop3A_1557 = tpu.vector_load_idx %arg5[%parallel_loop3A_1556] : memref<100001xf32, #tpu.memory_space<vmem>>[vector<16xi32>], vector<16xf32>,
      %parallel_loop3A_1558 = arith.index_cast %parallel_loop3A_1552 : i32 to index
      %parallel_loop3A_1559 = tpu.vector_load %arg7[%parallel_loop3A_1558] {strides = array<i32>} : memref<4096xf32, #tpu.memory_space<vmem>>, vector<16xf32>,
      tpu.vector_store %arg7[%parallel_loop3A_1558], %parallel_loop3A_1557 {strides = array<i32>} : memref<4096xf32, #tpu.memory_space<vmem>>, vector<16xf32>,
    } {sc.loop_unroll_factor = 8 : i64, sc.parallel_access}
    %dma_start3A_1487 = arith.constant 0 : i32
    %dma_start3A_1488 = tpu.memref_slice %arg4[%add3A_1420, %dma_start3A_1487] : memref<416x16384xf32, #tpu.memory_space<hbm>> -> memref<1x4096xf32, #tpu.memory_space<hbm>>
    %dma_start3A_1489 = tpu.memref_squeeze %dma_start3A_1488 : memref<1x4096xf32, #tpu.memory_space<hbm>> -> memref<4096xf32, #tpu.memory_space<hbm>>
    %dma_start3A_1490 = arith.constant 0 : i32
    %dma_start3A_1491 = tpu.memref_slice %arg4[%add3A_1420, %dma_start3A_1490] : memref<416x16384xf32, #tpu.memory_space<hbm>> -> memref<1x4096xf32, #tpu.memory_space<hbm>>
    %dma_start3A_1492 = tpu.memref_squeeze %dma_start3A_1491 : memref<1x4096xf32, #tpu.memory_space<hbm>> -> memref<4096xf32, #tpu.memory_space<hbm>>
    tpu.enqueue_dma source(%arg7 : memref<4096xf32, #tpu.memory_space<vmem>>) target(%dma_start3A_1492 : memref<4096xf32, #tpu.memory_space<hbm>>) target_semaphore(%arg11 : memref<!tpu.dma_semaphore, #tpu.memory_space<semaphore_mem>>)
    %dma_wait3A_1493 = arith.constant 0 : i32
    %dma_wait3A_1494 = tpu.memref_slice %arg4[%add3A_1420, %dma_wait3A_1493] : memref<416x16384xf32, #tpu.memory_space<hbm>> -> memref<1x4096xf32, #tpu.memory_space<hbm>>
    %dma_wait3A_1495 = tpu.memref_squeeze %dma_wait3A_1494 : memref<1x4096xf32, #tpu.memory_space<hbm>> -> memref<4096xf32, #tpu.memory_space<hbm>>
    %dma_wait3A_1496 = arith.constant 0 : i32
    %dma_wait3A_1497 = tpu.memref_slice %arg4[%add3A_1420, %dma_wait3A_1496] : memref<416x16384xf32, #tpu.memory_space<hbm>> -> memref<1x4096xf32, #tpu.memory_space<hbm>>
    %dma_wait3A_1498 = tpu.memref_squeeze %dma_wait3A_1497 : memref<1x4096xf32, #tpu.memory_space<hbm>> -> memref<4096xf32, #tpu.memory_space<hbm>>
    tpu.wait_dma2 semaphore(%arg12 : memref<!tpu.dma_semaphore, #tpu.memory_space<semaphore_mem>>) src(%arg8 : memref<4096xf32, #tpu.memory_space<vmem>>) dst(%dma_wait3A_1498 : memref<4096xf32, #tpu.memory_space<hbm>>)
    %parallel_loop3A_1499 = arith.constant 0 : i32
    %parallel_loop3A_1500 = arith.constant 4096 : i32
    %parallel_loop3A_1501 = arith.constant 16 : i32
    scf.for %parallel_loop3A_1552 = %parallel_loop3A_1499 to %parallel_loop3A_1500 step %parallel_loop3A_1501  : i32 {
      %parallel_loop3A_1553 = arith.constant 4096 : i32
      %parallel_loop3A_1554 = arith.addi %parallel_loop3A_1553, %parallel_loop3A_1552 : i32
      %parallel_loop3A_1555 = arith.index_cast %parallel_loop3A_1554 : i32 to index
      %parallel_loop3A_1556 = tpu.vector_load %arg6[%parallel_loop3A_1555] {strides = array<i32>} : memref<16384xi32, #tpu.memory_space<vmem>>, vector<16xi32>,
      %parallel_loop3A_1557 = tpu.vector_load_idx %arg5[%parallel_loop3A_1556] : memref<100001xf32, #tpu.memory_space<vmem>>[vector<16xi32>], vector<16xf32>,
      %parallel_loop3A_1558 = arith.index_cast %parallel_loop3A_1552 : i32 to index
      %parallel_loop3A_1559 = tpu.vector_load %arg8[%parallel_loop3A_1558] {strides = array<i32>} : memref<4096xf32, #tpu.memory_space<vmem>>, vector<16xf32>,
      tpu.vector_store %arg8[%parallel_loop3A_1558], %parallel_loop3A_1557 {strides = array<i32>} : memref<4096xf32, #tpu.memory_space<vmem>>, vector<16xf32>,
    } {sc.loop_unroll_factor = 8 : i64, sc.parallel_access}
    %dma_start3A_1502 = arith.constant 4096 : i32
    %dma_start3A_1503 = tpu.memref_slice %arg4[%add3A_1420, %dma_start3A_1502] : memref<416x16384xf32, #tpu.memory_space<hbm>> -> memref<1x4096xf32, #tpu.memory_space<hbm>>
    %dma_start3A_1504 = tpu.memref_squeeze %dma_start3A_1503 : memref<1x4096xf32, #tpu.memory_space<hbm>> -> memref<4096xf32, #tpu.memory_space<hbm>>
    %dma_start3A_1505 = arith.constant 4096 : i32
    %dma_start3A_1506 = tpu.memref_slice %arg4[%add3A_1420, %dma_start3A_1505] : memref<416x16384xf32, #tpu.memory_space<hbm>> -> memref<1x4096xf32, #tpu.memory_space<hbm>>
    %dma_start3A_1507 = tpu.memref_squeeze %dma_start3A_1506 : memref<1x4096xf32, #tpu.memory_space<hbm>> -> memref<4096xf32, #tpu.memory_space<hbm>>
    tpu.enqueue_dma source(%arg8 : memref<4096xf32, #tpu.memory_space<vmem>>) target(%dma_start3A_1507 : memref<4096xf32, #tpu.memory_space<hbm>>) target_semaphore(%arg12 : memref<!tpu.dma_semaphore, #tpu.memory_space<semaphore_mem>>)
    %dma_wait3A_1508 = arith.constant 0 : i32
    %dma_wait3A_1509 = tpu.memref_slice %arg4[%add3A_1420, %dma_wait3A_1508] : memref<416x16384xf32, #tpu.memory_space<hbm>> -> memref<1x4096xf32, #tpu.memory_space<hbm>>
    %dma_wait3A_1510 = tpu.memref_squeeze %dma_wait3A_1509 : memref<1x4096xf32, #tpu.memory_space<hbm>> -> memref<4096xf32, #tpu.memory_space<hbm>>
    %dma_wait3A_1511 = arith.constant 0 : i32
    %dma_wait3A_1512 = tpu.memref_slice %arg4[%add3A_1420, %dma_wait3A_1511] : memref<416x16384xf32, #tpu.memory_space<hbm>> -> memref<1x4096xf32, #tpu.memory_space<hbm>>
    %dma_wait3A_1513 = tpu.memref_squeeze %dma_wait3A_1512 : memref<1x4096xf32, #tpu.memory_space<hbm>> -> memref<4096xf32, #tpu.memory_space<hbm>>
    tpu.wait_dma2 semaphore(%arg11 : memref<!tpu.dma_semaphore, #tpu.memory_space<semaphore_mem>>) src(%arg7 : memref<4096xf32, #tpu.memory_space<vmem>>) dst(%dma_wait3A_1513 : memref<4096xf32, #tpu.memory_space<hbm>>)
    %parallel_loop3A_1514 = arith.constant 0 : i32
    %parallel_loop3A_1515 = arith.constant 4096 : i32
    %parallel_loop3A_1516 = arith.constant 16 : i32
    scf.for %parallel_loop3A_1552 = %parallel_loop3A_1514 to %parallel_loop3A_1515 step %parallel_loop3A_1516  : i32 {
      %parallel_loop3A_1553 = arith.constant 8192 : i32
      %parallel_loop3A_1554 = arith.addi %parallel_loop3A_1553, %parallel_loop3A_1552 : i32
      %parallel_loop3A_1555 = arith.index_cast %parallel_loop3A_1554 : i32 to index
      %parallel_loop3A_1556 = tpu.vector_load %arg6[%parallel_loop3A_1555] {strides = array<i32>} : memref<16384xi32, #tpu.memory_space<vmem>>, vector<16xi32>,
      %parallel_loop3A_1557 = tpu.vector_load_idx %arg5[%parallel_loop3A_1556] : memref<100001xf32, #tpu.memory_space<vmem>>[vector<16xi32>], vector<16xf32>,
      %parallel_loop3A_1558 = arith.index_cast %parallel_loop3A_1552 : i32 to index
      %parallel_loop3A_1559 = tpu.vector_load %arg7[%parallel_loop3A_1558] {strides = array<i32>} : memref<4096xf32, #tpu.memory_space<vmem>>, vector<16xf32>,
      tpu.vector_store %arg7[%parallel_loop3A_1558], %parallel_loop3A_1557 {strides = array<i32>} : memref<4096xf32, #tpu.memory_space<vmem>>, vector<16xf32>,
    } {sc.loop_unroll_factor = 8 : i64, sc.parallel_access}
    %dma_start3A_1517 = arith.constant 8192 : i32
    %dma_start3A_1518 = tpu.memref_slice %arg4[%add3A_1420, %dma_start3A_1517] : memref<416x16384xf32, #tpu.memory_space<hbm>> -> memref<1x4096xf32, #tpu.memory_space<hbm>>
    %dma_start3A_1519 = tpu.memref_squeeze %dma_start3A_1518 : memref<1x4096xf32, #tpu.memory_space<hbm>> -> memref<4096xf32, #tpu.memory_space<hbm>>
    %dma_start3A_1520 = arith.constant 8192 : i32
    %dma_start3A_1521 = tpu.memref_slice %arg4[%add3A_1420, %dma_start3A_1520] : memref<416x16384xf32, #tpu.memory_space<hbm>> -> memref<1x4096xf32, #tpu.memory_space<hbm>>
    %dma_start3A_1522 = tpu.memref_squeeze %dma_start3A_1521 : memref<1x4096xf32, #tpu.memory_space<hbm>> -> memref<4096xf32, #tpu.memory_space<hbm>>
    tpu.enqueue_dma source(%arg7 : memref<4096xf32, #tpu.memory_space<vmem>>) target(%dma_start3A_1522 : memref<4096xf32, #tpu.memory_space<hbm>>) target_semaphore(%arg11 : memref<!tpu.dma_semaphore, #tpu.memory_space<semaphore_mem>>)
    %dma_wait3A_1523 = arith.constant 0 : i32
    %dma_wait3A_1524 = tpu.memref_slice %arg4[%add3A_1420, %dma_wait3A_1523] : memref<416x16384xf32, #tpu.memory_space<hbm>> -> memref<1x4096xf32, #tpu.memory_space<hbm>>
    %dma_wait3A_1525 = tpu.memref_squeeze %dma_wait3A_1524 : memref<1x4096xf32, #tpu.memory_space<hbm>> -> memref<4096xf32, #tpu.memory_space<hbm>>
    %dma_wait3A_1526 = arith.constant 0 : i32
    %dma_wait3A_1527 = tpu.memref_slice %arg4[%add3A_1420, %dma_wait3A_1526] : memref<416x16384xf32, #tpu.memory_space<hbm>> -> memref<1x4096xf32, #tpu.memory_space<hbm>>
    %dma_wait3A_1528 = tpu.memref_squeeze %dma_wait3A_1527 : memref<1x4096xf32, #tpu.memory_space<hbm>> -> memref<4096xf32, #tpu.memory_space<hbm>>
    tpu.wait_dma2 semaphore(%arg12 : memref<!tpu.dma_semaphore, #tpu.memory_space<semaphore_mem>>) src(%arg8 : memref<4096xf32, #tpu.memory_space<vmem>>) dst(%dma_wait3A_1528 : memref<4096xf32, #tpu.memory_space<hbm>>)
    %parallel_loop3A_1529 = arith.constant 0 : i32
    %parallel_loop3A_1530 = arith.constant 4096 : i32
    %parallel_loop3A_1531 = arith.constant 16 : i32
    scf.for %parallel_loop3A_1552 = %parallel_loop3A_1529 to %parallel_loop3A_1530 step %parallel_loop3A_1531  : i32 {
      %parallel_loop3A_1553 = arith.constant 12288 : i32
      %parallel_loop3A_1554 = arith.addi %parallel_loop3A_1553, %parallel_loop3A_1552 : i32
      %parallel_loop3A_1555 = arith.index_cast %parallel_loop3A_1554 : i32 to index
      %parallel_loop3A_1556 = tpu.vector_load %arg6[%parallel_loop3A_1555] {strides = array<i32>} : memref<16384xi32, #tpu.memory_space<vmem>>, vector<16xi32>,
      %parallel_loop3A_1557 = tpu.vector_load_idx %arg5[%parallel_loop3A_1556] : memref<100001xf32, #tpu.memory_space<vmem>>[vector<16xi32>], vector<16xf32>,
      %parallel_loop3A_1558 = arith.index_cast %parallel_loop3A_1552 : i32 to index
      %parallel_loop3A_1559 = tpu.vector_load %arg8[%parallel_loop3A_1558] {strides = array<i32>} : memref<4096xf32, #tpu.memory_space<vmem>>, vector<16xf32>,
      tpu.vector_store %arg8[%parallel_loop3A_1558], %parallel_loop3A_1557 {strides = array<i32>} : memref<4096xf32, #tpu.memory_space<vmem>>, vector<16xf32>,
    } {sc.loop_unroll_factor = 8 : i64, sc.parallel_access}
    %dma_start3A_1532 = arith.constant 12288 : i32
    %dma_start3A_1533 = tpu.memref_slice %arg4[%add3A_1420, %dma_start3A_1532] : memref<416x16384xf32, #tpu.memory_space<hbm>> -> memref<1x4096xf32, #tpu.memory_space<hbm>>
    %dma_start3A_1534 = tpu.memref_squeeze %dma_start3A_1533 : memref<1x4096xf32, #tpu.memory_space<hbm>> -> memref<4096xf32, #tpu.memory_space<hbm>>
    %dma_start3A_1535 = arith.constant 12288 : i32
    %dma_start3A_1536 = tpu.memref_slice %arg4[%add3A_1420, %dma_start3A_1535] : memref<416x16384xf32, #tpu.memory_space<hbm>> -> memref<1x4096xf32, #tpu.memory_space<hbm>>
    %dma_start3A_1537 = tpu.memref_squeeze %dma_start3A_1536 : memref<1x4096xf32, #tpu.memory_space<hbm>> -> memref<4096xf32, #tpu.memory_space<hbm>>
    tpu.enqueue_dma source(%arg8 : memref<4096xf32, #tpu.memory_space<vmem>>) target(%dma_start3A_1537 : memref<4096xf32, #tpu.memory_space<hbm>>) target_semaphore(%arg12 : memref<!tpu.dma_semaphore, #tpu.memory_space<semaphore_mem>>)
    %dma_wait3A_1538 = arith.constant 0 : i32
    %dma_wait3A_1539 = arith.constant 0 : i32
    %dma_wait3A_1540 = tpu.memref_slice %arg4[%dma_wait3A_1538, %dma_wait3A_1539] : memref<416x16384xf32, #tpu.memory_space<hbm>> -> memref<1x4096xf32, #tpu.memory_space<hbm>>
    %dma_wait3A_1541 = tpu.memref_squeeze %dma_wait3A_1540 : memref<1x4096xf32, #tpu.memory_space<hbm>> -> memref<4096xf32, #tpu.memory_space<hbm>>
    %dma_wait3A_1542 = arith.constant 0 : i32
    %dma_wait3A_1543 = tpu.memref_slice %arg4[%dma_wait3A_1538, %dma_wait3A_1542] : memref<416x16384xf32, #tpu.memory_space<hbm>> -> memref<1x4096xf32, #tpu.memory_space<hbm>>
    %dma_wait3A_1544 = tpu.memref_squeeze %dma_wait3A_1543 : memref<1x4096xf32, #tpu.memory_space<hbm>> -> memref<4096xf32, #tpu.memory_space<hbm>>
    tpu.wait_dma2 semaphore(%arg11 : memref<!tpu.dma_semaphore, #tpu.memory_space<semaphore_mem>>) src(%arg7 : memref<4096xf32, #tpu.memory_space<vmem>>) dst(%dma_wait3A_1544 : memref<4096xf32, #tpu.memory_space<hbm>>)
    %dma_wait3A_1545 = arith.constant 0 : i32
    %dma_wait3A_1546 = arith.constant 0 : i32
    %dma_wait3A_1547 = tpu.memref_slice %arg4[%dma_wait3A_1545, %dma_wait3A_1546] : memref<416x16384xf32, #tpu.memory_space<hbm>> -> memref<1x4096xf32, #tpu.memory_space<hbm>>
    %dma_wait3A_1548 = tpu.memref_squeeze %dma_wait3A_1547 : memref<1x4096xf32, #tpu.memory_space<hbm>> -> memref<4096xf32, #tpu.memory_space<hbm>>
    %dma_wait3A_1549 = arith.constant 0 : i32
    %dma_wait3A_1550 = tpu.memref_slice %arg4[%dma_wait3A_1545, %dma_wait3A_1549] : memref<416x16384xf32, #tpu.memory_space<hbm>> -> memref<1x4096xf32, #tpu.memory_space<hbm>>
    %dma_wait3A_1551 = tpu.memref_squeeze %dma_wait3A_1550 : memref<1x4096xf32, #tpu.memory_space<hbm>> -> memref<4096xf32, #tpu.memory_space<hbm>>
    tpu.wait_dma2 semaphore(%arg12 : memref<!tpu.dma_semaphore, #tpu.memory_space<semaphore_mem>>) src(%arg8 : memref<4096xf32, #tpu.memory_space<vmem>>) dst(%dma_wait3A_1551 : memref<4096xf32, #tpu.memory_space<hbm>>)
    return
  }
}

</mosaic_0001>

<sc_bundles>
// kernel: kernel.3.cloned.1.call-start
scs
__scs_entry_jumppad:
0x0: {  	(pc) =	sbr.rel $0x88, $3  }
0x1: {  	(tag) =	ssettag $0x0;
	lr =	simm.s32 $0x1  }
0x2: {  	[smem:$0x3F9F] =	sst lr;
	_ =	strace $0xD0000000  }
0x3: {  	_ = 	snop  }
0x4: {  	_ = 	snop  }
0x5: {  	_ = 	snop  }
0x6: {  	_ = 	snop  }
0x7: {  	_ = 	snop  }
__scs_overlays_trampoline_lowered:
0x8: {  	[smem:$0x3FAE] =	sst s0  }
0x9: {  	[smem:$0x3FAF] =	sst s1  }
0xa: {  	[smem:$0x3FB0] =	sst s2  }
0xb: {  	[smem:$0x3FB1] =	sst s3  }
0xc: {  	[smem:$0x3FB2] =	sst s4  }
0xd: {  	[smem:$0x3FB3] =	sst s5  }
0xe: {  	[smem:$0x3FB4] =	sst s6  }
0xf: {  	[smem:$0x3FB5] =	sst s7  }
0x10: {  	[smem:$0x3FB6] =	sst s8  }
0x11: {  	[smem:$0x3FB7] =	sst s9;
	s0 =	simm.s32 @!p0 $0x0  }
0x12: {  	s1 =	sld [smem:$0x3F9D];
	s0 =	simm.s32 @p0 $0x1  }
0x13: {  	[smem:$0x3FB8] =	sst s0;
	s0 =	simm.s32 @!p1 $0x0  }
0x14: {  	s2 =	sld [smem:$0x3F9C];
	s0 =	simm.s32 @p1 $0x1  }
0x15: {  	[smem:$0x3FB9] =	sst s0;
	s0 =	simm.s32 @!p2 $0x0  }
0x16: {  	s3 =	sld [smem:$0x3FDB];
	s0 =	simm.s32 @p2 $0x1  }
0x17: {  	s4 =	simm.s32 $0x1BF5;
	[smem:$0x3FBB] =	sst s0  }
0x18: {  	s0 =	sld [smem:$0x3F9E];
	_ =	swait.ge [sflag:s4], $0x0  }
0x19: {  	s7 =	sld [smem:$0x3F9F]  }
0x1a: {  	s8 =	sadd.s32 $0xFFFFE003, lr  }
0x1b: {  	s9 =	sadd.s32 $0xFFFFFEF7, lr;
	s5 =	simm.s32 $0xFFFFFFFF;
	p2 =	slt.u32 s8, $0xFFFFF086  }
0x1c: {  	p1 =	slt.u32 s9, $0xF7A;
	s5 =	simm.s32 @!p2 $0x0  }
0x1d: {  	s5 =	simm.s32 @p1 $0x1;
	p0 =	seq.s32 s7, s2  }
0x1e: {  	s7 =	smul.u32 @!p0 $0xF7A, s2;
	p2 =	seq.s32 @!p0 s5, $0x0  }
0x1f: {  	s9 =	smul.u32 $0xF7A, s1;
	s8 =	simm.s32 @!p0 $0x1BF5;
	p2 =	por !p2, p0  }
0x20: {  	[sflag:s8] =	ssyncset.s32 @!p0 $0xFFFFF086;
	s6 =	sadd.s32 @!p0 s3, s7;
	s7 =	simm.s32 @!p0 $0x108  }
0x21: {  	s3 =	sadd.s32 s3, s9;
	s6 =	sadd.s32 @!p0 $0x88, s6;
	s7 =	simm.s32 @p2 $0x1082  }
0x22: {  	[simem:s7], [sflag:s8] =	dma.local @!p0 [hbm:s6], $0xF7A  }
0x23: {  	s9 =	sor.u32 $0xD0000000, s2;
	s6 =	simm.s32 $0x108;
	_ =	swait.ge @!p0 [sflag:s8], $0x0  }
0x24: {  	s3 =	sadd.s32 $0x88, s3;
	s6 =	simm.s32 @!p1 $0x1082;
	[sflag:s4] =	ssyncset.s32 $0xFFFFF086  }
0x25: {  	[simem:s6], [sflag:s4] =	dma.local [hbm:s3], $0xF7A  }
0x26: {  	[smem:$0x3F9F] =	sst s1;
	(tag) =	ssettag s2;
	_ =	strace s9  }
0x27: {  	s1 =	sld [smem:$0x3FAF]  }
0x28: {  	s2 =	sld [smem:$0x3FB0]  }
0x29: {  	s4 =	sld [smem:$0x3FB2]  }
0x2a: {  	p0 =	seq.s32 s5, $0x0;
	s5 =	sld [smem:$0x3FB3]  }
0x2b: {  	s6 =	sld [smem:$0x3FB4]  }
0x2c: {  	s7 =	sld [smem:$0x3FB5]  }
0x2d: {  	s3 =	simm.s32 $0x108;
	s8 =	sld [smem:$0x3FB6]  }
0x2e: {  	s3 =	simm.s32 @!p0 $0x1082;
	s9 =	sld [smem:$0x3FB7]  }
0x2f: {  	lr =	sadd.s32 s0, s3;
	s0 =	sld [smem:$0x3FAE]  }
0x30: {  	s3 =	sld [smem:$0x3FB1]  }
0x31: {  	[smem:$0x3FBA] =	sst s10  }
0x32: {  	s10 =	sld [smem:$0x3FB8];
	_ =	sdelay $0x3  }
0x33: {  	p0 =	seq.s32 s10, $0x1;
	s10 =	sld [smem:$0x3FBA];
	_ =	sdelay $0x3  }
0x34: {  	[smem:$0x3FBA] =	sst s10  }
0x35: {  	s10 =	sld [smem:$0x3FB9];
	_ =	sdelay $0x3  }
0x36: {  	p1 =	seq.s32 s10, $0x1;
	s10 =	sld [smem:$0x3FBA];
	_ =	sdelay $0x3  }
0x37: {  	[smem:$0x3FBA] =	sst s10  }
0x38: {  	s10 =	sld [smem:$0x3FBB]  }
0x39: {  	_ = 	snop;
	(pc) =	sbr.ind lr, $3  }
0x3a: {  	_ = 	snop  }
0x3b: {  	_ = 	snop  }
0x3c: {  	p2 =	seq.s32 s10, $0x1;
	s10 =	sld [smem:$0x3FBA]  }
0x3d: {  	_ =	shalt  }
0x3e: {  	_ =	shalt  }
0x3f: {  	_ =	shalt  }
0x40: {  	_ =	shalt  }
0x41: {  	_ =	shalt  }
0x42: {  	_ =	shalt  }
0x43: {  	_ =	shalt  }
0x44: {  	_ =	shalt  }
0x45: {  	_ =	shalt  }
0x46: {  	_ =	shalt  }
0x47: {  	_ =	shalt  }
0x48: {  	_ =	shalt  }
0x49: {  	_ =	shalt  }
0x4a: {  	_ =	shalt  }
0x4b: {  	_ =	shalt  }
0x4c: {  	_ =	shalt  }
0x4d: {  	_ =	shalt  }
0x4e: {  	_ =	shalt  }
0x4f: {  	_ =	shalt  }
0x50: {  	_ =	shalt  }
0x51: {  	_ =	shalt  }
0x52: {  	_ =	shalt  }
0x53: {  	_ =	shalt  }
0x54: {  	_ =	shalt  }
0x55: {  	_ =	shalt  }
0x56: {  	_ =	shalt  }
0x57: {  	_ =	shalt  }
0x58: {  	_ =	shalt  }
0x59: {  	_ =	shalt  }
0x5a: {  	_ =	shalt  }
0x5b: {  	_ =	shalt  }
0x5c: {  	_ =	shalt  }
0x5d: {  	_ =	shalt  }
0x5e: {  	_ =	shalt  }
0x5f: {  	_ =	shalt  }
0x60: {  	_ =	shalt  }
0x61: {  	_ =	shalt  }
0x62: {  	_ =	shalt  }
0x63: {  	_ =	shalt  }
0x64: {  	_ =	shalt  }
0x65: {  	_ =	shalt  }
0x66: {  	_ =	shalt  }
0x67: {  	_ =	shalt  }
0x68: {  	_ =	shalt  }
0x69: {  	_ =	shalt  }
0x6a: {  	_ =	shalt  }
0x6b: {  	_ =	shalt  }
0x6c: {  	_ =	shalt  }
0x6d: {  	_ =	shalt  }
0x6e: {  	_ =	shalt  }
0x6f: {  	_ =	shalt  }
0x70: {  	_ =	shalt  }
0x71: {  	_ =	shalt  }
0x72: {  	_ =	shalt  }
0x73: {  	_ =	shalt  }
0x74: {  	_ =	shalt  }
0x75: {  	_ =	shalt  }
0x76: {  	_ =	shalt  }
0x77: {  	_ =	shalt  }
0x78: {  	_ =	shalt  }
0x79: {  	_ =	shalt  }
0x7a: {  	_ =	shalt  }
0x7b: {  	_ =	shalt  }
0x7c: {  	_ =	shalt  }
0x7d: {  	_ =	shalt  }
0x7e: {  	_ =	shalt  }
0x7f: {  	_ =	shalt  }
0x80: {  	_ =	shalt  }
0x81: {  	_ =	shalt  }
0x82: {  	_ =	shalt  }
0x83: {  	_ =	shalt  }
0x84: {  	_ =	shalt  }
0x85: {  	_ =	shalt  }
0x86: {  	_ =	shalt  }
0x87: {  	_ =	shalt  }
.Lfunc_end0:
.L_simem_size_0:
called_computation_lowered:
.L_overlay_start_0:
0x88: {  	s2 =	sld [smem:$0x3FD9]  }
0x89: {  	s3 =	sld [smem:$0x3FFE];
	_ =	sdelay $0x1  }
0x8a: {  	s1 =	srdreg.scid  }
0x8b: {  	s0 =	sand.u32 $0x1, s1  }
0x8c: {  	s18 =	sshll.u32 s0, $0xA;
	s2 =	sadd.s32 s3, s2  }
0x8d: {  	s2 =	sadd.s32 s2, s18  }
0x8e: {  	[smem:$0x3FC6] =	sst s2  }
0x8f: {  	_ = 	snop  }
0x90: {  	s2 =	sld [smem:$0x3FC9]  }
0x91: {  	s19 =	sld [smem:$0x3FC8]  }
0x92: {  	s4 =	sld [smem:$0x3FD0];
	(tm) =	ssettm $0x1  }
0x93: {  	s5 =	sld [smem:$0x3FFB];
	_ =	sdelay $0x3  }
0x94: {  	_ =	strace s5  }
0x95: {  	s5 =	sld [smem:$0x3FFC];
	_ =	sdelay $0x3  }
0x96: {  	_ =	strace s5  }
0x97: {  	s5 =	sld [smem:$0x3FFD];
	_ =	sdelay $0x3  }
0x98: {  	_ =	strace s5  }
0x99: {  	_ =	strace $0x8FFFFFFF  }
0x9a: {  	s20 =	sld [smem:$0x3FDB];
	_ =	sdelay $0x1  }
0x9b: {  	s6 =	simm.s32 $_scs_section_size  }
0x9c: {  	s7 =	simm.s32 $_size__tile_overlayer_lowered;
	s8 =	simm.s32 $_tile_overlayer_lowered  }
0x9d: {  	s23 =	simm.s32 $0x1BFF;
	s22 =	sshll.u32 s8, $0x1;
	s5 =	sadd.s32 s6, s20  }
0x9e: {  	s9 =	simm.s32 $0x0;
	s21 =	sshll.u32 s7, $0x1;
	s7 =	sadd.s32 s22, s5  }
0x9f: {  	[timem:s9], [sflag:s23] =	dma.local [hbm:s7], s21  }
0xa0: {  	_ =	swait.ge [sflag:s23], s21  }
0xa1: {  	s6 =	ssub.s32 $0x0, s21;
	[sflag:s23] =	ssyncset.done $0x0  }
0xa2: {  	[sflag:s23] =	ssyncadd.s32 s6;
	_ =	sdelay $0x1  }
0xa3: {  	s24 =	simm.s32 $0x1B8B  }
0xa4: {  	_ =	swait.ge [sflag:s24], $0x1  }
0xa5: {  	[sflag:s24] =	ssyncset.done $0x0  }
0xa6: {  	s25 =	simm.s32 $0x1B8E;
	[sflag:s24] =	ssyncadd.s32 $0xFFFFFFFF  }
0xa7: {  	s26 =	simm.s32 $execute0_lowered;
	[smem:$0x3FD2] =	sst s25  }
0xa8: {  	s6 =	sshll.u32 s26, $0x1;
	_ =	strace $0x80000046;
	[dreg:$0x1] =	wrdreg $0xFFFFFFFF  }
0xa9: {  	s28 =	simm.s32 $_size_execute0_lowered;
	s5 =	sadd.s32 s5, s6;
	[dreg:$0x0] =	wrdreg $0x0  }
0xaa: {  	s6 =	sshll.u32 s28, $0x1;
	[dreg:$0x2] =	wrdreg s5  }
0xab: {  	[dreg:$0x3] =	wrdreg s6  }
0xac: {  	[dreg:$0x4] =	wrdreg $0xC0  }
0xad: {  	_ =	task [dreg:s9], $0x5FFFF  }
0xae: {  	[dreg:$0x1] =	wrdreg $0xFFFFFFFF  }
0xaf: {  	[dreg:$0x0] =	wrdreg $0x60  }
0xb0: {  	[dreg:$0x2] =	wrdreg s2  }
0xb1: {  	[dreg:$0x3] =	wrdreg s19  }
0xb2: {  	[dreg:$0x4] =	wrdreg s4  }
0xb3: {  	[dreg:$0x5] =	wrdreg $0x9  }
0xb4: {  	_ =	task.clear_ibuf [dreg:s9], $0x6FFFF;
	_ =	strace $0x90000046  }
0xb5: {  	s29 =	simm.s32 $0x9;
	_ =	strace $0x80000048  }
0xb6: {  	_ =	swait.ge [sflag:s29], $0x1  }
0xb7: {  	[sflag:s29] =	ssyncadd.s32 $0xFFFFFFFF  }
0xb8: {  	_ =	strace $0x90000048  }
0xb9: {  	_ =	sfence  }
0xba: {  	s30 =	sld [smem:$0x0];
	_ =	sdelay $0x2  }
0xbb: {  	s31 =	sshll.u32 s1, $0xD;
	s1 =	sshrl.u32 s1, $0x2  }
0xbc: {  	s3 =	sand.u32 $0x4000, s31;
	s1 =	sadd.s32 s1, s30  }
0xbd: {  	s0 =	sor.u32 s3, s0;
	s1 =	sshll.u32 s1, $0x11  }
0xbe: {  	s0 =	sor.u32 s1, s0  }
0xbf: {  	s0 =	sadd.s32 $0x8F2B, s0  }
0xc0: {  	[sflag:s0] =	ssyncadd.remote.s32 $0x1  }
0xc1: {  	_ =	sfence.sel $0xFFFF  }
0xc2: {  	[dreg:$0x0] =	wrdreg $0xFFFFFFFF;
	(pc) =	sbr.abs _section_cstart, $3  }
0xc3: {  	[dreg:$0x1] =	wrdreg $0xFFFFFFFF  }
0xc4: {  	_ =	task.clear_ibuf [dreg:s9], $0x2FFFF;
	_ =	strace $0x9FFFFFFF  }
0xc5: {  	(tm) =	ssettm $0x7FFFFFFF  }
tec
execute0_lowered:
.L_overlay_start_1:
0x0: {  	(tag) =	ssettag $0x1  }
0x1: {  	s0 =	srdreg.scid;
	s1 =	stileid.u32  }
0x2: {  	s0 =	sand.u32 $0x1, s0;
	s1 =	sshll.u32 s1, $0x1  }
0x3: {  	s9 =	sor.u32 s0, s1;
	s0 =	ssub.s32 $0x2, s0  }
0x4: {  	s3 =	smul.u32 $0xD, s9;
	s2 =	sshrl.u32 s0, $0x1  }
0x5: {  	s10 =	rddreg [dreg:$0x0];
	s4 =	smul.u32 $0x680, s9;
	s0 =	ssub.s32 s0, s2  }
0x6: {  	[smem:$0x7FD] =	sst s0;
	s16 =	sand.u32 $0x70, s3;
	s11 =	sadd.s32 $0x1, s3  }
0x7: {  	s17 =	sand.u32 $0xC000, s4;
	s18 =	sadd.s32 s10, s16;
	s19 =	sshrl.u32 s11, $0x3  }
0x8: {  	s20 =	sshll.u32 s11, $0x7;
	s7 =	sand.u32 $0x70, s11;
	s0 =	sadd.s32 s17, s18  }
0x9: {  	s5 =	sand.u32 $0x380, s20;
	s6 =	smul.u32 $0xC3800, s19;
	s4 =	sand.u32 $0x1C000, s20  }
0xa: {  	s7 =	sadd.s32 s10, s7;
	s17 =	sadd.s32 $0x2, s3;
	s2 =	sshll.u32 s19, $0x11  }
0xb: {  	s19 =	sadd.s32 $0x3, s3;
	s20 =	sadd.s32 $0x4, s3;
	[smem:$0x7FC] =	sst s0  }
0xc: {  	s22 =	sadd.s32 s4, s7;
	s23 =	sshrl.u32 s17, $0x3;
	s24 =	sshll.u32 s17, $0x7  }
0xd: {  	s26 =	sor.u32 s5, s2;
	s1 =	sand.u32 $0x70, s17;
	s8 =	sshrl.u32 s19, $0x3  }
0xe: {  	s12 =	sshll.u32 s19, $0x7;
	s15 =	sand.u32 $0x70, s19;
	[dreg:$0x5] =	wrdreg s22  }
0xf: {  	s21 =	sor.u32 s5, s6;
	s25 =	smul.u32 $0xC3800, s23;
	[smem:$0x7CC] =	sst s26  }
0x10: {  	s30 =	sand.u32 $0x380, s24;
	s6 =	sand.u32 $0x1C000, s24;
	s5 =	sadd.s32 s10, s1  }
0x11: {  	s4 =	sshll.u32 s23, $0x11;
	s13 =	sand.u32 $0x380, s12;
	s14 =	smul.u32 $0xC3800, s8  }
0x12: {  	s2 =	sshll.u32 s8, $0x11;
	s22 =	sshll.u32 s20, $0x7;
	s8 =	sand.u32 $0x70, s20  }
0x13: {  	[smem:$0x7CB] =	sst s21;
	s6 =	sadd.s32 s6, s5;
	s7 =	sor.u32 s30, s4  }
0x14: {  	s4 =	sand.u32 $0x1C000, s12;
	s21 =	sshrl.u32 s20, $0x3;
	s24 =	sor.u32 s13, s2  }
0x15: {  	s26 =	sadd.s32 s10, s8;
	s18 =	sor.u32 s30, s25;
	[smem:$0x7F5] =	sst s6  }
0x16: {  	[smem:$0x7CD] =	sst s7;
	s7 =	sadd.s32 s10, s15;
	s12 =	sor.u32 s13, s14  }
0x17: {  	s23 =	smul.u32 $0xC3800, s21;
	[smem:$0x7D6] =	sst s24;
	s6 =	sand.u32 $0x1C000, s22  }
0x18: {  	s25 =	sand.u32 $0x380, s22;
	s16 =	sadd.s32 s4, s7;
	s30 =	sadd.s32 s6, s26  }
0x19: {  	s4 =	sshll.u32 s21, $0x11;
	s21 =	sadd.s32 $0x5, s3;
	[dreg:$0x4] =	wrdreg s16  }
0x1a: {  	s16 =	sor.u32 s25, s23;
	[dreg:$0x6] =	wrdreg s30;
	s1 =	sshrl.u32 s21, $0x3  }
0x1b: {  	s5 =	sshll.u32 s21, $0x7;
	s15 =	sand.u32 $0x70, s21;
	s22 =	sor.u32 s25, s4  }
0x1c: {  	s13 =	sadd.s32 s10, s15;
	s14 =	smul.u32 $0xC3800, s1;
	s15 =	sand.u32 $0x1C000, s5  }
0x1d: {  	[smem:$0x7DB] =	sst s22;
	s24 =	sand.u32 $0x380, s5;
	s22 =	sadd.s32 $0x6, s3  }
0x1e: {  	s25 =	sshll.u32 s1, $0x11;
	s23 =	sadd.s32 s15, s13;
	s26 =	sshrl.u32 s22, $0x3  }
0x1f: {  	s30 =	sshll.u32 s22, $0x7;
	s0 =	sand.u32 $0x70, s22;
	s6 =	sor.u32 s24, s25  }
0x20: {  	[dreg:$0x7] =	wrdreg s23;
	s29 =	sor.u32 s24, s14;
	s1 =	sadd.s32 s10, s0  }
0x21: {  	s5 =	smul.u32 $0xC3800, s26;
	s23 =	sand.u32 $0x1C000, s30;
	[smem:$0x7DC] =	sst s6  }
0x22: {  	s13 =	sand.u32 $0x380, s30;
	s14 =	sshll.u32 s26, $0x11;
	s24 =	smul.u32 $0x280, s9  }
0x23: {  	s6 =	sshrl.u32 s3, $0x3;
	s8 =	sadd.s32 s23, s1;
	s23 =	sadd.s32 $0x7, s3  }
0x24: {  	s15 =	sor.u32 s13, s14;
	s4 =	sshll.u32 s6, $0x11;
	[dreg:$0x8] =	wrdreg s8  }
0x25: {  	s31 =	sor.u32 s13, s5;
	[smem:$0x7E5] =	sst s15;
	s25 =	sshrl.u32 s23, $0x3  }
0x26: {  	s26 =	sshll.u32 s23, $0x7;
	s0 =	sand.u32 $0x70, s23;
	s8 =	smul.u32 $0xC3800, s6  }
0x27: {  	s13 =	sand.u32 $0x380, s24;
	s24 =	sadd.s32 $0x8, s3;
	s30 =	smul.u32 $0xC3800, s25  }
0x28: {  	s1 =	sand.u32 $0x380, s26;
	s2 =	sand.u32 $0x1C000, s26;
	s14 =	sadd.s32 s10, s0  }
0x29: {  	s9 =	sshll.u32 s25, $0x11;
	s25 =	sshll.u32 s24, $0x7;
	s26 =	sand.u32 $0x70, s24  }
0x2a: {  	s2 =	sadd.s32 s2, s14;
	s5 =	sor.u32 s1, s9;
	s9 =	sshrl.u32 s24, $0x3  }
0x2b: {  	s25 =	sand.u32 $0x1C000, s25;
	s26 =	sadd.s32 s10, s26;
	[dreg:$0x9] =	wrdreg s2  }
0x2c: {  	s7 =	sor.u32 s1, s30;
	[smem:$0x7EA] =	sst s5;
	s28 =	smul.u32 $0xC3800, s9  }
0x2d: {  	s30 =	sadd.s32 s25, s26;
	s1 =	sshll.u32 s9, $0x11;
	s25 =	sadd.s32 $0x9, s3  }
0x2e: {  	s26 =	sadd.s32 $0xA, s3;
	[dreg:$0xa] =	wrdreg s30;
	s30 =	sor.u32 s13, s8  }
0x2f: {  	s8 =	sor.u32 s13, s4;
	s2 =	sshrl.u32 s25, $0x3;
	s4 =	sshll.u32 s25, $0x7  }
0x30: {  	s15 =	sshrl.u32 s26, $0x3;
	s5 =	sor.u32 s13, s28;
	s28 =	sand.u32 $0x70, s25  }
0x31: {  	s6 =	smul.u32 $0xC3800, s2;
	s9 =	sand.u32 $0x1C000, s4;
	s13 =	sor.u32 s13, s1  }
0x32: {  	s14 =	sand.u32 $0x380, s4;
	s1 =	sshll.u32 s2, $0x11;
	s28 =	sadd.s32 s10, s28  }
0x33: {  	s2 =	sand.u32 $0x70, s26;
	s0 =	sadd.s32 s9, s28;
	s4 =	sor.u32 s14, s6  }
0x34: {  	s28 =	sshll.u32 s26, $0x7;
	s6 =	sadd.s32 s10, s2;
	s2 =	smul.u32 $0xC3800, s15  }
0x35: {  	s14 =	sor.u32 s14, s1;
	[dreg:$0xb] =	wrdreg s0;
	s9 =	sand.u32 $0x1C000, s28  }
0x36: {  	s6 =	sadd.s32 s9, s6;
	s9 =	sand.u32 $0x380, s28;
	s28 =	sadd.s32 $0xB, s3  }
0x37: {  	[dreg:$0xc] =	wrdreg s6;
	s1 =	sor.u32 s9, s2;
	s6 =	sshll.u32 s15, $0x11  }
0x38: {  	s0 =	sshll.u32 s28, $0x7;
	s15 =	sor.u32 s9, s6;
	s9 =	sand.u32 $0x70, s28  }
0x39: {  	s2 =	sadd.s32 s10, s9;
	s9 =	sand.u32 $0x1C000, s0  }
0x3a: {  	s2 =	sadd.s32 s9, s2  }
0x3b: {  	[dreg:$0xd] =	wrdreg s2  }
0x3c: {  	s2 =	sshrl.u32 s30, $0x3;
	s30 =	rddreg [dreg:$0x1]  }
0x3d: {  	s18 =	sshrl.u32 s18, $0x3;
	s6 =	sshrl.u32 s28, $0x3;
	s2 =	sadd.s32 s30, s2  }
0x3e: {  	s1 =	sshrl.u32 s1, $0x3;
	s9 =	smul.u32 $0xC3800, s6;
	[dreg:$0xe] =	wrdreg s2  }
0x3f: {  	s0 =	sand.u32 $0x380, s0;
	s18 =	sadd.s32 s30, s18;
	s2 =	sld [smem:$0x7CB]  }
0x40: {  	s9 =	sor.u32 s0, s9;
	s1 =	sadd.s32 s30, s1;
	[dreg:$0x10] =	wrdreg s18  }
0x41: {  	[dreg:$0x18] =	wrdreg s1;
	s9 =	sshrl.u32 s9, $0x3  }
0x42: {  	s6 =	sshll.u32 s6, $0x11;
	s1 =	sadd.s32 s30, s9;
	s9 =	sld [smem:$0x7CC]  }
0x43: {  	s12 =	sshrl.u32 s12, $0x3;
	s6 =	sor.u32 s0, s6;
	[dreg:$0x19] =	wrdreg s1  }
0x44: {  	s0 =	sshrl.u32 s2, $0x3;
	s2 =	sadd.s32 s30, s12;
	s12 =	sshrl.u32 s16, $0x3  }
0x45: {  	s16 =	sshrl.u32 s29, $0x3;
	s0 =	sadd.s32 s30, s0;
	[dreg:$0x11] =	wrdreg s2  }
0x46: {  	s4 =	sshrl.u32 s4, $0x3;
	s2 =	sadd.s32 s30, s16;
	[dreg:$0xf] =	wrdreg s0  }
0x47: {  	s18 =	sshrl.u32 s31, $0x3;
	s0 =	sadd.s32 s30, s12;
	[dreg:$0x13] =	wrdreg s2  }
0x48: {  	s29 =	sadd.s32 $0xC, s3;
	s12 =	sadd.s32 s30, s18;
	[dreg:$0x12] =	wrdreg s0  }
0x49: {  	s16 =	sshrl.u32 s7, $0x3;
	s2 =	sadd.s32 s30, s4;
	[dreg:$0x14] =	wrdreg s12  }
0x4a: {  	s18 =	sshrl.u32 s5, $0x3;
	s0 =	sadd.s32 s30, s16;
	[dreg:$0x17] =	wrdreg s2  }
0x4b: {  	s3 =	sadd.s32 s30, s18;
	s16 =	sand.u32 $0x70, s29;
	[dreg:$0x15] =	wrdreg s0  }
0x4c: {  	[dreg:$0x16] =	wrdreg s3;
	s0 =	sshrl.u32 s29, $0x3;
	s3 =	sshll.u32 s29, $0x7  }
0x4d: {  	s18 =	sadd.s32 s10, s16;
	s10 =	sld [smem:$0x7CD];
	s5 =	smul.u32 $0xC3800, s0  }
0x4e: {  	s16 =	rddreg [dreg:$0x2];
	s7 =	sand.u32 $0x380, s3  }
0x4f: {  	s3 =	sand.u32 $0x1C000, s3;
	s0 =	sshll.u32 s0, $0x11;
	s4 =	sor.u32 s7, s5  }
0x50: {  	s31 =	sadd.s32 $0x1000, s16;
	s12 =	sshrl.u32 s4, $0x3;
	s4 =	sshrl.u32 s10, $0x3  }
0x51: {  	s10 =	sld [smem:$0x7D6];
	s1 =	sadd.s32 s30, s12;
	s30 =	sshrl.u32 s8, $0x3  }
0x52: {  	[dreg:$0x1a] =	wrdreg s1;
	s1 =	sadd.s32 s3, s18;
	s3 =	sor.u32 s7, s0  }
0x53: {  	s2 =	sadd.s32 s16, s30;
	s5 =	sadd.s32 s30, s31;
	[dreg:$0x1b] =	wrdreg s1  }
0x54: {  	s18 =	sand.u32 $0xF, s11;
	s0 =	sshrl.u32 s9, $0x3;
	[dreg:$0x1c] =	wrdreg s2  }
0x55: {  	[dreg:$0x1d] =	wrdreg s5;
	s11 =	sadd.s32 s16, s0;
	p0 =	sne.s32 s18, $0x0  }
0x56: {  	s18 =	sand.u32 $0xF, s20;
	s20 =	sand.u32 $0xF, s22;
	s22 =	sand.u32 $0xF, s24  }
0x57: {  	s24 =	sand.u32 $0xF, s26;
	s26 =	sand.u32 $0xF, s29;
	s29 =	sld [smem:$0x7FC]  }
0x58: {  	s12 =	sadd.s32 s0, s31;
	[smem:$0x7CE] =	sst s11  }
0x59: {  	s5 =	sadd.s32 s16, s4;
	[smem:$0x7CF] =	sst s12  }
0x5a: {  	s1 =	sadd.s32 $0x2000, s16;
	[smem:$0x7D2] =	sst s5  }
0x5b: {  	s2 =	sadd.s32 $0x3000, s16;
	s7 =	sadd.s32 s30, s1;
	s5 =	sld [smem:$0x7DB]  }
0x5c: {  	s8 =	sadd.s32 s30, s2;
	[dreg:$0x1e] =	wrdreg s7  }
0x5d: {  	s30 =	sadd.s32 s0, s1;
	[dreg:$0x1f] =	wrdreg s8  }
0x5e: {  	s0 =	sadd.s32 s0, s2;
	[smem:$0x7D0] =	sst s30  }
0x5f: {  	s9 =	sadd.s32 s4, s2;
	[smem:$0x7D1] =	sst s0  }
0x60: {  	s7 =	sadd.s32 s4, s31;
	[smem:$0x7D5] =	sst s9  }
0x61: {  	s8 =	sadd.s32 s4, s1;
	[smem:$0x7D3] =	sst s7  }
0x62: {  	s0 =	sshrl.u32 s10, $0x3;
	[smem:$0x7D4] =	sst s8  }
0x63: {  	s11 =	sadd.s32 s16, s0;
	s7 =	sld [smem:$0x7DC]  }
0x64: {  	s12 =	sadd.s32 s0, s31;
	[smem:$0x7D7] =	sst s11  }
0x65: {  	s30 =	sadd.s32 s0, s1;
	s0 =	sadd.s32 s0, s2;
	[smem:$0x7D8] =	sst s12  }
0x66: {  	[smem:$0x7DA] =	sst s0;
	s0 =	sshrl.u32 s5, $0x3  }
0x67: {  	[smem:$0x7D9] =	sst s30;
	s8 =	sadd.s32 s16, s0  }
0x68: {  	s9 =	sadd.s32 s0, s31;
	[smem:$0x7DD] =	sst s8  }
0x69: {  	s10 =	sadd.s32 s0, s1;
	[smem:$0x7DE] =	sst s9  }
0x6a: {  	s0 =	sadd.s32 s0, s2;
	[smem:$0x7DF] =	sst s10  }
0x6b: {  	s4 =	sshrl.u32 s7, $0x3;
	[smem:$0x7E0] =	sst s0  }
0x6c: {  	s7 =	sld [smem:$0x7E5];
	s11 =	sadd.s32 s16, s4  }
0x6d: {  	s12 =	sadd.s32 s4, s31;
	[smem:$0x7E1] =	sst s11  }
0x6e: {  	s30 =	sadd.s32 s4, s1;
	[smem:$0x7E2] =	sst s12  }
0x6f: {  	s5 =	sadd.s32 s4, s2;
	[smem:$0x7E3] =	sst s30  }
0x70: {  	[smem:$0x7E4] =	sst s5;
	s0 =	sshrl.u32 s7, $0x3  }
0x71: {  	s11 =	sld [smem:$0x7EA];
	s8 =	sadd.s32 s16, s0  }
0x72: {  	s9 =	sadd.s32 s0, s31;
	[smem:$0x7E6] =	sst s8  }
0x73: {  	s10 =	sadd.s32 s0, s1;
	[smem:$0x7E7] =	sst s9  }
0x74: {  	s12 =	sshrl.u32 s13, $0x3;
	s0 =	sadd.s32 s0, s2;
	[smem:$0x7E8] =	sst s10  }
0x75: {  	s15 =	sshrl.u32 s15, $0x3;
	[smem:$0x7E9] =	sst s0;
	s8 =	sadd.s32 s16, s12  }
0x76: {  	s3 =	sshrl.u32 s3, $0x3;
	s9 =	sadd.s32 s12, s31;
	[smem:$0x7EF] =	sst s8  }
0x77: {  	s0 =	sshrl.u32 s11, $0x3;
	s11 =	sadd.s32 s12, s2;
	[smem:$0x7F0] =	sst s9  }
0x78: {  	p2 =	sne.s32 s24, $0x0;
	s13 =	sadd.s32 s16, s0;
	[smem:$0x7F2] =	sst s11  }
0x79: {  	s5 =	sadd.s32 s16, s15;
	s30 =	sadd.s32 s0, s31;
	[smem:$0x7EB] =	sst s13  }
0x7a: {  	s10 =	sadd.s32 s12, s1;
	s7 =	sadd.s32 s0, s1;
	[smem:$0x7EC] =	sst s30  }
0x7b: {  	s12 =	sshrl.u32 s14, $0x3;
	s0 =	sadd.s32 s0, s2;
	[smem:$0x7ED] =	sst s7  }
0x7c: {  	s14 =	sadd.s32 s12, s31;
	s8 =	sadd.s32 s15, s2;
	[smem:$0x7EE] =	sst s0  }
0x7d: {  	s13 =	sadd.s32 s16, s12;
	[smem:$0x7F4] =	sst s14;
	s0 =	sadd.s32 s12, s1  }
0x7e: {  	s30 =	sshrl.u32 s6, $0x3;
	s6 =	sadd.s32 s15, s31;
	s7 =	sadd.s32 s15, s1  }
0x7f: {  	s14 =	sadd.s32 s3, s31;
	s15 =	sadd.s32 s3, s1;
	[smem:$0x7F3] =	sst s13  }
0x80: {  	s9 =	sadd.s32 s16, s30;
	s11 =	sadd.s32 s30, s1;
	s13 =	sadd.s32 s16, s3  }
0x81: {  	s16 =	sadd.s32 s3, s2;
	s1 =	simm.s32 @!p0 $0x0;
	s3 =	sand.u32 $0xF, s17  }
0x82: {  	p4 =	sne.s32 s26, $0x0;
	s1 =	simm.s32 @p0 $0x1;
	p0 =	sne.s32 s3, $0x0  }
0x83: {  	s17 =	sand.u32 $0xF, s19;
	[smem:$0x7F6] =	sst s1;
	s1 =	simm.s32 @!p0 $0x0  }
0x84: {  	s24 =	simm.s32 $0x1D700;
	s1 =	simm.s32 @p0 $0x1;
	p0 =	sne.s32 s17, $0x0  }
0x85: {  	s26 =	simm.s32 $0x4;
	[smem:$0x7F7] =	sst s1;
	s1 =	simm.s32 @!p0 $0x0  }
0x86: {  	[smem:$0x7F1] =	sst s10;
	s1 =	simm.s32 @p0 $0x1;
	p0 =	sne.s32 s18, $0x0  }
0x87: {  	s19 =	sand.u32 $0xF, s21;
	[smem:$0x7F8] =	sst s1;
	s1 =	simm.s32 @!p0 $0x0  }
0x88: {  	s4 =	sadd.s32 s12, s2;
	s1 =	simm.s32 @p0 $0x1;
	p0 =	sne.s32 s19, $0x0  }
0x89: {  	s10 =	sadd.s32 s30, s31;
	[smem:$0x7F9] =	sst s1;
	s1 =	simm.s32 @!p0 $0x0  }
0x8a: {  	s31 =	sld [smem:$0x7F5];
	s1 =	simm.s32 @p0 $0x1;
	p0 =	sne.s32 s20, $0x0  }
0x8b: {  	s17 =	simm.s32 $0x0;
	[smem:$0x7FA] =	sst s1;
	s1 =	simm.s32 @!p0 $0x0  }
0x8c: {  	s12 =	sadd.s32 s30, s2;
	[smem:$0x7FF] =	sst s17;
	s1 =	simm.s32 @p0 $0x1  }
0x8d: {  	s21 =	sand.u32 $0xF, s23;
	s23 =	sand.u32 $0xF, s25;
	[smem:$0x7FB] =	sst s1  }
0x8e: {  	s25 =	sand.u32 $0xF, s28;
	s28 =	simm.s32 $0x0;
	_ =	strace $0x80000047  }
0x8f: {  	p6 =	sne.s32 s21, $0x0;
	p1 =	sne.s32 s23, $0x0;
	s30 =	sld [smem:$0x7FD]  }
0x90: {  	p3 =	sne.s32 s25, $0x0;
	s21 =	simm.s32 $0x2;
	s23 =	simm.s32 $0x1C700  }
0x91: {  	s25 =	simm.s32 $0x3;
	s19 =	simm.s32 $0x80;
	s20 =	simm.s32 $0x400  }
0x92: {  	p0 =	sne.s32 s22, $0x0;
	s22 =	simm.s32 $0x1;
	s18 =	smax.u32 s30, $0x1  }
.LBB2_1:
0x93: {  	s1 =	rddreg [dreg:$0xe]  }
0x94: {  	[tilespmem:s17], [sflag:$0x1] =	stream.strided.gather [hbm4b:s1+s19], $0x18700, s20, s19, $0x38;
	[tilespmem:$0x1E700] =	vst v63  }
0x95: {  	s3 =	simm.s32 $0x18700  }
0x96: {  	[tilespmem:s3], [sflag:$0x2] =	stream.strided.gather [hbm4b:s29+s19], $0x4000, s20, s19, $0x38;
	[tilespmem:$0x1E700] =	vst v63  }
0x97: {  	_ =	swait.ge [sflag:s21], $0x4000  }
0x98: {  	[sflag:s21] =	ssyncset.done $0x0  }
0x99: {  	[sflag:s21] =	ssyncadd.s32 $0xFFFFC000  }
0x9a: {  	_ =	swait.ge [sflag:s22], $0x18700  }
0x9b: {  	[sflag:s22] =	ssyncset.done $0x0  }
0x9c: {  	s30 =	simm.s32 $0x18740;
	[sflag:s22] =	ssyncadd.s32 $0xFFFE7900  }
0x9d: {  	v0 =	vld [tilespmem:s30+$0x30]  }
0x9e: {  	v1 =	vld [tilespmem:s30+$0xFFFFFFD0]  }
0x9f: {  	v2 =	vld [tilespmem:s30+$0xFFFFFFE0]  }
0xa0: {  	v3 =	vld [tilespmem:s30+$0xFFFFFFF0]  }
0xa1: {  	v4 =	vld [tilespmem:s30+$0x0]  }
0xa2: {  	v6 =	vld [tilespmem:s30+$0x10]  }
0xa3: {  	v7 =	vld [tilespmem:s30+$0x20]  }
0xa4: {  	v8 =	vld [tilespmem:s30+$0xFFFFFFC0]  }
0xa5: {  	v9 =	vld.idx.msk [tilespmem:v0+s17+$0x0], $0xffff  }
0xa6: {  	v10 =	vld.idx.msk [tilespmem:v1+s17+$0x0], $0xffff  }
0xa7: {  	v5 =	vld.idx.msk [tilespmem:v2+s17+$0x0], $0xffff  }
0xa8: {  	v3 =	vld.idx.msk [tilespmem:v3+s17+$0x0], $0xffff  }
0xa9: {  	v0 =	vld.idx.msk [tilespmem:v4+s17+$0x0], $0xffff  }
0xaa: {  	s1 =	simm.s32 $0x1C740;
	v1 =	vld.idx.msk [tilespmem:v6+s17+$0x0], $0xffff  }
0xab: {  	v2 =	vld.idx.msk [tilespmem:v7+s17+$0x0], $0xffff;
	[tilespmem:s1+$0x30] =	vst v9  }
0xac: {  	s2 =	simm.s32 $0x0;
	s3 =	simm.s32 $0x187C0;
	v4 =	vld.idx.msk [tilespmem:v8+s17+$0x0], $0xffff;
	[tilespmem:s1+$0xFFFFFFD0] =	vst v10  }
.LBB2_2:
0xad: {  	v6 =	vld [tilespmem:s3+$0x30];
	s2 =	sadd.s32 $0x80, s2;
	[tilespmem:s1+$0xFFFFFFE0] =	vst v5  }
0xae: {  	v5 =	vld [tilespmem:s3+$0xFFFFFFD0];
	p5 =	slt.u32 s2, $0xF80;
	[tilespmem:s1+$0xFFFFFFF0] =	vst v3  }
0xaf: {  	v3 =	vld [tilespmem:s3+$0xFFFFFFE0];
	[tilespmem:s1+$0x0] =	vst v0  }
0xb0: {  	v0 =	vld [tilespmem:s3+$0xFFFFFFF0];
	[tilespmem:s1+$0x10] =	vst v1  }
0xb1: {  	v1 =	vld [tilespmem:s3+$0x0];
	[tilespmem:s1+$0x20] =	vst v2  }
0xb2: {  	v2 =	vld [tilespmem:s3+$0x10];
	[tilespmem:s1+$0xFFFFFFC0] =	vst v4  }
0xb3: {  	v4 =	vld [tilespmem:s3+$0x20]  }
0xb4: {  	v7 =	vld [tilespmem:s3+$0xFFFFFFC0]  }
0xb5: {  	v6 =	vld.idx.msk [tilespmem:v6+s17+$0x0], $0xffff  }
0xb6: {  	v8 =	vld.idx.msk [tilespmem:v5+s17+$0x0], $0xffff  }
0xb7: {  	v5 =	vld.idx.msk [tilespmem:v3+s17+$0x0], $0xffff  }
.Ltmp0:
0xb8: {  	v3 =	vld.idx.msk [tilespmem:v0+s17+$0x0], $0xffff;
	(pc) =	sbr.rel @p5 .LBB2_2-.Ltmp0, $4  }
0xb9: {  	v0 =	vld.idx.msk [tilespmem:v1+s17+$0x0], $0xffff  }
0xba: {  	s1 =	sadd.s32 $0x80, s1;
	v1 =	vld.idx.msk [tilespmem:v2+s17+$0x0], $0xffff  }
0xbb: {  	v2 =	vld.idx.msk [tilespmem:v4+s17+$0x0], $0xffff;
	[tilespmem:s1+$0x30] =	vst v6  }
0xbc: {  	s3 =	sadd.s32 $0x80, s3;
	v4 =	vld.idx.msk [tilespmem:v7+s17+$0x0], $0xffff;
	[tilespmem:s1+$0xFFFFFFD0] =	vst v8  }
0xbd: {  	[tilespmem:s1+$0xFFFFFFE0] =	vst v5  }
0xbe: {  	[tilespmem:s1+$0xFFFFFFF0] =	vst v3  }
0xbf: {  	[tilespmem:s1+$0x0] =	vst v0  }
0xc0: {  	[tilespmem:s1+$0x10] =	vst v1  }
0xc1: {  	[tilespmem:s1+$0x20] =	vst v2  }
0xc2: {  	[tilespmem:s1+$0xFFFFFFC0] =	vst v4  }
0xc3: {  	s30 =	simm.s32 $0x19770;
	s1 =	rddreg [dreg:$0x1c]  }
0xc4: {  	[hbm4b:s1+s19] =	stream.strided.scatter [tilespmem:s23], [sflag:$0x3], $0x1000, s20, s19, $0x38;
	[tilespmem:$0x1E700] =	vst v63  }
0xc5: {  	v0 =	vld [tilespmem:s30+$0x0]  }
0xc6: {  	v1 =	vld [tilespmem:s30+$0xFFFFFFA0]  }
0xc7: {  	v2 =	vld [tilespmem:s30+$0xFFFFFFB0]  }
0xc8: {  	v3 =	vld [tilespmem:s30+$0xFFFFFFC0]  }
0xc9: {  	v4 =	vld [tilespmem:s30+$0xFFFFFFD0]  }
0xca: {  	v6 =	vld [tilespmem:s30+$0xFFFFFFE0]  }
0xcb: {  	v7 =	vld [tilespmem:s30+$0xFFFFFFF0]  }
0xcc: {  	v8 =	vld [tilespmem:s30+$0xFFFFFF90]  }
0xcd: {  	v9 =	vld.idx.msk [tilespmem:v0+s17+$0x0], $0xffff  }
0xce: {  	v10 =	vld.idx.msk [tilespmem:v1+s17+$0x0], $0xffff  }
0xcf: {  	v5 =	vld.idx.msk [tilespmem:v2+s17+$0x0], $0xffff  }
0xd0: {  	v3 =	vld.idx.msk [tilespmem:v3+s17+$0x0], $0xffff  }
0xd1: {  	v0 =	vld.idx.msk [tilespmem:v4+s17+$0x0], $0xffff  }
0xd2: {  	s1 =	simm.s32 $0x1D740;
	v1 =	vld.idx.msk [tilespmem:v6+s17+$0x0], $0xffff  }
0xd3: {  	v2 =	vld.idx.msk [tilespmem:v7+s17+$0x0], $0xffff;
	[tilespmem:s1+$0x30] =	vst v9  }
0xd4: {  	s2 =	simm.s32 $0x0;
	s3 =	simm.s32 $0x197F0;
	v4 =	vld.idx.msk [tilespmem:v8+s17+$0x0], $0xffff;
	[tilespmem:s1+$0xFFFFFFD0] =	vst v10  }
.LBB2_4:
0xd5: {  	v6 =	vld [tilespmem:s3+$0x0];
	s2 =	sadd.s32 $0x80, s2;
	[tilespmem:s1+$0xFFFFFFE0] =	vst v5  }
0xd6: {  	v5 =	vld [tilespmem:s3+$0xFFFFFFA0];
	p5 =	slt.u32 s2, $0xF80;
	[tilespmem:s1+$0xFFFFFFF0] =	vst v3  }
0xd7: {  	v3 =	vld [tilespmem:s3+$0xFFFFFFB0];
	[tilespmem:s1+$0x0] =	vst v0  }
0xd8: {  	v0 =	vld [tilespmem:s3+$0xFFFFFFC0];
	[tilespmem:s1+$0x10] =	vst v1  }
0xd9: {  	v1 =	vld [tilespmem:s3+$0xFFFFFFD0];
	[tilespmem:s1+$0x20] =	vst v2  }
0xda: {  	v2 =	vld [tilespmem:s3+$0xFFFFFFE0];
	[tilespmem:s1+$0xFFFFFFC0] =	vst v4  }
0xdb: {  	v4 =	vld [tilespmem:s3+$0xFFFFFFF0]  }
0xdc: {  	v7 =	vld [tilespmem:s3+$0xFFFFFF90]  }
0xdd: {  	v6 =	vld.idx.msk [tilespmem:v6+s17+$0x0], $0xffff  }
0xde: {  	v8 =	vld.idx.msk [tilespmem:v5+s17+$0x0], $0xffff  }
0xdf: {  	v5 =	vld.idx.msk [tilespmem:v3+s17+$0x0], $0xffff  }
.Ltmp1:
0xe0: {  	v3 =	vld.idx.msk [tilespmem:v0+s17+$0x0], $0xffff;
	(pc) =	sbr.rel @p5 .LBB2_4-.Ltmp1, $4  }
0xe1: {  	v0 =	vld.idx.msk [tilespmem:v1+s17+$0x0], $0xffff  }
0xe2: {  	s1 =	sadd.s32 $0x80, s1;
	v1 =	vld.idx.msk [tilespmem:v2+s17+$0x0], $0xffff  }
0xe3: {  	v2 =	vld.idx.msk [tilespmem:v4+s17+$0x0], $0xffff;
	[tilespmem:s1+$0x30] =	vst v6  }
0xe4: {  	s3 =	sadd.s32 $0x80, s3;
	v4 =	vld.idx.msk [tilespmem:v7+s17+$0x0], $0xffff;
	[tilespmem:s1+$0xFFFFFFD0] =	vst v8  }
0xe5: {  	[tilespmem:s1+$0xFFFFFFE0] =	vst v5  }
0xe6: {  	[tilespmem:s1+$0xFFFFFFF0] =	vst v3  }
0xe7: {  	[tilespmem:s1+$0x0] =	vst v0  }
0xe8: {  	[tilespmem:s1+$0x10] =	vst v1  }
0xe9: {  	[tilespmem:s1+$0x20] =	vst v2  }
0xea: {  	[tilespmem:s1+$0xFFFFFFC0] =	vst v4  }
0xeb: {  	s1 =	rddreg [dreg:$0x1d]  }
0xec: {  	[hbm4b:s1+s19] =	stream.strided.scatter [tilespmem:s24], [sflag:$0x4], $0x1000, s20, s19, $0x38;
	[tilespmem:$0x1E700] =	vst v63  }
0xed: {  	_ =	swait.ge [sflag:s25], $0x1000  }
0xee: {  	[sflag:s25] =	ssyncset.done $0x0  }
0xef: {  	s30 =	simm.s32 $0x1A770;
	[sflag:s25] =	ssyncadd.s32 $0xFFFFF000  }
0xf0: {  	v0 =	vld [tilespmem:s30+$0x0]  }
0xf1: {  	v1 =	vld [tilespmem:s30+$0xFFFFFFA0]  }
0xf2: {  	v2 =	vld [tilespmem:s30+$0xFFFFFFB0]  }
0xf3: {  	v3 =	vld [tilespmem:s30+$0xFFFFFFC0]  }
0xf4: {  	v4 =	vld [tilespmem:s30+$0xFFFFFFD0]  }
0xf5: {  	v6 =	vld [tilespmem:s30+$0xFFFFFFE0]  }
0xf6: {  	v7 =	vld [tilespmem:s30+$0xFFFFFFF0]  }
0xf7: {  	v8 =	vld [tilespmem:s30+$0xFFFFFF90]  }
0xf8: {  	v9 =	vld.idx.msk [tilespmem:v0+s17+$0x0], $0xffff  }
0xf9: {  	v10 =	vld.idx.msk [tilespmem:v1+s17+$0x0], $0xffff  }
0xfa: {  	v5 =	vld.idx.msk [tilespmem:v2+s17+$0x0], $0xffff  }
0xfb: {  	v3 =	vld.idx.msk [tilespmem:v3+s17+$0x0], $0xffff  }
0xfc: {  	v0 =	vld.idx.msk [tilespmem:v4+s17+$0x0], $0xffff  }
0xfd: {  	s1 =	simm.s32 $0x1C740;
	v1 =	vld.idx.msk [tilespmem:v6+s17+$0x0], $0xffff  }
0xfe: {  	v2 =	vld.idx.msk [tilespmem:v7+s17+$0x0], $0xffff;
	[tilespmem:s1+$0x30] =	vst v9  }
0xff: {  	s2 =	simm.s32 $0x0;
	s3 =	simm.s32 $0x1A7F0;
	v4 =	vld.idx.msk [tilespmem:v8+s17+$0x0], $0xffff;
	[tilespmem:s1+$0xFFFFFFD0] =	vst v10  }
.LBB2_6:
0x100: {  	v6 =	vld [tilespmem:s3+$0x0];
	s2 =	sadd.s32 $0x80, s2;
	[tilespmem:s1+$0xFFFFFFE0] =	vst v5  }
0x101: {  	v5 =	vld [tilespmem:s3+$0xFFFFFFA0];
	p5 =	slt.u32 s2, $0xF80;
	[tilespmem:s1+$0xFFFFFFF0] =	vst v3  }
0x102: {  	v3 =	vld [tilespmem:s3+$0xFFFFFFB0];
	[tilespmem:s1+$0x0] =	vst v0  }
0x103: {  	v0 =	vld [tilespmem:s3+$0xFFFFFFC0];
	[tilespmem:s1+$0x10] =	vst v1  }
0x104: {  	v1 =	vld [tilespmem:s3+$0xFFFFFFD0];
	[tilespmem:s1+$0x20] =	vst v2  }
0x105: {  	v2 =	vld [tilespmem:s3+$0xFFFFFFE0];
	[tilespmem:s1+$0xFFFFFFC0] =	vst v4  }
0x106: {  	v4 =	vld [tilespmem:s3+$0xFFFFFFF0]  }
0x107: {  	v7 =	vld [tilespmem:s3+$0xFFFFFF90]  }
0x108: {  	v6 =	vld.idx.msk [tilespmem:v6+s17+$0x0], $0xffff  }
0x109: {  	v8 =	vld.idx.msk [tilespmem:v5+s17+$0x0], $0xffff  }
0x10a: {  	v5 =	vld.idx.msk [tilespmem:v3+s17+$0x0], $0xffff  }
.Ltmp2:
0x10b: {  	v3 =	vld.idx.msk [tilespmem:v0+s17+$0x0], $0xffff;
	(pc) =	sbr.rel @p5 .LBB2_6-.Ltmp2, $4  }
0x10c: {  	v0 =	vld.idx.msk [tilespmem:v1+s17+$0x0], $0xffff  }
0x10d: {  	s1 =	sadd.s32 $0x80, s1;
	v1 =	vld.idx.msk [tilespmem:v2+s17+$0x0], $0xffff  }
0x10e: {  	v2 =	vld.idx.msk [tilespmem:v4+s17+$0x0], $0xffff;
	[tilespmem:s1+$0x30] =	vst v6  }
0x10f: {  	s3 =	sadd.s32 $0x80, s3;
	v4 =	vld.idx.msk [tilespmem:v7+s17+$0x0], $0xffff;
	[tilespmem:s1+$0xFFFFFFD0] =	vst v8  }
0x110: {  	[tilespmem:s1+$0xFFFFFFE0] =	vst v5  }
0x111: {  	[tilespmem:s1+$0xFFFFFFF0] =	vst v3  }
0x112: {  	[tilespmem:s1+$0x0] =	vst v0  }
0x113: {  	[tilespmem:s1+$0x10] =	vst v1  }
0x114: {  	[tilespmem:s1+$0x20] =	vst v2  }
0x115: {  	[tilespmem:s1+$0xFFFFFFC0] =	vst v4  }
0x116: {  	s1 =	rddreg [dreg:$0x1e]  }
0x117: {  	[hbm4b:s1+s19] =	stream.strided.scatter [tilespmem:s23], [sflag:$0x3], $0x1000, s20, s19, $0x38;
	[tilespmem:$0x1E700] =	vst v63  }
0x118: {  	_ =	swait.ge [sflag:s26], $0x1000  }
0x119: {  	[sflag:s26] =	ssyncset.done $0x0  }
0x11a: {  	s30 =	simm.s32 $0x1B770;
	[sflag:s26] =	ssyncadd.s32 $0xFFFFF000  }
0x11b: {  	v0 =	vld [tilespmem:s30+$0x0]  }
0x11c: {  	v1 =	vld [tilespmem:s30+$0xFFFFFFA0]  }
0x11d: {  	v2 =	vld [tilespmem:s30+$0xFFFFFFB0]  }
0x11e: {  	v3 =	vld [tilespmem:s30+$0xFFFFFFC0]  }
0x11f: {  	v4 =	vld [tilespmem:s30+$0xFFFFFFD0]  }
0x120: {  	v6 =	vld [tilespmem:s30+$0xFFFFFFE0]  }
0x121: {  	v7 =	vld [tilespmem:s30+$0xFFFFFFF0]  }
0x122: {  	v8 =	vld [tilespmem:s30+$0xFFFFFF90]  }
0x123: {  	v9 =	vld.idx.msk [tilespmem:v0+s17+$0x0], $0xffff  }
0x124: {  	v10 =	vld.idx.msk [tilespmem:v1+s17+$0x0], $0xffff  }
0x125: {  	v5 =	vld.idx.msk [tilespmem:v2+s17+$0x0], $0xffff  }
0x126: {  	v3 =	vld.idx.msk [tilespmem:v3+s17+$0x0], $0xffff  }
0x127: {  	v0 =	vld.idx.msk [tilespmem:v4+s17+$0x0], $0xffff  }
0x128: {  	s1 =	simm.s32 $0x1D740;
	v1 =	vld.idx.msk [tilespmem:v6+s17+$0x0], $0xffff  }
0x129: {  	v2 =	vld.idx.msk [tilespmem:v7+s17+$0x0], $0xffff;
	[tilespmem:s1+$0x30] =	vst v9  }
0x12a: {  	s2 =	simm.s32 $0x0;
	s3 =	simm.s32 $0x1B7F0;
	v4 =	vld.idx.msk [tilespmem:v8+s17+$0x0], $0xffff;
	[tilespmem:s1+$0xFFFFFFD0] =	vst v10  }
.LBB2_8:
0x12b: {  	v6 =	vld [tilespmem:s3+$0x0];
	s2 =	sadd.s32 $0x80, s2;
	[tilespmem:s1+$0xFFFFFFE0] =	vst v5  }
0x12c: {  	v5 =	vld [tilespmem:s3+$0xFFFFFFA0];
	p5 =	slt.u32 s2, $0xF80;
	[tilespmem:s1+$0xFFFFFFF0] =	vst v3  }
0x12d: {  	v3 =	vld [tilespmem:s3+$0xFFFFFFB0];
	[tilespmem:s1+$0x0] =	vst v0  }
0x12e: {  	v0 =	vld [tilespmem:s3+$0xFFFFFFC0];
	[tilespmem:s1+$0x10] =	vst v1  }
0x12f: {  	v1 =	vld [tilespmem:s3+$0xFFFFFFD0];
	[tilespmem:s1+$0x20] =	vst v2  }
0x130: {  	v2 =	vld [tilespmem:s3+$0xFFFFFFE0];
	[tilespmem:s1+$0xFFFFFFC0] =	vst v4  }
0x131: {  	v4 =	vld [tilespmem:s3+$0xFFFFFFF0]  }
0x132: {  	v7 =	vld [tilespmem:s3+$0xFFFFFF90]  }
0x133: {  	v6 =	vld.idx.msk [tilespmem:v6+s17+$0x0], $0xffff  }
0x134: {  	v8 =	vld.idx.msk [tilespmem:v5+s17+$0x0], $0xffff  }
0x135: {  	v5 =	vld.idx.msk [tilespmem:v3+s17+$0x0], $0xffff  }
.Ltmp3:
0x136: {  	v3 =	vld.idx.msk [tilespmem:v0+s17+$0x0], $0xffff;
	(pc) =	sbr.rel @p5 .LBB2_8-.Ltmp3, $4  }
0x137: {  	v0 =	vld.idx.msk [tilespmem:v1+s17+$0x0], $0xffff  }
0x138: {  	s1 =	sadd.s32 $0x80, s1;
	v1 =	vld.idx.msk [tilespmem:v2+s17+$0x0], $0xffff  }
0x139: {  	v2 =	vld.idx.msk [tilespmem:v4+s17+$0x0], $0xffff;
	[tilespmem:s1+$0x30] =	vst v6  }
0x13a: {  	s3 =	sadd.s32 $0x80, s3;
	v4 =	vld.idx.msk [tilespmem:v7+s17+$0x0], $0xffff;
	[tilespmem:s1+$0xFFFFFFD0] =	vst v8  }
0x13b: {  	[tilespmem:s1+$0xFFFFFFE0] =	vst v5  }
0x13c: {  	[tilespmem:s1+$0xFFFFFFF0] =	vst v3  }
0x13d: {  	[tilespmem:s1+$0x0] =	vst v0  }
0x13e: {  	[tilespmem:s1+$0x10] =	vst v1  }
0x13f: {  	[tilespmem:s1+$0x20] =	vst v2  }
0x140: {  	[tilespmem:s1+$0xFFFFFFC0] =	vst v4  }
0x141: {  	s1 =	rddreg [dreg:$0x1f]  }
0x142: {  	s3 =	sld [smem:$0x7F6]  }
0x143: {  	[hbm4b:s1+s19] =	stream.strided.scatter [tilespmem:s24], [sflag:$0x4], $0x1000, s20, s19, $0x38;
	[tilespmem:$0x1E700] =	vst v63  }
0x144: {  	s2 =	rddreg [dreg:$0xf]  }
0x145: {  	[tilespmem:s17], [sflag:$0x1] =	stream.strided.gather [hbm4b:s2+s19], $0x18700, s20, s19, $0x38;
	[tilespmem:$0x1E700] =	vst v63  }
0x146: {  	s30 =	rddreg [dreg:$0x5];
	p5 =	seq.s32 s3, $0x1  }
0x147: {  	s1 =	simm.s32 @!p5 $0x80;
	s2 =	simm.s32 @!p5 $0x400;
	s3 =	simm.s32 @!p5 $0x18700  }
0x148: {  	[tilespmem:s3], [sflag:$0x2] =	stream.strided.gather @!p5 [hbm4b:s30+s1], $0x4000, s2, s1, $0x38;
	[tilespmem:$0x1E700] =	vst v63  }
0x149: {  	s1 =	simm.s32 @!p5 $0x2  }
0x14a: {  	_ =	swait.ge @!p5 [sflag:s1], $0x4000  }
0x14b: {  	[sflag:s1] =	ssyncset.done @!p5 $0x0  }
0x14c: {  	[sflag:s1] =	ssyncadd.s32 @!p5 $0xFFFFC000  }
0x14d: {  	_ =	swait.ge [sflag:s22], $0x18700  }
0x14e: {  	[sflag:s22] =	ssyncset.done $0x0  }
0x14f: {  	[sflag:s22] =	ssyncadd.s32 $0xFFFE7900  }
0x150: {  	_ =	swait.ge [sflag:s25], $0x1000  }
0x151: {  	[sflag:s25] =	ssyncset.done $0x0  }
0x152: {  	s30 =	simm.s32 $0x18740;
	[sflag:s25] =	ssyncadd.s32 $0xFFFFF000  }
0x153: {  	v0 =	vld [tilespmem:s30+$0x30]  }
0x154: {  	v1 =	vld [tilespmem:s30+$0xFFFFFFD0]  }
0x155: {  	v2 =	vld [tilespmem:s30+$0xFFFFFFE0]  }
0x156: {  	v3 =	vld [tilespmem:s30+$0xFFFFFFF0]  }
0x157: {  	v4 =	vld [tilespmem:s30+$0x0]  }
0x158: {  	v6 =	vld [tilespmem:s30+$0x10]  }
0x159: {  	v7 =	vld [tilespmem:s30+$0x20]  }
0x15a: {  	v8 =	vld [tilespmem:s30+$0xFFFFFFC0]  }
0x15b: {  	v9 =	vld.idx.msk [tilespmem:v0+s17+$0x0], $0xffff  }
0x15c: {  	v10 =	vld.idx.msk [tilespmem:v1+s17+$0x0], $0xffff  }
0x15d: {  	v5 =	vld.idx.msk [tilespmem:v2+s17+$0x0], $0xffff  }
0x15e: {  	v3 =	vld.idx.msk [tilespmem:v3+s17+$0x0], $0xffff  }
0x15f: {  	v0 =	vld.idx.msk [tilespmem:v4+s17+$0x0], $0xffff  }
0x160: {  	s1 =	simm.s32 $0x1C740;
	v1 =	vld.idx.msk [tilespmem:v6+s17+$0x0], $0xffff  }
0x161: {  	v2 =	vld.idx.msk [tilespmem:v7+s17+$0x0], $0xffff;
	[tilespmem:s1+$0x30] =	vst v9  }
0x162: {  	s2 =	simm.s32 $0x0;
	s3 =	simm.s32 $0x187C0;
	v4 =	vld.idx.msk [tilespmem:v8+s17+$0x0], $0xffff;
	[tilespmem:s1+$0xFFFFFFD0] =	vst v10  }
.LBB2_10:
0x163: {  	v6 =	vld [tilespmem:s3+$0x30];
	s2 =	sadd.s32 $0x80, s2;
	[tilespmem:s1+$0xFFFFFFE0] =	vst v5  }
0x164: {  	v5 =	vld [tilespmem:s3+$0xFFFFFFD0];
	p5 =	slt.u32 s2, $0xF80;
	[tilespmem:s1+$0xFFFFFFF0] =	vst v3  }
0x165: {  	v3 =	vld [tilespmem:s3+$0xFFFFFFE0];
	[tilespmem:s1+$0x0] =	vst v0  }
0x166: {  	v0 =	vld [tilespmem:s3+$0xFFFFFFF0];
	[tilespmem:s1+$0x10] =	vst v1  }
0x167: {  	v1 =	vld [tilespmem:s3+$0x0];
	[tilespmem:s1+$0x20] =	vst v2  }
0x168: {  	v2 =	vld [tilespmem:s3+$0x10];
	[tilespmem:s1+$0xFFFFFFC0] =	vst v4  }
0x169: {  	v4 =	vld [tilespmem:s3+$0x20]  }
0x16a: {  	v7 =	vld [tilespmem:s3+$0xFFFFFFC0]  }
0x16b: {  	v6 =	vld.idx.msk [tilespmem:v6+s17+$0x0], $0xffff  }
0x16c: {  	v8 =	vld.idx.msk [tilespmem:v5+s17+$0x0], $0xffff  }
0x16d: {  	v5 =	vld.idx.msk [tilespmem:v3+s17+$0x0], $0xffff  }
.Ltmp4:
0x16e: {  	v3 =	vld.idx.msk [tilespmem:v0+s17+$0x0], $0xffff;
	(pc) =	sbr.rel @p5 .LBB2_10-.Ltmp4, $4  }
0x16f: {  	v0 =	vld.idx.msk [tilespmem:v1+s17+$0x0], $0xffff  }
0x170: {  	s1 =	sadd.s32 $0x80, s1;
	v1 =	vld.idx.msk [tilespmem:v2+s17+$0x0], $0xffff  }
0x171: {  	v2 =	vld.idx.msk [tilespmem:v4+s17+$0x0], $0xffff;
	[tilespmem:s1+$0x30] =	vst v6  }
0x172: {  	s3 =	sadd.s32 $0x80, s3;
	v4 =	vld.idx.msk [tilespmem:v7+s17+$0x0], $0xffff;
	[tilespmem:s1+$0xFFFFFFD0] =	vst v8  }
0x173: {  	[tilespmem:s1+$0xFFFFFFE0] =	vst v5  }
0x174: {  	[tilespmem:s1+$0xFFFFFFF0] =	vst v3  }
0x175: {  	[tilespmem:s1+$0x0] =	vst v0  }
0x176: {  	[tilespmem:s1+$0x10] =	vst v1  }
0x177: {  	[tilespmem:s1+$0x20] =	vst v2  }
0x178: {  	[tilespmem:s1+$0xFFFFFFC0] =	vst v4  }
0x179: {  	s1 =	sld [smem:$0x7CE];
	_ =	sdelay $0x2  }
0x17a: {  	[hbm4b:s1+s19] =	stream.strided.scatter [tilespmem:s23], [sflag:$0x3], $0x1000, s20, s19, $0x38;
	[tilespmem:$0x1E700] =	vst v63  }
0x17b: {  	_ =	swait.ge [sflag:s26], $0x1000  }
0x17c: {  	[sflag:s26] =	ssyncset.done $0x0  }
0x17d: {  	s30 =	simm.s32 $0x19770;
	[sflag:s26] =	ssyncadd.s32 $0xFFFFF000  }
0x17e: {  	v0 =	vld [tilespmem:s30+$0x0]  }
0x17f: {  	v1 =	vld [tilespmem:s30+$0xFFFFFFA0]  }
0x180: {  	v2 =	vld [tilespmem:s30+$0xFFFFFFB0]  }
0x181: {  	v3 =	vld [tilespmem:s30+$0xFFFFFFC0]  }
0x182: {  	v4 =	vld [tilespmem:s30+$0xFFFFFFD0]  }
0x183: {  	v6 =	vld [tilespmem:s30+$0xFFFFFFE0]  }
0x184: {  	v7 =	vld [tilespmem:s30+$0xFFFFFFF0]  }
0x185: {  	v8 =	vld [tilespmem:s30+$0xFFFFFF90]  }
0x186: {  	v9 =	vld.idx.msk [tilespmem:v0+s17+$0x0], $0xffff  }
0x187: {  	v10 =	vld.idx.msk [tilespmem:v1+s17+$0x0], $0xffff  }
0x188: {  	v5 =	vld.idx.msk [tilespmem:v2+s17+$0x0], $0xffff  }
0x189: {  	v3 =	vld.idx.msk [tilespmem:v3+s17+$0x0], $0xffff  }
0x18a: {  	v0 =	vld.idx.msk [tilespmem:v4+s17+$0x0], $0xffff  }
0x18b: {  	s1 =	simm.s32 $0x1D740;
	v1 =	vld.idx.msk [tilespmem:v6+s17+$0x0], $0xffff  }
0x18c: {  	v2 =	vld.idx.msk [tilespmem:v7+s17+$0x0], $0xffff;
	[tilespmem:s1+$0x30] =	vst v9  }
0x18d: {  	s2 =	simm.s32 $0x0;
	s3 =	simm.s32 $0x197F0;
	v4 =	vld.idx.msk [tilespmem:v8+s17+$0x0], $0xffff;
	[tilespmem:s1+$0xFFFFFFD0] =	vst v10  }
.LBB2_12:
0x18e: {  	v6 =	vld [tilespmem:s3+$0x0];
	s2 =	sadd.s32 $0x80, s2;
	[tilespmem:s1+$0xFFFFFFE0] =	vst v5  }
0x18f: {  	v5 =	vld [tilespmem:s3+$0xFFFFFFA0];
	p5 =	slt.u32 s2, $0xF80;
	[tilespmem:s1+$0xFFFFFFF0] =	vst v3  }
0x190: {  	v3 =	vld [tilespmem:s3+$0xFFFFFFB0];
	[tilespmem:s1+$0x0] =	vst v0  }
0x191: {  	v0 =	vld [tilespmem:s3+$0xFFFFFFC0];
	[tilespmem:s1+$0x10] =	vst v1  }
0x192: {  	v1 =	vld [tilespmem:s3+$0xFFFFFFD0];
	[tilespmem:s1+$0x20] =	vst v2  }
0x193: {  	v2 =	vld [tilespmem:s3+$0xFFFFFFE0];
	[tilespmem:s1+$0xFFFFFFC0] =	vst v4  }
0x194: {  	v4 =	vld [tilespmem:s3+$0xFFFFFFF0]  }
0x195: {  	v7 =	vld [tilespmem:s3+$0xFFFFFF90]  }
0x196: {  	v6 =	vld.idx.msk [tilespmem:v6+s17+$0x0], $0xffff  }
0x197: {  	v8 =	vld.idx.msk [tilespmem:v5+s17+$0x0], $0xffff  }
0x198: {  	v5 =	vld.idx.msk [tilespmem:v3+s17+$0x0], $0xffff  }
.Ltmp5:
0x199: {  	v3 =	vld.idx.msk [tilespmem:v0+s17+$0x0], $0xffff;
	(pc) =	sbr.rel @p5 .LBB2_12-.Ltmp5, $4  }
0x19a: {  	v0 =	vld.idx.msk [tilespmem:v1+s17+$0x0], $0xffff  }
0x19b: {  	s1 =	sadd.s32 $0x80, s1;
	v1 =	vld.idx.msk [tilespmem:v2+s17+$0x0], $0xffff  }
0x19c: {  	v2 =	vld.idx.msk [tilespmem:v4+s17+$0x0], $0xffff;
	[tilespmem:s1+$0x30] =	vst v6  }
0x19d: {  	s3 =	sadd.s32 $0x80, s3;
	v4 =	vld.idx.msk [tilespmem:v7+s17+$0x0], $0xffff;
	[tilespmem:s1+$0xFFFFFFD0] =	vst v8  }
0x19e: {  	[tilespmem:s1+$0xFFFFFFE0] =	vst v5  }
0x19f: {  	[tilespmem:s1+$0xFFFFFFF0] =	vst v3  }
0x1a0: {  	[tilespmem:s1+$0x0] =	vst v0  }
0x1a1: {  	[tilespmem:s1+$0x10] =	vst v1  }
0x1a2: {  	[tilespmem:s1+$0x20] =	vst v2  }
0x1a3: {  	[tilespmem:s1+$0xFFFFFFC0] =	vst v4  }
0x1a4: {  	s1 =	sld [smem:$0x7CF];
	_ =	sdelay $0x2  }
0x1a5: {  	[hbm4b:s1+s19] =	stream.strided.scatter [tilespmem:s24], [sflag:$0x4], $0x1000, s20, s19, $0x38;
	[tilespmem:$0x1E700] =	vst v63  }
0x1a6: {  	_ =	swait.ge [sflag:s25], $0x1000  }
0x1a7: {  	[sflag:s25] =	ssyncset.done $0x0  }
0x1a8: {  	s30 =	simm.s32 $0x1A770;
	[sflag:s25] =	ssyncadd.s32 $0xFFFFF000  }
0x1a9: {  	v0 =	vld [tilespmem:s30+$0x0]  }
0x1aa: {  	v1 =	vld [tilespmem:s30+$0xFFFFFFA0]  }
0x1ab: {  	v2 =	vld [tilespmem:s30+$0xFFFFFFB0]  }
0x1ac: {  	v3 =	vld [tilespmem:s30+$0xFFFFFFC0]  }
0x1ad: {  	v4 =	vld [tilespmem:s30+$0xFFFFFFD0]  }
0x1ae: {  	v6 =	vld [tilespmem:s30+$0xFFFFFFE0]  }
0x1af: {  	v7 =	vld [tilespmem:s30+$0xFFFFFFF0]  }
0x1b0: {  	v8 =	vld [tilespmem:s30+$0xFFFFFF90]  }
0x1b1: {  	v9 =	vld.idx.msk [tilespmem:v0+s17+$0x0], $0xffff  }
0x1b2: {  	v10 =	vld.idx.msk [tilespmem:v1+s17+$0x0], $0xffff  }
0x1b3: {  	v5 =	vld.idx.msk [tilespmem:v2+s17+$0x0], $0xffff  }
0x1b4: {  	v3 =	vld.idx.msk [tilespmem:v3+s17+$0x0], $0xffff  }
0x1b5: {  	v0 =	vld.idx.msk [tilespmem:v4+s17+$0x0], $0xffff  }
0x1b6: {  	s1 =	simm.s32 $0x1C740;
	v1 =	vld.idx.msk [tilespmem:v6+s17+$0x0], $0xffff  }
0x1b7: {  	v2 =	vld.idx.msk [tilespmem:v7+s17+$0x0], $0xffff;
	[tilespmem:s1+$0x30] =	vst v9  }
0x1b8: {  	s2 =	simm.s32 $0x0;
	s3 =	simm.s32 $0x1A7F0;
	v4 =	vld.idx.msk [tilespmem:v8+s17+$0x0], $0xffff;
	[tilespmem:s1+$0xFFFFFFD0] =	vst v10  }
.LBB2_14:
0x1b9: {  	v6 =	vld [tilespmem:s3+$0x0];
	s2 =	sadd.s32 $0x80, s2;
	[tilespmem:s1+$0xFFFFFFE0] =	vst v5  }
0x1ba: {  	v5 =	vld [tilespmem:s3+$0xFFFFFFA0];
	p5 =	slt.u32 s2, $0xF80;
	[tilespmem:s1+$0xFFFFFFF0] =	vst v3  }
0x1bb: {  	v3 =	vld [tilespmem:s3+$0xFFFFFFB0];
	[tilespmem:s1+$0x0] =	vst v0  }
0x1bc: {  	v0 =	vld [tilespmem:s3+$0xFFFFFFC0];
	[tilespmem:s1+$0x10] =	vst v1  }
0x1bd: {  	v1 =	vld [tilespmem:s3+$0xFFFFFFD0];
	[tilespmem:s1+$0x20] =	vst v2  }
0x1be: {  	v2 =	vld [tilespmem:s3+$0xFFFFFFE0];
	[tilespmem:s1+$0xFFFFFFC0] =	vst v4  }
0x1bf: {  	v4 =	vld [tilespmem:s3+$0xFFFFFFF0]  }
0x1c0: {  	v7 =	vld [tilespmem:s3+$0xFFFFFF90]  }
0x1c1: {  	v6 =	vld.idx.msk [tilespmem:v6+s17+$0x0], $0xffff  }
0x1c2: {  	v8 =	vld.idx.msk [tilespmem:v5+s17+$0x0], $0xffff  }
0x1c3: {  	v5 =	vld.idx.msk [tilespmem:v3+s17+$0x0], $0xffff  }
.Ltmp6:
0x1c4: {  	v3 =	vld.idx.msk [tilespmem:v0+s17+$0x0], $0xffff;
	(pc) =	sbr.rel @p5 .LBB2_14-.Ltmp6, $4  }
0x1c5: {  	v0 =	vld.idx.msk [tilespmem:v1+s17+$0x0], $0xffff  }
0x1c6: {  	s1 =	sadd.s32 $0x80, s1;
	v1 =	vld.idx.msk [tilespmem:v2+s17+$0x0], $0xffff  }
0x1c7: {  	v2 =	vld.idx.msk [tilespmem:v4+s17+$0x0], $0xffff;
	[tilespmem:s1+$0x30] =	vst v6  }
0x1c8: {  	s3 =	sadd.s32 $0x80, s3;
	v4 =	vld.idx.msk [tilespmem:v7+s17+$0x0], $0xffff;
	[tilespmem:s1+$0xFFFFFFD0] =	vst v8  }
0x1c9: {  	[tilespmem:s1+$0xFFFFFFE0] =	vst v5  }
0x1ca: {  	[tilespmem:s1+$0xFFFFFFF0] =	vst v3  }
0x1cb: {  	[tilespmem:s1+$0x0] =	vst v0  }
0x1cc: {  	[tilespmem:s1+$0x10] =	vst v1  }
0x1cd: {  	[tilespmem:s1+$0x20] =	vst v2  }
0x1ce: {  	[tilespmem:s1+$0xFFFFFFC0] =	vst v4  }
0x1cf: {  	s1 =	sld [smem:$0x7D0];
	_ =	sdelay $0x2  }
0x1d0: {  	[hbm4b:s1+s19] =	stream.strided.scatter [tilespmem:s23], [sflag:$0x3], $0x1000, s20, s19, $0x38;
	[tilespmem:$0x1E700] =	vst v63  }
0x1d1: {  	_ =	swait.ge [sflag:s26], $0x1000  }
0x1d2: {  	[sflag:s26] =	ssyncset.done $0x0  }
0x1d3: {  	s30 =	simm.s32 $0x1B770;
	[sflag:s26] =	ssyncadd.s32 $0xFFFFF000  }
0x1d4: {  	v0 =	vld [tilespmem:s30+$0x0]  }
0x1d5: {  	v1 =	vld [tilespmem:s30+$0xFFFFFFA0]  }
0x1d6: {  	v2 =	vld [tilespmem:s30+$0xFFFFFFB0]  }
0x1d7: {  	v3 =	vld [tilespmem:s30+$0xFFFFFFC0]  }
0x1d8: {  	v4 =	vld [tilespmem:s30+$0xFFFFFFD0]  }
0x1d9: {  	v6 =	vld [tilespmem:s30+$0xFFFFFFE0]  }
0x1da: {  	v7 =	vld [tilespmem:s30+$0xFFFFFFF0]  }
0x1db: {  	v8 =	vld [tilespmem:s30+$0xFFFFFF90]  }
0x1dc: {  	v9 =	vld.idx.msk [tilespmem:v0+s17+$0x0], $0xffff  }
0x1dd: {  	v10 =	vld.idx.msk [tilespmem:v1+s17+$0x0], $0xffff  }
0x1de: {  	v5 =	vld.idx.msk [tilespmem:v2+s17+$0x0], $0xffff  }
0x1df: {  	v3 =	vld.idx.msk [tilespmem:v3+s17+$0x0], $0xffff  }
0x1e0: {  	v0 =	vld.idx.msk [tilespmem:v4+s17+$0x0], $0xffff  }
0x1e1: {  	s1 =	simm.s32 $0x1D740;
	v1 =	vld.idx.msk [tilespmem:v6+s17+$0x0], $0xffff  }
0x1e2: {  	v2 =	vld.idx.msk [tilespmem:v7+s17+$0x0], $0xffff;
	[tilespmem:s1+$0x30] =	vst v9  }
0x1e3: {  	s2 =	simm.s32 $0x0;
	s3 =	simm.s32 $0x1B7F0;
	v4 =	vld.idx.msk [tilespmem:v8+s17+$0x0], $0xffff;
	[tilespmem:s1+$0xFFFFFFD0] =	vst v10  }
.LBB2_16:
0x1e4: {  	v6 =	vld [tilespmem:s3+$0x0];
	s2 =	sadd.s32 $0x80, s2;
	[tilespmem:s1+$0xFFFFFFE0] =	vst v5  }
0x1e5: {  	v5 =	vld [tilespmem:s3+$0xFFFFFFA0];
	p5 =	slt.u32 s2, $0xF80;
	[tilespmem:s1+$0xFFFFFFF0] =	vst v3  }
0x1e6: {  	v3 =	vld [tilespmem:s3+$0xFFFFFFB0];
	[tilespmem:s1+$0x0] =	vst v0  }
0x1e7: {  	v0 =	vld [tilespmem:s3+$0xFFFFFFC0];
	[tilespmem:s1+$0x10] =	vst v1  }
0x1e8: {  	v1 =	vld [tilespmem:s3+$0xFFFFFFD0];
	[tilespmem:s1+$0x20] =	vst v2  }
0x1e9: {  	v2 =	vld [tilespmem:s3+$0xFFFFFFE0];
	[tilespmem:s1+$0xFFFFFFC0] =	vst v4  }
0x1ea: {  	v4 =	vld [tilespmem:s3+$0xFFFFFFF0]  }
0x1eb: {  	v7 =	vld [tilespmem:s3+$0xFFFFFF90]  }
0x1ec: {  	v6 =	vld.idx.msk [tilespmem:v6+s17+$0x0], $0xffff  }
0x1ed: {  	v8 =	vld.idx.msk [tilespmem:v5+s17+$0x0], $0xffff  }
0x1ee: {  	v5 =	vld.idx.msk [tilespmem:v3+s17+$0x0], $0xffff  }
.Ltmp7:
0x1ef: {  	v3 =	vld.idx.msk [tilespmem:v0+s17+$0x0], $0xffff;
	(pc) =	sbr.rel @p5 .LBB2_16-.Ltmp7, $4  }
0x1f0: {  	v0 =	vld.idx.msk [tilespmem:v1+s17+$0x0], $0xffff  }
0x1f1: {  	s1 =	sadd.s32 $0x80, s1;
	v1 =	vld.idx.msk [tilespmem:v2+s17+$0x0], $0xffff  }
0x1f2: {  	v2 =	vld.idx.msk [tilespmem:v4+s17+$0x0], $0xffff;
	[tilespmem:s1+$0x30] =	vst v6  }
0x1f3: {  	s3 =	sadd.s32 $0x80, s3;
	v4 =	vld.idx.msk [tilespmem:v7+s17+$0x0], $0xffff;
	[tilespmem:s1+$0xFFFFFFD0] =	vst v8  }
0x1f4: {  	[tilespmem:s1+$0xFFFFFFE0] =	vst v5  }
0x1f5: {  	[tilespmem:s1+$0xFFFFFFF0] =	vst v3  }
0x1f6: {  	[tilespmem:s1+$0x0] =	vst v0  }
0x1f7: {  	[tilespmem:s1+$0x10] =	vst v1  }
0x1f8: {  	[tilespmem:s1+$0x20] =	vst v2  }
0x1f9: {  	[tilespmem:s1+$0xFFFFFFC0] =	vst v4  }
0x1fa: {  	s1 =	sld [smem:$0x7D1]  }
0x1fb: {  	s3 =	sld [smem:$0x7F7];
	_ =	sdelay $0x1  }
0x1fc: {  	[hbm4b:s1+s19] =	stream.strided.scatter [tilespmem:s24], [sflag:$0x4], $0x1000, s20, s19, $0x38;
	[tilespmem:$0x1E700] =	vst v63  }
0x1fd: {  	s2 =	rddreg [dreg:$0x10];
	p5 =	seq.s32 s3, $0x1  }
0x1fe: {  	[tilespmem:s17], [sflag:$0x1] =	stream.strided.gather [hbm4b:s2+s19], $0x18700, s20, s19, $0x38;
	[tilespmem:$0x1E700] =	vst v63  }
0x1ff: {  	s1 =	simm.s32 @!p5 $0x80;
	s3 =	simm.s32 @!p5 $0x18700;
	s2 =	simm.s32 @!p5 $0x400  }
0x200: {  	[tilespmem:s3], [sflag:$0x2] =	stream.strided.gather @!p5 [hbm4b:s31+s1], $0x4000, s2, s1, $0x38;
	[tilespmem:$0x1E700] =	vst v63  }
0x201: {  	s1 =	simm.s32 @!p5 $0x2  }
0x202: {  	_ =	swait.ge @!p5 [sflag:s1], $0x4000  }
0x203: {  	[sflag:s1] =	ssyncset.done @!p5 $0x0  }
0x204: {  	[sflag:s1] =	ssyncadd.s32 @!p5 $0xFFFFC000  }
0x205: {  	_ =	swait.ge [sflag:s22], $0x18700  }
0x206: {  	[sflag:s22] =	ssyncset.done $0x0  }
0x207: {  	[sflag:s22] =	ssyncadd.s32 $0xFFFE7900  }
0x208: {  	_ =	swait.ge [sflag:s25], $0x1000  }
0x209: {  	[sflag:s25] =	ssyncset.done $0x0  }
0x20a: {  	s30 =	simm.s32 $0x18740;
	[sflag:s25] =	ssyncadd.s32 $0xFFFFF000  }
0x20b: {  	v0 =	vld [tilespmem:s30+$0x30]  }
0x20c: {  	v1 =	vld [tilespmem:s30+$0xFFFFFFD0]  }
0x20d: {  	v2 =	vld [tilespmem:s30+$0xFFFFFFE0]  }
0x20e: {  	v3 =	vld [tilespmem:s30+$0xFFFFFFF0]  }
0x20f: {  	v4 =	vld [tilespmem:s30+$0x0]  }
0x210: {  	v6 =	vld [tilespmem:s30+$0x10]  }
0x211: {  	v7 =	vld [tilespmem:s30+$0x20]  }
0x212: {  	v8 =	vld [tilespmem:s30+$0xFFFFFFC0]  }
0x213: {  	v9 =	vld.idx.msk [tilespmem:v0+s17+$0x0], $0xffff  }
0x214: {  	v10 =	vld.idx.msk [tilespmem:v1+s17+$0x0], $0xffff  }
0x215: {  	v5 =	vld.idx.msk [tilespmem:v2+s17+$0x0], $0xffff  }
0x216: {  	v3 =	vld.idx.msk [tilespmem:v3+s17+$0x0], $0xffff  }
0x217: {  	v0 =	vld.idx.msk [tilespmem:v4+s17+$0x0], $0xffff  }
0x218: {  	s1 =	simm.s32 $0x1C740;
	v1 =	vld.idx.msk [tilespmem:v6+s17+$0x0], $0xffff  }
0x219: {  	v2 =	vld.idx.msk [tilespmem:v7+s17+$0x0], $0xffff;
	[tilespmem:s1+$0x30] =	vst v9  }
0x21a: {  	s2 =	simm.s32 $0x0;
	s3 =	simm.s32 $0x187C0;
	v4 =	vld.idx.msk [tilespmem:v8+s17+$0x0], $0xffff;
	[tilespmem:s1+$0xFFFFFFD0] =	vst v10  }
.LBB2_18:
0x21b: {  	v6 =	vld [tilespmem:s3+$0x30];
	s2 =	sadd.s32 $0x80, s2;
	[tilespmem:s1+$0xFFFFFFE0] =	vst v5  }
0x21c: {  	v5 =	vld [tilespmem:s3+$0xFFFFFFD0];
	p5 =	slt.u32 s2, $0xF80;
	[tilespmem:s1+$0xFFFFFFF0] =	vst v3  }
0x21d: {  	v3 =	vld [tilespmem:s3+$0xFFFFFFE0];
	[tilespmem:s1+$0x0] =	vst v0  }
0x21e: {  	v0 =	vld [tilespmem:s3+$0xFFFFFFF0];
	[tilespmem:s1+$0x10] =	vst v1  }
0x21f: {  	v1 =	vld [tilespmem:s3+$0x0];
	[tilespmem:s1+$0x20] =	vst v2  }
0x220: {  	v2 =	vld [tilespmem:s3+$0x10];
	[tilespmem:s1+$0xFFFFFFC0] =	vst v4  }
0x221: {  	v4 =	vld [tilespmem:s3+$0x20]  }
0x222: {  	v7 =	vld [tilespmem:s3+$0xFFFFFFC0]  }
0x223: {  	v6 =	vld.idx.msk [tilespmem:v6+s17+$0x0], $0xffff  }
0x224: {  	v8 =	vld.idx.msk [tilespmem:v5+s17+$0x0], $0xffff  }
0x225: {  	v5 =	vld.idx.msk [tilespmem:v3+s17+$0x0], $0xffff  }
.Ltmp8:
0x226: {  	v3 =	vld.idx.msk [tilespmem:v0+s17+$0x0], $0xffff;
	(pc) =	sbr.rel @p5 .LBB2_18-.Ltmp8, $4  }
0x227: {  	v0 =	vld.idx.msk [tilespmem:v1+s17+$0x0], $0xffff  }
0x228: {  	s1 =	sadd.s32 $0x80, s1;
	v1 =	vld.idx.msk [tilespmem:v2+s17+$0x0], $0xffff  }
0x229: {  	v2 =	vld.idx.msk [tilespmem:v4+s17+$0x0], $0xffff;
	[tilespmem:s1+$0x30] =	vst v6  }
0x22a: {  	s3 =	sadd.s32 $0x80, s3;
	v4 =	vld.idx.msk [tilespmem:v7+s17+$0x0], $0xffff;
	[tilespmem:s1+$0xFFFFFFD0] =	vst v8  }
0x22b: {  	[tilespmem:s1+$0xFFFFFFE0] =	vst v5  }
0x22c: {  	[tilespmem:s1+$0xFFFFFFF0] =	vst v3  }
0x22d: {  	[tilespmem:s1+$0x0] =	vst v0  }
0x22e: {  	[tilespmem:s1+$0x10] =	vst v1  }
0x22f: {  	[tilespmem:s1+$0x20] =	vst v2  }
0x230: {  	[tilespmem:s1+$0xFFFFFFC0] =	vst v4  }
0x231: {  	s1 =	sld [smem:$0x7D2];
	_ =	sdelay $0x2  }
0x232: {  	[hbm4b:s1+s19] =	stream.strided.scatter [tilespmem:s23], [sflag:$0x3], $0x1000, s20, s19, $0x38;
	[tilespmem:$0x1E700] =	vst v63  }
0x233: {  	_ =	swait.ge [sflag:s26], $0x1000  }
0x234: {  	[sflag:s26] =	ssyncset.done $0x0  }
0x235: {  	s30 =	simm.s32 $0x19770;
	[sflag:s26] =	ssyncadd.s32 $0xFFFFF000  }
0x236: {  	v0 =	vld [tilespmem:s30+$0x0]  }
0x237: {  	v1 =	vld [tilespmem:s30+$0xFFFFFFA0]  }
0x238: {  	v2 =	vld [tilespmem:s30+$0xFFFFFFB0]  }
0x239: {  	v3 =	vld [tilespmem:s30+$0xFFFFFFC0]  }
0x23a: {  	v4 =	vld [tilespmem:s30+$0xFFFFFFD0]  }
0x23b: {  	v6 =	vld [tilespmem:s30+$0xFFFFFFE0]  }
0x23c: {  	v7 =	vld [tilespmem:s30+$0xFFFFFFF0]  }
0x23d: {  	v8 =	vld [tilespmem:s30+$0xFFFFFF90]  }
0x23e: {  	v9 =	vld.idx.msk [tilespmem:v0+s17+$0x0], $0xffff  }
0x23f: {  	v10 =	vld.idx.msk [tilespmem:v1+s17+$0x0], $0xffff  }
0x240: {  	v5 =	vld.idx.msk [tilespmem:v2+s17+$0x0], $0xffff  }
0x241: {  	v3 =	vld.idx.msk [tilespmem:v3+s17+$0x0], $0xffff  }
0x242: {  	v0 =	vld.idx.msk [tilespmem:v4+s17+$0x0], $0xffff  }
0x243: {  	s1 =	simm.s32 $0x1D740;
	v1 =	vld.idx.msk [tilespmem:v6+s17+$0x0], $0xffff  }
0x244: {  	v2 =	vld.idx.msk [tilespmem:v7+s17+$0x0], $0xffff;
	[tilespmem:s1+$0x30] =	vst v9  }
0x245: {  	s2 =	simm.s32 $0x0;
	s3 =	simm.s32 $0x197F0;
	v4 =	vld.idx.msk [tilespmem:v8+s17+$0x0], $0xffff;
	[tilespmem:s1+$0xFFFFFFD0] =	vst v10  }
.LBB2_20:
0x246: {  	v6 =	vld [tilespmem:s3+$0x0];
	s2 =	sadd.s32 $0x80, s2;
	[tilespmem:s1+$0xFFFFFFE0] =	vst v5  }
0x247: {  	v5 =	vld [tilespmem:s3+$0xFFFFFFA0];
	p5 =	slt.u32 s2, $0xF80;
	[tilespmem:s1+$0xFFFFFFF0] =	vst v3  }
0x248: {  	v3 =	vld [tilespmem:s3+$0xFFFFFFB0];
	[tilespmem:s1+$0x0] =	vst v0  }
0x249: {  	v0 =	vld [tilespmem:s3+$0xFFFFFFC0];
	[tilespmem:s1+$0x10] =	vst v1  }
0x24a: {  	v1 =	vld [tilespmem:s3+$0xFFFFFFD0];
	[tilespmem:s1+$0x20] =	vst v2  }
0x24b: {  	v2 =	vld [tilespmem:s3+$0xFFFFFFE0];
	[tilespmem:s1+$0xFFFFFFC0] =	vst v4  }
0x24c: {  	v4 =	vld [tilespmem:s3+$0xFFFFFFF0]  }
0x24d: {  	v7 =	vld [tilespmem:s3+$0xFFFFFF90]  }
0x24e: {  	v6 =	vld.idx.msk [tilespmem:v6+s17+$0x0], $0xffff  }
0x24f: {  	v8 =	vld.idx.msk [tilespmem:v5+s17+$0x0], $0xffff  }
0x250: {  	v5 =	vld.idx.msk [tilespmem:v3+s17+$0x0], $0xffff  }
.Ltmp9:
0x251: {  	v3 =	vld.idx.msk [tilespmem:v0+s17+$0x0], $0xffff;
	(pc) =	sbr.rel @p5 .LBB2_20-.Ltmp9, $4  }
0x252: {  	v0 =	vld.idx.msk [tilespmem:v1+s17+$0x0], $0xffff  }
0x253: {  	s1 =	sadd.s32 $0x80, s1;
	v1 =	vld.idx.msk [tilespmem:v2+s17+$0x0], $0xffff  }
0x254: {  	v2 =	vld.idx.msk [tilespmem:v4+s17+$0x0], $0xffff;
	[tilespmem:s1+$0x30] =	vst v6  }
0x255: {  	s3 =	sadd.s32 $0x80, s3;
	v4 =	vld.idx.msk [tilespmem:v7+s17+$0x0], $0xffff;
	[tilespmem:s1+$0xFFFFFFD0] =	vst v8  }
0x256: {  	[tilespmem:s1+$0xFFFFFFE0] =	vst v5  }
0x257: {  	[tilespmem:s1+$0xFFFFFFF0] =	vst v3  }
0x258: {  	[tilespmem:s1+$0x0] =	vst v0  }
0x259: {  	[tilespmem:s1+$0x10] =	vst v1  }
0x25a: {  	[tilespmem:s1+$0x20] =	vst v2  }
0x25b: {  	[tilespmem:s1+$0xFFFFFFC0] =	vst v4  }
0x25c: {  	s1 =	sld [smem:$0x7D3];
	_ =	sdelay $0x2  }
0x25d: {  	[hbm4b:s1+s19] =	stream.strided.scatter [tilespmem:s24], [sflag:$0x4], $0x1000, s20, s19, $0x38;
	[tilespmem:$0x1E700] =	vst v63  }
0x25e: {  	_ =	swait.ge [sflag:s25], $0x1000  }
0x25f: {  	[sflag:s25] =	ssyncset.done $0x0  }
0x260: {  	s30 =	simm.s32 $0x1A770;
	[sflag:s25] =	ssyncadd.s32 $0xFFFFF000  }
0x261: {  	v0 =	vld [tilespmem:s30+$0x0]  }
0x262: {  	v1 =	vld [tilespmem:s30+$0xFFFFFFA0]  }
0x263: {  	v2 =	vld [tilespmem:s30+$0xFFFFFFB0]  }
0x264: {  	v3 =	vld [tilespmem:s30+$0xFFFFFFC0]  }
0x265: {  	v4 =	vld [tilespmem:s30+$0xFFFFFFD0]  }
0x266: {  	v6 =	vld [tilespmem:s30+$0xFFFFFFE0]  }
0x267: {  	v7 =	vld [tilespmem:s30+$0xFFFFFFF0]  }
0x268: {  	v8 =	vld [tilespmem:s30+$0xFFFFFF90]  }
0x269: {  	v9 =	vld.idx.msk [tilespmem:v0+s17+$0x0], $0xffff  }
0x26a: {  	v10 =	vld.idx.msk [tilespmem:v1+s17+$0x0], $0xffff  }
0x26b: {  	v5 =	vld.idx.msk [tilespmem:v2+s17+$0x0], $0xffff  }
0x26c: {  	v3 =	vld.idx.msk [tilespmem:v3+s17+$0x0], $0xffff  }
0x26d: {  	v0 =	vld.idx.msk [tilespmem:v4+s17+$0x0], $0xffff  }
0x26e: {  	s1 =	simm.s32 $0x1C740;
	v1 =	vld.idx.msk [tilespmem:v6+s17+$0x0], $0xffff  }
0x26f: {  	v2 =	vld.idx.msk [tilespmem:v7+s17+$0x0], $0xffff;
	[tilespmem:s1+$0x30] =	vst v9  }
0x270: {  	s2 =	simm.s32 $0x0;
	s3 =	simm.s32 $0x1A7F0;
	v4 =	vld.idx.msk [tilespmem:v8+s17+$0x0], $0xffff;
	[tilespmem:s1+$0xFFFFFFD0] =	vst v10  }
.LBB2_22:
0x271: {  	v6 =	vld [tilespmem:s3+$0x0];
	s2 =	sadd.s32 $0x80, s2;
	[tilespmem:s1+$0xFFFFFFE0] =	vst v5  }
0x272: {  	v5 =	vld [tilespmem:s3+$0xFFFFFFA0];
	p5 =	slt.u32 s2, $0xF80;
	[tilespmem:s1+$0xFFFFFFF0] =	vst v3  }
0x273: {  	v3 =	vld [tilespmem:s3+$0xFFFFFFB0];
	[tilespmem:s1+$0x0] =	vst v0  }
0x274: {  	v0 =	vld [tilespmem:s3+$0xFFFFFFC0];
	[tilespmem:s1+$0x10] =	vst v1  }
0x275: {  	v1 =	vld [tilespmem:s3+$0xFFFFFFD0];
	[tilespmem:s1+$0x20] =	vst v2  }
0x276: {  	v2 =	vld [tilespmem:s3+$0xFFFFFFE0];
	[tilespmem:s1+$0xFFFFFFC0] =	vst v4  }
0x277: {  	v4 =	vld [tilespmem:s3+$0xFFFFFFF0]  }
0x278: {  	v7 =	vld [tilespmem:s3+$0xFFFFFF90]  }
0x279: {  	v6 =	vld.idx.msk [tilespmem:v6+s17+$0x0], $0xffff  }
0x27a: {  	v8 =	vld.idx.msk [tilespmem:v5+s17+$0x0], $0xffff  }
0x27b: {  	v5 =	vld.idx.msk [tilespmem:v3+s17+$0x0], $0xffff  }
.Ltmp10:
0x27c: {  	v3 =	vld.idx.msk [tilespmem:v0+s17+$0x0], $0xffff;
	(pc) =	sbr.rel @p5 .LBB2_22-.Ltmp10, $4  }
0x27d: {  	v0 =	vld.idx.msk [tilespmem:v1+s17+$0x0], $0xffff  }
0x27e: {  	s1 =	sadd.s32 $0x80, s1;
	v1 =	vld.idx.msk [tilespmem:v2+s17+$0x0], $0xffff  }
0x27f: {  	v2 =	vld.idx.msk [tilespmem:v4+s17+$0x0], $0xffff;
	[tilespmem:s1+$0x30] =	vst v6  }
0x280: {  	s3 =	sadd.s32 $0x80, s3;
	v4 =	vld.idx.msk [tilespmem:v7+s17+$0x0], $0xffff;
	[tilespmem:s1+$0xFFFFFFD0] =	vst v8  }
0x281: {  	[tilespmem:s1+$0xFFFFFFE0] =	vst v5  }
0x282: {  	[tilespmem:s1+$0xFFFFFFF0] =	vst v3  }
0x283: {  	[tilespmem:s1+$0x0] =	vst v0  }
0x284: {  	[tilespmem:s1+$0x10] =	vst v1  }
0x285: {  	[tilespmem:s1+$0x20] =	vst v2  }
0x286: {  	[tilespmem:s1+$0xFFFFFFC0] =	vst v4  }
0x287: {  	s1 =	sld [smem:$0x7D4];
	_ =	sdelay $0x2  }
0x288: {  	[hbm4b:s1+s19] =	stream.strided.scatter [tilespmem:s23], [sflag:$0x3], $0x1000, s20, s19, $0x38;
	[tilespmem:$0x1E700] =	vst v63  }
0x289: {  	_ =	swait.ge [sflag:s26], $0x1000  }
0x28a: {  	[sflag:s26] =	ssyncset.done $0x0  }
0x28b: {  	s30 =	simm.s32 $0x1B770;
	[sflag:s26] =	ssyncadd.s32 $0xFFFFF000  }
0x28c: {  	v0 =	vld [tilespmem:s30+$0x0]  }
0x28d: {  	v1 =	vld [tilespmem:s30+$0xFFFFFFA0]  }
0x28e: {  	v2 =	vld [tilespmem:s30+$0xFFFFFFB0]  }
0x28f: {  	v3 =	vld [tilespmem:s30+$0xFFFFFFC0]  }
0x290: {  	v4 =	vld [tilespmem:s30+$0xFFFFFFD0]  }
0x291: {  	v6 =	vld [tilespmem:s30+$0xFFFFFFE0]  }
0x292: {  	v7 =	vld [tilespmem:s30+$0xFFFFFFF0]  }
0x293: {  	v8 =	vld [tilespmem:s30+$0xFFFFFF90]  }
0x294: {  	v9 =	vld.idx.msk [tilespmem:v0+s17+$0x0], $0xffff  }
0x295: {  	v10 =	vld.idx.msk [tilespmem:v1+s17+$0x0], $0xffff  }
0x296: {  	v5 =	vld.idx.msk [tilespmem:v2+s17+$0x0], $0xffff  }
0x297: {  	v3 =	vld.idx.msk [tilespmem:v3+s17+$0x0], $0xffff  }
0x298: {  	v0 =	vld.idx.msk [tilespmem:v4+s17+$0x0], $0xffff  }
0x299: {  	s1 =	simm.s32 $0x1D740;
	v1 =	vld.idx.msk [tilespmem:v6+s17+$0x0], $0xffff  }
0x29a: {  	v2 =	vld.idx.msk [tilespmem:v7+s17+$0x0], $0xffff;
	[tilespmem:s1+$0x30] =	vst v9  }
0x29b: {  	s2 =	simm.s32 $0x0;
	s3 =	simm.s32 $0x1B7F0;
	v4 =	vld.idx.msk [tilespmem:v8+s17+$0x0], $0xffff;
	[tilespmem:s1+$0xFFFFFFD0] =	vst v10  }
.LBB2_24:
0x29c: {  	v6 =	vld [tilespmem:s3+$0x0];
	s2 =	sadd.s32 $0x80, s2;
	[tilespmem:s1+$0xFFFFFFE0] =	vst v5  }
0x29d: {  	v5 =	vld [tilespmem:s3+$0xFFFFFFA0];
	p5 =	slt.u32 s2, $0xF80;
	[tilespmem:s1+$0xFFFFFFF0] =	vst v3  }
0x29e: {  	v3 =	vld [tilespmem:s3+$0xFFFFFFB0];
	[tilespmem:s1+$0x0] =	vst v0  }
0x29f: {  	v0 =	vld [tilespmem:s3+$0xFFFFFFC0];
	[tilespmem:s1+$0x10] =	vst v1  }
0x2a0: {  	v1 =	vld [tilespmem:s3+$0xFFFFFFD0];
	[tilespmem:s1+$0x20] =	vst v2  }
0x2a1: {  	v2 =	vld [tilespmem:s3+$0xFFFFFFE0];
	[tilespmem:s1+$0xFFFFFFC0] =	vst v4  }
0x2a2: {  	v4 =	vld [tilespmem:s3+$0xFFFFFFF0]  }
0x2a3: {  	v7 =	vld [tilespmem:s3+$0xFFFFFF90]  }
0x2a4: {  	v6 =	vld.idx.msk [tilespmem:v6+s17+$0x0], $0xffff  }
0x2a5: {  	v8 =	vld.idx.msk [tilespmem:v5+s17+$0x0], $0xffff  }
0x2a6: {  	v5 =	vld.idx.msk [tilespmem:v3+s17+$0x0], $0xffff  }
.Ltmp11:
0x2a7: {  	v3 =	vld.idx.msk [tilespmem:v0+s17+$0x0], $0xffff;
	(pc) =	sbr.rel @p5 .LBB2_24-.Ltmp11, $4  }
0x2a8: {  	v0 =	vld.idx.msk [tilespmem:v1+s17+$0x0], $0xffff  }
0x2a9: {  	s1 =	sadd.s32 $0x80, s1;
	v1 =	vld.idx.msk [tilespmem:v2+s17+$0x0], $0xffff  }
0x2aa: {  	v2 =	vld.idx.msk [tilespmem:v4+s17+$0x0], $0xffff;
	[tilespmem:s1+$0x30] =	vst v6  }
0x2ab: {  	s3 =	sadd.s32 $0x80, s3;
	v4 =	vld.idx.msk [tilespmem:v7+s17+$0x0], $0xffff;
	[tilespmem:s1+$0xFFFFFFD0] =	vst v8  }
0x2ac: {  	[tilespmem:s1+$0xFFFFFFE0] =	vst v5  }
0x2ad: {  	[tilespmem:s1+$0xFFFFFFF0] =	vst v3  }
0x2ae: {  	[tilespmem:s1+$0x0] =	vst v0  }
0x2af: {  	[tilespmem:s1+$0x10] =	vst v1  }
0x2b0: {  	[tilespmem:s1+$0x20] =	vst v2  }
0x2b1: {  	[tilespmem:s1+$0xFFFFFFC0] =	vst v4  }
0x2b2: {  	s1 =	sld [smem:$0x7D5]  }
0x2b3: {  	s3 =	sld [smem:$0x7F8]  }
0x2b4: {  	s2 =	rddreg [dreg:$0x11]  }
0x2b5: {  	[hbm4b:s1+s19] =	stream.strided.scatter [tilespmem:s24], [sflag:$0x4], $0x1000, s20, s19, $0x38;
	[tilespmem:$0x1E700] =	vst v63  }
0x2b6: {  	s30 =	rddreg [dreg:$0x4];
	p5 =	seq.s32 s3, $0x1  }
0x2b7: {  	[tilespmem:s17], [sflag:$0x1] =	stream.strided.gather [hbm4b:s2+s19], $0x18700, s20, s19, $0x38;
	[tilespmem:$0x1E700] =	vst v63  }
0x2b8: {  	s1 =	simm.s32 @!p5 $0x80;
	s3 =	simm.s32 @!p5 $0x18700;
	s2 =	simm.s32 @!p5 $0x400  }
0x2b9: {  	[tilespmem:s3], [sflag:$0x2] =	stream.strided.gather @!p5 [hbm4b:s30+s1], $0x4000, s2, s1, $0x38;
	[tilespmem:$0x1E700] =	vst v63  }
0x2ba: {  	s1 =	simm.s32 @!p5 $0x2  }
0x2bb: {  	_ =	swait.ge @!p5 [sflag:s1], $0x4000  }
0x2bc: {  	[sflag:s1] =	ssyncset.done @!p5 $0x0  }
0x2bd: {  	[sflag:s1] =	ssyncadd.s32 @!p5 $0xFFFFC000  }
0x2be: {  	_ =	swait.ge [sflag:s22], $0x18700  }
0x2bf: {  	[sflag:s22] =	ssyncset.done $0x0  }
0x2c0: {  	[sflag:s22] =	ssyncadd.s32 $0xFFFE7900  }
0x2c1: {  	_ =	swait.ge [sflag:s25], $0x1000  }
0x2c2: {  	[sflag:s25] =	ssyncset.done $0x0  }
0x2c3: {  	s30 =	simm.s32 $0x18740;
	[sflag:s25] =	ssyncadd.s32 $0xFFFFF000  }
0x2c4: {  	v0 =	vld [tilespmem:s30+$0x30]  }
0x2c5: {  	v1 =	vld [tilespmem:s30+$0xFFFFFFD0]  }
0x2c6: {  	v2 =	vld [tilespmem:s30+$0xFFFFFFE0]  }
0x2c7: {  	v3 =	vld [tilespmem:s30+$0xFFFFFFF0]  }
0x2c8: {  	v4 =	vld [tilespmem:s30+$0x0]  }
0x2c9: {  	v6 =	vld [tilespmem:s30+$0x10]  }
0x2ca: {  	v7 =	vld [tilespmem:s30+$0x20]  }
0x2cb: {  	v8 =	vld [tilespmem:s30+$0xFFFFFFC0]  }
0x2cc: {  	v9 =	vld.idx.msk [tilespmem:v0+s17+$0x0], $0xffff  }
0x2cd: {  	v10 =	vld.idx.msk [tilespmem:v1+s17+$0x0], $0xffff  }
0x2ce: {  	v5 =	vld.idx.msk [tilespmem:v2+s17+$0x0], $0xffff  }
0x2cf: {  	v3 =	vld.idx.msk [tilespmem:v3+s17+$0x0], $0xffff  }
0x2d0: {  	v0 =	vld.idx.msk [tilespmem:v4+s17+$0x0], $0xffff  }
0x2d1: {  	s1 =	simm.s32 $0x1C740;
	v1 =	vld.idx.msk [tilespmem:v6+s17+$0x0], $0xffff  }
0x2d2: {  	v2 =	vld.idx.msk [tilespmem:v7+s17+$0x0], $0xffff;
	[tilespmem:s1+$0x30] =	vst v9  }
0x2d3: {  	s2 =	simm.s32 $0x0;
	s3 =	simm.s32 $0x187C0;
	v4 =	vld.idx.msk [tilespmem:v8+s17+$0x0], $0xffff;
	[tilespmem:s1+$0xFFFFFFD0] =	vst v10  }
.LBB2_26:
0x2d4: {  	v6 =	vld [tilespmem:s3+$0x30];
	s2 =	sadd.s32 $0x80, s2;
	[tilespmem:s1+$0xFFFFFFE0] =	vst v5  }
0x2d5: {  	v5 =	vld [tilespmem:s3+$0xFFFFFFD0];
	p5 =	slt.u32 s2, $0xF80;
	[tilespmem:s1+$0xFFFFFFF0] =	vst v3  }
0x2d6: {  	v3 =	vld [tilespmem:s3+$0xFFFFFFE0];
	[tilespmem:s1+$0x0] =	vst v0  }
0x2d7: {  	v0 =	vld [tilespmem:s3+$0xFFFFFFF0];
	[tilespmem:s1+$0x10] =	vst v1  }
0x2d8: {  	v1 =	vld [tilespmem:s3+$0x0];
	[tilespmem:s1+$0x20] =	vst v2  }
0x2d9: {  	v2 =	vld [tilespmem:s3+$0x10];
	[tilespmem:s1+$0xFFFFFFC0] =	vst v4  }
0x2da: {  	v4 =	vld [tilespmem:s3+$0x20]  }
0x2db: {  	v7 =	vld [tilespmem:s3+$0xFFFFFFC0]  }
0x2dc: {  	v6 =	vld.idx.msk [tilespmem:v6+s17+$0x0], $0xffff  }
0x2dd: {  	v8 =	vld.idx.msk [tilespmem:v5+s17+$0x0], $0xffff  }
0x2de: {  	v5 =	vld.idx.msk [tilespmem:v3+s17+$0x0], $0xffff  }
.Ltmp12:
0x2df: {  	v3 =	vld.idx.msk [tilespmem:v0+s17+$0x0], $0xffff;
	(pc) =	sbr.rel @p5 .LBB2_26-.Ltmp12, $4  }
0x2e0: {  	v0 =	vld.idx.msk [tilespmem:v1+s17+$0x0], $0xffff  }
0x2e1: {  	s1 =	sadd.s32 $0x80, s1;
	v1 =	vld.idx.msk [tilespmem:v2+s17+$0x0], $0xffff  }
0x2e2: {  	v2 =	vld.idx.msk [tilespmem:v4+s17+$0x0], $0xffff;
	[tilespmem:s1+$0x30] =	vst v6  }
0x2e3: {  	s3 =	sadd.s32 $0x80, s3;
	v4 =	vld.idx.msk [tilespmem:v7+s17+$0x0], $0xffff;
	[tilespmem:s1+$0xFFFFFFD0] =	vst v8  }
0x2e4: {  	[tilespmem:s1+$0xFFFFFFE0] =	vst v5  }
0x2e5: {  	[tilespmem:s1+$0xFFFFFFF0] =	vst v3  }
0x2e6: {  	[tilespmem:s1+$0x0] =	vst v0  }
0x2e7: {  	[tilespmem:s1+$0x10] =	vst v1  }
0x2e8: {  	[tilespmem:s1+$0x20] =	vst v2  }
0x2e9: {  	[tilespmem:s1+$0xFFFFFFC0] =	vst v4  }
0x2ea: {  	s1 =	sld [smem:$0x7D7];
	_ =	sdelay $0x2  }
0x2eb: {  	[hbm4b:s1+s19] =	stream.strided.scatter [tilespmem:s23], [sflag:$0x3], $0x1000, s20, s19, $0x38;
	[tilespmem:$0x1E700] =	vst v63  }
0x2ec: {  	_ =	swait.ge [sflag:s26], $0x1000  }
0x2ed: {  	[sflag:s26] =	ssyncset.done $0x0  }
0x2ee: {  	s30 =	simm.s32 $0x19770;
	[sflag:s26] =	ssyncadd.s32 $0xFFFFF000  }
0x2ef: {  	v0 =	vld [tilespmem:s30+$0x0]  }
0x2f0: {  	v1 =	vld [tilespmem:s30+$0xFFFFFFA0]  }
0x2f1: {  	v2 =	vld [tilespmem:s30+$0xFFFFFFB0]  }
0x2f2: {  	v3 =	vld [tilespmem:s30+$0xFFFFFFC0]  }
0x2f3: {  	v4 =	vld [tilespmem:s30+$0xFFFFFFD0]  }
0x2f4: {  	v6 =	vld [tilespmem:s30+$0xFFFFFFE0]  }
0x2f5: {  	v7 =	vld [tilespmem:s30+$0xFFFFFFF0]  }
0x2f6: {  	v8 =	vld [tilespmem:s30+$0xFFFFFF90]  }
0x2f7: {  	v9 =	vld.idx.msk [tilespmem:v0+s17+$0x0], $0xffff  }
0x2f8: {  	v10 =	vld.idx.msk [tilespmem:v1+s17+$0x0], $0xffff  }
0x2f9: {  	v5 =	vld.idx.msk [tilespmem:v2+s17+$0x0], $0xffff  }
0x2fa: {  	v3 =	vld.idx.msk [tilespmem:v3+s17+$0x0], $0xffff  }
0x2fb: {  	v0 =	vld.idx.msk [tilespmem:v4+s17+$0x0], $0xffff  }
0x2fc: {  	s1 =	simm.s32 $0x1D740;
	v1 =	vld.idx.msk [tilespmem:v6+s17+$0x0], $0xffff  }
0x2fd: {  	v2 =	vld.idx.msk [tilespmem:v7+s17+$0x0], $0xffff;
	[tilespmem:s1+$0x30] =	vst v9  }
0x2fe: {  	s2 =	simm.s32 $0x0;
	s3 =	simm.s32 $0x197F0;
	v4 =	vld.idx.msk [tilespmem:v8+s17+$0x0], $0xffff;
	[tilespmem:s1+$0xFFFFFFD0] =	vst v10  }
.LBB2_28:
0x2ff: {  	v6 =	vld [tilespmem:s3+$0x0];
	s2 =	sadd.s32 $0x80, s2;
	[tilespmem:s1+$0xFFFFFFE0] =	vst v5  }
0x300: {  	v5 =	vld [tilespmem:s3+$0xFFFFFFA0];
	p5 =	slt.u32 s2, $0xF80;
	[tilespmem:s1+$0xFFFFFFF0] =	vst v3  }
0x301: {  	v3 =	vld [tilespmem:s3+$0xFFFFFFB0];
	[tilespmem:s1+$0x0] =	vst v0  }
0x302: {  	v0 =	vld [tilespmem:s3+$0xFFFFFFC0];
	[tilespmem:s1+$0x10] =	vst v1  }
0x303: {  	v1 =	vld [tilespmem:s3+$0xFFFFFFD0];
	[tilespmem:s1+$0x20] =	vst v2  }
0x304: {  	v2 =	vld [tilespmem:s3+$0xFFFFFFE0];
	[tilespmem:s1+$0xFFFFFFC0] =	vst v4  }
0x305: {  	v4 =	vld [tilespmem:s3+$0xFFFFFFF0]  }
0x306: {  	v7 =	vld [tilespmem:s3+$0xFFFFFF90]  }
0x307: {  	v6 =	vld.idx.msk [tilespmem:v6+s17+$0x0], $0xffff  }
0x308: {  	v8 =	vld.idx.msk [tilespmem:v5+s17+$0x0], $0xffff  }
0x309: {  	v5 =	vld.idx.msk [tilespmem:v3+s17+$0x0], $0xffff  }
.Ltmp13:
0x30a: {  	v3 =	vld.idx.msk [tilespmem:v0+s17+$0x0], $0xffff;
	(pc) =	sbr.rel @p5 .LBB2_28-.Ltmp13, $4  }
0x30b: {  	v0 =	vld.idx.msk [tilespmem:v1+s17+$0x0], $0xffff  }
0x30c: {  	s1 =	sadd.s32 $0x80, s1;
	v1 =	vld.idx.msk [tilespmem:v2+s17+$0x0], $0xffff  }
0x30d: {  	v2 =	vld.idx.msk [tilespmem:v4+s17+$0x0], $0xffff;
	[tilespmem:s1+$0x30] =	vst v6  }
0x30e: {  	s3 =	sadd.s32 $0x80, s3;
	v4 =	vld.idx.msk [tilespmem:v7+s17+$0x0], $0xffff;
	[tilespmem:s1+$0xFFFFFFD0] =	vst v8  }
0x30f: {  	[tilespmem:s1+$0xFFFFFFE0] =	vst v5  }
0x310: {  	[tilespmem:s1+$0xFFFFFFF0] =	vst v3  }
0x311: {  	[tilespmem:s1+$0x0] =	vst v0  }
0x312: {  	[tilespmem:s1+$0x10] =	vst v1  }
0x313: {  	[tilespmem:s1+$0x20] =	vst v2  }
0x314: {  	[tilespmem:s1+$0xFFFFFFC0] =	vst v4  }
0x315: {  	s1 =	sld [smem:$0x7D8];
	_ =	sdelay $0x2  }
0x316: {  	[hbm4b:s1+s19] =	stream.strided.scatter [tilespmem:s24], [sflag:$0x4], $0x1000, s20, s19, $0x38;
	[tilespmem:$0x1E700] =	vst v63  }
0x317: {  	_ =	swait.ge [sflag:s25], $0x1000  }
0x318: {  	[sflag:s25] =	ssyncset.done $0x0  }
0x319: {  	s30 =	simm.s32 $0x1A770;
	[sflag:s25] =	ssyncadd.s32 $0xFFFFF000  }
0x31a: {  	v0 =	vld [tilespmem:s30+$0x0]  }
0x31b: {  	v1 =	vld [tilespmem:s30+$0xFFFFFFA0]  }
0x31c: {  	v2 =	vld [tilespmem:s30+$0xFFFFFFB0]  }
0x31d: {  	v3 =	vld [tilespmem:s30+$0xFFFFFFC0]  }
0x31e: {  	v4 =	vld [tilespmem:s30+$0xFFFFFFD0]  }
0x31f: {  	v6 =	vld [tilespmem:s30+$0xFFFFFFE0]  }
0x320: {  	v7 =	vld [tilespmem:s30+$0xFFFFFFF0]  }
0x321: {  	v8 =	vld [tilespmem:s30+$0xFFFFFF90]  }
0x322: {  	v9 =	vld.idx.msk [tilespmem:v0+s17+$0x0], $0xffff  }
0x323: {  	v10 =	vld.idx.msk [tilespmem:v1+s17+$0x0], $0xffff  }
0x324: {  	v5 =	vld.idx.msk [tilespmem:v2+s17+$0x0], $0xffff  }
0x325: {  	v3 =	vld.idx.msk [tilespmem:v3+s17+$0x0], $0xffff  }
0x326: {  	v0 =	vld.idx.msk [tilespmem:v4+s17+$0x0], $0xffff  }
0x327: {  	s1 =	simm.s32 $0x1C740;
	v1 =	vld.idx.msk [tilespmem:v6+s17+$0x0], $0xffff  }
0x328: {  	v2 =	vld.idx.msk [tilespmem:v7+s17+$0x0], $0xffff;
	[tilespmem:s1+$0x30] =	vst v9  }
0x329: {  	s2 =	simm.s32 $0x0;
	s3 =	simm.s32 $0x1A7F0;
	v4 =	vld.idx.msk [tilespmem:v8+s17+$0x0], $0xffff;
	[tilespmem:s1+$0xFFFFFFD0] =	vst v10  }
.LBB2_30:
0x32a: {  	v6 =	vld [tilespmem:s3+$0x0];
	s2 =	sadd.s32 $0x80, s2;
	[tilespmem:s1+$0xFFFFFFE0] =	vst v5  }
0x32b: {  	v5 =	vld [tilespmem:s3+$0xFFFFFFA0];
	p5 =	slt.u32 s2, $0xF80;
	[tilespmem:s1+$0xFFFFFFF0] =	vst v3  }
0x32c: {  	v3 =	vld [tilespmem:s3+$0xFFFFFFB0];
	[tilespmem:s1+$0x0] =	vst v0  }
0x32d: {  	v0 =	vld [tilespmem:s3+$0xFFFFFFC0];
	[tilespmem:s1+$0x10] =	vst v1  }
0x32e: {  	v1 =	vld [tilespmem:s3+$0xFFFFFFD0];
	[tilespmem:s1+$0x20] =	vst v2  }
0x32f: {  	v2 =	vld [tilespmem:s3+$0xFFFFFFE0];
	[tilespmem:s1+$0xFFFFFFC0] =	vst v4  }
0x330: {  	v4 =	vld [tilespmem:s3+$0xFFFFFFF0]  }
0x331: {  	v7 =	vld [tilespmem:s3+$0xFFFFFF90]  }
0x332: {  	v6 =	vld.idx.msk [tilespmem:v6+s17+$0x0], $0xffff  }
0x333: {  	v8 =	vld.idx.msk [tilespmem:v5+s17+$0x0], $0xffff  }
0x334: {  	v5 =	vld.idx.msk [tilespmem:v3+s17+$0x0], $0xffff  }
.Ltmp14:
0x335: {  	v3 =	vld.idx.msk [tilespmem:v0+s17+$0x0], $0xffff;
	(pc) =	sbr.rel @p5 .LBB2_30-.Ltmp14, $4  }
0x336: {  	v0 =	vld.idx.msk [tilespmem:v1+s17+$0x0], $0xffff  }
0x337: {  	s1 =	sadd.s32 $0x80, s1;
	v1 =	vld.idx.msk [tilespmem:v2+s17+$0x0], $0xffff  }
0x338: {  	v2 =	vld.idx.msk [tilespmem:v4+s17+$0x0], $0xffff;
	[tilespmem:s1+$0x30] =	vst v6  }
0x339: {  	s3 =	sadd.s32 $0x80, s3;
	v4 =	vld.idx.msk [tilespmem:v7+s17+$0x0], $0xffff;
	[tilespmem:s1+$0xFFFFFFD0] =	vst v8  }
0x33a: {  	[tilespmem:s1+$0xFFFFFFE0] =	vst v5  }
0x33b: {  	[tilespmem:s1+$0xFFFFFFF0] =	vst v3  }
0x33c: {  	[tilespmem:s1+$0x0] =	vst v0  }
0x33d: {  	[tilespmem:s1+$0x10] =	vst v1  }
0x33e: {  	[tilespmem:s1+$0x20] =	vst v2  }
0x33f: {  	[tilespmem:s1+$0xFFFFFFC0] =	vst v4  }
0x340: {  	s1 =	sld [smem:$0x7D9];
	_ =	sdelay $0x2  }
0x341: {  	[hbm4b:s1+s19] =	stream.strided.scatter [tilespmem:s23], [sflag:$0x3], $0x1000, s20, s19, $0x38;
	[tilespmem:$0x1E700] =	vst v63  }
0x342: {  	_ =	swait.ge [sflag:s26], $0x1000  }
0x343: {  	[sflag:s26] =	ssyncset.done $0x0  }
0x344: {  	s30 =	simm.s32 $0x1B770;
	[sflag:s26] =	ssyncadd.s32 $0xFFFFF000  }
0x345: {  	v0 =	vld [tilespmem:s30+$0x0]  }
0x346: {  	v1 =	vld [tilespmem:s30+$0xFFFFFFA0]  }
0x347: {  	v2 =	vld [tilespmem:s30+$0xFFFFFFB0]  }
0x348: {  	v3 =	vld [tilespmem:s30+$0xFFFFFFC0]  }
0x349: {  	v4 =	vld [tilespmem:s30+$0xFFFFFFD0]  }
0x34a: {  	v6 =	vld [tilespmem:s30+$0xFFFFFFE0]  }
0x34b: {  	v7 =	vld [tilespmem:s30+$0xFFFFFFF0]  }
0x34c: {  	v8 =	vld [tilespmem:s30+$0xFFFFFF90]  }
0x34d: {  	v9 =	vld.idx.msk [tilespmem:v0+s17+$0x0], $0xffff  }
0x34e: {  	v10 =	vld.idx.msk [tilespmem:v1+s17+$0x0], $0xffff  }
0x34f: {  	v5 =	vld.idx.msk [tilespmem:v2+s17+$0x0], $0xffff  }
0x350: {  	v3 =	vld.idx.msk [tilespmem:v3+s17+$0x0], $0xffff  }
0x351: {  	v0 =	vld.idx.msk [tilespmem:v4+s17+$0x0], $0xffff  }
0x352: {  	s1 =	simm.s32 $0x1D740;
	v1 =	vld.idx.msk [tilespmem:v6+s17+$0x0], $0xffff  }
0x353: {  	v2 =	vld.idx.msk [tilespmem:v7+s17+$0x0], $0xffff;
	[tilespmem:s1+$0x30] =	vst v9  }
0x354: {  	s2 =	simm.s32 $0x0;
	s3 =	simm.s32 $0x1B7F0;
	v4 =	vld.idx.msk [tilespmem:v8+s17+$0x0], $0xffff;
	[tilespmem:s1+$0xFFFFFFD0] =	vst v10  }
.LBB2_32:
0x355: {  	v6 =	vld [tilespmem:s3+$0x0];
	s2 =	sadd.s32 $0x80, s2;
	[tilespmem:s1+$0xFFFFFFE0] =	vst v5  }
0x356: {  	v5 =	vld [tilespmem:s3+$0xFFFFFFA0];
	p5 =	slt.u32 s2, $0xF80;
	[tilespmem:s1+$0xFFFFFFF0] =	vst v3  }
0x357: {  	v3 =	vld [tilespmem:s3+$0xFFFFFFB0];
	[tilespmem:s1+$0x0] =	vst v0  }
0x358: {  	v0 =	vld [tilespmem:s3+$0xFFFFFFC0];
	[tilespmem:s1+$0x10] =	vst v1  }
0x359: {  	v1 =	vld [tilespmem:s3+$0xFFFFFFD0];
	[tilespmem:s1+$0x20] =	vst v2  }
0x35a: {  	v2 =	vld [tilespmem:s3+$0xFFFFFFE0];
	[tilespmem:s1+$0xFFFFFFC0] =	vst v4  }
0x35b: {  	v4 =	vld [tilespmem:s3+$0xFFFFFFF0]  }
0x35c: {  	v7 =	vld [tilespmem:s3+$0xFFFFFF90]  }
0x35d: {  	v6 =	vld.idx.msk [tilespmem:v6+s17+$0x0], $0xffff  }
0x35e: {  	v8 =	vld.idx.msk [tilespmem:v5+s17+$0x0], $0xffff  }
0x35f: {  	v5 =	vld.idx.msk [tilespmem:v3+s17+$0x0], $0xffff  }
.Ltmp15:
0x360: {  	v3 =	vld.idx.msk [tilespmem:v0+s17+$0x0], $0xffff;
	(pc) =	sbr.rel @p5 .LBB2_32-.Ltmp15, $4  }
0x361: {  	v0 =	vld.idx.msk [tilespmem:v1+s17+$0x0], $0xffff  }
0x362: {  	s1 =	sadd.s32 $0x80, s1;
	v1 =	vld.idx.msk [tilespmem:v2+s17+$0x0], $0xffff  }
0x363: {  	v2 =	vld.idx.msk [tilespmem:v4+s17+$0x0], $0xffff;
	[tilespmem:s1+$0x30] =	vst v6  }
0x364: {  	s3 =	sadd.s32 $0x80, s3;
	v4 =	vld.idx.msk [tilespmem:v7+s17+$0x0], $0xffff;
	[tilespmem:s1+$0xFFFFFFD0] =	vst v8  }
0x365: {  	[tilespmem:s1+$0xFFFFFFE0] =	vst v5  }
0x366: {  	[tilespmem:s1+$0xFFFFFFF0] =	vst v3  }
0x367: {  	[tilespmem:s1+$0x0] =	vst v0  }
0x368: {  	[tilespmem:s1+$0x10] =	vst v1  }
0x369: {  	[tilespmem:s1+$0x20] =	vst v2  }
0x36a: {  	[tilespmem:s1+$0xFFFFFFC0] =	vst v4  }
0x36b: {  	s1 =	sld [smem:$0x7DA]  }
0x36c: {  	s3 =	sld [smem:$0x7F9]  }
0x36d: {  	s2 =	rddreg [dreg:$0x12]  }
0x36e: {  	[hbm4b:s1+s19] =	stream.strided.scatter [tilespmem:s24], [sflag:$0x4], $0x1000, s20, s19, $0x38;
	[tilespmem:$0x1E700] =	vst v63  }
0x36f: {  	s30 =	rddreg [dreg:$0x6];
	p5 =	seq.s32 s3, $0x1  }
0x370: {  	[tilespmem:s17], [sflag:$0x1] =	stream.strided.gather [hbm4b:s2+s19], $0x18700, s20, s19, $0x38;
	[tilespmem:$0x1E700] =	vst v63  }
0x371: {  	s1 =	simm.s32 @!p5 $0x80;
	s3 =	simm.s32 @!p5 $0x18700;
	s2 =	simm.s32 @!p5 $0x400  }
0x372: {  	[tilespmem:s3], [sflag:$0x2] =	stream.strided.gather @!p5 [hbm4b:s30+s1], $0x4000, s2, s1, $0x38;
	[tilespmem:$0x1E700] =	vst v63  }
0x373: {  	s1 =	simm.s32 @!p5 $0x2  }
0x374: {  	_ =	swait.ge @!p5 [sflag:s1], $0x4000  }
0x375: {  	[sflag:s1] =	ssyncset.done @!p5 $0x0  }
0x376: {  	[sflag:s1] =	ssyncadd.s32 @!p5 $0xFFFFC000  }
0x377: {  	_ =	swait.ge [sflag:s22], $0x18700  }
0x378: {  	[sflag:s22] =	ssyncset.done $0x0  }
0x379: {  	[sflag:s22] =	ssyncadd.s32 $0xFFFE7900  }
0x37a: {  	_ =	swait.ge [sflag:s25], $0x1000  }
0x37b: {  	[sflag:s25] =	ssyncset.done $0x0  }
0x37c: {  	s30 =	simm.s32 $0x18740;
	[sflag:s25] =	ssyncadd.s32 $0xFFFFF000  }
0x37d: {  	v0 =	vld [tilespmem:s30+$0x30]  }
0x37e: {  	v1 =	vld [tilespmem:s30+$0xFFFFFFD0]  }
0x37f: {  	v2 =	vld [tilespmem:s30+$0xFFFFFFE0]  }
0x380: {  	v3 =	vld [tilespmem:s30+$0xFFFFFFF0]  }
0x381: {  	v4 =	vld [tilespmem:s30+$0x0]  }
0x382: {  	v6 =	vld [tilespmem:s30+$0x10]  }
0x383: {  	v7 =	vld [tilespmem:s30+$0x20]  }
0x384: {  	v8 =	vld [tilespmem:s30+$0xFFFFFFC0]  }
0x385: {  	v9 =	vld.idx.msk [tilespmem:v0+s17+$0x0], $0xffff  }
0x386: {  	v10 =	vld.idx.msk [tilespmem:v1+s17+$0x0], $0xffff  }
0x387: {  	v5 =	vld.idx.msk [tilespmem:v2+s17+$0x0], $0xffff  }
0x388: {  	v3 =	vld.idx.msk [tilespmem:v3+s17+$0x0], $0xffff  }
0x389: {  	v0 =	vld.idx.msk [tilespmem:v4+s17+$0x0], $0xffff  }
0x38a: {  	s1 =	simm.s32 $0x1C740;
	v1 =	vld.idx.msk [tilespmem:v6+s17+$0x0], $0xffff  }
0x38b: {  	v2 =	vld.idx.msk [tilespmem:v7+s17+$0x0], $0xffff;
	[tilespmem:s1+$0x30] =	vst v9  }
0x38c: {  	s2 =	simm.s32 $0x0;
	s3 =	simm.s32 $0x187C0;
	v4 =	vld.idx.msk [tilespmem:v8+s17+$0x0], $0xffff;
	[tilespmem:s1+$0xFFFFFFD0] =	vst v10  }
.LBB2_34:
0x38d: {  	v6 =	vld [tilespmem:s3+$0x30];
	s2 =	sadd.s32 $0x80, s2;
	[tilespmem:s1+$0xFFFFFFE0] =	vst v5  }
0x38e: {  	v5 =	vld [tilespmem:s3+$0xFFFFFFD0];
	p5 =	slt.u32 s2, $0xF80;
	[tilespmem:s1+$0xFFFFFFF0] =	vst v3  }
0x38f: {  	v3 =	vld [tilespmem:s3+$0xFFFFFFE0];
	[tilespmem:s1+$0x0] =	vst v0  }
0x390: {  	v0 =	vld [tilespmem:s3+$0xFFFFFFF0];
	[tilespmem:s1+$0x10] =	vst v1  }
0x391: {  	v1 =	vld [tilespmem:s3+$0x0];
	[tilespmem:s1+$0x20] =	vst v2  }
0x392: {  	v2 =	vld [tilespmem:s3+$0x10];
	[tilespmem:s1+$0xFFFFFFC0] =	vst v4  }
0x393: {  	v4 =	vld [tilespmem:s3+$0x20]  }
0x394: {  	v7 =	vld [tilespmem:s3+$0xFFFFFFC0]  }
0x395: {  	v6 =	vld.idx.msk [tilespmem:v6+s17+$0x0], $0xffff  }
0x396: {  	v8 =	vld.idx.msk [tilespmem:v5+s17+$0x0], $0xffff  }
0x397: {  	v5 =	vld.idx.msk [tilespmem:v3+s17+$0x0], $0xffff  }
.Ltmp16:
0x398: {  	v3 =	vld.idx.msk [tilespmem:v0+s17+$0x0], $0xffff;
	(pc) =	sbr.rel @p5 .LBB2_34-.Ltmp16, $4  }
0x399: {  	v0 =	vld.idx.msk [tilespmem:v1+s17+$0x0], $0xffff  }
0x39a: {  	s1 =	sadd.s32 $0x80, s1;
	v1 =	vld.idx.msk [tilespmem:v2+s17+$0x0], $0xffff  }
0x39b: {  	v2 =	vld.idx.msk [tilespmem:v4+s17+$0x0], $0xffff;
	[tilespmem:s1+$0x30] =	vst v6  }
0x39c: {  	s3 =	sadd.s32 $0x80, s3;
	v4 =	vld.idx.msk [tilespmem:v7+s17+$0x0], $0xffff;
	[tilespmem:s1+$0xFFFFFFD0] =	vst v8  }
0x39d: {  	[tilespmem:s1+$0xFFFFFFE0] =	vst v5  }
0x39e: {  	[tilespmem:s1+$0xFFFFFFF0] =	vst v3  }
0x39f: {  	[tilespmem:s1+$0x0] =	vst v0  }
0x3a0: {  	[tilespmem:s1+$0x10] =	vst v1  }
0x3a1: {  	[tilespmem:s1+$0x20] =	vst v2  }
0x3a2: {  	[tilespmem:s1+$0xFFFFFFC0] =	vst v4  }
0x3a3: {  	s1 =	sld [smem:$0x7DD];
	_ =	sdelay $0x2  }
0x3a4: {  	[hbm4b:s1+s19] =	stream.strided.scatter [tilespmem:s23], [sflag:$0x3], $0x1000, s20, s19, $0x38;
	[tilespmem:$0x1E700] =	vst v63  }
0x3a5: {  	_ =	swait.ge [sflag:s26], $0x1000  }
0x3a6: {  	[sflag:s26] =	ssyncset.done $0x0  }
0x3a7: {  	s30 =	simm.s32 $0x19770;
	[sflag:s26] =	ssyncadd.s32 $0xFFFFF000  }
0x3a8: {  	v0 =	vld [tilespmem:s30+$0x0]  }
0x3a9: {  	v1 =	vld [tilespmem:s30+$0xFFFFFFA0]  }
0x3aa: {  	v2 =	vld [tilespmem:s30+$0xFFFFFFB0]  }
0x3ab: {  	v3 =	vld [tilespmem:s30+$0xFFFFFFC0]  }
0x3ac: {  	v4 =	vld [tilespmem:s30+$0xFFFFFFD0]  }
0x3ad: {  	v6 =	vld [tilespmem:s30+$0xFFFFFFE0]  }
0x3ae: {  	v7 =	vld [tilespmem:s30+$0xFFFFFFF0]  }
0x3af: {  	v8 =	vld [tilespmem:s30+$0xFFFFFF90]  }
0x3b0: {  	v9 =	vld.idx.msk [tilespmem:v0+s17+$0x0], $0xffff  }
0x3b1: {  	v10 =	vld.idx.msk [tilespmem:v1+s17+$0x0], $0xffff  }
0x3b2: {  	v5 =	vld.idx.msk [tilespmem:v2+s17+$0x0], $0xffff  }
0x3b3: {  	v3 =	vld.idx.msk [tilespmem:v3+s17+$0x0], $0xffff  }
0x3b4: {  	v0 =	vld.idx.msk [tilespmem:v4+s17+$0x0], $0xffff  }
0x3b5: {  	s1 =	simm.s32 $0x1D740;
	v1 =	vld.idx.msk [tilespmem:v6+s17+$0x0], $0xffff  }
0x3b6: {  	v2 =	vld.idx.msk [tilespmem:v7+s17+$0x0], $0xffff;
	[tilespmem:s1+$0x30] =	vst v9  }
0x3b7: {  	s2 =	simm.s32 $0x0;
	s3 =	simm.s32 $0x197F0;
	v4 =	vld.idx.msk [tilespmem:v8+s17+$0x0], $0xffff;
	[tilespmem:s1+$0xFFFFFFD0] =	vst v10  }
.LBB2_36:
0x3b8: {  	v6 =	vld [tilespmem:s3+$0x0];
	s2 =	sadd.s32 $0x80, s2;
	[tilespmem:s1+$0xFFFFFFE0] =	vst v5  }
0x3b9: {  	v5 =	vld [tilespmem:s3+$0xFFFFFFA0];
	p5 =	slt.u32 s2, $0xF80;
	[tilespmem:s1+$0xFFFFFFF0] =	vst v3  }
0x3ba: {  	v3 =	vld [tilespmem:s3+$0xFFFFFFB0];
	[tilespmem:s1+$0x0] =	vst v0  }
0x3bb: {  	v0 =	vld [tilespmem:s3+$0xFFFFFFC0];
	[tilespmem:s1+$0x10] =	vst v1  }
0x3bc: {  	v1 =	vld [tilespmem:s3+$0xFFFFFFD0];
	[tilespmem:s1+$0x20] =	vst v2  }
0x3bd: {  	v2 =	vld [tilespmem:s3+$0xFFFFFFE0];
	[tilespmem:s1+$0xFFFFFFC0] =	vst v4  }
0x3be: {  	v4 =	vld [tilespmem:s3+$0xFFFFFFF0]  }
0x3bf: {  	v7 =	vld [tilespmem:s3+$0xFFFFFF90]  }
0x3c0: {  	v6 =	vld.idx.msk [tilespmem:v6+s17+$0x0], $0xffff  }
0x3c1: {  	v8 =	vld.idx.msk [tilespmem:v5+s17+$0x0], $0xffff  }
0x3c2: {  	v5 =	vld.idx.msk [tilespmem:v3+s17+$0x0], $0xffff  }
.Ltmp17:
0x3c3: {  	v3 =	vld.idx.msk [tilespmem:v0+s17+$0x0], $0xffff;
	(pc) =	sbr.rel @p5 .LBB2_36-.Ltmp17, $4  }
0x3c4: {  	v0 =	vld.idx.msk [tilespmem:v1+s17+$0x0], $0xffff  }
0x3c5: {  	s1 =	sadd.s32 $0x80, s1;
	v1 =	vld.idx.msk [tilespmem:v2+s17+$0x0], $0xffff  }
0x3c6: {  	v2 =	vld.idx.msk [tilespmem:v4+s17+$0x0], $0xffff;
	[tilespmem:s1+$0x30] =	vst v6  }
0x3c7: {  	s3 =	sadd.s32 $0x80, s3;
	v4 =	vld.idx.msk [tilespmem:v7+s17+$0x0], $0xffff;
	[tilespmem:s1+$0xFFFFFFD0] =	vst v8  }
0x3c8: {  	[tilespmem:s1+$0xFFFFFFE0] =	vst v5  }
0x3c9: {  	[tilespmem:s1+$0xFFFFFFF0] =	vst v3  }
0x3ca: {  	[tilespmem:s1+$0x0] =	vst v0  }
0x3cb: {  	[tilespmem:s1+$0x10] =	vst v1  }
0x3cc: {  	[tilespmem:s1+$0x20] =	vst v2  }
0x3cd: {  	[tilespmem:s1+$0xFFFFFFC0] =	vst v4  }
0x3ce: {  	s1 =	sld [smem:$0x7DE];
	_ =	sdelay $0x2  }
0x3cf: {  	[hbm4b:s1+s19] =	stream.strided.scatter [tilespmem:s24], [sflag:$0x4], $0x1000, s20, s19, $0x38;
	[tilespmem:$0x1E700] =	vst v63  }
0x3d0: {  	_ =	swait.ge [sflag:s25], $0x1000  }
0x3d1: {  	[sflag:s25] =	ssyncset.done $0x0  }
0x3d2: {  	s30 =	simm.s32 $0x1A770;
	[sflag:s25] =	ssyncadd.s32 $0xFFFFF000  }
0x3d3: {  	v0 =	vld [tilespmem:s30+$0x0]  }
0x3d4: {  	v1 =	vld [tilespmem:s30+$0xFFFFFFA0]  }
0x3d5: {  	v2 =	vld [tilespmem:s30+$0xFFFFFFB0]  }
0x3d6: {  	v3 =	vld [tilespmem:s30+$0xFFFFFFC0]  }
0x3d7: {  	v4 =	vld [tilespmem:s30+$0xFFFFFFD0]  }
0x3d8: {  	v6 =	vld [tilespmem:s30+$0xFFFFFFE0]  }
0x3d9: {  	v7 =	vld [tilespmem:s30+$0xFFFFFFF0]  }
0x3da: {  	v8 =	vld [tilespmem:s30+$0xFFFFFF90]  }
0x3db: {  	v9 =	vld.idx.msk [tilespmem:v0+s17+$0x0], $0xffff  }
0x3dc: {  	v10 =	vld.idx.msk [tilespmem:v1+s17+$0x0], $0xffff  }
0x3dd: {  	v5 =	vld.idx.msk [tilespmem:v2+s17+$0x0], $0xffff  }
0x3de: {  	v3 =	vld.idx.msk [tilespmem:v3+s17+$0x0], $0xffff  }
0x3df: {  	v0 =	vld.idx.msk [tilespmem:v4+s17+$0x0], $0xffff  }
0x3e0: {  	s1 =	simm.s32 $0x1C740;
	v1 =	vld.idx.msk [tilespmem:v6+s17+$0x0], $0xffff  }
0x3e1: {  	v2 =	vld.idx.msk [tilespmem:v7+s17+$0x0], $0xffff;
	[tilespmem:s1+$0x30] =	vst v9  }
0x3e2: {  	s2 =	simm.s32 $0x0;
	s3 =	simm.s32 $0x1A7F0;
	v4 =	vld.idx.msk [tilespmem:v8+s17+$0x0], $0xffff;
	[tilespmem:s1+$0xFFFFFFD0] =	vst v10  }
.LBB2_38:
0x3e3: {  	v6 =	vld [tilespmem:s3+$0x0];
	s2 =	sadd.s32 $0x80, s2;
	[tilespmem:s1+$0xFFFFFFE0] =	vst v5  }
0x3e4: {  	v5 =	vld [tilespmem:s3+$0xFFFFFFA0];
	p5 =	slt.u32 s2, $0xF80;
	[tilespmem:s1+$0xFFFFFFF0] =	vst v3  }
0x3e5: {  	v3 =	vld [tilespmem:s3+$0xFFFFFFB0];
	[tilespmem:s1+$0x0] =	vst v0  }
0x3e6: {  	v0 =	vld [tilespmem:s3+$0xFFFFFFC0];
	[tilespmem:s1+$0x10] =	vst v1  }
0x3e7: {  	v1 =	vld [tilespmem:s3+$0xFFFFFFD0];
	[tilespmem:s1+$0x20] =	vst v2  }
0x3e8: {  	v2 =	vld [tilespmem:s3+$0xFFFFFFE0];
	[tilespmem:s1+$0xFFFFFFC0] =	vst v4  }
0x3e9: {  	v4 =	vld [tilespmem:s3+$0xFFFFFFF0]  }
0x3ea: {  	v7 =	vld [tilespmem:s3+$0xFFFFFF90]  }
0x3eb: {  	v6 =	vld.idx.msk [tilespmem:v6+s17+$0x0], $0xffff  }
0x3ec: {  	v8 =	vld.idx.msk [tilespmem:v5+s17+$0x0], $0xffff  }
0x3ed: {  	v5 =	vld.idx.msk [tilespmem:v3+s17+$0x0], $0xffff  }
.Ltmp18:
0x3ee: {  	v3 =	vld.idx.msk [tilespmem:v0+s17+$0x0], $0xffff;
	(pc) =	sbr.rel @p5 .LBB2_38-.Ltmp18, $4  }
0x3ef: {  	v0 =	vld.idx.msk [tilespmem:v1+s17+$0x0], $0xffff  }
0x3f0: {  	s1 =	sadd.s32 $0x80, s1;
	v1 =	vld.idx.msk [tilespmem:v2+s17+$0x0], $0xffff  }
0x3f1: {  	v2 =	vld.idx.msk [tilespmem:v4+s17+$0x0], $0xffff;
	[tilespmem:s1+$0x30] =	vst v6  }
0x3f2: {  	s3 =	sadd.s32 $0x80, s3;
	v4 =	vld.idx.msk [tilespmem:v7+s17+$0x0], $0xffff;
	[tilespmem:s1+$0xFFFFFFD0] =	vst v8  }
0x3f3: {  	[tilespmem:s1+$0xFFFFFFE0] =	vst v5  }
0x3f4: {  	[tilespmem:s1+$0xFFFFFFF0] =	vst v3  }
0x3f5: {  	[tilespmem:s1+$0x0] =	vst v0  }
0x3f6: {  	[tilespmem:s1+$0x10] =	vst v1  }
0x3f7: {  	[tilespmem:s1+$0x20] =	vst v2  }
0x3f8: {  	[tilespmem:s1+$0xFFFFFFC0] =	vst v4  }
0x3f9: {  	s1 =	sld [smem:$0x7DF];
	_ =	sdelay $0x2  }
0x3fa: {  	[hbm4b:s1+s19] =	stream.strided.scatter [tilespmem:s23], [sflag:$0x3], $0x1000, s20, s19, $0x38;
	[tilespmem:$0x1E700] =	vst v63  }
0x3fb: {  	_ =	swait.ge [sflag:s26], $0x1000  }
0x3fc: {  	[sflag:s26] =	ssyncset.done $0x0  }
0x3fd: {  	s30 =	simm.s32 $0x1B770;
	[sflag:s26] =	ssyncadd.s32 $0xFFFFF000  }
0x3fe: {  	v0 =	vld [tilespmem:s30+$0x0]  }
0x3ff: {  	v1 =	vld [tilespmem:s30+$0xFFFFFFA0]  }
0x400: {  	v2 =	vld [tilespmem:s30+$0xFFFFFFB0]  }
0x401: {  	v3 =	vld [tilespmem:s30+$0xFFFFFFC0]  }
0x402: {  	v4 =	vld [tilespmem:s30+$0xFFFFFFD0]  }
0x403: {  	v6 =	vld [tilespmem:s30+$0xFFFFFFE0]  }
0x404: {  	v7 =	vld [tilespmem:s30+$0xFFFFFFF0]  }
0x405: {  	v8 =	vld [tilespmem:s30+$0xFFFFFF90]  }
0x406: {  	v9 =	vld.idx.msk [tilespmem:v0+s17+$0x0], $0xffff  }
0x407: {  	v10 =	vld.idx.msk [tilespmem:v1+s17+$0x0], $0xffff  }
0x408: {  	v5 =	vld.idx.msk [tilespmem:v2+s17+$0x0], $0xffff  }
0x409: {  	v3 =	vld.idx.msk [tilespmem:v3+s17+$0x0], $0xffff  }
0x40a: {  	v0 =	vld.idx.msk [tilespmem:v4+s17+$0x0], $0xffff  }
0x40b: {  	s1 =	simm.s32 $0x1D740;
	v1 =	vld.idx.msk [tilespmem:v6+s17+$0x0], $0xffff  }
0x40c: {  	v2 =	vld.idx.msk [tilespmem:v7+s17+$0x0], $0xffff;
	[tilespmem:s1+$0x30] =	vst v9  }
0x40d: {  	s2 =	simm.s32 $0x0;
	s3 =	simm.s32 $0x1B7F0;
	v4 =	vld.idx.msk [tilespmem:v8+s17+$0x0], $0xffff;
	[tilespmem:s1+$0xFFFFFFD0] =	vst v10  }
.LBB2_40:
0x40e: {  	v6 =	vld [tilespmem:s3+$0x0];
	s2 =	sadd.s32 $0x80, s2;
	[tilespmem:s1+$0xFFFFFFE0] =	vst v5  }
0x40f: {  	v5 =	vld [tilespmem:s3+$0xFFFFFFA0];
	p5 =	slt.u32 s2, $0xF80;
	[tilespmem:s1+$0xFFFFFFF0] =	vst v3  }
0x410: {  	v3 =	vld [tilespmem:s3+$0xFFFFFFB0];
	[tilespmem:s1+$0x0] =	vst v0  }
0x411: {  	v0 =	vld [tilespmem:s3+$0xFFFFFFC0];
	[tilespmem:s1+$0x10] =	vst v1  }
0x412: {  	v1 =	vld [tilespmem:s3+$0xFFFFFFD0];
	[tilespmem:s1+$0x20] =	vst v2  }
0x413: {  	v2 =	vld [tilespmem:s3+$0xFFFFFFE0];
	[tilespmem:s1+$0xFFFFFFC0] =	vst v4  }
0x414: {  	v4 =	vld [tilespmem:s3+$0xFFFFFFF0]  }
0x415: {  	v7 =	vld [tilespmem:s3+$0xFFFFFF90]  }
0x416: {  	v6 =	vld.idx.msk [tilespmem:v6+s17+$0x0], $0xffff  }
0x417: {  	v8 =	vld.idx.msk [tilespmem:v5+s17+$0x0], $0xffff  }
0x418: {  	v5 =	vld.idx.msk [tilespmem:v3+s17+$0x0], $0xffff  }
.Ltmp19:
0x419: {  	v3 =	vld.idx.msk [tilespmem:v0+s17+$0x0], $0xffff;
	(pc) =	sbr.rel @p5 .LBB2_40-.Ltmp19, $4  }
0x41a: {  	v0 =	vld.idx.msk [tilespmem:v1+s17+$0x0], $0xffff  }
0x41b: {  	s1 =	sadd.s32 $0x80, s1;
	v1 =	vld.idx.msk [tilespmem:v2+s17+$0x0], $0xffff  }
0x41c: {  	v2 =	vld.idx.msk [tilespmem:v4+s17+$0x0], $0xffff;
	[tilespmem:s1+$0x30] =	vst v6  }
0x41d: {  	s3 =	sadd.s32 $0x80, s3;
	v4 =	vld.idx.msk [tilespmem:v7+s17+$0x0], $0xffff;
	[tilespmem:s1+$0xFFFFFFD0] =	vst v8  }
0x41e: {  	[tilespmem:s1+$0xFFFFFFE0] =	vst v5  }
0x41f: {  	[tilespmem:s1+$0xFFFFFFF0] =	vst v3  }
0x420: {  	[tilespmem:s1+$0x0] =	vst v0  }
0x421: {  	[tilespmem:s1+$0x10] =	vst v1  }
0x422: {  	[tilespmem:s1+$0x20] =	vst v2  }
0x423: {  	[tilespmem:s1+$0xFFFFFFC0] =	vst v4  }
0x424: {  	s1 =	sld [smem:$0x7E0]  }
0x425: {  	s3 =	sld [smem:$0x7FA]  }
0x426: {  	s2 =	rddreg [dreg:$0x13]  }
0x427: {  	[hbm4b:s1+s19] =	stream.strided.scatter [tilespmem:s24], [sflag:$0x4], $0x1000, s20, s19, $0x38;
	[tilespmem:$0x1E700] =	vst v63  }
0x428: {  	s30 =	rddreg [dreg:$0x7];
	p5 =	seq.s32 s3, $0x1  }
0x429: {  	[tilespmem:s17], [sflag:$0x1] =	stream.strided.gather [hbm4b:s2+s19], $0x18700, s20, s19, $0x38;
	[tilespmem:$0x1E700] =	vst v63  }
0x42a: {  	s1 =	simm.s32 @!p5 $0x80;
	s3 =	simm.s32 @!p5 $0x18700;
	s2 =	simm.s32 @!p5 $0x400  }
0x42b: {  	[tilespmem:s3], [sflag:$0x2] =	stream.strided.gather @!p5 [hbm4b:s30+s1], $0x4000, s2, s1, $0x38;
	[tilespmem:$0x1E700] =	vst v63  }
0x42c: {  	s1 =	simm.s32 @!p5 $0x2  }
0x42d: {  	_ =	swait.ge @!p5 [sflag:s1], $0x4000  }
0x42e: {  	[sflag:s1] =	ssyncset.done @!p5 $0x0  }
0x42f: {  	[sflag:s1] =	ssyncadd.s32 @!p5 $0xFFFFC000  }
0x430: {  	_ =	swait.ge [sflag:s22], $0x18700  }
0x431: {  	[sflag:s22] =	ssyncset.done $0x0  }
0x432: {  	[sflag:s22] =	ssyncadd.s32 $0xFFFE7900  }
0x433: {  	_ =	swait.ge [sflag:s25], $0x1000  }
0x434: {  	[sflag:s25] =	ssyncset.done $0x0  }
0x435: {  	s30 =	simm.s32 $0x18740;
	[sflag:s25] =	ssyncadd.s32 $0xFFFFF000  }
0x436: {  	v0 =	vld [tilespmem:s30+$0x30]  }
0x437: {  	v1 =	vld [tilespmem:s30+$0xFFFFFFD0]  }
0x438: {  	v2 =	vld [tilespmem:s30+$0xFFFFFFE0]  }
0x439: {  	v3 =	vld [tilespmem:s30+$0xFFFFFFF0]  }
0x43a: {  	v4 =	vld [tilespmem:s30+$0x0]  }
0x43b: {  	v6 =	vld [tilespmem:s30+$0x10]  }
0x43c: {  	v7 =	vld [tilespmem:s30+$0x20]  }
0x43d: {  	v8 =	vld [tilespmem:s30+$0xFFFFFFC0]  }
0x43e: {  	v9 =	vld.idx.msk [tilespmem:v0+s17+$0x0], $0xffff  }
0x43f: {  	v10 =	vld.idx.msk [tilespmem:v1+s17+$0x0], $0xffff  }
0x440: {  	v5 =	vld.idx.msk [tilespmem:v2+s17+$0x0], $0xffff  }
0x441: {  	v3 =	vld.idx.msk [tilespmem:v3+s17+$0x0], $0xffff  }
0x442: {  	v0 =	vld.idx.msk [tilespmem:v4+s17+$0x0], $0xffff  }
0x443: {  	s1 =	simm.s32 $0x1C740;
	v1 =	vld.idx.msk [tilespmem:v6+s17+$0x0], $0xffff  }
0x444: {  	v2 =	vld.idx.msk [tilespmem:v7+s17+$0x0], $0xffff;
	[tilespmem:s1+$0x30] =	vst v9  }
0x445: {  	s2 =	simm.s32 $0x0;
	s3 =	simm.s32 $0x187C0;
	v4 =	vld.idx.msk [tilespmem:v8+s17+$0x0], $0xffff;
	[tilespmem:s1+$0xFFFFFFD0] =	vst v10  }
.LBB2_42:
0x446: {  	v6 =	vld [tilespmem:s3+$0x30];
	s2 =	sadd.s32 $0x80, s2;
	[tilespmem:s1+$0xFFFFFFE0] =	vst v5  }
0x447: {  	v5 =	vld [tilespmem:s3+$0xFFFFFFD0];
	p5 =	slt.u32 s2, $0xF80;
	[tilespmem:s1+$0xFFFFFFF0] =	vst v3  }
0x448: {  	v3 =	vld [tilespmem:s3+$0xFFFFFFE0];
	[tilespmem:s1+$0x0] =	vst v0  }
0x449: {  	v0 =	vld [tilespmem:s3+$0xFFFFFFF0];
	[tilespmem:s1+$0x10] =	vst v1  }
0x44a: {  	v1 =	vld [tilespmem:s3+$0x0];
	[tilespmem:s1+$0x20] =	vst v2  }
0x44b: {  	v2 =	vld [tilespmem:s3+$0x10];
	[tilespmem:s1+$0xFFFFFFC0] =	vst v4  }
0x44c: {  	v4 =	vld [tilespmem:s3+$0x20]  }
0x44d: {  	v7 =	vld [tilespmem:s3+$0xFFFFFFC0]  }
0x44e: {  	v6 =	vld.idx.msk [tilespmem:v6+s17+$0x0], $0xffff  }
0x44f: {  	v8 =	vld.idx.msk [tilespmem:v5+s17+$0x0], $0xffff  }
0x450: {  	v5 =	vld.idx.msk [tilespmem:v3+s17+$0x0], $0xffff  }
.Ltmp20:
0x451: {  	v3 =	vld.idx.msk [tilespmem:v0+s17+$0x0], $0xffff;
	(pc) =	sbr.rel @p5 .LBB2_42-.Ltmp20, $4  }
0x452: {  	v0 =	vld.idx.msk [tilespmem:v1+s17+$0x0], $0xffff  }
0x453: {  	s1 =	sadd.s32 $0x80, s1;
	v1 =	vld.idx.msk [tilespmem:v2+s17+$0x0], $0xffff  }
0x454: {  	v2 =	vld.idx.msk [tilespmem:v4+s17+$0x0], $0xffff;
	[tilespmem:s1+$0x30] =	vst v6  }
0x455: {  	s3 =	sadd.s32 $0x80, s3;
	v4 =	vld.idx.msk [tilespmem:v7+s17+$0x0], $0xffff;
	[tilespmem:s1+$0xFFFFFFD0] =	vst v8  }
0x456: {  	[tilespmem:s1+$0xFFFFFFE0] =	vst v5  }
0x457: {  	[tilespmem:s1+$0xFFFFFFF0] =	vst v3  }
0x458: {  	[tilespmem:s1+$0x0] =	vst v0  }
0x459: {  	[tilespmem:s1+$0x10] =	vst v1  }
0x45a: {  	[tilespmem:s1+$0x20] =	vst v2  }
0x45b: {  	[tilespmem:s1+$0xFFFFFFC0] =	vst v4  }
0x45c: {  	s1 =	sld [smem:$0x7E1];
	_ =	sdelay $0x2  }
0x45d: {  	[hbm4b:s1+s19] =	stream.strided.scatter [tilespmem:s23], [sflag:$0x3], $0x1000, s20, s19, $0x38;
	[tilespmem:$0x1E700] =	vst v63  }
0x45e: {  	_ =	swait.ge [sflag:s26], $0x1000  }
0x45f: {  	[sflag:s26] =	ssyncset.done $0x0  }
0x460: {  	s30 =	simm.s32 $0x19770;
	[sflag:s26] =	ssyncadd.s32 $0xFFFFF000  }
0x461: {  	v0 =	vld [tilespmem:s30+$0x0]  }
0x462: {  	v1 =	vld [tilespmem:s30+$0xFFFFFFA0]  }
0x463: {  	v2 =	vld [tilespmem:s30+$0xFFFFFFB0]  }
0x464: {  	v3 =	vld [tilespmem:s30+$0xFFFFFFC0]  }
0x465: {  	v4 =	vld [tilespmem:s30+$0xFFFFFFD0]  }
0x466: {  	v6 =	vld [tilespmem:s30+$0xFFFFFFE0]  }
0x467: {  	v7 =	vld [tilespmem:s30+$0xFFFFFFF0]  }
0x468: {  	v8 =	vld [tilespmem:s30+$0xFFFFFF90]  }
0x469: {  	v9 =	vld.idx.msk [tilespmem:v0+s17+$0x0], $0xffff  }
0x46a: {  	v10 =	vld.idx.msk [tilespmem:v1+s17+$0x0], $0xffff  }
0x46b: {  	v5 =	vld.idx.msk [tilespmem:v2+s17+$0x0], $0xffff  }
0x46c: {  	v3 =	vld.idx.msk [tilespmem:v3+s17+$0x0], $0xffff  }
0x46d: {  	v0 =	vld.idx.msk [tilespmem:v4+s17+$0x0], $0xffff  }
0x46e: {  	s1 =	simm.s32 $0x1D740;
	v1 =	vld.idx.msk [tilespmem:v6+s17+$0x0], $0xffff  }
0x46f: {  	v2 =	vld.idx.msk [tilespmem:v7+s17+$0x0], $0xffff;
	[tilespmem:s1+$0x30] =	vst v9  }
0x470: {  	s2 =	simm.s32 $0x0;
	s3 =	simm.s32 $0x197F0;
	v4 =	vld.idx.msk [tilespmem:v8+s17+$0x0], $0xffff;
	[tilespmem:s1+$0xFFFFFFD0] =	vst v10  }
.LBB2_44:
0x471: {  	v6 =	vld [tilespmem:s3+$0x0];
	s2 =	sadd.s32 $0x80, s2;
	[tilespmem:s1+$0xFFFFFFE0] =	vst v5  }
0x472: {  	v5 =	vld [tilespmem:s3+$0xFFFFFFA0];
	p5 =	slt.u32 s2, $0xF80;
	[tilespmem:s1+$0xFFFFFFF0] =	vst v3  }
0x473: {  	v3 =	vld [tilespmem:s3+$0xFFFFFFB0];
	[tilespmem:s1+$0x0] =	vst v0  }
0x474: {  	v0 =	vld [tilespmem:s3+$0xFFFFFFC0];
	[tilespmem:s1+$0x10] =	vst v1  }
0x475: {  	v1 =	vld [tilespmem:s3+$0xFFFFFFD0];
	[tilespmem:s1+$0x20] =	vst v2  }
0x476: {  	v2 =	vld [tilespmem:s3+$0xFFFFFFE0];
	[tilespmem:s1+$0xFFFFFFC0] =	vst v4  }
0x477: {  	v4 =	vld [tilespmem:s3+$0xFFFFFFF0]  }
0x478: {  	v7 =	vld [tilespmem:s3+$0xFFFFFF90]  }
0x479: {  	v6 =	vld.idx.msk [tilespmem:v6+s17+$0x0], $0xffff  }
0x47a: {  	v8 =	vld.idx.msk [tilespmem:v5+s17+$0x0], $0xffff  }
0x47b: {  	v5 =	vld.idx.msk [tilespmem:v3+s17+$0x0], $0xffff  }
.Ltmp21:
0x47c: {  	v3 =	vld.idx.msk [tilespmem:v0+s17+$0x0], $0xffff;
	(pc) =	sbr.rel @p5 .LBB2_44-.Ltmp21, $4  }
0x47d: {  	v0 =	vld.idx.msk [tilespmem:v1+s17+$0x0], $0xffff  }
0x47e: {  	s1 =	sadd.s32 $0x80, s1;
	v1 =	vld.idx.msk [tilespmem:v2+s17+$0x0], $0xffff  }
0x47f: {  	v2 =	vld.idx.msk [tilespmem:v4+s17+$0x0], $0xffff;
	[tilespmem:s1+$0x30] =	vst v6  }
0x480: {  	s3 =	sadd.s32 $0x80, s3;
	v4 =	vld.idx.msk [tilespmem:v7+s17+$0x0], $0xffff;
	[tilespmem:s1+$0xFFFFFFD0] =	vst v8  }
0x481: {  	[tilespmem:s1+$0xFFFFFFE0] =	vst v5  }
0x482: {  	[tilespmem:s1+$0xFFFFFFF0] =	vst v3  }
0x483: {  	[tilespmem:s1+$0x0] =	vst v0  }
0x484: {  	[tilespmem:s1+$0x10] =	vst v1  }
0x485: {  	[tilespmem:s1+$0x20] =	vst v2  }
0x486: {  	[tilespmem:s1+$0xFFFFFFC0] =	vst v4  }
0x487: {  	s1 =	sld [smem:$0x7E2];
	_ =	sdelay $0x2  }
0x488: {  	[hbm4b:s1+s19] =	stream.strided.scatter [tilespmem:s24], [sflag:$0x4], $0x1000, s20, s19, $0x38;
	[tilespmem:$0x1E700] =	vst v63  }
0x489: {  	_ =	swait.ge [sflag:s25], $0x1000  }
0x48a: {  	[sflag:s25] =	ssyncset.done $0x0  }
0x48b: {  	s30 =	simm.s32 $0x1A770;
	[sflag:s25] =	ssyncadd.s32 $0xFFFFF000  }
0x48c: {  	v0 =	vld [tilespmem:s30+$0x0]  }
0x48d: {  	v1 =	vld [tilespmem:s30+$0xFFFFFFA0]  }
0x48e: {  	v2 =	vld [tilespmem:s30+$0xFFFFFFB0]  }
0x48f: {  	v3 =	vld [tilespmem:s30+$0xFFFFFFC0]  }
0x490: {  	v4 =	vld [tilespmem:s30+$0xFFFFFFD0]  }
0x491: {  	v6 =	vld [tilespmem:s30+$0xFFFFFFE0]  }
0x492: {  	v7 =	vld [tilespmem:s30+$0xFFFFFFF0]  }
0x493: {  	v8 =	vld [tilespmem:s30+$0xFFFFFF90]  }
0x494: {  	v9 =	vld.idx.msk [tilespmem:v0+s17+$0x0], $0xffff  }
0x495: {  	v10 =	vld.idx.msk [tilespmem:v1+s17+$0x0], $0xffff  }
0x496: {  	v5 =	vld.idx.msk [tilespmem:v2+s17+$0x0], $0xffff  }
0x497: {  	v3 =	vld.idx.msk [tilespmem:v3+s17+$0x0], $0xffff  }
0x498: {  	v0 =	vld.idx.msk [tilespmem:v4+s17+$0x0], $0xffff  }
0x499: {  	s1 =	simm.s32 $0x1C740;
	v1 =	vld.idx.msk [tilespmem:v6+s17+$0x0], $0xffff  }
0x49a: {  	v2 =	vld.idx.msk [tilespmem:v7+s17+$0x0], $0xffff;
	[tilespmem:s1+$0x30] =	vst v9  }
0x49b: {  	s2 =	simm.s32 $0x0;
	s3 =	simm.s32 $0x1A7F0;
	v4 =	vld.idx.msk [tilespmem:v8+s17+$0x0], $0xffff;
	[tilespmem:s1+$0xFFFFFFD0] =	vst v10  }
.LBB2_46:
0x49c: {  	v6 =	vld [tilespmem:s3+$0x0];
	s2 =	sadd.s32 $0x80, s2;
	[tilespmem:s1+$0xFFFFFFE0] =	vst v5  }
0x49d: {  	v5 =	vld [tilespmem:s3+$0xFFFFFFA0];
	p5 =	slt.u32 s2, $0xF80;
	[tilespmem:s1+$0xFFFFFFF0] =	vst v3  }
0x49e: {  	v3 =	vld [tilespmem:s3+$0xFFFFFFB0];
	[tilespmem:s1+$0x0] =	vst v0  }
0x49f: {  	v0 =	vld [tilespmem:s3+$0xFFFFFFC0];
	[tilespmem:s1+$0x10] =	vst v1  }
0x4a0: {  	v1 =	vld [tilespmem:s3+$0xFFFFFFD0];
	[tilespmem:s1+$0x20] =	vst v2  }
0x4a1: {  	v2 =	vld [tilespmem:s3+$0xFFFFFFE0];
	[tilespmem:s1+$0xFFFFFFC0] =	vst v4  }
0x4a2: {  	v4 =	vld [tilespmem:s3+$0xFFFFFFF0]  }
0x4a3: {  	v7 =	vld [tilespmem:s3+$0xFFFFFF90]  }
0x4a4: {  	v6 =	vld.idx.msk [tilespmem:v6+s17+$0x0], $0xffff  }
0x4a5: {  	v8 =	vld.idx.msk [tilespmem:v5+s17+$0x0], $0xffff  }
0x4a6: {  	v5 =	vld.idx.msk [tilespmem:v3+s17+$0x0], $0xffff  }
.Ltmp22:
0x4a7: {  	v3 =	vld.idx.msk [tilespmem:v0+s17+$0x0], $0xffff;
	(pc) =	sbr.rel @p5 .LBB2_46-.Ltmp22, $4  }
0x4a8: {  	v0 =	vld.idx.msk [tilespmem:v1+s17+$0x0], $0xffff  }
0x4a9: {  	s1 =	sadd.s32 $0x80, s1;
	v1 =	vld.idx.msk [tilespmem:v2+s17+$0x0], $0xffff  }
0x4aa: {  	v2 =	vld.idx.msk [tilespmem:v4+s17+$0x0], $0xffff;
	[tilespmem:s1+$0x30] =	vst v6  }
0x4ab: {  	s3 =	sadd.s32 $0x80, s3;
	v4 =	vld.idx.msk [tilespmem:v7+s17+$0x0], $0xffff;
	[tilespmem:s1+$0xFFFFFFD0] =	vst v8  }
0x4ac: {  	[tilespmem:s1+$0xFFFFFFE0] =	vst v5  }
0x4ad: {  	[tilespmem:s1+$0xFFFFFFF0] =	vst v3  }
0x4ae: {  	[tilespmem:s1+$0x0] =	vst v0  }
0x4af: {  	[tilespmem:s1+$0x10] =	vst v1  }
0x4b0: {  	[tilespmem:s1+$0x20] =	vst v2  }
0x4b1: {  	[tilespmem:s1+$0xFFFFFFC0] =	vst v4  }
0x4b2: {  	s1 =	sld [smem:$0x7E3];
	_ =	sdelay $0x2  }
0x4b3: {  	[hbm4b:s1+s19] =	stream.strided.scatter [tilespmem:s23], [sflag:$0x3], $0x1000, s20, s19, $0x38;
	[tilespmem:$0x1E700] =	vst v63  }
0x4b4: {  	_ =	swait.ge [sflag:s26], $0x1000  }
0x4b5: {  	[sflag:s26] =	ssyncset.done $0x0  }
0x4b6: {  	s30 =	simm.s32 $0x1B770;
	[sflag:s26] =	ssyncadd.s32 $0xFFFFF000  }
0x4b7: {  	v0 =	vld [tilespmem:s30+$0x0]  }
0x4b8: {  	v1 =	vld [tilespmem:s30+$0xFFFFFFA0]  }
0x4b9: {  	v2 =	vld [tilespmem:s30+$0xFFFFFFB0]  }
0x4ba: {  	v3 =	vld [tilespmem:s30+$0xFFFFFFC0]  }
0x4bb: {  	v4 =	vld [tilespmem:s30+$0xFFFFFFD0]  }
0x4bc: {  	v6 =	vld [tilespmem:s30+$0xFFFFFFE0]  }
0x4bd: {  	v7 =	vld [tilespmem:s30+$0xFFFFFFF0]  }
0x4be: {  	v8 =	vld [tilespmem:s30+$0xFFFFFF90]  }
0x4bf: {  	v9 =	vld.idx.msk [tilespmem:v0+s17+$0x0], $0xffff  }
0x4c0: {  	v10 =	vld.idx.msk [tilespmem:v1+s17+$0x0], $0xffff  }
0x4c1: {  	v5 =	vld.idx.msk [tilespmem:v2+s17+$0x0], $0xffff  }
0x4c2: {  	v3 =	vld.idx.msk [tilespmem:v3+s17+$0x0], $0xffff  }
0x4c3: {  	v0 =	vld.idx.msk [tilespmem:v4+s17+$0x0], $0xffff  }
0x4c4: {  	s1 =	simm.s32 $0x1D740;
	v1 =	vld.idx.msk [tilespmem:v6+s17+$0x0], $0xffff  }
0x4c5: {  	v2 =	vld.idx.msk [tilespmem:v7+s17+$0x0], $0xffff;
	[tilespmem:s1+$0x30] =	vst v9  }
0x4c6: {  	s2 =	simm.s32 $0x0;
	s3 =	simm.s32 $0x1B7F0;
	v4 =	vld.idx.msk [tilespmem:v8+s17+$0x0], $0xffff;
	[tilespmem:s1+$0xFFFFFFD0] =	vst v10  }
.LBB2_48:
0x4c7: {  	v6 =	vld [tilespmem:s3+$0x0];
	s2 =	sadd.s32 $0x80, s2;
	[tilespmem:s1+$0xFFFFFFE0] =	vst v5  }
0x4c8: {  	v5 =	vld [tilespmem:s3+$0xFFFFFFA0];
	p5 =	slt.u32 s2, $0xF80;
	[tilespmem:s1+$0xFFFFFFF0] =	vst v3  }
0x4c9: {  	v3 =	vld [tilespmem:s3+$0xFFFFFFB0];
	[tilespmem:s1+$0x0] =	vst v0  }
0x4ca: {  	v0 =	vld [tilespmem:s3+$0xFFFFFFC0];
	[tilespmem:s1+$0x10] =	vst v1  }
0x4cb: {  	v1 =	vld [tilespmem:s3+$0xFFFFFFD0];
	[tilespmem:s1+$0x20] =	vst v2  }
0x4cc: {  	v2 =	vld [tilespmem:s3+$0xFFFFFFE0];
	[tilespmem:s1+$0xFFFFFFC0] =	vst v4  }
0x4cd: {  	v4 =	vld [tilespmem:s3+$0xFFFFFFF0]  }
0x4ce: {  	v7 =	vld [tilespmem:s3+$0xFFFFFF90]  }
0x4cf: {  	v6 =	vld.idx.msk [tilespmem:v6+s17+$0x0], $0xffff  }
0x4d0: {  	v8 =	vld.idx.msk [tilespmem:v5+s17+$0x0], $0xffff  }
0x4d1: {  	v5 =	vld.idx.msk [tilespmem:v3+s17+$0x0], $0xffff  }
.Ltmp23:
0x4d2: {  	v3 =	vld.idx.msk [tilespmem:v0+s17+$0x0], $0xffff;
	(pc) =	sbr.rel @p5 .LBB2_48-.Ltmp23, $4  }
0x4d3: {  	v0 =	vld.idx.msk [tilespmem:v1+s17+$0x0], $0xffff  }
0x4d4: {  	s1 =	sadd.s32 $0x80, s1;
	v1 =	vld.idx.msk [tilespmem:v2+s17+$0x0], $0xffff  }
0x4d5: {  	v2 =	vld.idx.msk [tilespmem:v4+s17+$0x0], $0xffff;
	[tilespmem:s1+$0x30] =	vst v6  }
0x4d6: {  	s3 =	sadd.s32 $0x80, s3;
	v4 =	vld.idx.msk [tilespmem:v7+s17+$0x0], $0xffff;
	[tilespmem:s1+$0xFFFFFFD0] =	vst v8  }
0x4d7: {  	[tilespmem:s1+$0xFFFFFFE0] =	vst v5  }
0x4d8: {  	[tilespmem:s1+$0xFFFFFFF0] =	vst v3  }
0x4d9: {  	[tilespmem:s1+$0x0] =	vst v0  }
0x4da: {  	[tilespmem:s1+$0x10] =	vst v1  }
0x4db: {  	[tilespmem:s1+$0x20] =	vst v2  }
0x4dc: {  	[tilespmem:s1+$0xFFFFFFC0] =	vst v4  }
0x4dd: {  	s1 =	sld [smem:$0x7E4]  }
0x4de: {  	s3 =	sld [smem:$0x7FB]  }
0x4df: {  	s2 =	rddreg [dreg:$0x14]  }
0x4e0: {  	[hbm4b:s1+s19] =	stream.strided.scatter [tilespmem:s24], [sflag:$0x4], $0x1000, s20, s19, $0x38;
	[tilespmem:$0x1E700] =	vst v63  }
0x4e1: {  	s30 =	rddreg [dreg:$0x8];
	p5 =	seq.s32 s3, $0x1  }
0x4e2: {  	[tilespmem:s17], [sflag:$0x1] =	stream.strided.gather [hbm4b:s2+s19], $0x18700, s20, s19, $0x38;
	[tilespmem:$0x1E700] =	vst v63  }
0x4e3: {  	s1 =	simm.s32 @!p5 $0x80;
	s3 =	simm.s32 @!p5 $0x18700;
	s2 =	simm.s32 @!p5 $0x400  }
0x4e4: {  	[tilespmem:s3], [sflag:$0x2] =	stream.strided.gather @!p5 [hbm4b:s30+s1], $0x4000, s2, s1, $0x38;
	[tilespmem:$0x1E700] =	vst v63  }
0x4e5: {  	s1 =	simm.s32 @!p5 $0x2  }
0x4e6: {  	_ =	swait.ge @!p5 [sflag:s1], $0x4000  }
0x4e7: {  	[sflag:s1] =	ssyncset.done @!p5 $0x0  }
0x4e8: {  	[sflag:s1] =	ssyncadd.s32 @!p5 $0xFFFFC000  }
0x4e9: {  	_ =	swait.ge [sflag:s22], $0x18700  }
0x4ea: {  	[sflag:s22] =	ssyncset.done $0x0  }
0x4eb: {  	[sflag:s22] =	ssyncadd.s32 $0xFFFE7900  }
0x4ec: {  	_ =	swait.ge [sflag:s25], $0x1000  }
0x4ed: {  	[sflag:s25] =	ssyncset.done $0x0  }
0x4ee: {  	s30 =	simm.s32 $0x18740;
	[sflag:s25] =	ssyncadd.s32 $0xFFFFF000  }
0x4ef: {  	v0 =	vld [tilespmem:s30+$0x30]  }
0x4f0: {  	v1 =	vld [tilespmem:s30+$0xFFFFFFD0]  }
0x4f1: {  	v2 =	vld [tilespmem:s30+$0xFFFFFFE0]  }
0x4f2: {  	v3 =	vld [tilespmem:s30+$0xFFFFFFF0]  }
0x4f3: {  	v4 =	vld [tilespmem:s30+$0x0]  }
0x4f4: {  	v6 =	vld [tilespmem:s30+$0x10]  }
0x4f5: {  	v7 =	vld [tilespmem:s30+$0x20]  }
0x4f6: {  	v8 =	vld [tilespmem:s30+$0xFFFFFFC0]  }
0x4f7: {  	v9 =	vld.idx.msk [tilespmem:v0+s17+$0x0], $0xffff  }
0x4f8: {  	v10 =	vld.idx.msk [tilespmem:v1+s17+$0x0], $0xffff  }
0x4f9: {  	v5 =	vld.idx.msk [tilespmem:v2+s17+$0x0], $0xffff  }
0x4fa: {  	v3 =	vld.idx.msk [tilespmem:v3+s17+$0x0], $0xffff  }
0x4fb: {  	v0 =	vld.idx.msk [tilespmem:v4+s17+$0x0], $0xffff  }
0x4fc: {  	s1 =	simm.s32 $0x1C740;
	v1 =	vld.idx.msk [tilespmem:v6+s17+$0x0], $0xffff  }
0x4fd: {  	v2 =	vld.idx.msk [tilespmem:v7+s17+$0x0], $0xffff;
	[tilespmem:s1+$0x30] =	vst v9  }
0x4fe: {  	s2 =	simm.s32 $0x0;
	s3 =	simm.s32 $0x187C0;
	v4 =	vld.idx.msk [tilespmem:v8+s17+$0x0], $0xffff;
	[tilespmem:s1+$0xFFFFFFD0] =	vst v10  }
.LBB2_50:
0x4ff: {  	v6 =	vld [tilespmem:s3+$0x30];
	s2 =	sadd.s32 $0x80, s2;
	[tilespmem:s1+$0xFFFFFFE0] =	vst v5  }
0x500: {  	v5 =	vld [tilespmem:s3+$0xFFFFFFD0];
	p5 =	slt.u32 s2, $0xF80;
	[tilespmem:s1+$0xFFFFFFF0] =	vst v3  }
0x501: {  	v3 =	vld [tilespmem:s3+$0xFFFFFFE0];
	[tilespmem:s1+$0x0] =	vst v0  }
0x502: {  	v0 =	vld [tilespmem:s3+$0xFFFFFFF0];
	[tilespmem:s1+$0x10] =	vst v1  }
0x503: {  	v1 =	vld [tilespmem:s3+$0x0];
	[tilespmem:s1+$0x20] =	vst v2  }
0x504: {  	v2 =	vld [tilespmem:s3+$0x10];
	[tilespmem:s1+$0xFFFFFFC0] =	vst v4  }
0x505: {  	v4 =	vld [tilespmem:s3+$0x20]  }
0x506: {  	v7 =	vld [tilespmem:s3+$0xFFFFFFC0]  }
0x507: {  	v6 =	vld.idx.msk [tilespmem:v6+s17+$0x0], $0xffff  }
0x508: {  	v8 =	vld.idx.msk [tilespmem:v5+s17+$0x0], $0xffff  }
0x509: {  	v5 =	vld.idx.msk [tilespmem:v3+s17+$0x0], $0xffff  }
.Ltmp24:
0x50a: {  	v3 =	vld.idx.msk [tilespmem:v0+s17+$0x0], $0xffff;
	(pc) =	sbr.rel @p5 .LBB2_50-.Ltmp24, $4  }
0x50b: {  	v0 =	vld.idx.msk [tilespmem:v1+s17+$0x0], $0xffff  }
0x50c: {  	s1 =	sadd.s32 $0x80, s1;
	v1 =	vld.idx.msk [tilespmem:v2+s17+$0x0], $0xffff  }
0x50d: {  	v2 =	vld.idx.msk [tilespmem:v4+s17+$0x0], $0xffff;
	[tilespmem:s1+$0x30] =	vst v6  }
0x50e: {  	s3 =	sadd.s32 $0x80, s3;
	v4 =	vld.idx.msk [tilespmem:v7+s17+$0x0], $0xffff;
	[tilespmem:s1+$0xFFFFFFD0] =	vst v8  }
0x50f: {  	[tilespmem:s1+$0xFFFFFFE0] =	vst v5  }
0x510: {  	[tilespmem:s1+$0xFFFFFFF0] =	vst v3  }
0x511: {  	[tilespmem:s1+$0x0] =	vst v0  }
0x512: {  	[tilespmem:s1+$0x10] =	vst v1  }
0x513: {  	[tilespmem:s1+$0x20] =	vst v2  }
0x514: {  	[tilespmem:s1+$0xFFFFFFC0] =	vst v4  }
0x515: {  	s1 =	sld [smem:$0x7E6];
	_ =	sdelay $0x2  }
0x516: {  	[hbm4b:s1+s19] =	stream.strided.scatter [tilespmem:s23], [sflag:$0x3], $0x1000, s20, s19, $0x38;
	[tilespmem:$0x1E700] =	vst v63  }
0x517: {  	_ =	swait.ge [sflag:s26], $0x1000  }
0x518: {  	[sflag:s26] =	ssyncset.done $0x0  }
0x519: {  	s30 =	simm.s32 $0x19770;
	[sflag:s26] =	ssyncadd.s32 $0xFFFFF000  }
0x51a: {  	v0 =	vld [tilespmem:s30+$0x0]  }
0x51b: {  	v1 =	vld [tilespmem:s30+$0xFFFFFFA0]  }
0x51c: {  	v2 =	vld [tilespmem:s30+$0xFFFFFFB0]  }
0x51d: {  	v3 =	vld [tilespmem:s30+$0xFFFFFFC0]  }
0x51e: {  	v4 =	vld [tilespmem:s30+$0xFFFFFFD0]  }
0x51f: {  	v6 =	vld [tilespmem:s30+$0xFFFFFFE0]  }
0x520: {  	v7 =	vld [tilespmem:s30+$0xFFFFFFF0]  }
0x521: {  	v8 =	vld [tilespmem:s30+$0xFFFFFF90]  }
0x522: {  	v9 =	vld.idx.msk [tilespmem:v0+s17+$0x0], $0xffff  }
0x523: {  	v10 =	vld.idx.msk [tilespmem:v1+s17+$0x0], $0xffff  }
0x524: {  	v5 =	vld.idx.msk [tilespmem:v2+s17+$0x0], $0xffff  }
0x525: {  	v3 =	vld.idx.msk [tilespmem:v3+s17+$0x0], $0xffff  }
0x526: {  	v0 =	vld.idx.msk [tilespmem:v4+s17+$0x0], $0xffff  }
0x527: {  	s1 =	simm.s32 $0x1D740;
	v1 =	vld.idx.msk [tilespmem:v6+s17+$0x0], $0xffff  }
0x528: {  	v2 =	vld.idx.msk [tilespmem:v7+s17+$0x0], $0xffff;
	[tilespmem:s1+$0x30] =	vst v9  }
0x529: {  	s2 =	simm.s32 $0x0;
	s3 =	simm.s32 $0x197F0;
	v4 =	vld.idx.msk [tilespmem:v8+s17+$0x0], $0xffff;
	[tilespmem:s1+$0xFFFFFFD0] =	vst v10  }
.LBB2_52:
0x52a: {  	v6 =	vld [tilespmem:s3+$0x0];
	s2 =	sadd.s32 $0x80, s2;
	[tilespmem:s1+$0xFFFFFFE0] =	vst v5  }
0x52b: {  	v5 =	vld [tilespmem:s3+$0xFFFFFFA0];
	p5 =	slt.u32 s2, $0xF80;
	[tilespmem:s1+$0xFFFFFFF0] =	vst v3  }
0x52c: {  	v3 =	vld [tilespmem:s3+$0xFFFFFFB0];
	[tilespmem:s1+$0x0] =	vst v0  }
0x52d: {  	v0 =	vld [tilespmem:s3+$0xFFFFFFC0];
	[tilespmem:s1+$0x10] =	vst v1  }
0x52e: {  	v1 =	vld [tilespmem:s3+$0xFFFFFFD0];
	[tilespmem:s1+$0x20] =	vst v2  }
0x52f: {  	v2 =	vld [tilespmem:s3+$0xFFFFFFE0];
	[tilespmem:s1+$0xFFFFFFC0] =	vst v4  }
0x530: {  	v4 =	vld [tilespmem:s3+$0xFFFFFFF0]  }
0x531: {  	v7 =	vld [tilespmem:s3+$0xFFFFFF90]  }
0x532: {  	v6 =	vld.idx.msk [tilespmem:v6+s17+$0x0], $0xffff  }
0x533: {  	v8 =	vld.idx.msk [tilespmem:v5+s17+$0x0], $0xffff  }
0x534: {  	v5 =	vld.idx.msk [tilespmem:v3+s17+$0x0], $0xffff  }
.Ltmp25:
0x535: {  	v3 =	vld.idx.msk [tilespmem:v0+s17+$0x0], $0xffff;
	(pc) =	sbr.rel @p5 .LBB2_52-.Ltmp25, $4  }
0x536: {  	v0 =	vld.idx.msk [tilespmem:v1+s17+$0x0], $0xffff  }
0x537: {  	s1 =	sadd.s32 $0x80, s1;
	v1 =	vld.idx.msk [tilespmem:v2+s17+$0x0], $0xffff  }
0x538: {  	v2 =	vld.idx.msk [tilespmem:v4+s17+$0x0], $0xffff;
	[tilespmem:s1+$0x30] =	vst v6  }
0x539: {  	s3 =	sadd.s32 $0x80, s3;
	v4 =	vld.idx.msk [tilespmem:v7+s17+$0x0], $0xffff;
	[tilespmem:s1+$0xFFFFFFD0] =	vst v8  }
0x53a: {  	[tilespmem:s1+$0xFFFFFFE0] =	vst v5  }
0x53b: {  	[tilespmem:s1+$0xFFFFFFF0] =	vst v3  }
0x53c: {  	[tilespmem:s1+$0x0] =	vst v0  }
0x53d: {  	[tilespmem:s1+$0x10] =	vst v1  }
0x53e: {  	[tilespmem:s1+$0x20] =	vst v2  }
0x53f: {  	[tilespmem:s1+$0xFFFFFFC0] =	vst v4  }
0x540: {  	s1 =	sld [smem:$0x7E7];
	_ =	sdelay $0x2  }
0x541: {  	[hbm4b:s1+s19] =	stream.strided.scatter [tilespmem:s24], [sflag:$0x4], $0x1000, s20, s19, $0x38;
	[tilespmem:$0x1E700] =	vst v63  }
0x542: {  	_ =	swait.ge [sflag:s25], $0x1000  }
0x543: {  	[sflag:s25] =	ssyncset.done $0x0  }
0x544: {  	s30 =	simm.s32 $0x1A770;
	[sflag:s25] =	ssyncadd.s32 $0xFFFFF000  }
0x545: {  	v0 =	vld [tilespmem:s30+$0x0]  }
0x546: {  	v1 =	vld [tilespmem:s30+$0xFFFFFFA0]  }
0x547: {  	v2 =	vld [tilespmem:s30+$0xFFFFFFB0]  }
0x548: {  	v3 =	vld [tilespmem:s30+$0xFFFFFFC0]  }
0x549: {  	v4 =	vld [tilespmem:s30+$0xFFFFFFD0]  }
0x54a: {  	v6 =	vld [tilespmem:s30+$0xFFFFFFE0]  }
0x54b: {  	v7 =	vld [tilespmem:s30+$0xFFFFFFF0]  }
0x54c: {  	v8 =	vld [tilespmem:s30+$0xFFFFFF90]  }
0x54d: {  	v9 =	vld.idx.msk [tilespmem:v0+s17+$0x0], $0xffff  }
0x54e: {  	v10 =	vld.idx.msk [tilespmem:v1+s17+$0x0], $0xffff  }
0x54f: {  	v5 =	vld.idx.msk [tilespmem:v2+s17+$0x0], $0xffff  }
0x550: {  	v3 =	vld.idx.msk [tilespmem:v3+s17+$0x0], $0xffff  }
0x551: {  	v0 =	vld.idx.msk [tilespmem:v4+s17+$0x0], $0xffff  }
0x552: {  	s1 =	simm.s32 $0x1C740;
	v1 =	vld.idx.msk [tilespmem:v6+s17+$0x0], $0xffff  }
0x553: {  	v2 =	vld.idx.msk [tilespmem:v7+s17+$0x0], $0xffff;
	[tilespmem:s1+$0x30] =	vst v9  }
0x554: {  	s2 =	simm.s32 $0x0;
	s3 =	simm.s32 $0x1A7F0;
	v4 =	vld.idx.msk [tilespmem:v8+s17+$0x0], $0xffff;
	[tilespmem:s1+$0xFFFFFFD0] =	vst v10  }
.LBB2_54:
0x555: {  	v6 =	vld [tilespmem:s3+$0x0];
	s2 =	sadd.s32 $0x80, s2;
	[tilespmem:s1+$0xFFFFFFE0] =	vst v5  }
0x556: {  	v5 =	vld [tilespmem:s3+$0xFFFFFFA0];
	p5 =	slt.u32 s2, $0xF80;
	[tilespmem:s1+$0xFFFFFFF0] =	vst v3  }
0x557: {  	v3 =	vld [tilespmem:s3+$0xFFFFFFB0];
	[tilespmem:s1+$0x0] =	vst v0  }
0x558: {  	v0 =	vld [tilespmem:s3+$0xFFFFFFC0];
	[tilespmem:s1+$0x10] =	vst v1  }
0x559: {  	v1 =	vld [tilespmem:s3+$0xFFFFFFD0];
	[tilespmem:s1+$0x20] =	vst v2  }
0x55a: {  	v2 =	vld [tilespmem:s3+$0xFFFFFFE0];
	[tilespmem:s1+$0xFFFFFFC0] =	vst v4  }
0x55b: {  	v4 =	vld [tilespmem:s3+$0xFFFFFFF0]  }
0x55c: {  	v7 =	vld [tilespmem:s3+$0xFFFFFF90]  }
0x55d: {  	v6 =	vld.idx.msk [tilespmem:v6+s17+$0x0], $0xffff  }
0x55e: {  	v8 =	vld.idx.msk [tilespmem:v5+s17+$0x0], $0xffff  }
0x55f: {  	v5 =	vld.idx.msk [tilespmem:v3+s17+$0x0], $0xffff  }
.Ltmp26:
0x560: {  	v3 =	vld.idx.msk [tilespmem:v0+s17+$0x0], $0xffff;
	(pc) =	sbr.rel @p5 .LBB2_54-.Ltmp26, $4  }
0x561: {  	v0 =	vld.idx.msk [tilespmem:v1+s17+$0x0], $0xffff  }
0x562: {  	s1 =	sadd.s32 $0x80, s1;
	v1 =	vld.idx.msk [tilespmem:v2+s17+$0x0], $0xffff  }
0x563: {  	v2 =	vld.idx.msk [tilespmem:v4+s17+$0x0], $0xffff;
	[tilespmem:s1+$0x30] =	vst v6  }
0x564: {  	s3 =	sadd.s32 $0x80, s3;
	v4 =	vld.idx.msk [tilespmem:v7+s17+$0x0], $0xffff;
	[tilespmem:s1+$0xFFFFFFD0] =	vst v8  }
0x565: {  	[tilespmem:s1+$0xFFFFFFE0] =	vst v5  }
0x566: {  	[tilespmem:s1+$0xFFFFFFF0] =	vst v3  }
0x567: {  	[tilespmem:s1+$0x0] =	vst v0  }
0x568: {  	[tilespmem:s1+$0x10] =	vst v1  }
0x569: {  	[tilespmem:s1+$0x20] =	vst v2  }
0x56a: {  	[tilespmem:s1+$0xFFFFFFC0] =	vst v4  }
0x56b: {  	s1 =	sld [smem:$0x7E8];
	_ =	sdelay $0x2  }
0x56c: {  	[hbm4b:s1+s19] =	stream.strided.scatter [tilespmem:s23], [sflag:$0x3], $0x1000, s20, s19, $0x38;
	[tilespmem:$0x1E700] =	vst v63  }
0x56d: {  	_ =	swait.ge [sflag:s26], $0x1000  }
0x56e: {  	[sflag:s26] =	ssyncset.done $0x0  }
0x56f: {  	s30 =	simm.s32 $0x1B770;
	[sflag:s26] =	ssyncadd.s32 $0xFFFFF000  }
0x570: {  	v0 =	vld [tilespmem:s30+$0x0]  }
0x571: {  	v1 =	vld [tilespmem:s30+$0xFFFFFFA0]  }
0x572: {  	v2 =	vld [tilespmem:s30+$0xFFFFFFB0]  }
0x573: {  	v3 =	vld [tilespmem:s30+$0xFFFFFFC0]  }
0x574: {  	v4 =	vld [tilespmem:s30+$0xFFFFFFD0]  }
0x575: {  	v6 =	vld [tilespmem:s30+$0xFFFFFFE0]  }
0x576: {  	v7 =	vld [tilespmem:s30+$0xFFFFFFF0]  }
0x577: {  	v8 =	vld [tilespmem:s30+$0xFFFFFF90]  }
0x578: {  	v9 =	vld.idx.msk [tilespmem:v0+s17+$0x0], $0xffff  }
0x579: {  	v10 =	vld.idx.msk [tilespmem:v1+s17+$0x0], $0xffff  }
0x57a: {  	v5 =	vld.idx.msk [tilespmem:v2+s17+$0x0], $0xffff  }
0x57b: {  	v3 =	vld.idx.msk [tilespmem:v3+s17+$0x0], $0xffff  }
0x57c: {  	v0 =	vld.idx.msk [tilespmem:v4+s17+$0x0], $0xffff  }
0x57d: {  	s1 =	simm.s32 $0x1D740;
	v1 =	vld.idx.msk [tilespmem:v6+s17+$0x0], $0xffff  }
0x57e: {  	v2 =	vld.idx.msk [tilespmem:v7+s17+$0x0], $0xffff;
	[tilespmem:s1+$0x30] =	vst v9  }
0x57f: {  	s2 =	simm.s32 $0x0;
	s3 =	simm.s32 $0x1B7F0;
	v4 =	vld.idx.msk [tilespmem:v8+s17+$0x0], $0xffff;
	[tilespmem:s1+$0xFFFFFFD0] =	vst v10  }
.LBB2_56:
0x580: {  	v6 =	vld [tilespmem:s3+$0x0];
	s2 =	sadd.s32 $0x80, s2;
	[tilespmem:s1+$0xFFFFFFE0] =	vst v5  }
0x581: {  	v5 =	vld [tilespmem:s3+$0xFFFFFFA0];
	p5 =	slt.u32 s2, $0xF80;
	[tilespmem:s1+$0xFFFFFFF0] =	vst v3  }
0x582: {  	v3 =	vld [tilespmem:s3+$0xFFFFFFB0];
	[tilespmem:s1+$0x0] =	vst v0  }
0x583: {  	v0 =	vld [tilespmem:s3+$0xFFFFFFC0];
	[tilespmem:s1+$0x10] =	vst v1  }
0x584: {  	v1 =	vld [tilespmem:s3+$0xFFFFFFD0];
	[tilespmem:s1+$0x20] =	vst v2  }
0x585: {  	v2 =	vld [tilespmem:s3+$0xFFFFFFE0];
	[tilespmem:s1+$0xFFFFFFC0] =	vst v4  }
0x586: {  	v4 =	vld [tilespmem:s3+$0xFFFFFFF0]  }
0x587: {  	v7 =	vld [tilespmem:s3+$0xFFFFFF90]  }
0x588: {  	v6 =	vld.idx.msk [tilespmem:v6+s17+$0x0], $0xffff  }
0x589: {  	v8 =	vld.idx.msk [tilespmem:v5+s17+$0x0], $0xffff  }
0x58a: {  	v5 =	vld.idx.msk [tilespmem:v3+s17+$0x0], $0xffff  }
.Ltmp27:
0x58b: {  	v3 =	vld.idx.msk [tilespmem:v0+s17+$0x0], $0xffff;
	(pc) =	sbr.rel @p5 .LBB2_56-.Ltmp27, $4  }
0x58c: {  	v0 =	vld.idx.msk [tilespmem:v1+s17+$0x0], $0xffff  }
0x58d: {  	s1 =	sadd.s32 $0x80, s1;
	v1 =	vld.idx.msk [tilespmem:v2+s17+$0x0], $0xffff  }
0x58e: {  	v2 =	vld.idx.msk [tilespmem:v4+s17+$0x0], $0xffff;
	[tilespmem:s1+$0x30] =	vst v6  }
0x58f: {  	s3 =	sadd.s32 $0x80, s3;
	v4 =	vld.idx.msk [tilespmem:v7+s17+$0x0], $0xffff;
	[tilespmem:s1+$0xFFFFFFD0] =	vst v8  }
0x590: {  	[tilespmem:s1+$0xFFFFFFE0] =	vst v5  }
0x591: {  	[tilespmem:s1+$0xFFFFFFF0] =	vst v3  }
0x592: {  	[tilespmem:s1+$0x0] =	vst v0  }
0x593: {  	[tilespmem:s1+$0x10] =	vst v1  }
0x594: {  	[tilespmem:s1+$0x20] =	vst v2  }
0x595: {  	[tilespmem:s1+$0xFFFFFFC0] =	vst v4  }
0x596: {  	s1 =	sld [smem:$0x7E9];
	_ =	sdelay $0x2  }
0x597: {  	[hbm4b:s1+s19] =	stream.strided.scatter [tilespmem:s24], [sflag:$0x4], $0x1000, s20, s19, $0x38;
	[tilespmem:$0x1E700] =	vst v63  }
0x598: {  	s2 =	simm.s32 @!p6 $0x400;
	s3 =	rddreg [dreg:$0x15]  }
0x599: {  	[tilespmem:s17], [sflag:$0x1] =	stream.strided.gather [hbm4b:s3+s19], $0x18700, s20, s19, $0x38;
	[tilespmem:$0x1E700] =	vst v63  }
0x59a: {  	s30 =	rddreg [dreg:$0x9];
	s1 =	simm.s32 @!p6 $0x80;
	s3 =	simm.s32 @!p6 $0x18700  }
0x59b: {  	[tilespmem:s3], [sflag:$0x2] =	stream.strided.gather @!p6 [hbm4b:s30+s1], $0x4000, s2, s1, $0x38;
	[tilespmem:$0x1E700] =	vst v63  }
0x59c: {  	s1 =	simm.s32 @!p6 $0x2  }
0x59d: {  	_ =	swait.ge @!p6 [sflag:s1], $0x4000  }
0x59e: {  	[sflag:s1] =	ssyncset.done @!p6 $0x0  }
0x59f: {  	[sflag:s1] =	ssyncadd.s32 @!p6 $0xFFFFC000  }
0x5a0: {  	_ =	swait.ge [sflag:s22], $0x18700  }
0x5a1: {  	[sflag:s22] =	ssyncset.done $0x0  }
0x5a2: {  	[sflag:s22] =	ssyncadd.s32 $0xFFFE7900  }
0x5a3: {  	_ =	swait.ge [sflag:s25], $0x1000  }
0x5a4: {  	[sflag:s25] =	ssyncset.done $0x0  }
0x5a5: {  	s30 =	simm.s32 $0x18740;
	[sflag:s25] =	ssyncadd.s32 $0xFFFFF000  }
0x5a6: {  	v0 =	vld [tilespmem:s30+$0x30]  }
0x5a7: {  	v1 =	vld [tilespmem:s30+$0xFFFFFFD0]  }
0x5a8: {  	v2 =	vld [tilespmem:s30+$0xFFFFFFE0]  }
0x5a9: {  	v3 =	vld [tilespmem:s30+$0xFFFFFFF0]  }
0x5aa: {  	v4 =	vld [tilespmem:s30+$0x0]  }
0x5ab: {  	v6 =	vld [tilespmem:s30+$0x10]  }
0x5ac: {  	v7 =	vld [tilespmem:s30+$0x20]  }
0x5ad: {  	v8 =	vld [tilespmem:s30+$0xFFFFFFC0]  }
0x5ae: {  	v9 =	vld.idx.msk [tilespmem:v0+s17+$0x0], $0xffff  }
0x5af: {  	v10 =	vld.idx.msk [tilespmem:v1+s17+$0x0], $0xffff  }
0x5b0: {  	v5 =	vld.idx.msk [tilespmem:v2+s17+$0x0], $0xffff  }
0x5b1: {  	v3 =	vld.idx.msk [tilespmem:v3+s17+$0x0], $0xffff  }
0x5b2: {  	v0 =	vld.idx.msk [tilespmem:v4+s17+$0x0], $0xffff  }
0x5b3: {  	s1 =	simm.s32 $0x1C740;
	v1 =	vld.idx.msk [tilespmem:v6+s17+$0x0], $0xffff  }
0x5b4: {  	v2 =	vld.idx.msk [tilespmem:v7+s17+$0x0], $0xffff;
	[tilespmem:s1+$0x30] =	vst v9  }
0x5b5: {  	s2 =	simm.s32 $0x0;
	s3 =	simm.s32 $0x187C0;
	v4 =	vld.idx.msk [tilespmem:v8+s17+$0x0], $0xffff;
	[tilespmem:s1+$0xFFFFFFD0] =	vst v10  }
.LBB2_58:
0x5b6: {  	v6 =	vld [tilespmem:s3+$0x30];
	s2 =	sadd.s32 $0x80, s2;
	[tilespmem:s1+$0xFFFFFFE0] =	vst v5  }
0x5b7: {  	v5 =	vld [tilespmem:s3+$0xFFFFFFD0];
	p5 =	slt.u32 s2, $0xF80;
	[tilespmem:s1+$0xFFFFFFF0] =	vst v3  }
0x5b8: {  	v3 =	vld [tilespmem:s3+$0xFFFFFFE0];
	[tilespmem:s1+$0x0] =	vst v0  }
0x5b9: {  	v0 =	vld [tilespmem:s3+$0xFFFFFFF0];
	[tilespmem:s1+$0x10] =	vst v1  }
0x5ba: {  	v1 =	vld [tilespmem:s3+$0x0];
	[tilespmem:s1+$0x20] =	vst v2  }
0x5bb: {  	v2 =	vld [tilespmem:s3+$0x10];
	[tilespmem:s1+$0xFFFFFFC0] =	vst v4  }
0x5bc: {  	v4 =	vld [tilespmem:s3+$0x20]  }
0x5bd: {  	v7 =	vld [tilespmem:s3+$0xFFFFFFC0]  }
0x5be: {  	v6 =	vld.idx.msk [tilespmem:v6+s17+$0x0], $0xffff  }
0x5bf: {  	v8 =	vld.idx.msk [tilespmem:v5+s17+$0x0], $0xffff  }
0x5c0: {  	v5 =	vld.idx.msk [tilespmem:v3+s17+$0x0], $0xffff  }
.Ltmp28:
0x5c1: {  	v3 =	vld.idx.msk [tilespmem:v0+s17+$0x0], $0xffff;
	(pc) =	sbr.rel @p5 .LBB2_58-.Ltmp28, $4  }
0x5c2: {  	v0 =	vld.idx.msk [tilespmem:v1+s17+$0x0], $0xffff  }
0x5c3: {  	s1 =	sadd.s32 $0x80, s1;
	v1 =	vld.idx.msk [tilespmem:v2+s17+$0x0], $0xffff  }
0x5c4: {  	v2 =	vld.idx.msk [tilespmem:v4+s17+$0x0], $0xffff;
	[tilespmem:s1+$0x30] =	vst v6  }
0x5c5: {  	s3 =	sadd.s32 $0x80, s3;
	v4 =	vld.idx.msk [tilespmem:v7+s17+$0x0], $0xffff;
	[tilespmem:s1+$0xFFFFFFD0] =	vst v8  }
0x5c6: {  	[tilespmem:s1+$0xFFFFFFE0] =	vst v5  }
0x5c7: {  	[tilespmem:s1+$0xFFFFFFF0] =	vst v3  }
0x5c8: {  	[tilespmem:s1+$0x0] =	vst v0  }
0x5c9: {  	[tilespmem:s1+$0x10] =	vst v1  }
0x5ca: {  	[tilespmem:s1+$0x20] =	vst v2  }
0x5cb: {  	[tilespmem:s1+$0xFFFFFFC0] =	vst v4  }
0x5cc: {  	s1 =	sld [smem:$0x7EB];
	_ =	sdelay $0x2  }
0x5cd: {  	[hbm4b:s1+s19] =	stream.strided.scatter [tilespmem:s23], [sflag:$0x3], $0x1000, s20, s19, $0x38;
	[tilespmem:$0x1E700] =	vst v63  }
0x5ce: {  	_ =	swait.ge [sflag:s26], $0x1000  }
0x5cf: {  	[sflag:s26] =	ssyncset.done $0x0  }
0x5d0: {  	s30 =	simm.s32 $0x19770;
	[sflag:s26] =	ssyncadd.s32 $0xFFFFF000  }
0x5d1: {  	v0 =	vld [tilespmem:s30+$0x0]  }
0x5d2: {  	v1 =	vld [tilespmem:s30+$0xFFFFFFA0]  }
0x5d3: {  	v2 =	vld [tilespmem:s30+$0xFFFFFFB0]  }
0x5d4: {  	v3 =	vld [tilespmem:s30+$0xFFFFFFC0]  }
0x5d5: {  	v4 =	vld [tilespmem:s30+$0xFFFFFFD0]  }
0x5d6: {  	v6 =	vld [tilespmem:s30+$0xFFFFFFE0]  }
0x5d7: {  	v7 =	vld [tilespmem:s30+$0xFFFFFFF0]  }
0x5d8: {  	v8 =	vld [tilespmem:s30+$0xFFFFFF90]  }
0x5d9: {  	v9 =	vld.idx.msk [tilespmem:v0+s17+$0x0], $0xffff  }
0x5da: {  	v10 =	vld.idx.msk [tilespmem:v1+s17+$0x0], $0xffff  }
0x5db: {  	v5 =	vld.idx.msk [tilespmem:v2+s17+$0x0], $0xffff  }
0x5dc: {  	v3 =	vld.idx.msk [tilespmem:v3+s17+$0x0], $0xffff  }
0x5dd: {  	v0 =	vld.idx.msk [tilespmem:v4+s17+$0x0], $0xffff  }
0x5de: {  	s1 =	simm.s32 $0x1D740;
	v1 =	vld.idx.msk [tilespmem:v6+s17+$0x0], $0xffff  }
0x5df: {  	v2 =	vld.idx.msk [tilespmem:v7+s17+$0x0], $0xffff;
	[tilespmem:s1+$0x30] =	vst v9  }
0x5e0: {  	s2 =	simm.s32 $0x0;
	s3 =	simm.s32 $0x197F0;
	v4 =	vld.idx.msk [tilespmem:v8+s17+$0x0], $0xffff;
	[tilespmem:s1+$0xFFFFFFD0] =	vst v10  }
.LBB2_60:
0x5e1: {  	v6 =	vld [tilespmem:s3+$0x0];
	s2 =	sadd.s32 $0x80, s2;
	[tilespmem:s1+$0xFFFFFFE0] =	vst v5  }
0x5e2: {  	v5 =	vld [tilespmem:s3+$0xFFFFFFA0];
	p5 =	slt.u32 s2, $0xF80;
	[tilespmem:s1+$0xFFFFFFF0] =	vst v3  }
0x5e3: {  	v3 =	vld [tilespmem:s3+$0xFFFFFFB0];
	[tilespmem:s1+$0x0] =	vst v0  }
0x5e4: {  	v0 =	vld [tilespmem:s3+$0xFFFFFFC0];
	[tilespmem:s1+$0x10] =	vst v1  }
0x5e5: {  	v1 =	vld [tilespmem:s3+$0xFFFFFFD0];
	[tilespmem:s1+$0x20] =	vst v2  }
0x5e6: {  	v2 =	vld [tilespmem:s3+$0xFFFFFFE0];
	[tilespmem:s1+$0xFFFFFFC0] =	vst v4  }
0x5e7: {  	v4 =	vld [tilespmem:s3+$0xFFFFFFF0]  }
0x5e8: {  	v7 =	vld [tilespmem:s3+$0xFFFFFF90]  }
0x5e9: {  	v6 =	vld.idx.msk [tilespmem:v6+s17+$0x0], $0xffff  }
0x5ea: {  	v8 =	vld.idx.msk [tilespmem:v5+s17+$0x0], $0xffff  }
0x5eb: {  	v5 =	vld.idx.msk [tilespmem:v3+s17+$0x0], $0xffff  }
.Ltmp29:
0x5ec: {  	v3 =	vld.idx.msk [tilespmem:v0+s17+$0x0], $0xffff;
	(pc) =	sbr.rel @p5 .LBB2_60-.Ltmp29, $4  }
0x5ed: {  	v0 =	vld.idx.msk [tilespmem:v1+s17+$0x0], $0xffff  }
0x5ee: {  	s1 =	sadd.s32 $0x80, s1;
	v1 =	vld.idx.msk [tilespmem:v2+s17+$0x0], $0xffff  }
0x5ef: {  	v2 =	vld.idx.msk [tilespmem:v4+s17+$0x0], $0xffff;
	[tilespmem:s1+$0x30] =	vst v6  }
0x5f0: {  	s3 =	sadd.s32 $0x80, s3;
	v4 =	vld.idx.msk [tilespmem:v7+s17+$0x0], $0xffff;
	[tilespmem:s1+$0xFFFFFFD0] =	vst v8  }
0x5f1: {  	[tilespmem:s1+$0xFFFFFFE0] =	vst v5  }
0x5f2: {  	[tilespmem:s1+$0xFFFFFFF0] =	vst v3  }
0x5f3: {  	[tilespmem:s1+$0x0] =	vst v0  }
0x5f4: {  	[tilespmem:s1+$0x10] =	vst v1  }
0x5f5: {  	[tilespmem:s1+$0x20] =	vst v2  }
0x5f6: {  	[tilespmem:s1+$0xFFFFFFC0] =	vst v4  }
0x5f7: {  	s1 =	sld [smem:$0x7EC];
	_ =	sdelay $0x2  }
0x5f8: {  	[hbm4b:s1+s19] =	stream.strided.scatter [tilespmem:s24], [sflag:$0x4], $0x1000, s20, s19, $0x38;
	[tilespmem:$0x1E700] =	vst v63  }
0x5f9: {  	_ =	swait.ge [sflag:s25], $0x1000  }
0x5fa: {  	[sflag:s25] =	ssyncset.done $0x0  }
0x5fb: {  	s30 =	simm.s32 $0x1A770;
	[sflag:s25] =	ssyncadd.s32 $0xFFFFF000  }
0x5fc: {  	v0 =	vld [tilespmem:s30+$0x0]  }
0x5fd: {  	v1 =	vld [tilespmem:s30+$0xFFFFFFA0]  }
0x5fe: {  	v2 =	vld [tilespmem:s30+$0xFFFFFFB0]  }
0x5ff: {  	v3 =	vld [tilespmem:s30+$0xFFFFFFC0]  }
0x600: {  	v4 =	vld [tilespmem:s30+$0xFFFFFFD0]  }
0x601: {  	v6 =	vld [tilespmem:s30+$0xFFFFFFE0]  }
0x602: {  	v7 =	vld [tilespmem:s30+$0xFFFFFFF0]  }
0x603: {  	v8 =	vld [tilespmem:s30+$0xFFFFFF90]  }
0x604: {  	v9 =	vld.idx.msk [tilespmem:v0+s17+$0x0], $0xffff  }
0x605: {  	v10 =	vld.idx.msk [tilespmem:v1+s17+$0x0], $0xffff  }
0x606: {  	v5 =	vld.idx.msk [tilespmem:v2+s17+$0x0], $0xffff  }
0x607: {  	v3 =	vld.idx.msk [tilespmem:v3+s17+$0x0], $0xffff  }
0x608: {  	v0 =	vld.idx.msk [tilespmem:v4+s17+$0x0], $0xffff  }
0x609: {  	s1 =	simm.s32 $0x1C740;
	v1 =	vld.idx.msk [tilespmem:v6+s17+$0x0], $0xffff  }
0x60a: {  	v2 =	vld.idx.msk [tilespmem:v7+s17+$0x0], $0xffff;
	[tilespmem:s1+$0x30] =	vst v9  }
0x60b: {  	s2 =	simm.s32 $0x0;
	s3 =	simm.s32 $0x1A7F0;
	v4 =	vld.idx.msk [tilespmem:v8+s17+$0x0], $0xffff;
	[tilespmem:s1+$0xFFFFFFD0] =	vst v10  }
.LBB2_62:
0x60c: {  	v6 =	vld [tilespmem:s3+$0x0];
	s2 =	sadd.s32 $0x80, s2;
	[tilespmem:s1+$0xFFFFFFE0] =	vst v5  }
0x60d: {  	v5 =	vld [tilespmem:s3+$0xFFFFFFA0];
	p5 =	slt.u32 s2, $0xF80;
	[tilespmem:s1+$0xFFFFFFF0] =	vst v3  }
0x60e: {  	v3 =	vld [tilespmem:s3+$0xFFFFFFB0];
	[tilespmem:s1+$0x0] =	vst v0  }
0x60f: {  	v0 =	vld [tilespmem:s3+$0xFFFFFFC0];
	[tilespmem:s1+$0x10] =	vst v1  }
0x610: {  	v1 =	vld [tilespmem:s3+$0xFFFFFFD0];
	[tilespmem:s1+$0x20] =	vst v2  }
0x611: {  	v2 =	vld [tilespmem:s3+$0xFFFFFFE0];
	[tilespmem:s1+$0xFFFFFFC0] =	vst v4  }
0x612: {  	v4 =	vld [tilespmem:s3+$0xFFFFFFF0]  }
0x613: {  	v7 =	vld [tilespmem:s3+$0xFFFFFF90]  }
0x614: {  	v6 =	vld.idx.msk [tilespmem:v6+s17+$0x0], $0xffff  }
0x615: {  	v8 =	vld.idx.msk [tilespmem:v5+s17+$0x0], $0xffff  }
0x616: {  	v5 =	vld.idx.msk [tilespmem:v3+s17+$0x0], $0xffff  }
.Ltmp30:
0x617: {  	v3 =	vld.idx.msk [tilespmem:v0+s17+$0x0], $0xffff;
	(pc) =	sbr.rel @p5 .LBB2_62-.Ltmp30, $4  }
0x618: {  	v0 =	vld.idx.msk [tilespmem:v1+s17+$0x0], $0xffff  }
0x619: {  	s1 =	sadd.s32 $0x80, s1;
	v1 =	vld.idx.msk [tilespmem:v2+s17+$0x0], $0xffff  }
0x61a: {  	v2 =	vld.idx.msk [tilespmem:v4+s17+$0x0], $0xffff;
	[tilespmem:s1+$0x30] =	vst v6  }
0x61b: {  	s3 =	sadd.s32 $0x80, s3;
	v4 =	vld.idx.msk [tilespmem:v7+s17+$0x0], $0xffff;
	[tilespmem:s1+$0xFFFFFFD0] =	vst v8  }
0x61c: {  	[tilespmem:s1+$0xFFFFFFE0] =	vst v5  }
0x61d: {  	[tilespmem:s1+$0xFFFFFFF0] =	vst v3  }
0x61e: {  	[tilespmem:s1+$0x0] =	vst v0  }
0x61f: {  	[tilespmem:s1+$0x10] =	vst v1  }
0x620: {  	[tilespmem:s1+$0x20] =	vst v2  }
0x621: {  	[tilespmem:s1+$0xFFFFFFC0] =	vst v4  }
0x622: {  	s1 =	sld [smem:$0x7ED];
	_ =	sdelay $0x2  }
0x623: {  	[hbm4b:s1+s19] =	stream.strided.scatter [tilespmem:s23], [sflag:$0x3], $0x1000, s20, s19, $0x38;
	[tilespmem:$0x1E700] =	vst v63  }
0x624: {  	_ =	swait.ge [sflag:s26], $0x1000  }
0x625: {  	[sflag:s26] =	ssyncset.done $0x0  }
0x626: {  	s30 =	simm.s32 $0x1B770;
	[sflag:s26] =	ssyncadd.s32 $0xFFFFF000  }
0x627: {  	v0 =	vld [tilespmem:s30+$0x0]  }
0x628: {  	v1 =	vld [tilespmem:s30+$0xFFFFFFA0]  }
0x629: {  	v2 =	vld [tilespmem:s30+$0xFFFFFFB0]  }
0x62a: {  	v3 =	vld [tilespmem:s30+$0xFFFFFFC0]  }
0x62b: {  	v4 =	vld [tilespmem:s30+$0xFFFFFFD0]  }
0x62c: {  	v6 =	vld [tilespmem:s30+$0xFFFFFFE0]  }
0x62d: {  	v7 =	vld [tilespmem:s30+$0xFFFFFFF0]  }
0x62e: {  	v8 =	vld [tilespmem:s30+$0xFFFFFF90]  }
0x62f: {  	v9 =	vld.idx.msk [tilespmem:v0+s17+$0x0], $0xffff  }
0x630: {  	v10 =	vld.idx.msk [tilespmem:v1+s17+$0x0], $0xffff  }
0x631: {  	v5 =	vld.idx.msk [tilespmem:v2+s17+$0x0], $0xffff  }
0x632: {  	v3 =	vld.idx.msk [tilespmem:v3+s17+$0x0], $0xffff  }
0x633: {  	v0 =	vld.idx.msk [tilespmem:v4+s17+$0x0], $0xffff  }
0x634: {  	s1 =	simm.s32 $0x1D740;
	v1 =	vld.idx.msk [tilespmem:v6+s17+$0x0], $0xffff  }
0x635: {  	v2 =	vld.idx.msk [tilespmem:v7+s17+$0x0], $0xffff;
	[tilespmem:s1+$0x30] =	vst v9  }
0x636: {  	s2 =	simm.s32 $0x0;
	s3 =	simm.s32 $0x1B7F0;
	v4 =	vld.idx.msk [tilespmem:v8+s17+$0x0], $0xffff;
	[tilespmem:s1+$0xFFFFFFD0] =	vst v10  }
.LBB2_64:
0x637: {  	v6 =	vld [tilespmem:s3+$0x0];
	s2 =	sadd.s32 $0x80, s2;
	[tilespmem:s1+$0xFFFFFFE0] =	vst v5  }
0x638: {  	v5 =	vld [tilespmem:s3+$0xFFFFFFA0];
	p5 =	slt.u32 s2, $0xF80;
	[tilespmem:s1+$0xFFFFFFF0] =	vst v3  }
0x639: {  	v3 =	vld [tilespmem:s3+$0xFFFFFFB0];
	[tilespmem:s1+$0x0] =	vst v0  }
0x63a: {  	v0 =	vld [tilespmem:s3+$0xFFFFFFC0];
	[tilespmem:s1+$0x10] =	vst v1  }
0x63b: {  	v1 =	vld [tilespmem:s3+$0xFFFFFFD0];
	[tilespmem:s1+$0x20] =	vst v2  }
0x63c: {  	v2 =	vld [tilespmem:s3+$0xFFFFFFE0];
	[tilespmem:s1+$0xFFFFFFC0] =	vst v4  }
0x63d: {  	v4 =	vld [tilespmem:s3+$0xFFFFFFF0]  }
0x63e: {  	v7 =	vld [tilespmem:s3+$0xFFFFFF90]  }
0x63f: {  	v6 =	vld.idx.msk [tilespmem:v6+s17+$0x0], $0xffff  }
0x640: {  	v8 =	vld.idx.msk [tilespmem:v5+s17+$0x0], $0xffff  }
0x641: {  	v5 =	vld.idx.msk [tilespmem:v3+s17+$0x0], $0xffff  }
.Ltmp31:
0x642: {  	v3 =	vld.idx.msk [tilespmem:v0+s17+$0x0], $0xffff;
	(pc) =	sbr.rel @p5 .LBB2_64-.Ltmp31, $4  }
0x643: {  	v0 =	vld.idx.msk [tilespmem:v1+s17+$0x0], $0xffff  }
0x644: {  	s1 =	sadd.s32 $0x80, s1;
	v1 =	vld.idx.msk [tilespmem:v2+s17+$0x0], $0xffff  }
0x645: {  	v2 =	vld.idx.msk [tilespmem:v4+s17+$0x0], $0xffff;
	[tilespmem:s1+$0x30] =	vst v6  }
0x646: {  	s3 =	sadd.s32 $0x80, s3;
	v4 =	vld.idx.msk [tilespmem:v7+s17+$0x0], $0xffff;
	[tilespmem:s1+$0xFFFFFFD0] =	vst v8  }
0x647: {  	[tilespmem:s1+$0xFFFFFFE0] =	vst v5  }
0x648: {  	[tilespmem:s1+$0xFFFFFFF0] =	vst v3  }
0x649: {  	[tilespmem:s1+$0x0] =	vst v0  }
0x64a: {  	[tilespmem:s1+$0x10] =	vst v1  }
0x64b: {  	[tilespmem:s1+$0x20] =	vst v2  }
0x64c: {  	[tilespmem:s1+$0xFFFFFFC0] =	vst v4  }
0x64d: {  	s1 =	sld [smem:$0x7EE];
	_ =	sdelay $0x2  }
0x64e: {  	[hbm4b:s1+s19] =	stream.strided.scatter [tilespmem:s24], [sflag:$0x4], $0x1000, s20, s19, $0x38;
	[tilespmem:$0x1E700] =	vst v63  }
0x64f: {  	s2 =	simm.s32 @!p0 $0x400;
	s3 =	rddreg [dreg:$0x16]  }
0x650: {  	[tilespmem:s17], [sflag:$0x1] =	stream.strided.gather [hbm4b:s3+s19], $0x18700, s20, s19, $0x38;
	[tilespmem:$0x1E700] =	vst v63  }
0x651: {  	s30 =	rddreg [dreg:$0xa];
	s1 =	simm.s32 @!p0 $0x80;
	s3 =	simm.s32 @!p0 $0x18700  }
0x652: {  	[tilespmem:s3], [sflag:$0x2] =	stream.strided.gather @!p0 [hbm4b:s30+s1], $0x4000, s2, s1, $0x38;
	[tilespmem:$0x1E700] =	vst v63  }
0x653: {  	s1 =	simm.s32 @!p0 $0x2  }
0x654: {  	_ =	swait.ge @!p0 [sflag:s1], $0x4000  }
0x655: {  	[sflag:s1] =	ssyncset.done @!p0 $0x0  }
0x656: {  	[sflag:s1] =	ssyncadd.s32 @!p0 $0xFFFFC000  }
0x657: {  	_ =	swait.ge [sflag:s22], $0x18700  }
0x658: {  	[sflag:s22] =	ssyncset.done $0x0  }
0x659: {  	[sflag:s22] =	ssyncadd.s32 $0xFFFE7900  }
0x65a: {  	_ =	swait.ge [sflag:s25], $0x1000  }
0x65b: {  	[sflag:s25] =	ssyncset.done $0x0  }
0x65c: {  	s30 =	simm.s32 $0x18740;
	[sflag:s25] =	ssyncadd.s32 $0xFFFFF000  }
0x65d: {  	v0 =	vld [tilespmem:s30+$0x30]  }
0x65e: {  	v1 =	vld [tilespmem:s30+$0xFFFFFFD0]  }
0x65f: {  	v2 =	vld [tilespmem:s30+$0xFFFFFFE0]  }
0x660: {  	v3 =	vld [tilespmem:s30+$0xFFFFFFF0]  }
0x661: {  	v4 =	vld [tilespmem:s30+$0x0]  }
0x662: {  	v6 =	vld [tilespmem:s30+$0x10]  }
0x663: {  	v7 =	vld [tilespmem:s30+$0x20]  }
0x664: {  	v8 =	vld [tilespmem:s30+$0xFFFFFFC0]  }
0x665: {  	v9 =	vld.idx.msk [tilespmem:v0+s17+$0x0], $0xffff  }
0x666: {  	v10 =	vld.idx.msk [tilespmem:v1+s17+$0x0], $0xffff  }
0x667: {  	v5 =	vld.idx.msk [tilespmem:v2+s17+$0x0], $0xffff  }
0x668: {  	v3 =	vld.idx.msk [tilespmem:v3+s17+$0x0], $0xffff  }
0x669: {  	v0 =	vld.idx.msk [tilespmem:v4+s17+$0x0], $0xffff  }
0x66a: {  	s1 =	simm.s32 $0x1C740;
	v1 =	vld.idx.msk [tilespmem:v6+s17+$0x0], $0xffff  }
0x66b: {  	v2 =	vld.idx.msk [tilespmem:v7+s17+$0x0], $0xffff;
	[tilespmem:s1+$0x30] =	vst v9  }
0x66c: {  	s2 =	simm.s32 $0x0;
	s3 =	simm.s32 $0x187C0;
	v4 =	vld.idx.msk [tilespmem:v8+s17+$0x0], $0xffff;
	[tilespmem:s1+$0xFFFFFFD0] =	vst v10  }
.LBB2_66:
0x66d: {  	v6 =	vld [tilespmem:s3+$0x30];
	s2 =	sadd.s32 $0x80, s2;
	[tilespmem:s1+$0xFFFFFFE0] =	vst v5  }
0x66e: {  	v5 =	vld [tilespmem:s3+$0xFFFFFFD0];
	p5 =	slt.u32 s2, $0xF80;
	[tilespmem:s1+$0xFFFFFFF0] =	vst v3  }
0x66f: {  	v3 =	vld [tilespmem:s3+$0xFFFFFFE0];
	[tilespmem:s1+$0x0] =	vst v0  }
0x670: {  	v0 =	vld [tilespmem:s3+$0xFFFFFFF0];
	[tilespmem:s1+$0x10] =	vst v1  }
0x671: {  	v1 =	vld [tilespmem:s3+$0x0];
	[tilespmem:s1+$0x20] =	vst v2  }
0x672: {  	v2 =	vld [tilespmem:s3+$0x10];
	[tilespmem:s1+$0xFFFFFFC0] =	vst v4  }
0x673: {  	v4 =	vld [tilespmem:s3+$0x20]  }
0x674: {  	v7 =	vld [tilespmem:s3+$0xFFFFFFC0]  }
0x675: {  	v6 =	vld.idx.msk [tilespmem:v6+s17+$0x0], $0xffff  }
0x676: {  	v8 =	vld.idx.msk [tilespmem:v5+s17+$0x0], $0xffff  }
0x677: {  	v5 =	vld.idx.msk [tilespmem:v3+s17+$0x0], $0xffff  }
.Ltmp32:
0x678: {  	v3 =	vld.idx.msk [tilespmem:v0+s17+$0x0], $0xffff;
	(pc) =	sbr.rel @p5 .LBB2_66-.Ltmp32, $4  }
0x679: {  	v0 =	vld.idx.msk [tilespmem:v1+s17+$0x0], $0xffff  }
0x67a: {  	s1 =	sadd.s32 $0x80, s1;
	v1 =	vld.idx.msk [tilespmem:v2+s17+$0x0], $0xffff  }
0x67b: {  	v2 =	vld.idx.msk [tilespmem:v4+s17+$0x0], $0xffff;
	[tilespmem:s1+$0x30] =	vst v6  }
0x67c: {  	s3 =	sadd.s32 $0x80, s3;
	v4 =	vld.idx.msk [tilespmem:v7+s17+$0x0], $0xffff;
	[tilespmem:s1+$0xFFFFFFD0] =	vst v8  }
0x67d: {  	[tilespmem:s1+$0xFFFFFFE0] =	vst v5  }
0x67e: {  	[tilespmem:s1+$0xFFFFFFF0] =	vst v3  }
0x67f: {  	[tilespmem:s1+$0x0] =	vst v0  }
0x680: {  	[tilespmem:s1+$0x10] =	vst v1  }
0x681: {  	[tilespmem:s1+$0x20] =	vst v2  }
0x682: {  	[tilespmem:s1+$0xFFFFFFC0] =	vst v4  }
0x683: {  	s1 =	sld [smem:$0x7EF];
	_ =	sdelay $0x2  }
0x684: {  	[hbm4b:s1+s19] =	stream.strided.scatter [tilespmem:s23], [sflag:$0x3], $0x1000, s20, s19, $0x38;
	[tilespmem:$0x1E700] =	vst v63  }
0x685: {  	_ =	swait.ge [sflag:s26], $0x1000  }
0x686: {  	[sflag:s26] =	ssyncset.done $0x0  }
0x687: {  	s30 =	simm.s32 $0x19770;
	[sflag:s26] =	ssyncadd.s32 $0xFFFFF000  }
0x688: {  	v0 =	vld [tilespmem:s30+$0x0]  }
0x689: {  	v1 =	vld [tilespmem:s30+$0xFFFFFFA0]  }
0x68a: {  	v2 =	vld [tilespmem:s30+$0xFFFFFFB0]  }
0x68b: {  	v3 =	vld [tilespmem:s30+$0xFFFFFFC0]  }
0x68c: {  	v4 =	vld [tilespmem:s30+$0xFFFFFFD0]  }
0x68d: {  	v6 =	vld [tilespmem:s30+$0xFFFFFFE0]  }
0x68e: {  	v7 =	vld [tilespmem:s30+$0xFFFFFFF0]  }
0x68f: {  	v8 =	vld [tilespmem:s30+$0xFFFFFF90]  }
0x690: {  	v9 =	vld.idx.msk [tilespmem:v0+s17+$0x0], $0xffff  }
0x691: {  	v10 =	vld.idx.msk [tilespmem:v1+s17+$0x0], $0xffff  }
0x692: {  	v5 =	vld.idx.msk [tilespmem:v2+s17+$0x0], $0xffff  }
0x693: {  	v3 =	vld.idx.msk [tilespmem:v3+s17+$0x0], $0xffff  }
0x694: {  	v0 =	vld.idx.msk [tilespmem:v4+s17+$0x0], $0xffff  }
0x695: {  	s1 =	simm.s32 $0x1D740;
	v1 =	vld.idx.msk [tilespmem:v6+s17+$0x0], $0xffff  }
0x696: {  	v2 =	vld.idx.msk [tilespmem:v7+s17+$0x0], $0xffff;
	[tilespmem:s1+$0x30] =	vst v9  }
0x697: {  	s2 =	simm.s32 $0x0;
	s3 =	simm.s32 $0x197F0;
	v4 =	vld.idx.msk [tilespmem:v8+s17+$0x0], $0xffff;
	[tilespmem:s1+$0xFFFFFFD0] =	vst v10  }
.LBB2_68:
0x698: {  	v6 =	vld [tilespmem:s3+$0x0];
	s2 =	sadd.s32 $0x80, s2;
	[tilespmem:s1+$0xFFFFFFE0] =	vst v5  }
0x699: {  	v5 =	vld [tilespmem:s3+$0xFFFFFFA0];
	p5 =	slt.u32 s2, $0xF80;
	[tilespmem:s1+$0xFFFFFFF0] =	vst v3  }
0x69a: {  	v3 =	vld [tilespmem:s3+$0xFFFFFFB0];
	[tilespmem:s1+$0x0] =	vst v0  }
0x69b: {  	v0 =	vld [tilespmem:s3+$0xFFFFFFC0];
	[tilespmem:s1+$0x10] =	vst v1  }
0x69c: {  	v1 =	vld [tilespmem:s3+$0xFFFFFFD0];
	[tilespmem:s1+$0x20] =	vst v2  }
0x69d: {  	v2 =	vld [tilespmem:s3+$0xFFFFFFE0];
	[tilespmem:s1+$0xFFFFFFC0] =	vst v4  }
0x69e: {  	v4 =	vld [tilespmem:s3+$0xFFFFFFF0]  }
0x69f: {  	v7 =	vld [tilespmem:s3+$0xFFFFFF90]  }
0x6a0: {  	v6 =	vld.idx.msk [tilespmem:v6+s17+$0x0], $0xffff  }
0x6a1: {  	v8 =	vld.idx.msk [tilespmem:v5+s17+$0x0], $0xffff  }
0x6a2: {  	v5 =	vld.idx.msk [tilespmem:v3+s17+$0x0], $0xffff  }
.Ltmp33:
0x6a3: {  	v3 =	vld.idx.msk [tilespmem:v0+s17+$0x0], $0xffff;
	(pc) =	sbr.rel @p5 .LBB2_68-.Ltmp33, $4  }
0x6a4: {  	v0 =	vld.idx.msk [tilespmem:v1+s17+$0x0], $0xffff  }
0x6a5: {  	s1 =	sadd.s32 $0x80, s1;
	v1 =	vld.idx.msk [tilespmem:v2+s17+$0x0], $0xffff  }
0x6a6: {  	v2 =	vld.idx.msk [tilespmem:v4+s17+$0x0], $0xffff;
	[tilespmem:s1+$0x30] =	vst v6  }
0x6a7: {  	s3 =	sadd.s32 $0x80, s3;
	v4 =	vld.idx.msk [tilespmem:v7+s17+$0x0], $0xffff;
	[tilespmem:s1+$0xFFFFFFD0] =	vst v8  }
0x6a8: {  	[tilespmem:s1+$0xFFFFFFE0] =	vst v5  }
0x6a9: {  	[tilespmem:s1+$0xFFFFFFF0] =	vst v3  }
0x6aa: {  	[tilespmem:s1+$0x0] =	vst v0  }
0x6ab: {  	[tilespmem:s1+$0x10] =	vst v1  }
0x6ac: {  	[tilespmem:s1+$0x20] =	vst v2  }
0x6ad: {  	[tilespmem:s1+$0xFFFFFFC0] =	vst v4  }
0x6ae: {  	s1 =	sld [smem:$0x7F0];
	_ =	sdelay $0x2  }
0x6af: {  	[hbm4b:s1+s19] =	stream.strided.scatter [tilespmem:s24], [sflag:$0x4], $0x1000, s20, s19, $0x38;
	[tilespmem:$0x1E700] =	vst v63  }
0x6b0: {  	_ =	swait.ge [sflag:s25], $0x1000  }
0x6b1: {  	[sflag:s25] =	ssyncset.done $0x0  }
0x6b2: {  	s30 =	simm.s32 $0x1A770;
	[sflag:s25] =	ssyncadd.s32 $0xFFFFF000  }
0x6b3: {  	v0 =	vld [tilespmem:s30+$0x0]  }
0x6b4: {  	v1 =	vld [tilespmem:s30+$0xFFFFFFA0]  }
0x6b5: {  	v2 =	vld [tilespmem:s30+$0xFFFFFFB0]  }
0x6b6: {  	v3 =	vld [tilespmem:s30+$0xFFFFFFC0]  }
0x6b7: {  	v4 =	vld [tilespmem:s30+$0xFFFFFFD0]  }
0x6b8: {  	v6 =	vld [tilespmem:s30+$0xFFFFFFE0]  }
0x6b9: {  	v7 =	vld [tilespmem:s30+$0xFFFFFFF0]  }
0x6ba: {  	v8 =	vld [tilespmem:s30+$0xFFFFFF90]  }
0x6bb: {  	v9 =	vld.idx.msk [tilespmem:v0+s17+$0x0], $0xffff  }
0x6bc: {  	v10 =	vld.idx.msk [tilespmem:v1+s17+$0x0], $0xffff  }
0x6bd: {  	v5 =	vld.idx.msk [tilespmem:v2+s17+$0x0], $0xffff  }
0x6be: {  	v3 =	vld.idx.msk [tilespmem:v3+s17+$0x0], $0xffff  }
0x6bf: {  	v0 =	vld.idx.msk [tilespmem:v4+s17+$0x0], $0xffff  }
0x6c0: {  	s1 =	simm.s32 $0x1C740;
	v1 =	vld.idx.msk [tilespmem:v6+s17+$0x0], $0xffff  }
0x6c1: {  	v2 =	vld.idx.msk [tilespmem:v7+s17+$0x0], $0xffff;
	[tilespmem:s1+$0x30] =	vst v9  }
0x6c2: {  	s2 =	simm.s32 $0x0;
	s3 =	simm.s32 $0x1A7F0;
	v4 =	vld.idx.msk [tilespmem:v8+s17+$0x0], $0xffff;
	[tilespmem:s1+$0xFFFFFFD0] =	vst v10  }
.LBB2_70:
0x6c3: {  	v6 =	vld [tilespmem:s3+$0x0];
	s2 =	sadd.s32 $0x80, s2;
	[tilespmem:s1+$0xFFFFFFE0] =	vst v5  }
0x6c4: {  	v5 =	vld [tilespmem:s3+$0xFFFFFFA0];
	p5 =	slt.u32 s2, $0xF80;
	[tilespmem:s1+$0xFFFFFFF0] =	vst v3  }
0x6c5: {  	v3 =	vld [tilespmem:s3+$0xFFFFFFB0];
	[tilespmem:s1+$0x0] =	vst v0  }
0x6c6: {  	v0 =	vld [tilespmem:s3+$0xFFFFFFC0];
	[tilespmem:s1+$0x10] =	vst v1  }
0x6c7: {  	v1 =	vld [tilespmem:s3+$0xFFFFFFD0];
	[tilespmem:s1+$0x20] =	vst v2  }
0x6c8: {  	v2 =	vld [tilespmem:s3+$0xFFFFFFE0];
	[tilespmem:s1+$0xFFFFFFC0] =	vst v4  }
0x6c9: {  	v4 =	vld [tilespmem:s3+$0xFFFFFFF0]  }
0x6ca: {  	v7 =	vld [tilespmem:s3+$0xFFFFFF90]  }
0x6cb: {  	v6 =	vld.idx.msk [tilespmem:v6+s17+$0x0], $0xffff  }
0x6cc: {  	v8 =	vld.idx.msk [tilespmem:v5+s17+$0x0], $0xffff  }
0x6cd: {  	v5 =	vld.idx.msk [tilespmem:v3+s17+$0x0], $0xffff  }
.Ltmp34:
0x6ce: {  	v3 =	vld.idx.msk [tilespmem:v0+s17+$0x0], $0xffff;
	(pc) =	sbr.rel @p5 .LBB2_70-.Ltmp34, $4  }
0x6cf: {  	v0 =	vld.idx.msk [tilespmem:v1+s17+$0x0], $0xffff  }
0x6d0: {  	s1 =	sadd.s32 $0x80, s1;
	v1 =	vld.idx.msk [tilespmem:v2+s17+$0x0], $0xffff  }
0x6d1: {  	v2 =	vld.idx.msk [tilespmem:v4+s17+$0x0], $0xffff;
	[tilespmem:s1+$0x30] =	vst v6  }
0x6d2: {  	s3 =	sadd.s32 $0x80, s3;
	v4 =	vld.idx.msk [tilespmem:v7+s17+$0x0], $0xffff;
	[tilespmem:s1+$0xFFFFFFD0] =	vst v8  }
0x6d3: {  	[tilespmem:s1+$0xFFFFFFE0] =	vst v5  }
0x6d4: {  	[tilespmem:s1+$0xFFFFFFF0] =	vst v3  }
0x6d5: {  	[tilespmem:s1+$0x0] =	vst v0  }
0x6d6: {  	[tilespmem:s1+$0x10] =	vst v1  }
0x6d7: {  	[tilespmem:s1+$0x20] =	vst v2  }
0x6d8: {  	[tilespmem:s1+$0xFFFFFFC0] =	vst v4  }
0x6d9: {  	s1 =	sld [smem:$0x7F1];
	_ =	sdelay $0x2  }
0x6da: {  	[hbm4b:s1+s19] =	stream.strided.scatter [tilespmem:s23], [sflag:$0x3], $0x1000, s20, s19, $0x38;
	[tilespmem:$0x1E700] =	vst v63  }
0x6db: {  	_ =	swait.ge [sflag:s26], $0x1000  }
0x6dc: {  	[sflag:s26] =	ssyncset.done $0x0  }
0x6dd: {  	s30 =	simm.s32 $0x1B770;
	[sflag:s26] =	ssyncadd.s32 $0xFFFFF000  }
0x6de: {  	v0 =	vld [tilespmem:s30+$0x0]  }
0x6df: {  	v1 =	vld [tilespmem:s30+$0xFFFFFFA0]  }
0x6e0: {  	v2 =	vld [tilespmem:s30+$0xFFFFFFB0]  }
0x6e1: {  	v3 =	vld [tilespmem:s30+$0xFFFFFFC0]  }
0x6e2: {  	v4 =	vld [tilespmem:s30+$0xFFFFFFD0]  }
0x6e3: {  	v6 =	vld [tilespmem:s30+$0xFFFFFFE0]  }
0x6e4: {  	v7 =	vld [tilespmem:s30+$0xFFFFFFF0]  }
0x6e5: {  	v8 =	vld [tilespmem:s30+$0xFFFFFF90]  }
0x6e6: {  	v9 =	vld.idx.msk [tilespmem:v0+s17+$0x0], $0xffff  }
0x6e7: {  	v10 =	vld.idx.msk [tilespmem:v1+s17+$0x0], $0xffff  }
0x6e8: {  	v5 =	vld.idx.msk [tilespmem:v2+s17+$0x0], $0xffff  }
0x6e9: {  	v3 =	vld.idx.msk [tilespmem:v3+s17+$0x0], $0xffff  }
0x6ea: {  	v0 =	vld.idx.msk [tilespmem:v4+s17+$0x0], $0xffff  }
0x6eb: {  	s1 =	simm.s32 $0x1D740;
	v1 =	vld.idx.msk [tilespmem:v6+s17+$0x0], $0xffff  }
0x6ec: {  	v2 =	vld.idx.msk [tilespmem:v7+s17+$0x0], $0xffff;
	[tilespmem:s1+$0x30] =	vst v9  }
0x6ed: {  	s2 =	simm.s32 $0x0;
	s3 =	simm.s32 $0x1B7F0;
	v4 =	vld.idx.msk [tilespmem:v8+s17+$0x0], $0xffff;
	[tilespmem:s1+$0xFFFFFFD0] =	vst v10  }
.LBB2_72:
0x6ee: {  	v6 =	vld [tilespmem:s3+$0x0];
	s2 =	sadd.s32 $0x80, s2;
	[tilespmem:s1+$0xFFFFFFE0] =	vst v5  }
0x6ef: {  	v5 =	vld [tilespmem:s3+$0xFFFFFFA0];
	p5 =	slt.u32 s2, $0xF80;
	[tilespmem:s1+$0xFFFFFFF0] =	vst v3  }
0x6f0: {  	v3 =	vld [tilespmem:s3+$0xFFFFFFB0];
	[tilespmem:s1+$0x0] =	vst v0  }
0x6f1: {  	v0 =	vld [tilespmem:s3+$0xFFFFFFC0];
	[tilespmem:s1+$0x10] =	vst v1  }
0x6f2: {  	v1 =	vld [tilespmem:s3+$0xFFFFFFD0];
	[tilespmem:s1+$0x20] =	vst v2  }
0x6f3: {  	v2 =	vld [tilespmem:s3+$0xFFFFFFE0];
	[tilespmem:s1+$0xFFFFFFC0] =	vst v4  }
0x6f4: {  	v4 =	vld [tilespmem:s3+$0xFFFFFFF0]  }
0x6f5: {  	v7 =	vld [tilespmem:s3+$0xFFFFFF90]  }
0x6f6: {  	v6 =	vld.idx.msk [tilespmem:v6+s17+$0x0], $0xffff  }
0x6f7: {  	v8 =	vld.idx.msk [tilespmem:v5+s17+$0x0], $0xffff  }
0x6f8: {  	v5 =	vld.idx.msk [tilespmem:v3+s17+$0x0], $0xffff  }
.Ltmp35:
0x6f9: {  	v3 =	vld.idx.msk [tilespmem:v0+s17+$0x0], $0xffff;
	(pc) =	sbr.rel @p5 .LBB2_72-.Ltmp35, $4  }
0x6fa: {  	v0 =	vld.idx.msk [tilespmem:v1+s17+$0x0], $0xffff  }
0x6fb: {  	s1 =	sadd.s32 $0x80, s1;
	v1 =	vld.idx.msk [tilespmem:v2+s17+$0x0], $0xffff  }
0x6fc: {  	v2 =	vld.idx.msk [tilespmem:v4+s17+$0x0], $0xffff;
	[tilespmem:s1+$0x30] =	vst v6  }
0x6fd: {  	s3 =	sadd.s32 $0x80, s3;
	v4 =	vld.idx.msk [tilespmem:v7+s17+$0x0], $0xffff;
	[tilespmem:s1+$0xFFFFFFD0] =	vst v8  }
0x6fe: {  	[tilespmem:s1+$0xFFFFFFE0] =	vst v5  }
0x6ff: {  	[tilespmem:s1+$0xFFFFFFF0] =	vst v3  }
0x700: {  	[tilespmem:s1+$0x0] =	vst v0  }
0x701: {  	[tilespmem:s1+$0x10] =	vst v1  }
0x702: {  	[tilespmem:s1+$0x20] =	vst v2  }
0x703: {  	[tilespmem:s1+$0xFFFFFFC0] =	vst v4  }
0x704: {  	s1 =	sld [smem:$0x7F2];
	_ =	sdelay $0x2  }
0x705: {  	[hbm4b:s1+s19] =	stream.strided.scatter [tilespmem:s24], [sflag:$0x4], $0x1000, s20, s19, $0x38;
	[tilespmem:$0x1E700] =	vst v63  }
0x706: {  	s2 =	simm.s32 @!p1 $0x400;
	s3 =	rddreg [dreg:$0x17]  }
0x707: {  	[tilespmem:s17], [sflag:$0x1] =	stream.strided.gather [hbm4b:s3+s19], $0x18700, s20, s19, $0x38;
	[tilespmem:$0x1E700] =	vst v63  }
0x708: {  	s30 =	rddreg [dreg:$0xb];
	s1 =	simm.s32 @!p1 $0x80;
	s3 =	simm.s32 @!p1 $0x18700  }
0x709: {  	[tilespmem:s3], [sflag:$0x2] =	stream.strided.gather @!p1 [hbm4b:s30+s1], $0x4000, s2, s1, $0x38;
	[tilespmem:$0x1E700] =	vst v63  }
0x70a: {  	s1 =	simm.s32 @!p1 $0x2  }
0x70b: {  	_ =	swait.ge @!p1 [sflag:s1], $0x4000  }
0x70c: {  	[sflag:s1] =	ssyncset.done @!p1 $0x0  }
0x70d: {  	[sflag:s1] =	ssyncadd.s32 @!p1 $0xFFFFC000  }
0x70e: {  	_ =	swait.ge [sflag:s22], $0x18700  }
0x70f: {  	[sflag:s22] =	ssyncset.done $0x0  }
0x710: {  	[sflag:s22] =	ssyncadd.s32 $0xFFFE7900  }
0x711: {  	_ =	swait.ge [sflag:s25], $0x1000  }
0x712: {  	[sflag:s25] =	ssyncset.done $0x0  }
0x713: {  	s30 =	simm.s32 $0x18740;
	[sflag:s25] =	ssyncadd.s32 $0xFFFFF000  }
0x714: {  	v0 =	vld [tilespmem:s30+$0x30]  }
0x715: {  	v1 =	vld [tilespmem:s30+$0xFFFFFFD0]  }
0x716: {  	v2 =	vld [tilespmem:s30+$0xFFFFFFE0]  }
0x717: {  	v3 =	vld [tilespmem:s30+$0xFFFFFFF0]  }
0x718: {  	v4 =	vld [tilespmem:s30+$0x0]  }
0x719: {  	v6 =	vld [tilespmem:s30+$0x10]  }
0x71a: {  	v7 =	vld [tilespmem:s30+$0x20]  }
0x71b: {  	v8 =	vld [tilespmem:s30+$0xFFFFFFC0]  }
0x71c: {  	v9 =	vld.idx.msk [tilespmem:v0+s17+$0x0], $0xffff  }
0x71d: {  	v10 =	vld.idx.msk [tilespmem:v1+s17+$0x0], $0xffff  }
0x71e: {  	v5 =	vld.idx.msk [tilespmem:v2+s17+$0x0], $0xffff  }
0x71f: {  	v3 =	vld.idx.msk [tilespmem:v3+s17+$0x0], $0xffff  }
0x720: {  	v0 =	vld.idx.msk [tilespmem:v4+s17+$0x0], $0xffff  }
0x721: {  	s1 =	simm.s32 $0x1C740;
	v1 =	vld.idx.msk [tilespmem:v6+s17+$0x0], $0xffff  }
0x722: {  	v2 =	vld.idx.msk [tilespmem:v7+s17+$0x0], $0xffff;
	[tilespmem:s1+$0x30] =	vst v9  }
0x723: {  	s2 =	simm.s32 $0x0;
	s3 =	simm.s32 $0x187C0;
	v4 =	vld.idx.msk [tilespmem:v8+s17+$0x0], $0xffff;
	[tilespmem:s1+$0xFFFFFFD0] =	vst v10  }
.LBB2_74:
0x724: {  	v6 =	vld [tilespmem:s3+$0x30];
	s2 =	sadd.s32 $0x80, s2;
	[tilespmem:s1+$0xFFFFFFE0] =	vst v5  }
0x725: {  	v5 =	vld [tilespmem:s3+$0xFFFFFFD0];
	p5 =	slt.u32 s2, $0xF80;
	[tilespmem:s1+$0xFFFFFFF0] =	vst v3  }
0x726: {  	v3 =	vld [tilespmem:s3+$0xFFFFFFE0];
	[tilespmem:s1+$0x0] =	vst v0  }
0x727: {  	v0 =	vld [tilespmem:s3+$0xFFFFFFF0];
	[tilespmem:s1+$0x10] =	vst v1  }
0x728: {  	v1 =	vld [tilespmem:s3+$0x0];
	[tilespmem:s1+$0x20] =	vst v2  }
0x729: {  	v2 =	vld [tilespmem:s3+$0x10];
	[tilespmem:s1+$0xFFFFFFC0] =	vst v4  }
0x72a: {  	v4 =	vld [tilespmem:s3+$0x20]  }
0x72b: {  	v7 =	vld [tilespmem:s3+$0xFFFFFFC0]  }
0x72c: {  	v6 =	vld.idx.msk [tilespmem:v6+s17+$0x0], $0xffff  }
0x72d: {  	v8 =	vld.idx.msk [tilespmem:v5+s17+$0x0], $0xffff  }
0x72e: {  	v5 =	vld.idx.msk [tilespmem:v3+s17+$0x0], $0xffff  }
.Ltmp36:
0x72f: {  	v3 =	vld.idx.msk [tilespmem:v0+s17+$0x0], $0xffff;
	(pc) =	sbr.rel @p5 .LBB2_74-.Ltmp36, $4  }
0x730: {  	v0 =	vld.idx.msk [tilespmem:v1+s17+$0x0], $0xffff  }
0x731: {  	s1 =	sadd.s32 $0x80, s1;
	v1 =	vld.idx.msk [tilespmem:v2+s17+$0x0], $0xffff  }
0x732: {  	v2 =	vld.idx.msk [tilespmem:v4+s17+$0x0], $0xffff;
	[tilespmem:s1+$0x30] =	vst v6  }
0x733: {  	s3 =	sadd.s32 $0x80, s3;
	v4 =	vld.idx.msk [tilespmem:v7+s17+$0x0], $0xffff;
	[tilespmem:s1+$0xFFFFFFD0] =	vst v8  }
0x734: {  	[tilespmem:s1+$0xFFFFFFE0] =	vst v5  }
0x735: {  	[tilespmem:s1+$0xFFFFFFF0] =	vst v3  }
0x736: {  	[tilespmem:s1+$0x0] =	vst v0  }
0x737: {  	[tilespmem:s1+$0x10] =	vst v1  }
0x738: {  	[tilespmem:s1+$0x20] =	vst v2  }
0x739: {  	[tilespmem:s1+$0xFFFFFFC0] =	vst v4  }
0x73a: {  	s1 =	sld [smem:$0x7F3];
	_ =	sdelay $0x2  }
0x73b: {  	[hbm4b:s1+s19] =	stream.strided.scatter [tilespmem:s23], [sflag:$0x3], $0x1000, s20, s19, $0x38;
	[tilespmem:$0x1E700] =	vst v63  }
0x73c: {  	_ =	swait.ge [sflag:s26], $0x1000  }
0x73d: {  	[sflag:s26] =	ssyncset.done $0x0  }
0x73e: {  	s30 =	simm.s32 $0x19770;
	[sflag:s26] =	ssyncadd.s32 $0xFFFFF000  }
0x73f: {  	v0 =	vld [tilespmem:s30+$0x0]  }
0x740: {  	v1 =	vld [tilespmem:s30+$0xFFFFFFA0]  }
0x741: {  	v2 =	vld [tilespmem:s30+$0xFFFFFFB0]  }
0x742: {  	v3 =	vld [tilespmem:s30+$0xFFFFFFC0]  }
0x743: {  	v4 =	vld [tilespmem:s30+$0xFFFFFFD0]  }
0x744: {  	v6 =	vld [tilespmem:s30+$0xFFFFFFE0]  }
0x745: {  	v7 =	vld [tilespmem:s30+$0xFFFFFFF0]  }
0x746: {  	v8 =	vld [tilespmem:s30+$0xFFFFFF90]  }
0x747: {  	v9 =	vld.idx.msk [tilespmem:v0+s17+$0x0], $0xffff  }
0x748: {  	v10 =	vld.idx.msk [tilespmem:v1+s17+$0x0], $0xffff  }
0x749: {  	v5 =	vld.idx.msk [tilespmem:v2+s17+$0x0], $0xffff  }
0x74a: {  	v3 =	vld.idx.msk [tilespmem:v3+s17+$0x0], $0xffff  }
0x74b: {  	v0 =	vld.idx.msk [tilespmem:v4+s17+$0x0], $0xffff  }
0x74c: {  	s1 =	simm.s32 $0x1D740;
	v1 =	vld.idx.msk [tilespmem:v6+s17+$0x0], $0xffff  }
0x74d: {  	v2 =	vld.idx.msk [tilespmem:v7+s17+$0x0], $0xffff;
	[tilespmem:s1+$0x30] =	vst v9  }
0x74e: {  	s2 =	simm.s32 $0x0;
	s3 =	simm.s32 $0x197F0;
	v4 =	vld.idx.msk [tilespmem:v8+s17+$0x0], $0xffff;
	[tilespmem:s1+$0xFFFFFFD0] =	vst v10  }
.LBB2_76:
0x74f: {  	v6 =	vld [tilespmem:s3+$0x0];
	s2 =	sadd.s32 $0x80, s2;
	[tilespmem:s1+$0xFFFFFFE0] =	vst v5  }
0x750: {  	v5 =	vld [tilespmem:s3+$0xFFFFFFA0];
	p5 =	slt.u32 s2, $0xF80;
	[tilespmem:s1+$0xFFFFFFF0] =	vst v3  }
0x751: {  	v3 =	vld [tilespmem:s3+$0xFFFFFFB0];
	[tilespmem:s1+$0x0] =	vst v0  }
0x752: {  	v0 =	vld [tilespmem:s3+$0xFFFFFFC0];
	[tilespmem:s1+$0x10] =	vst v1  }
0x753: {  	v1 =	vld [tilespmem:s3+$0xFFFFFFD0];
	[tilespmem:s1+$0x20] =	vst v2  }
0x754: {  	v2 =	vld [tilespmem:s3+$0xFFFFFFE0];
	[tilespmem:s1+$0xFFFFFFC0] =	vst v4  }
0x755: {  	v4 =	vld [tilespmem:s3+$0xFFFFFFF0]  }
0x756: {  	v7 =	vld [tilespmem:s3+$0xFFFFFF90]  }
0x757: {  	v6 =	vld.idx.msk [tilespmem:v6+s17+$0x0], $0xffff  }
0x758: {  	v8 =	vld.idx.msk [tilespmem:v5+s17+$0x0], $0xffff  }
0x759: {  	v5 =	vld.idx.msk [tilespmem:v3+s17+$0x0], $0xffff  }
.Ltmp37:
0x75a: {  	v3 =	vld.idx.msk [tilespmem:v0+s17+$0x0], $0xffff;
	(pc) =	sbr.rel @p5 .LBB2_76-.Ltmp37, $4  }
0x75b: {  	v0 =	vld.idx.msk [tilespmem:v1+s17+$0x0], $0xffff  }
0x75c: {  	s1 =	sadd.s32 $0x80, s1;
	v1 =	vld.idx.msk [tilespmem:v2+s17+$0x0], $0xffff  }
0x75d: {  	v2 =	vld.idx.msk [tilespmem:v4+s17+$0x0], $0xffff;
	[tilespmem:s1+$0x30] =	vst v6  }
0x75e: {  	s3 =	sadd.s32 $0x80, s3;
	v4 =	vld.idx.msk [tilespmem:v7+s17+$0x0], $0xffff;
	[tilespmem:s1+$0xFFFFFFD0] =	vst v8  }
0x75f: {  	[tilespmem:s1+$0xFFFFFFE0] =	vst v5  }
0x760: {  	[tilespmem:s1+$0xFFFFFFF0] =	vst v3  }
0x761: {  	[tilespmem:s1+$0x0] =	vst v0  }
0x762: {  	[tilespmem:s1+$0x10] =	vst v1  }
0x763: {  	[tilespmem:s1+$0x20] =	vst v2  }
0x764: {  	[tilespmem:s1+$0xFFFFFFC0] =	vst v4  }
0x765: {  	s1 =	sld [smem:$0x7F4];
	_ =	sdelay $0x2  }
0x766: {  	[hbm4b:s1+s19] =	stream.strided.scatter [tilespmem:s24], [sflag:$0x4], $0x1000, s20, s19, $0x38;
	[tilespmem:$0x1E700] =	vst v63  }
0x767: {  	_ =	swait.ge [sflag:s25], $0x1000  }
0x768: {  	[sflag:s25] =	ssyncset.done $0x0  }
0x769: {  	s30 =	simm.s32 $0x1A770;
	[sflag:s25] =	ssyncadd.s32 $0xFFFFF000  }
0x76a: {  	v0 =	vld [tilespmem:s30+$0x0]  }
0x76b: {  	v1 =	vld [tilespmem:s30+$0xFFFFFFA0]  }
0x76c: {  	v2 =	vld [tilespmem:s30+$0xFFFFFFB0]  }
0x76d: {  	v3 =	vld [tilespmem:s30+$0xFFFFFFC0]  }
0x76e: {  	v4 =	vld [tilespmem:s30+$0xFFFFFFD0]  }
0x76f: {  	v6 =	vld [tilespmem:s30+$0xFFFFFFE0]  }
0x770: {  	v7 =	vld [tilespmem:s30+$0xFFFFFFF0]  }
0x771: {  	v8 =	vld [tilespmem:s30+$0xFFFFFF90]  }
0x772: {  	v9 =	vld.idx.msk [tilespmem:v0+s17+$0x0], $0xffff  }
0x773: {  	v10 =	vld.idx.msk [tilespmem:v1+s17+$0x0], $0xffff  }
0x774: {  	v5 =	vld.idx.msk [tilespmem:v2+s17+$0x0], $0xffff  }
0x775: {  	v3 =	vld.idx.msk [tilespmem:v3+s17+$0x0], $0xffff  }
0x776: {  	v0 =	vld.idx.msk [tilespmem:v4+s17+$0x0], $0xffff  }
0x777: {  	s1 =	simm.s32 $0x1C740;
	v1 =	vld.idx.msk [tilespmem:v6+s17+$0x0], $0xffff  }
0x778: {  	v2 =	vld.idx.msk [tilespmem:v7+s17+$0x0], $0xffff;
	[tilespmem:s1+$0x30] =	vst v9  }
0x779: {  	s2 =	simm.s32 $0x0;
	s3 =	simm.s32 $0x1A7F0;
	v4 =	vld.idx.msk [tilespmem:v8+s17+$0x0], $0xffff;
	[tilespmem:s1+$0xFFFFFFD0] =	vst v10  }
.LBB2_78:
0x77a: {  	v6 =	vld [tilespmem:s3+$0x0];
	s2 =	sadd.s32 $0x80, s2;
	[tilespmem:s1+$0xFFFFFFE0] =	vst v5  }
0x77b: {  	v5 =	vld [tilespmem:s3+$0xFFFFFFA0];
	p5 =	slt.u32 s2, $0xF80;
	[tilespmem:s1+$0xFFFFFFF0] =	vst v3  }
0x77c: {  	v3 =	vld [tilespmem:s3+$0xFFFFFFB0];
	[tilespmem:s1+$0x0] =	vst v0  }
0x77d: {  	v0 =	vld [tilespmem:s3+$0xFFFFFFC0];
	[tilespmem:s1+$0x10] =	vst v1  }
0x77e: {  	v1 =	vld [tilespmem:s3+$0xFFFFFFD0];
	[tilespmem:s1+$0x20] =	vst v2  }
0x77f: {  	v2 =	vld [tilespmem:s3+$0xFFFFFFE0];
	[tilespmem:s1+$0xFFFFFFC0] =	vst v4  }
0x780: {  	v4 =	vld [tilespmem:s3+$0xFFFFFFF0]  }
0x781: {  	v7 =	vld [tilespmem:s3+$0xFFFFFF90]  }
0x782: {  	v6 =	vld.idx.msk [tilespmem:v6+s17+$0x0], $0xffff  }
0x783: {  	v8 =	vld.idx.msk [tilespmem:v5+s17+$0x0], $0xffff  }
0x784: {  	v5 =	vld.idx.msk [tilespmem:v3+s17+$0x0], $0xffff  }
.Ltmp38:
0x785: {  	v3 =	vld.idx.msk [tilespmem:v0+s17+$0x0], $0xffff;
	(pc) =	sbr.rel @p5 .LBB2_78-.Ltmp38, $4  }
0x786: {  	v0 =	vld.idx.msk [tilespmem:v1+s17+$0x0], $0xffff  }
0x787: {  	s1 =	sadd.s32 $0x80, s1;
	v1 =	vld.idx.msk [tilespmem:v2+s17+$0x0], $0xffff  }
0x788: {  	v2 =	vld.idx.msk [tilespmem:v4+s17+$0x0], $0xffff;
	[tilespmem:s1+$0x30] =	vst v6  }
0x789: {  	s3 =	sadd.s32 $0x80, s3;
	v4 =	vld.idx.msk [tilespmem:v7+s17+$0x0], $0xffff;
	[tilespmem:s1+$0xFFFFFFD0] =	vst v8  }
0x78a: {  	[tilespmem:s1+$0xFFFFFFE0] =	vst v5  }
0x78b: {  	[tilespmem:s1+$0xFFFFFFF0] =	vst v3  }
0x78c: {  	[tilespmem:s1+$0x0] =	vst v0  }
0x78d: {  	[tilespmem:s1+$0x10] =	vst v1  }
0x78e: {  	[tilespmem:s1+$0x20] =	vst v2  }
0x78f: {  	[tilespmem:s1+$0xFFFFFFC0] =	vst v4  }
0x790: {  	[hbm4b:s0+s19] =	stream.strided.scatter [tilespmem:s23], [sflag:$0x3], $0x1000, s20, s19, $0x38;
	[tilespmem:$0x1E700] =	vst v63  }
0x791: {  	_ =	swait.ge [sflag:s26], $0x1000  }
0x792: {  	[sflag:s26] =	ssyncset.done $0x0  }
0x793: {  	s30 =	simm.s32 $0x1B770;
	[sflag:s26] =	ssyncadd.s32 $0xFFFFF000  }
0x794: {  	v0 =	vld [tilespmem:s30+$0x0]  }
0x795: {  	v1 =	vld [tilespmem:s30+$0xFFFFFFA0]  }
0x796: {  	v2 =	vld [tilespmem:s30+$0xFFFFFFB0]  }
0x797: {  	v3 =	vld [tilespmem:s30+$0xFFFFFFC0]  }
0x798: {  	v4 =	vld [tilespmem:s30+$0xFFFFFFD0]  }
0x799: {  	v6 =	vld [tilespmem:s30+$0xFFFFFFE0]  }
0x79a: {  	v7 =	vld [tilespmem:s30+$0xFFFFFFF0]  }
0x79b: {  	v8 =	vld [tilespmem:s30+$0xFFFFFF90]  }
0x79c: {  	v9 =	vld.idx.msk [tilespmem:v0+s17+$0x0], $0xffff  }
0x79d: {  	v10 =	vld.idx.msk [tilespmem:v1+s17+$0x0], $0xffff  }
0x79e: {  	v5 =	vld.idx.msk [tilespmem:v2+s17+$0x0], $0xffff  }
0x79f: {  	v3 =	vld.idx.msk [tilespmem:v3+s17+$0x0], $0xffff  }
0x7a0: {  	v0 =	vld.idx.msk [tilespmem:v4+s17+$0x0], $0xffff  }
0x7a1: {  	s1 =	simm.s32 $0x1D740;
	v1 =	vld.idx.msk [tilespmem:v6+s17+$0x0], $0xffff  }
0x7a2: {  	v2 =	vld.idx.msk [tilespmem:v7+s17+$0x0], $0xffff;
	[tilespmem:s1+$0x30] =	vst v9  }
0x7a3: {  	s2 =	simm.s32 $0x0;
	s3 =	simm.s32 $0x1B7F0;
	v4 =	vld.idx.msk [tilespmem:v8+s17+$0x0], $0xffff;
	[tilespmem:s1+$0xFFFFFFD0] =	vst v10  }
.LBB2_80:
0x7a4: {  	v6 =	vld [tilespmem:s3+$0x0];
	s2 =	sadd.s32 $0x80, s2;
	[tilespmem:s1+$0xFFFFFFE0] =	vst v5  }
0x7a5: {  	v5 =	vld [tilespmem:s3+$0xFFFFFFA0];
	p5 =	slt.u32 s2, $0xF80;
	[tilespmem:s1+$0xFFFFFFF0] =	vst v3  }
0x7a6: {  	v3 =	vld [tilespmem:s3+$0xFFFFFFB0];
	[tilespmem:s1+$0x0] =	vst v0  }
0x7a7: {  	v0 =	vld [tilespmem:s3+$0xFFFFFFC0];
	[tilespmem:s1+$0x10] =	vst v1  }
0x7a8: {  	v1 =	vld [tilespmem:s3+$0xFFFFFFD0];
	[tilespmem:s1+$0x20] =	vst v2  }
0x7a9: {  	v2 =	vld [tilespmem:s3+$0xFFFFFFE0];
	[tilespmem:s1+$0xFFFFFFC0] =	vst v4  }
0x7aa: {  	v4 =	vld [tilespmem:s3+$0xFFFFFFF0]  }
0x7ab: {  	v7 =	vld [tilespmem:s3+$0xFFFFFF90]  }
0x7ac: {  	v6 =	vld.idx.msk [tilespmem:v6+s17+$0x0], $0xffff  }
0x7ad: {  	v8 =	vld.idx.msk [tilespmem:v5+s17+$0x0], $0xffff  }
0x7ae: {  	v5 =	vld.idx.msk [tilespmem:v3+s17+$0x0], $0xffff  }
.Ltmp39:
0x7af: {  	v3 =	vld.idx.msk [tilespmem:v0+s17+$0x0], $0xffff;
	(pc) =	sbr.rel @p5 .LBB2_80-.Ltmp39, $4  }
0x7b0: {  	v0 =	vld.idx.msk [tilespmem:v1+s17+$0x0], $0xffff  }
0x7b1: {  	s1 =	sadd.s32 $0x80, s1;
	v1 =	vld.idx.msk [tilespmem:v2+s17+$0x0], $0xffff  }
0x7b2: {  	v2 =	vld.idx.msk [tilespmem:v4+s17+$0x0], $0xffff;
	[tilespmem:s1+$0x30] =	vst v6  }
0x7b3: {  	s3 =	sadd.s32 $0x80, s3;
	v4 =	vld.idx.msk [tilespmem:v7+s17+$0x0], $0xffff;
	[tilespmem:s1+$0xFFFFFFD0] =	vst v8  }
0x7b4: {  	[tilespmem:s1+$0xFFFFFFE0] =	vst v5  }
0x7b5: {  	[tilespmem:s1+$0xFFFFFFF0] =	vst v3  }
0x7b6: {  	[tilespmem:s1+$0x0] =	vst v0  }
0x7b7: {  	[tilespmem:s1+$0x10] =	vst v1  }
0x7b8: {  	[tilespmem:s1+$0x20] =	vst v2  }
0x7b9: {  	[tilespmem:s1+$0xFFFFFFC0] =	vst v4  }
0x7ba: {  	[hbm4b:s4+s19] =	stream.strided.scatter [tilespmem:s24], [sflag:$0x4], $0x1000, s20, s19, $0x38;
	[tilespmem:$0x1E700] =	vst v63  }
0x7bb: {  	s2 =	simm.s32 @!p2 $0x400;
	s1 =	rddreg [dreg:$0x18]  }
0x7bc: {  	[tilespmem:s17], [sflag:$0x1] =	stream.strided.gather [hbm4b:s1+s19], $0x18700, s20, s19, $0x38;
	[tilespmem:$0x1E700] =	vst v63  }
0x7bd: {  	s3 =	simm.s32 @!p2 $0x18700;
	s30 =	rddreg [dreg:$0xc];
	s1 =	simm.s32 @!p2 $0x80  }
0x7be: {  	[tilespmem:s3], [sflag:$0x2] =	stream.strided.gather @!p2 [hbm4b:s30+s1], $0x4000, s2, s1, $0x38;
	[tilespmem:$0x1E700] =	vst v63  }
0x7bf: {  	s1 =	simm.s32 @!p2 $0x2  }
0x7c0: {  	_ =	swait.ge @!p2 [sflag:s1], $0x4000  }
0x7c1: {  	[sflag:s1] =	ssyncset.done @!p2 $0x0  }
0x7c2: {  	[sflag:s1] =	ssyncadd.s32 @!p2 $0xFFFFC000  }
0x7c3: {  	_ =	swait.ge [sflag:s22], $0x18700  }
0x7c4: {  	[sflag:s22] =	ssyncset.done $0x0  }
0x7c5: {  	[sflag:s22] =	ssyncadd.s32 $0xFFFE7900  }
0x7c6: {  	_ =	swait.ge [sflag:s25], $0x1000  }
0x7c7: {  	[sflag:s25] =	ssyncset.done $0x0  }
0x7c8: {  	s30 =	simm.s32 $0x18740;
	[sflag:s25] =	ssyncadd.s32 $0xFFFFF000  }
0x7c9: {  	v0 =	vld [tilespmem:s30+$0x30]  }
0x7ca: {  	v1 =	vld [tilespmem:s30+$0xFFFFFFD0]  }
0x7cb: {  	v2 =	vld [tilespmem:s30+$0xFFFFFFE0]  }
0x7cc: {  	v3 =	vld [tilespmem:s30+$0xFFFFFFF0]  }
0x7cd: {  	v4 =	vld [tilespmem:s30+$0x0]  }
0x7ce: {  	v6 =	vld [tilespmem:s30+$0x10]  }
0x7cf: {  	v7 =	vld [tilespmem:s30+$0x20]  }
0x7d0: {  	v8 =	vld [tilespmem:s30+$0xFFFFFFC0]  }
0x7d1: {  	v9 =	vld.idx.msk [tilespmem:v0+s17+$0x0], $0xffff  }
0x7d2: {  	v10 =	vld.idx.msk [tilespmem:v1+s17+$0x0], $0xffff  }
0x7d3: {  	v5 =	vld.idx.msk [tilespmem:v2+s17+$0x0], $0xffff  }
0x7d4: {  	v3 =	vld.idx.msk [tilespmem:v3+s17+$0x0], $0xffff  }
0x7d5: {  	v0 =	vld.idx.msk [tilespmem:v4+s17+$0x0], $0xffff  }
0x7d6: {  	s1 =	simm.s32 $0x1C740;
	v1 =	vld.idx.msk [tilespmem:v6+s17+$0x0], $0xffff  }
0x7d7: {  	v2 =	vld.idx.msk [tilespmem:v7+s17+$0x0], $0xffff;
	[tilespmem:s1+$0x30] =	vst v9  }
0x7d8: {  	s2 =	simm.s32 $0x0;
	s3 =	simm.s32 $0x187C0;
	v4 =	vld.idx.msk [tilespmem:v8+s17+$0x0], $0xffff;
	[tilespmem:s1+$0xFFFFFFD0] =	vst v10  }
.LBB2_82:
0x7d9: {  	v6 =	vld [tilespmem:s3+$0x30];
	s2 =	sadd.s32 $0x80, s2;
	[tilespmem:s1+$0xFFFFFFE0] =	vst v5  }
0x7da: {  	v5 =	vld [tilespmem:s3+$0xFFFFFFD0];
	p5 =	slt.u32 s2, $0xF80;
	[tilespmem:s1+$0xFFFFFFF0] =	vst v3  }
0x7db: {  	v3 =	vld [tilespmem:s3+$0xFFFFFFE0];
	[tilespmem:s1+$0x0] =	vst v0  }
0x7dc: {  	v0 =	vld [tilespmem:s3+$0xFFFFFFF0];
	[tilespmem:s1+$0x10] =	vst v1  }
0x7dd: {  	v1 =	vld [tilespmem:s3+$0x0];
	[tilespmem:s1+$0x20] =	vst v2  }
0x7de: {  	v2 =	vld [tilespmem:s3+$0x10];
	[tilespmem:s1+$0xFFFFFFC0] =	vst v4  }
0x7df: {  	v4 =	vld [tilespmem:s3+$0x20]  }
0x7e0: {  	v7 =	vld [tilespmem:s3+$0xFFFFFFC0]  }
0x7e1: {  	v6 =	vld.idx.msk [tilespmem:v6+s17+$0x0], $0xffff  }
0x7e2: {  	v8 =	vld.idx.msk [tilespmem:v5+s17+$0x0], $0xffff  }
0x7e3: {  	v5 =	vld.idx.msk [tilespmem:v3+s17+$0x0], $0xffff  }
.Ltmp40:
0x7e4: {  	v3 =	vld.idx.msk [tilespmem:v0+s17+$0x0], $0xffff;
	(pc) =	sbr.rel @p5 .LBB2_82-.Ltmp40, $4  }
0x7e5: {  	v0 =	vld.idx.msk [tilespmem:v1+s17+$0x0], $0xffff  }
0x7e6: {  	s1 =	sadd.s32 $0x80, s1;
	v1 =	vld.idx.msk [tilespmem:v2+s17+$0x0], $0xffff  }
0x7e7: {  	v2 =	vld.idx.msk [tilespmem:v4+s17+$0x0], $0xffff;
	[tilespmem:s1+$0x30] =	vst v6  }
0x7e8: {  	s3 =	sadd.s32 $0x80, s3;
	v4 =	vld.idx.msk [tilespmem:v7+s17+$0x0], $0xffff;
	[tilespmem:s1+$0xFFFFFFD0] =	vst v8  }
0x7e9: {  	[tilespmem:s1+$0xFFFFFFE0] =	vst v5  }
0x7ea: {  	[tilespmem:s1+$0xFFFFFFF0] =	vst v3  }
0x7eb: {  	[tilespmem:s1+$0x0] =	vst v0  }
0x7ec: {  	[tilespmem:s1+$0x10] =	vst v1  }
0x7ed: {  	[tilespmem:s1+$0x20] =	vst v2  }
0x7ee: {  	[tilespmem:s1+$0xFFFFFFC0] =	vst v4  }
0x7ef: {  	[hbm4b:s5+s19] =	stream.strided.scatter [tilespmem:s23], [sflag:$0x3], $0x1000, s20, s19, $0x38;
	[tilespmem:$0x1E700] =	vst v63  }
0x7f0: {  	_ =	swait.ge [sflag:s26], $0x1000  }
0x7f1: {  	[sflag:s26] =	ssyncset.done $0x0  }
0x7f2: {  	s30 =	simm.s32 $0x19770;
	[sflag:s26] =	ssyncadd.s32 $0xFFFFF000  }
0x7f3: {  	v0 =	vld [tilespmem:s30+$0x0]  }
0x7f4: {  	v1 =	vld [tilespmem:s30+$0xFFFFFFA0]  }
0x7f5: {  	v2 =	vld [tilespmem:s30+$0xFFFFFFB0]  }
0x7f6: {  	v3 =	vld [tilespmem:s30+$0xFFFFFFC0]  }
0x7f7: {  	v4 =	vld [tilespmem:s30+$0xFFFFFFD0]  }
0x7f8: {  	v6 =	vld [tilespmem:s30+$0xFFFFFFE0]  }
0x7f9: {  	v7 =	vld [tilespmem:s30+$0xFFFFFFF0]  }
0x7fa: {  	v8 =	vld [tilespmem:s30+$0xFFFFFF90]  }
0x7fb: {  	v9 =	vld.idx.msk [tilespmem:v0+s17+$0x0], $0xffff  }
0x7fc: {  	v10 =	vld.idx.msk [tilespmem:v1+s17+$0x0], $0xffff  }
0x7fd: {  	v5 =	vld.idx.msk [tilespmem:v2+s17+$0x0], $0xffff  }
0x7fe: {  	v3 =	vld.idx.msk [tilespmem:v3+s17+$0x0], $0xffff  }
0x7ff: {  	v0 =	vld.idx.msk [tilespmem:v4+s17+$0x0], $0xffff  }
0x800: {  	s1 =	simm.s32 $0x1D740;
	v1 =	vld.idx.msk [tilespmem:v6+s17+$0x0], $0xffff  }
0x801: {  	v2 =	vld.idx.msk [tilespmem:v7+s17+$0x0], $0xffff;
	[tilespmem:s1+$0x30] =	vst v9  }
0x802: {  	s2 =	simm.s32 $0x0;
	s3 =	simm.s32 $0x197F0;
	v4 =	vld.idx.msk [tilespmem:v8+s17+$0x0], $0xffff;
	[tilespmem:s1+$0xFFFFFFD0] =	vst v10  }
.LBB2_84:
0x803: {  	v6 =	vld [tilespmem:s3+$0x0];
	s2 =	sadd.s32 $0x80, s2;
	[tilespmem:s1+$0xFFFFFFE0] =	vst v5  }
0x804: {  	v5 =	vld [tilespmem:s3+$0xFFFFFFA0];
	p5 =	slt.u32 s2, $0xF80;
	[tilespmem:s1+$0xFFFFFFF0] =	vst v3  }
0x805: {  	v3 =	vld [tilespmem:s3+$0xFFFFFFB0];
	[tilespmem:s1+$0x0] =	vst v0  }
0x806: {  	v0 =	vld [tilespmem:s3+$0xFFFFFFC0];
	[tilespmem:s1+$0x10] =	vst v1  }
0x807: {  	v1 =	vld [tilespmem:s3+$0xFFFFFFD0];
	[tilespmem:s1+$0x20] =	vst v2  }
0x808: {  	v2 =	vld [tilespmem:s3+$0xFFFFFFE0];
	[tilespmem:s1+$0xFFFFFFC0] =	vst v4  }
0x809: {  	v4 =	vld [tilespmem:s3+$0xFFFFFFF0]  }
0x80a: {  	v7 =	vld [tilespmem:s3+$0xFFFFFF90]  }
0x80b: {  	v6 =	vld.idx.msk [tilespmem:v6+s17+$0x0], $0xffff  }
0x80c: {  	v8 =	vld.idx.msk [tilespmem:v5+s17+$0x0], $0xffff  }
0x80d: {  	v5 =	vld.idx.msk [tilespmem:v3+s17+$0x0], $0xffff  }
.Ltmp41:
0x80e: {  	v3 =	vld.idx.msk [tilespmem:v0+s17+$0x0], $0xffff;
	(pc) =	sbr.rel @p5 .LBB2_84-.Ltmp41, $4  }
0x80f: {  	v0 =	vld.idx.msk [tilespmem:v1+s17+$0x0], $0xffff  }
0x810: {  	s1 =	sadd.s32 $0x80, s1;
	v1 =	vld.idx.msk [tilespmem:v2+s17+$0x0], $0xffff  }
0x811: {  	v2 =	vld.idx.msk [tilespmem:v4+s17+$0x0], $0xffff;
	[tilespmem:s1+$0x30] =	vst v6  }
0x812: {  	s3 =	sadd.s32 $0x80, s3;
	v4 =	vld.idx.msk [tilespmem:v7+s17+$0x0], $0xffff;
	[tilespmem:s1+$0xFFFFFFD0] =	vst v8  }
0x813: {  	[tilespmem:s1+$0xFFFFFFE0] =	vst v5  }
0x814: {  	[tilespmem:s1+$0xFFFFFFF0] =	vst v3  }
0x815: {  	[tilespmem:s1+$0x0] =	vst v0  }
0x816: {  	[tilespmem:s1+$0x10] =	vst v1  }
0x817: {  	[tilespmem:s1+$0x20] =	vst v2  }
0x818: {  	[tilespmem:s1+$0xFFFFFFC0] =	vst v4  }
0x819: {  	[hbm4b:s6+s19] =	stream.strided.scatter [tilespmem:s24], [sflag:$0x4], $0x1000, s20, s19, $0x38;
	[tilespmem:$0x1E700] =	vst v63  }
0x81a: {  	_ =	swait.ge [sflag:s25], $0x1000  }
0x81b: {  	[sflag:s25] =	ssyncset.done $0x0  }
0x81c: {  	s30 =	simm.s32 $0x1A770;
	[sflag:s25] =	ssyncadd.s32 $0xFFFFF000  }
0x81d: {  	v0 =	vld [tilespmem:s30+$0x0]  }
0x81e: {  	v1 =	vld [tilespmem:s30+$0xFFFFFFA0]  }
0x81f: {  	v2 =	vld [tilespmem:s30+$0xFFFFFFB0]  }
0x820: {  	v3 =	vld [tilespmem:s30+$0xFFFFFFC0]  }
0x821: {  	v4 =	vld [tilespmem:s30+$0xFFFFFFD0]  }
0x822: {  	v6 =	vld [tilespmem:s30+$0xFFFFFFE0]  }
0x823: {  	v7 =	vld [tilespmem:s30+$0xFFFFFFF0]  }
0x824: {  	v8 =	vld [tilespmem:s30+$0xFFFFFF90]  }
0x825: {  	v9 =	vld.idx.msk [tilespmem:v0+s17+$0x0], $0xffff  }
0x826: {  	v10 =	vld.idx.msk [tilespmem:v1+s17+$0x0], $0xffff  }
0x827: {  	v5 =	vld.idx.msk [tilespmem:v2+s17+$0x0], $0xffff  }
0x828: {  	v3 =	vld.idx.msk [tilespmem:v3+s17+$0x0], $0xffff  }
0x829: {  	v0 =	vld.idx.msk [tilespmem:v4+s17+$0x0], $0xffff  }
0x82a: {  	s1 =	simm.s32 $0x1C740;
	v1 =	vld.idx.msk [tilespmem:v6+s17+$0x0], $0xffff  }
0x82b: {  	v2 =	vld.idx.msk [tilespmem:v7+s17+$0x0], $0xffff;
	[tilespmem:s1+$0x30] =	vst v9  }
0x82c: {  	s2 =	simm.s32 $0x0;
	s3 =	simm.s32 $0x1A7F0;
	v4 =	vld.idx.msk [tilespmem:v8+s17+$0x0], $0xffff;
	[tilespmem:s1+$0xFFFFFFD0] =	vst v10  }
.LBB2_86:
0x82d: {  	v6 =	vld [tilespmem:s3+$0x0];
	s2 =	sadd.s32 $0x80, s2;
	[tilespmem:s1+$0xFFFFFFE0] =	vst v5  }
0x82e: {  	v5 =	vld [tilespmem:s3+$0xFFFFFFA0];
	p5 =	slt.u32 s2, $0xF80;
	[tilespmem:s1+$0xFFFFFFF0] =	vst v3  }
0x82f: {  	v3 =	vld [tilespmem:s3+$0xFFFFFFB0];
	[tilespmem:s1+$0x0] =	vst v0  }
0x830: {  	v0 =	vld [tilespmem:s3+$0xFFFFFFC0];
	[tilespmem:s1+$0x10] =	vst v1  }
0x831: {  	v1 =	vld [tilespmem:s3+$0xFFFFFFD0];
	[tilespmem:s1+$0x20] =	vst v2  }
0x832: {  	v2 =	vld [tilespmem:s3+$0xFFFFFFE0];
	[tilespmem:s1+$0xFFFFFFC0] =	vst v4  }
0x833: {  	v4 =	vld [tilespmem:s3+$0xFFFFFFF0]  }
0x834: {  	v7 =	vld [tilespmem:s3+$0xFFFFFF90]  }
0x835: {  	v6 =	vld.idx.msk [tilespmem:v6+s17+$0x0], $0xffff  }
0x836: {  	v8 =	vld.idx.msk [tilespmem:v5+s17+$0x0], $0xffff  }
0x837: {  	v5 =	vld.idx.msk [tilespmem:v3+s17+$0x0], $0xffff  }
.Ltmp42:
0x838: {  	v3 =	vld.idx.msk [tilespmem:v0+s17+$0x0], $0xffff;
	(pc) =	sbr.rel @p5 .LBB2_86-.Ltmp42, $4  }
0x839: {  	v0 =	vld.idx.msk [tilespmem:v1+s17+$0x0], $0xffff  }
0x83a: {  	s1 =	sadd.s32 $0x80, s1;
	v1 =	vld.idx.msk [tilespmem:v2+s17+$0x0], $0xffff  }
0x83b: {  	v2 =	vld.idx.msk [tilespmem:v4+s17+$0x0], $0xffff;
	[tilespmem:s1+$0x30] =	vst v6  }
0x83c: {  	s3 =	sadd.s32 $0x80, s3;
	v4 =	vld.idx.msk [tilespmem:v7+s17+$0x0], $0xffff;
	[tilespmem:s1+$0xFFFFFFD0] =	vst v8  }
0x83d: {  	[tilespmem:s1+$0xFFFFFFE0] =	vst v5  }
0x83e: {  	[tilespmem:s1+$0xFFFFFFF0] =	vst v3  }
0x83f: {  	[tilespmem:s1+$0x0] =	vst v0  }
0x840: {  	[tilespmem:s1+$0x10] =	vst v1  }
0x841: {  	[tilespmem:s1+$0x20] =	vst v2  }
0x842: {  	[tilespmem:s1+$0xFFFFFFC0] =	vst v4  }
0x843: {  	[hbm4b:s7+s19] =	stream.strided.scatter [tilespmem:s23], [sflag:$0x3], $0x1000, s20, s19, $0x38;
	[tilespmem:$0x1E700] =	vst v63  }
0x844: {  	_ =	swait.ge [sflag:s26], $0x1000  }
0x845: {  	[sflag:s26] =	ssyncset.done $0x0  }
0x846: {  	s30 =	simm.s32 $0x1B770;
	[sflag:s26] =	ssyncadd.s32 $0xFFFFF000  }
0x847: {  	v0 =	vld [tilespmem:s30+$0x0]  }
0x848: {  	v1 =	vld [tilespmem:s30+$0xFFFFFFA0]  }
0x849: {  	v2 =	vld [tilespmem:s30+$0xFFFFFFB0]  }
0x84a: {  	v3 =	vld [tilespmem:s30+$0xFFFFFFC0]  }
0x84b: {  	v4 =	vld [tilespmem:s30+$0xFFFFFFD0]  }
0x84c: {  	v6 =	vld [tilespmem:s30+$0xFFFFFFE0]  }
0x84d: {  	v7 =	vld [tilespmem:s30+$0xFFFFFFF0]  }
0x84e: {  	v8 =	vld [tilespmem:s30+$0xFFFFFF90]  }
0x84f: {  	v9 =	vld.idx.msk [tilespmem:v0+s17+$0x0], $0xffff  }
0x850: {  	v10 =	vld.idx.msk [tilespmem:v1+s17+$0x0], $0xffff  }
0x851: {  	v5 =	vld.idx.msk [tilespmem:v2+s17+$0x0], $0xffff  }
0x852: {  	v3 =	vld.idx.msk [tilespmem:v3+s17+$0x0], $0xffff  }
0x853: {  	v0 =	vld.idx.msk [tilespmem:v4+s17+$0x0], $0xffff  }
0x854: {  	s1 =	simm.s32 $0x1D740;
	v1 =	vld.idx.msk [tilespmem:v6+s17+$0x0], $0xffff  }
0x855: {  	v2 =	vld.idx.msk [tilespmem:v7+s17+$0x0], $0xffff;
	[tilespmem:s1+$0x30] =	vst v9  }
0x856: {  	s2 =	simm.s32 $0x0;
	s3 =	simm.s32 $0x1B7F0;
	v4 =	vld.idx.msk [tilespmem:v8+s17+$0x0], $0xffff;
	[tilespmem:s1+$0xFFFFFFD0] =	vst v10  }
.LBB2_88:
0x857: {  	v6 =	vld [tilespmem:s3+$0x0];
	s2 =	sadd.s32 $0x80, s2;
	[tilespmem:s1+$0xFFFFFFE0] =	vst v5  }
0x858: {  	v5 =	vld [tilespmem:s3+$0xFFFFFFA0];
	p5 =	slt.u32 s2, $0xF80;
	[tilespmem:s1+$0xFFFFFFF0] =	vst v3  }
0x859: {  	v3 =	vld [tilespmem:s3+$0xFFFFFFB0];
	[tilespmem:s1+$0x0] =	vst v0  }
0x85a: {  	v0 =	vld [tilespmem:s3+$0xFFFFFFC0];
	[tilespmem:s1+$0x10] =	vst v1  }
0x85b: {  	v1 =	vld [tilespmem:s3+$0xFFFFFFD0];
	[tilespmem:s1+$0x20] =	vst v2  }
0x85c: {  	v2 =	vld [tilespmem:s3+$0xFFFFFFE0];
	[tilespmem:s1+$0xFFFFFFC0] =	vst v4  }
0x85d: {  	v4 =	vld [tilespmem:s3+$0xFFFFFFF0]  }
0x85e: {  	v7 =	vld [tilespmem:s3+$0xFFFFFF90]  }
0x85f: {  	v6 =	vld.idx.msk [tilespmem:v6+s17+$0x0], $0xffff  }
0x860: {  	v8 =	vld.idx.msk [tilespmem:v5+s17+$0x0], $0xffff  }
0x861: {  	v5 =	vld.idx.msk [tilespmem:v3+s17+$0x0], $0xffff  }
.Ltmp43:
0x862: {  	v3 =	vld.idx.msk [tilespmem:v0+s17+$0x0], $0xffff;
	(pc) =	sbr.rel @p5 .LBB2_88-.Ltmp43, $4  }
0x863: {  	v0 =	vld.idx.msk [tilespmem:v1+s17+$0x0], $0xffff  }
0x864: {  	s1 =	sadd.s32 $0x80, s1;
	v1 =	vld.idx.msk [tilespmem:v2+s17+$0x0], $0xffff  }
0x865: {  	v2 =	vld.idx.msk [tilespmem:v4+s17+$0x0], $0xffff;
	[tilespmem:s1+$0x30] =	vst v6  }
0x866: {  	s3 =	sadd.s32 $0x80, s3;
	v4 =	vld.idx.msk [tilespmem:v7+s17+$0x0], $0xffff;
	[tilespmem:s1+$0xFFFFFFD0] =	vst v8  }
0x867: {  	[tilespmem:s1+$0xFFFFFFE0] =	vst v5  }
0x868: {  	[tilespmem:s1+$0xFFFFFFF0] =	vst v3  }
0x869: {  	[tilespmem:s1+$0x0] =	vst v0  }
0x86a: {  	[tilespmem:s1+$0x10] =	vst v1  }
0x86b: {  	[tilespmem:s1+$0x20] =	vst v2  }
0x86c: {  	[tilespmem:s1+$0xFFFFFFC0] =	vst v4  }
0x86d: {  	[hbm4b:s8+s19] =	stream.strided.scatter [tilespmem:s24], [sflag:$0x4], $0x1000, s20, s19, $0x38;
	[tilespmem:$0x1E700] =	vst v63  }
0x86e: {  	s2 =	simm.s32 @!p3 $0x400;
	s1 =	rddreg [dreg:$0x19]  }
0x86f: {  	[tilespmem:s17], [sflag:$0x1] =	stream.strided.gather [hbm4b:s1+s19], $0x18700, s20, s19, $0x38;
	[tilespmem:$0x1E700] =	vst v63  }
0x870: {  	s3 =	simm.s32 @!p3 $0x18700;
	s30 =	rddreg [dreg:$0xd];
	s1 =	simm.s32 @!p3 $0x80  }
0x871: {  	[tilespmem:s3], [sflag:$0x2] =	stream.strided.gather @!p3 [hbm4b:s30+s1], $0x4000, s2, s1, $0x38;
	[tilespmem:$0x1E700] =	vst v63  }
0x872: {  	s1 =	simm.s32 @!p3 $0x2  }
0x873: {  	_ =	swait.ge @!p3 [sflag:s1], $0x4000  }
0x874: {  	[sflag:s1] =	ssyncset.done @!p3 $0x0  }
0x875: {  	[sflag:s1] =	ssyncadd.s32 @!p3 $0xFFFFC000  }
0x876: {  	_ =	swait.ge [sflag:s22], $0x18700  }
0x877: {  	[sflag:s22] =	ssyncset.done $0x0  }
0x878: {  	[sflag:s22] =	ssyncadd.s32 $0xFFFE7900  }
0x879: {  	_ =	swait.ge [sflag:s25], $0x1000  }
0x87a: {  	[sflag:s25] =	ssyncset.done $0x0  }
0x87b: {  	s30 =	simm.s32 $0x18740;
	[sflag:s25] =	ssyncadd.s32 $0xFFFFF000  }
0x87c: {  	v0 =	vld [tilespmem:s30+$0x30]  }
0x87d: {  	v1 =	vld [tilespmem:s30+$0xFFFFFFD0]  }
0x87e: {  	v2 =	vld [tilespmem:s30+$0xFFFFFFE0]  }
0x87f: {  	v3 =	vld [tilespmem:s30+$0xFFFFFFF0]  }
0x880: {  	v4 =	vld [tilespmem:s30+$0x0]  }
0x881: {  	v6 =	vld [tilespmem:s30+$0x10]  }
0x882: {  	v7 =	vld [tilespmem:s30+$0x20]  }
0x883: {  	v8 =	vld [tilespmem:s30+$0xFFFFFFC0]  }
0x884: {  	v9 =	vld.idx.msk [tilespmem:v0+s17+$0x0], $0xffff  }
0x885: {  	v10 =	vld.idx.msk [tilespmem:v1+s17+$0x0], $0xffff  }
0x886: {  	v5 =	vld.idx.msk [tilespmem:v2+s17+$0x0], $0xffff  }
0x887: {  	v3 =	vld.idx.msk [tilespmem:v3+s17+$0x0], $0xffff  }
0x888: {  	v0 =	vld.idx.msk [tilespmem:v4+s17+$0x0], $0xffff  }
0x889: {  	s1 =	simm.s32 $0x1C740;
	v1 =	vld.idx.msk [tilespmem:v6+s17+$0x0], $0xffff  }
0x88a: {  	v2 =	vld.idx.msk [tilespmem:v7+s17+$0x0], $0xffff;
	[tilespmem:s1+$0x30] =	vst v9  }
0x88b: {  	s2 =	simm.s32 $0x0;
	s3 =	simm.s32 $0x187C0;
	v4 =	vld.idx.msk [tilespmem:v8+s17+$0x0], $0xffff;
	[tilespmem:s1+$0xFFFFFFD0] =	vst v10  }
.LBB2_90:
0x88c: {  	v6 =	vld [tilespmem:s3+$0x30];
	s2 =	sadd.s32 $0x80, s2;
	[tilespmem:s1+$0xFFFFFFE0] =	vst v5  }
0x88d: {  	v5 =	vld [tilespmem:s3+$0xFFFFFFD0];
	p5 =	slt.u32 s2, $0xF80;
	[tilespmem:s1+$0xFFFFFFF0] =	vst v3  }
0x88e: {  	v3 =	vld [tilespmem:s3+$0xFFFFFFE0];
	[tilespmem:s1+$0x0] =	vst v0  }
0x88f: {  	v0 =	vld [tilespmem:s3+$0xFFFFFFF0];
	[tilespmem:s1+$0x10] =	vst v1  }
0x890: {  	v1 =	vld [tilespmem:s3+$0x0];
	[tilespmem:s1+$0x20] =	vst v2  }
0x891: {  	v2 =	vld [tilespmem:s3+$0x10];
	[tilespmem:s1+$0xFFFFFFC0] =	vst v4  }
0x892: {  	v4 =	vld [tilespmem:s3+$0x20]  }
0x893: {  	v7 =	vld [tilespmem:s3+$0xFFFFFFC0]  }
0x894: {  	v6 =	vld.idx.msk [tilespmem:v6+s17+$0x0], $0xffff  }
0x895: {  	v8 =	vld.idx.msk [tilespmem:v5+s17+$0x0], $0xffff  }
0x896: {  	v5 =	vld.idx.msk [tilespmem:v3+s17+$0x0], $0xffff  }
.Ltmp44:
0x897: {  	v3 =	vld.idx.msk [tilespmem:v0+s17+$0x0], $0xffff;
	(pc) =	sbr.rel @p5 .LBB2_90-.Ltmp44, $4  }
0x898: {  	v0 =	vld.idx.msk [tilespmem:v1+s17+$0x0], $0xffff  }
0x899: {  	s1 =	sadd.s32 $0x80, s1;
	v1 =	vld.idx.msk [tilespmem:v2+s17+$0x0], $0xffff  }
0x89a: {  	v2 =	vld.idx.msk [tilespmem:v4+s17+$0x0], $0xffff;
	[tilespmem:s1+$0x30] =	vst v6  }
0x89b: {  	s3 =	sadd.s32 $0x80, s3;
	v4 =	vld.idx.msk [tilespmem:v7+s17+$0x0], $0xffff;
	[tilespmem:s1+$0xFFFFFFD0] =	vst v8  }
0x89c: {  	[tilespmem:s1+$0xFFFFFFE0] =	vst v5  }
0x89d: {  	[tilespmem:s1+$0xFFFFFFF0] =	vst v3  }
0x89e: {  	[tilespmem:s1+$0x0] =	vst v0  }
0x89f: {  	[tilespmem:s1+$0x10] =	vst v1  }
0x8a0: {  	[tilespmem:s1+$0x20] =	vst v2  }
0x8a1: {  	[tilespmem:s1+$0xFFFFFFC0] =	vst v4  }
0x8a2: {  	[hbm4b:s9+s19] =	stream.strided.scatter [tilespmem:s23], [sflag:$0x3], $0x1000, s20, s19, $0x38;
	[tilespmem:$0x1E700] =	vst v63  }
0x8a3: {  	_ =	swait.ge [sflag:s26], $0x1000  }
0x8a4: {  	[sflag:s26] =	ssyncset.done $0x0  }
0x8a5: {  	s30 =	simm.s32 $0x19770;
	[sflag:s26] =	ssyncadd.s32 $0xFFFFF000  }
0x8a6: {  	v0 =	vld [tilespmem:s30+$0x0]  }
0x8a7: {  	v1 =	vld [tilespmem:s30+$0xFFFFFFA0]  }
0x8a8: {  	v2 =	vld [tilespmem:s30+$0xFFFFFFB0]  }
0x8a9: {  	v3 =	vld [tilespmem:s30+$0xFFFFFFC0]  }
0x8aa: {  	v4 =	vld [tilespmem:s30+$0xFFFFFFD0]  }
0x8ab: {  	v6 =	vld [tilespmem:s30+$0xFFFFFFE0]  }
0x8ac: {  	v7 =	vld [tilespmem:s30+$0xFFFFFFF0]  }
0x8ad: {  	v8 =	vld [tilespmem:s30+$0xFFFFFF90]  }
0x8ae: {  	v9 =	vld.idx.msk [tilespmem:v0+s17+$0x0], $0xffff  }
0x8af: {  	v10 =	vld.idx.msk [tilespmem:v1+s17+$0x0], $0xffff  }
0x8b0: {  	v5 =	vld.idx.msk [tilespmem:v2+s17+$0x0], $0xffff  }
0x8b1: {  	v3 =	vld.idx.msk [tilespmem:v3+s17+$0x0], $0xffff  }
0x8b2: {  	v0 =	vld.idx.msk [tilespmem:v4+s17+$0x0], $0xffff  }
0x8b3: {  	s1 =	simm.s32 $0x1D740;
	v1 =	vld.idx.msk [tilespmem:v6+s17+$0x0], $0xffff  }
0x8b4: {  	v2 =	vld.idx.msk [tilespmem:v7+s17+$0x0], $0xffff;
	[tilespmem:s1+$0x30] =	vst v9  }
0x8b5: {  	s2 =	simm.s32 $0x0;
	s3 =	simm.s32 $0x197F0;
	v4 =	vld.idx.msk [tilespmem:v8+s17+$0x0], $0xffff;
	[tilespmem:s1+$0xFFFFFFD0] =	vst v10  }
.LBB2_92:
0x8b6: {  	v6 =	vld [tilespmem:s3+$0x0];
	s2 =	sadd.s32 $0x80, s2;
	[tilespmem:s1+$0xFFFFFFE0] =	vst v5  }
0x8b7: {  	v5 =	vld [tilespmem:s3+$0xFFFFFFA0];
	p5 =	slt.u32 s2, $0xF80;
	[tilespmem:s1+$0xFFFFFFF0] =	vst v3  }
0x8b8: {  	v3 =	vld [tilespmem:s3+$0xFFFFFFB0];
	[tilespmem:s1+$0x0] =	vst v0  }
0x8b9: {  	v0 =	vld [tilespmem:s3+$0xFFFFFFC0];
	[tilespmem:s1+$0x10] =	vst v1  }
0x8ba: {  	v1 =	vld [tilespmem:s3+$0xFFFFFFD0];
	[tilespmem:s1+$0x20] =	vst v2  }
0x8bb: {  	v2 =	vld [tilespmem:s3+$0xFFFFFFE0];
	[tilespmem:s1+$0xFFFFFFC0] =	vst v4  }
0x8bc: {  	v4 =	vld [tilespmem:s3+$0xFFFFFFF0]  }
0x8bd: {  	v7 =	vld [tilespmem:s3+$0xFFFFFF90]  }
0x8be: {  	v6 =	vld.idx.msk [tilespmem:v6+s17+$0x0], $0xffff  }
0x8bf: {  	v8 =	vld.idx.msk [tilespmem:v5+s17+$0x0], $0xffff  }
0x8c0: {  	v5 =	vld.idx.msk [tilespmem:v3+s17+$0x0], $0xffff  }
.Ltmp45:
0x8c1: {  	v3 =	vld.idx.msk [tilespmem:v0+s17+$0x0], $0xffff;
	(pc) =	sbr.rel @p5 .LBB2_92-.Ltmp45, $4  }
0x8c2: {  	v0 =	vld.idx.msk [tilespmem:v1+s17+$0x0], $0xffff  }
0x8c3: {  	s1 =	sadd.s32 $0x80, s1;
	v1 =	vld.idx.msk [tilespmem:v2+s17+$0x0], $0xffff  }
0x8c4: {  	v2 =	vld.idx.msk [tilespmem:v4+s17+$0x0], $0xffff;
	[tilespmem:s1+$0x30] =	vst v6  }
0x8c5: {  	s3 =	sadd.s32 $0x80, s3;
	v4 =	vld.idx.msk [tilespmem:v7+s17+$0x0], $0xffff;
	[tilespmem:s1+$0xFFFFFFD0] =	vst v8  }
0x8c6: {  	[tilespmem:s1+$0xFFFFFFE0] =	vst v5  }
0x8c7: {  	[tilespmem:s1+$0xFFFFFFF0] =	vst v3  }
0x8c8: {  	[tilespmem:s1+$0x0] =	vst v0  }
0x8c9: {  	[tilespmem:s1+$0x10] =	vst v1  }
0x8ca: {  	[tilespmem:s1+$0x20] =	vst v2  }
0x8cb: {  	[tilespmem:s1+$0xFFFFFFC0] =	vst v4  }
0x8cc: {  	[hbm4b:s10+s19] =	stream.strided.scatter [tilespmem:s24], [sflag:$0x4], $0x1000, s20, s19, $0x38;
	[tilespmem:$0x1E700] =	vst v63  }
0x8cd: {  	_ =	swait.ge [sflag:s25], $0x1000  }
0x8ce: {  	[sflag:s25] =	ssyncset.done $0x0  }
0x8cf: {  	s30 =	simm.s32 $0x1A770;
	[sflag:s25] =	ssyncadd.s32 $0xFFFFF000  }
0x8d0: {  	v0 =	vld [tilespmem:s30+$0x0]  }
0x8d1: {  	v1 =	vld [tilespmem:s30+$0xFFFFFFA0]  }
0x8d2: {  	v2 =	vld [tilespmem:s30+$0xFFFFFFB0]  }
0x8d3: {  	v3 =	vld [tilespmem:s30+$0xFFFFFFC0]  }
0x8d4: {  	v4 =	vld [tilespmem:s30+$0xFFFFFFD0]  }
0x8d5: {  	v6 =	vld [tilespmem:s30+$0xFFFFFFE0]  }
0x8d6: {  	v7 =	vld [tilespmem:s30+$0xFFFFFFF0]  }
0x8d7: {  	v8 =	vld [tilespmem:s30+$0xFFFFFF90]  }
0x8d8: {  	v9 =	vld.idx.msk [tilespmem:v0+s17+$0x0], $0xffff  }
0x8d9: {  	v10 =	vld.idx.msk [tilespmem:v1+s17+$0x0], $0xffff  }
0x8da: {  	v5 =	vld.idx.msk [tilespmem:v2+s17+$0x0], $0xffff  }
0x8db: {  	v3 =	vld.idx.msk [tilespmem:v3+s17+$0x0], $0xffff  }
0x8dc: {  	v0 =	vld.idx.msk [tilespmem:v4+s17+$0x0], $0xffff  }
0x8dd: {  	s1 =	simm.s32 $0x1C740;
	v1 =	vld.idx.msk [tilespmem:v6+s17+$0x0], $0xffff  }
0x8de: {  	v2 =	vld.idx.msk [tilespmem:v7+s17+$0x0], $0xffff;
	[tilespmem:s1+$0x30] =	vst v9  }
0x8df: {  	s2 =	simm.s32 $0x0;
	s3 =	simm.s32 $0x1A7F0;
	v4 =	vld.idx.msk [tilespmem:v8+s17+$0x0], $0xffff;
	[tilespmem:s1+$0xFFFFFFD0] =	vst v10  }
.LBB2_94:
0x8e0: {  	v6 =	vld [tilespmem:s3+$0x0];
	s2 =	sadd.s32 $0x80, s2;
	[tilespmem:s1+$0xFFFFFFE0] =	vst v5  }
0x8e1: {  	v5 =	vld [tilespmem:s3+$0xFFFFFFA0];
	p5 =	slt.u32 s2, $0xF80;
	[tilespmem:s1+$0xFFFFFFF0] =	vst v3  }
0x8e2: {  	v3 =	vld [tilespmem:s3+$0xFFFFFFB0];
	[tilespmem:s1+$0x0] =	vst v0  }
0x8e3: {  	v0 =	vld [tilespmem:s3+$0xFFFFFFC0];
	[tilespmem:s1+$0x10] =	vst v1  }
0x8e4: {  	v1 =	vld [tilespmem:s3+$0xFFFFFFD0];
	[tilespmem:s1+$0x20] =	vst v2  }
0x8e5: {  	v2 =	vld [tilespmem:s3+$0xFFFFFFE0];
	[tilespmem:s1+$0xFFFFFFC0] =	vst v4  }
0x8e6: {  	v4 =	vld [tilespmem:s3+$0xFFFFFFF0]  }
0x8e7: {  	v7 =	vld [tilespmem:s3+$0xFFFFFF90]  }
0x8e8: {  	v6 =	vld.idx.msk [tilespmem:v6+s17+$0x0], $0xffff  }
0x8e9: {  	v8 =	vld.idx.msk [tilespmem:v5+s17+$0x0], $0xffff  }
0x8ea: {  	v5 =	vld.idx.msk [tilespmem:v3+s17+$0x0], $0xffff  }
.Ltmp46:
0x8eb: {  	v3 =	vld.idx.msk [tilespmem:v0+s17+$0x0], $0xffff;
	(pc) =	sbr.rel @p5 .LBB2_94-.Ltmp46, $4  }
0x8ec: {  	v0 =	vld.idx.msk [tilespmem:v1+s17+$0x0], $0xffff  }
0x8ed: {  	s1 =	sadd.s32 $0x80, s1;
	v1 =	vld.idx.msk [tilespmem:v2+s17+$0x0], $0xffff  }
0x8ee: {  	v2 =	vld.idx.msk [tilespmem:v4+s17+$0x0], $0xffff;
	[tilespmem:s1+$0x30] =	vst v6  }
0x8ef: {  	s3 =	sadd.s32 $0x80, s3;
	v4 =	vld.idx.msk [tilespmem:v7+s17+$0x0], $0xffff;
	[tilespmem:s1+$0xFFFFFFD0] =	vst v8  }
0x8f0: {  	[tilespmem:s1+$0xFFFFFFE0] =	vst v5  }
0x8f1: {  	[tilespmem:s1+$0xFFFFFFF0] =	vst v3  }
0x8f2: {  	[tilespmem:s1+$0x0] =	vst v0  }
0x8f3: {  	[tilespmem:s1+$0x10] =	vst v1  }
0x8f4: {  	[tilespmem:s1+$0x20] =	vst v2  }
0x8f5: {  	[tilespmem:s1+$0xFFFFFFC0] =	vst v4  }
0x8f6: {  	[hbm4b:s11+s19] =	stream.strided.scatter [tilespmem:s23], [sflag:$0x3], $0x1000, s20, s19, $0x38;
	[tilespmem:$0x1E700] =	vst v63  }
0x8f7: {  	_ =	swait.ge [sflag:s26], $0x1000  }
0x8f8: {  	[sflag:s26] =	ssyncset.done $0x0  }
0x8f9: {  	s30 =	simm.s32 $0x1B770;
	[sflag:s26] =	ssyncadd.s32 $0xFFFFF000  }
0x8fa: {  	v0 =	vld [tilespmem:s30+$0x0]  }
0x8fb: {  	v1 =	vld [tilespmem:s30+$0xFFFFFFA0]  }
0x8fc: {  	v2 =	vld [tilespmem:s30+$0xFFFFFFB0]  }
0x8fd: {  	v3 =	vld [tilespmem:s30+$0xFFFFFFC0]  }
0x8fe: {  	v4 =	vld [tilespmem:s30+$0xFFFFFFD0]  }
0x8ff: {  	v6 =	vld [tilespmem:s30+$0xFFFFFFE0]  }
0x900: {  	v7 =	vld [tilespmem:s30+$0xFFFFFFF0]  }
0x901: {  	v8 =	vld [tilespmem:s30+$0xFFFFFF90]  }
0x902: {  	v9 =	vld.idx.msk [tilespmem:v0+s17+$0x0], $0xffff  }
0x903: {  	v10 =	vld.idx.msk [tilespmem:v1+s17+$0x0], $0xffff  }
0x904: {  	v5 =	vld.idx.msk [tilespmem:v2+s17+$0x0], $0xffff  }
0x905: {  	v3 =	vld.idx.msk [tilespmem:v3+s17+$0x0], $0xffff  }
0x906: {  	v0 =	vld.idx.msk [tilespmem:v4+s17+$0x0], $0xffff  }
0x907: {  	s1 =	simm.s32 $0x1D740;
	v1 =	vld.idx.msk [tilespmem:v6+s17+$0x0], $0xffff  }
0x908: {  	v2 =	vld.idx.msk [tilespmem:v7+s17+$0x0], $0xffff;
	[tilespmem:s1+$0x30] =	vst v9  }
0x909: {  	s2 =	simm.s32 $0x0;
	s3 =	simm.s32 $0x1B7F0;
	v4 =	vld.idx.msk [tilespmem:v8+s17+$0x0], $0xffff;
	[tilespmem:s1+$0xFFFFFFD0] =	vst v10  }
.LBB2_96:
0x90a: {  	v6 =	vld [tilespmem:s3+$0x0];
	s2 =	sadd.s32 $0x80, s2;
	[tilespmem:s1+$0xFFFFFFE0] =	vst v5  }
0x90b: {  	v5 =	vld [tilespmem:s3+$0xFFFFFFA0];
	p5 =	slt.u32 s2, $0xF80;
	[tilespmem:s1+$0xFFFFFFF0] =	vst v3  }
0x90c: {  	v3 =	vld [tilespmem:s3+$0xFFFFFFB0];
	[tilespmem:s1+$0x0] =	vst v0  }
0x90d: {  	v0 =	vld [tilespmem:s3+$0xFFFFFFC0];
	[tilespmem:s1+$0x10] =	vst v1  }
0x90e: {  	v1 =	vld [tilespmem:s3+$0xFFFFFFD0];
	[tilespmem:s1+$0x20] =	vst v2  }
0x90f: {  	v2 =	vld [tilespmem:s3+$0xFFFFFFE0];
	[tilespmem:s1+$0xFFFFFFC0] =	vst v4  }
0x910: {  	v4 =	vld [tilespmem:s3+$0xFFFFFFF0]  }
0x911: {  	v7 =	vld [tilespmem:s3+$0xFFFFFF90]  }
0x912: {  	v6 =	vld.idx.msk [tilespmem:v6+s17+$0x0], $0xffff  }
0x913: {  	v8 =	vld.idx.msk [tilespmem:v5+s17+$0x0], $0xffff  }
0x914: {  	v5 =	vld.idx.msk [tilespmem:v3+s17+$0x0], $0xffff  }
.Ltmp47:
0x915: {  	v3 =	vld.idx.msk [tilespmem:v0+s17+$0x0], $0xffff;
	(pc) =	sbr.rel @p5 .LBB2_96-.Ltmp47, $4  }
0x916: {  	v0 =	vld.idx.msk [tilespmem:v1+s17+$0x0], $0xffff  }
0x917: {  	s1 =	sadd.s32 $0x80, s1;
	v1 =	vld.idx.msk [tilespmem:v2+s17+$0x0], $0xffff  }
0x918: {  	v2 =	vld.idx.msk [tilespmem:v4+s17+$0x0], $0xffff;
	[tilespmem:s1+$0x30] =	vst v6  }
0x919: {  	s3 =	sadd.s32 $0x80, s3;
	v4 =	vld.idx.msk [tilespmem:v7+s17+$0x0], $0xffff;
	[tilespmem:s1+$0xFFFFFFD0] =	vst v8  }
0x91a: {  	[tilespmem:s1+$0xFFFFFFE0] =	vst v5  }
0x91b: {  	[tilespmem:s1+$0xFFFFFFF0] =	vst v3  }
0x91c: {  	[tilespmem:s1+$0x0] =	vst v0  }
0x91d: {  	[tilespmem:s1+$0x10] =	vst v1  }
0x91e: {  	[tilespmem:s1+$0x20] =	vst v2  }
0x91f: {  	[tilespmem:s1+$0xFFFFFFC0] =	vst v4  }
0x920: {  	[hbm4b:s12+s19] =	stream.strided.scatter [tilespmem:s24], [sflag:$0x4], $0x1000, s20, s19, $0x38;
	[tilespmem:$0x1E700] =	vst v63  }
0x921: {  	s2 =	simm.s32 @!p4 $0x400;
	s1 =	rddreg [dreg:$0x1a]  }
0x922: {  	[tilespmem:s17], [sflag:$0x1] =	stream.strided.gather [hbm4b:s1+s19], $0x18700, s20, s19, $0x38;
	[tilespmem:$0x1E700] =	vst v63  }
0x923: {  	s3 =	simm.s32 @!p4 $0x18700;
	s30 =	rddreg [dreg:$0x1b];
	s1 =	simm.s32 @!p4 $0x80  }
0x924: {  	[tilespmem:s3], [sflag:$0x2] =	stream.strided.gather @!p4 [hbm4b:s30+s1], $0x4000, s2, s1, $0x38;
	[tilespmem:$0x1E700] =	vst v63  }
0x925: {  	s1 =	simm.s32 @!p4 $0x2  }
0x926: {  	_ =	swait.ge @!p4 [sflag:s1], $0x4000  }
0x927: {  	[sflag:s1] =	ssyncset.done @!p4 $0x0  }
0x928: {  	[sflag:s1] =	ssyncadd.s32 @!p4 $0xFFFFC000  }
0x929: {  	_ =	swait.ge [sflag:s22], $0x18700  }
0x92a: {  	[sflag:s22] =	ssyncset.done $0x0  }
0x92b: {  	[sflag:s22] =	ssyncadd.s32 $0xFFFE7900  }
0x92c: {  	_ =	swait.ge [sflag:s25], $0x1000  }
0x92d: {  	[sflag:s25] =	ssyncset.done $0x0  }
0x92e: {  	s30 =	simm.s32 $0x18740;
	[sflag:s25] =	ssyncadd.s32 $0xFFFFF000  }
0x92f: {  	v0 =	vld [tilespmem:s30+$0x30]  }
0x930: {  	v1 =	vld [tilespmem:s30+$0xFFFFFFD0]  }
0x931: {  	v2 =	vld [tilespmem:s30+$0xFFFFFFE0]  }
0x932: {  	v3 =	vld [tilespmem:s30+$0xFFFFFFF0]  }
0x933: {  	v4 =	vld [tilespmem:s30+$0x0]  }
0x934: {  	v6 =	vld [tilespmem:s30+$0x10]  }
0x935: {  	v7 =	vld [tilespmem:s30+$0x20]  }
0x936: {  	v8 =	vld [tilespmem:s30+$0xFFFFFFC0]  }
0x937: {  	v9 =	vld.idx.msk [tilespmem:v0+s17+$0x0], $0xffff  }
0x938: {  	v10 =	vld.idx.msk [tilespmem:v1+s17+$0x0], $0xffff  }
0x939: {  	v5 =	vld.idx.msk [tilespmem:v2+s17+$0x0], $0xffff  }
0x93a: {  	v3 =	vld.idx.msk [tilespmem:v3+s17+$0x0], $0xffff  }
0x93b: {  	v0 =	vld.idx.msk [tilespmem:v4+s17+$0x0], $0xffff  }
0x93c: {  	s1 =	simm.s32 $0x1C740;
	v1 =	vld.idx.msk [tilespmem:v6+s17+$0x0], $0xffff  }
0x93d: {  	v2 =	vld.idx.msk [tilespmem:v7+s17+$0x0], $0xffff;
	[tilespmem:s1+$0x30] =	vst v9  }
0x93e: {  	s2 =	simm.s32 $0x0;
	s3 =	simm.s32 $0x187C0;
	v4 =	vld.idx.msk [tilespmem:v8+s17+$0x0], $0xffff;
	[tilespmem:s1+$0xFFFFFFD0] =	vst v10  }
.LBB2_98:
0x93f: {  	v6 =	vld [tilespmem:s3+$0x30];
	s2 =	sadd.s32 $0x80, s2;
	[tilespmem:s1+$0xFFFFFFE0] =	vst v5  }
0x940: {  	v5 =	vld [tilespmem:s3+$0xFFFFFFD0];
	p5 =	slt.u32 s2, $0xF80;
	[tilespmem:s1+$0xFFFFFFF0] =	vst v3  }
0x941: {  	v3 =	vld [tilespmem:s3+$0xFFFFFFE0];
	[tilespmem:s1+$0x0] =	vst v0  }
0x942: {  	v0 =	vld [tilespmem:s3+$0xFFFFFFF0];
	[tilespmem:s1+$0x10] =	vst v1  }
0x943: {  	v1 =	vld [tilespmem:s3+$0x0];
	[tilespmem:s1+$0x20] =	vst v2  }
0x944: {  	v2 =	vld [tilespmem:s3+$0x10];
	[tilespmem:s1+$0xFFFFFFC0] =	vst v4  }
0x945: {  	v4 =	vld [tilespmem:s3+$0x20]  }
0x946: {  	v7 =	vld [tilespmem:s3+$0xFFFFFFC0]  }
0x947: {  	v6 =	vld.idx.msk [tilespmem:v6+s17+$0x0], $0xffff  }
0x948: {  	v8 =	vld.idx.msk [tilespmem:v5+s17+$0x0], $0xffff  }
0x949: {  	v5 =	vld.idx.msk [tilespmem:v3+s17+$0x0], $0xffff  }
.Ltmp48:
0x94a: {  	v3 =	vld.idx.msk [tilespmem:v0+s17+$0x0], $0xffff;
	(pc) =	sbr.rel @p5 .LBB2_98-.Ltmp48, $4  }
0x94b: {  	v0 =	vld.idx.msk [tilespmem:v1+s17+$0x0], $0xffff  }
0x94c: {  	s1 =	sadd.s32 $0x80, s1;
	v1 =	vld.idx.msk [tilespmem:v2+s17+$0x0], $0xffff  }
0x94d: {  	v2 =	vld.idx.msk [tilespmem:v4+s17+$0x0], $0xffff;
	[tilespmem:s1+$0x30] =	vst v6  }
0x94e: {  	s3 =	sadd.s32 $0x80, s3;
	v4 =	vld.idx.msk [tilespmem:v7+s17+$0x0], $0xffff;
	[tilespmem:s1+$0xFFFFFFD0] =	vst v8  }
0x94f: {  	[tilespmem:s1+$0xFFFFFFE0] =	vst v5  }
0x950: {  	[tilespmem:s1+$0xFFFFFFF0] =	vst v3  }
0x951: {  	[tilespmem:s1+$0x0] =	vst v0  }
0x952: {  	[tilespmem:s1+$0x10] =	vst v1  }
0x953: {  	[tilespmem:s1+$0x20] =	vst v2  }
0x954: {  	[tilespmem:s1+$0xFFFFFFC0] =	vst v4  }
0x955: {  	[hbm4b:s13+s19] =	stream.strided.scatter [tilespmem:s23], [sflag:$0x3], $0x1000, s20, s19, $0x38;
	[tilespmem:$0x1E700] =	vst v63  }
0x956: {  	_ =	swait.ge [sflag:s26], $0x1000  }
0x957: {  	[sflag:s26] =	ssyncset.done $0x0  }
0x958: {  	s30 =	simm.s32 $0x19770;
	[sflag:s26] =	ssyncadd.s32 $0xFFFFF000  }
0x959: {  	v0 =	vld [tilespmem:s30+$0x0]  }
0x95a: {  	v1 =	vld [tilespmem:s30+$0xFFFFFFA0]  }
0x95b: {  	v2 =	vld [tilespmem:s30+$0xFFFFFFB0]  }
0x95c: {  	v3 =	vld [tilespmem:s30+$0xFFFFFFC0]  }
0x95d: {  	v4 =	vld [tilespmem:s30+$0xFFFFFFD0]  }
0x95e: {  	v6 =	vld [tilespmem:s30+$0xFFFFFFE0]  }
0x95f: {  	v7 =	vld [tilespmem:s30+$0xFFFFFFF0]  }
0x960: {  	v8 =	vld [tilespmem:s30+$0xFFFFFF90]  }
0x961: {  	v9 =	vld.idx.msk [tilespmem:v0+s17+$0x0], $0xffff  }
0x962: {  	v10 =	vld.idx.msk [tilespmem:v1+s17+$0x0], $0xffff  }
0x963: {  	v5 =	vld.idx.msk [tilespmem:v2+s17+$0x0], $0xffff  }
0x964: {  	v3 =	vld.idx.msk [tilespmem:v3+s17+$0x0], $0xffff  }
0x965: {  	v0 =	vld.idx.msk [tilespmem:v4+s17+$0x0], $0xffff  }
0x966: {  	s1 =	simm.s32 $0x1D740;
	v1 =	vld.idx.msk [tilespmem:v6+s17+$0x0], $0xffff  }
0x967: {  	v2 =	vld.idx.msk [tilespmem:v7+s17+$0x0], $0xffff;
	[tilespmem:s1+$0x30] =	vst v9  }
0x968: {  	s2 =	simm.s32 $0x0;
	s3 =	simm.s32 $0x197F0;
	v4 =	vld.idx.msk [tilespmem:v8+s17+$0x0], $0xffff;
	[tilespmem:s1+$0xFFFFFFD0] =	vst v10  }
.LBB2_100:
0x969: {  	v6 =	vld [tilespmem:s3+$0x0];
	s2 =	sadd.s32 $0x80, s2;
	[tilespmem:s1+$0xFFFFFFE0] =	vst v5  }
0x96a: {  	v5 =	vld [tilespmem:s3+$0xFFFFFFA0];
	p5 =	slt.u32 s2, $0xF80;
	[tilespmem:s1+$0xFFFFFFF0] =	vst v3  }
0x96b: {  	v3 =	vld [tilespmem:s3+$0xFFFFFFB0];
	[tilespmem:s1+$0x0] =	vst v0  }
0x96c: {  	v0 =	vld [tilespmem:s3+$0xFFFFFFC0];
	[tilespmem:s1+$0x10] =	vst v1  }
0x96d: {  	v1 =	vld [tilespmem:s3+$0xFFFFFFD0];
	[tilespmem:s1+$0x20] =	vst v2  }
0x96e: {  	v2 =	vld [tilespmem:s3+$0xFFFFFFE0];
	[tilespmem:s1+$0xFFFFFFC0] =	vst v4  }
0x96f: {  	v4 =	vld [tilespmem:s3+$0xFFFFFFF0]  }
0x970: {  	v7 =	vld [tilespmem:s3+$0xFFFFFF90]  }
0x971: {  	v6 =	vld.idx.msk [tilespmem:v6+s17+$0x0], $0xffff  }
0x972: {  	v8 =	vld.idx.msk [tilespmem:v5+s17+$0x0], $0xffff  }
0x973: {  	v5 =	vld.idx.msk [tilespmem:v3+s17+$0x0], $0xffff  }
.Ltmp49:
0x974: {  	v3 =	vld.idx.msk [tilespmem:v0+s17+$0x0], $0xffff;
	(pc) =	sbr.rel @p5 .LBB2_100-.Ltmp49, $4  }
0x975: {  	v0 =	vld.idx.msk [tilespmem:v1+s17+$0x0], $0xffff  }
0x976: {  	s1 =	sadd.s32 $0x80, s1;
	v1 =	vld.idx.msk [tilespmem:v2+s17+$0x0], $0xffff  }
0x977: {  	v2 =	vld.idx.msk [tilespmem:v4+s17+$0x0], $0xffff;
	[tilespmem:s1+$0x30] =	vst v6  }
0x978: {  	s3 =	sadd.s32 $0x80, s3;
	v4 =	vld.idx.msk [tilespmem:v7+s17+$0x0], $0xffff;
	[tilespmem:s1+$0xFFFFFFD0] =	vst v8  }
0x979: {  	[tilespmem:s1+$0xFFFFFFE0] =	vst v5  }
0x97a: {  	[tilespmem:s1+$0xFFFFFFF0] =	vst v3  }
0x97b: {  	[tilespmem:s1+$0x0] =	vst v0  }
0x97c: {  	[tilespmem:s1+$0x10] =	vst v1  }
0x97d: {  	[tilespmem:s1+$0x20] =	vst v2  }
0x97e: {  	[tilespmem:s1+$0xFFFFFFC0] =	vst v4  }
0x97f: {  	[hbm4b:s14+s19] =	stream.strided.scatter [tilespmem:s24], [sflag:$0x4], $0x1000, s20, s19, $0x38;
	[tilespmem:$0x1E700] =	vst v63  }
0x980: {  	_ =	swait.ge [sflag:s25], $0x1000  }
0x981: {  	[sflag:s25] =	ssyncset.done $0x0  }
0x982: {  	s30 =	simm.s32 $0x1A770;
	[sflag:s25] =	ssyncadd.s32 $0xFFFFF000  }
0x983: {  	v0 =	vld [tilespmem:s30+$0x0]  }
0x984: {  	v1 =	vld [tilespmem:s30+$0xFFFFFFA0]  }
0x985: {  	v2 =	vld [tilespmem:s30+$0xFFFFFFB0]  }
0x986: {  	v3 =	vld [tilespmem:s30+$0xFFFFFFC0]  }
0x987: {  	v4 =	vld [tilespmem:s30+$0xFFFFFFD0]  }
0x988: {  	v6 =	vld [tilespmem:s30+$0xFFFFFFE0]  }
0x989: {  	v7 =	vld [tilespmem:s30+$0xFFFFFFF0]  }
0x98a: {  	v8 =	vld [tilespmem:s30+$0xFFFFFF90]  }
0x98b: {  	v9 =	vld.idx.msk [tilespmem:v0+s17+$0x0], $0xffff  }
0x98c: {  	v10 =	vld.idx.msk [tilespmem:v1+s17+$0x0], $0xffff  }
0x98d: {  	v5 =	vld.idx.msk [tilespmem:v2+s17+$0x0], $0xffff  }
0x98e: {  	v3 =	vld.idx.msk [tilespmem:v3+s17+$0x0], $0xffff  }
0x98f: {  	v0 =	vld.idx.msk [tilespmem:v4+s17+$0x0], $0xffff  }
0x990: {  	s1 =	simm.s32 $0x1C740;
	v1 =	vld.idx.msk [tilespmem:v6+s17+$0x0], $0xffff  }
0x991: {  	v2 =	vld.idx.msk [tilespmem:v7+s17+$0x0], $0xffff;
	[tilespmem:s1+$0x30] =	vst v9  }
0x992: {  	s2 =	simm.s32 $0x0;
	s3 =	simm.s32 $0x1A7F0;
	v4 =	vld.idx.msk [tilespmem:v8+s17+$0x0], $0xffff;
	[tilespmem:s1+$0xFFFFFFD0] =	vst v10  }
.LBB2_102:
0x993: {  	v6 =	vld [tilespmem:s3+$0x0];
	s2 =	sadd.s32 $0x80, s2;
	[tilespmem:s1+$0xFFFFFFE0] =	vst v5  }
0x994: {  	v5 =	vld [tilespmem:s3+$0xFFFFFFA0];
	p5 =	slt.u32 s2, $0xF80;
	[tilespmem:s1+$0xFFFFFFF0] =	vst v3  }
0x995: {  	v3 =	vld [tilespmem:s3+$0xFFFFFFB0];
	[tilespmem:s1+$0x0] =	vst v0  }
0x996: {  	v0 =	vld [tilespmem:s3+$0xFFFFFFC0];
	[tilespmem:s1+$0x10] =	vst v1  }
0x997: {  	v1 =	vld [tilespmem:s3+$0xFFFFFFD0];
	[tilespmem:s1+$0x20] =	vst v2  }
0x998: {  	v2 =	vld [tilespmem:s3+$0xFFFFFFE0];
	[tilespmem:s1+$0xFFFFFFC0] =	vst v4  }
0x999: {  	v4 =	vld [tilespmem:s3+$0xFFFFFFF0]  }
0x99a: {  	v7 =	vld [tilespmem:s3+$0xFFFFFF90]  }
0x99b: {  	v6 =	vld.idx.msk [tilespmem:v6+s17+$0x0], $0xffff  }
0x99c: {  	v8 =	vld.idx.msk [tilespmem:v5+s17+$0x0], $0xffff  }
0x99d: {  	v5 =	vld.idx.msk [tilespmem:v3+s17+$0x0], $0xffff  }
.Ltmp50:
0x99e: {  	v3 =	vld.idx.msk [tilespmem:v0+s17+$0x0], $0xffff;
	(pc) =	sbr.rel @p5 .LBB2_102-.Ltmp50, $4  }
0x99f: {  	v0 =	vld.idx.msk [tilespmem:v1+s17+$0x0], $0xffff  }
0x9a0: {  	s1 =	sadd.s32 $0x80, s1;
	v1 =	vld.idx.msk [tilespmem:v2+s17+$0x0], $0xffff  }
0x9a1: {  	v2 =	vld.idx.msk [tilespmem:v4+s17+$0x0], $0xffff;
	[tilespmem:s1+$0x30] =	vst v6  }
0x9a2: {  	s3 =	sadd.s32 $0x80, s3;
	v4 =	vld.idx.msk [tilespmem:v7+s17+$0x0], $0xffff;
	[tilespmem:s1+$0xFFFFFFD0] =	vst v8  }
0x9a3: {  	[tilespmem:s1+$0xFFFFFFE0] =	vst v5  }
0x9a4: {  	[tilespmem:s1+$0xFFFFFFF0] =	vst v3  }
0x9a5: {  	[tilespmem:s1+$0x0] =	vst v0  }
0x9a6: {  	[tilespmem:s1+$0x10] =	vst v1  }
0x9a7: {  	[tilespmem:s1+$0x20] =	vst v2  }
0x9a8: {  	[tilespmem:s1+$0xFFFFFFC0] =	vst v4  }
0x9a9: {  	[hbm4b:s15+s19] =	stream.strided.scatter [tilespmem:s23], [sflag:$0x3], $0x1000, s20, s19, $0x38;
	[tilespmem:$0x1E700] =	vst v63  }
0x9aa: {  	_ =	swait.ge [sflag:s26], $0x1000  }
0x9ab: {  	[sflag:s26] =	ssyncset.done $0x0  }
0x9ac: {  	s30 =	simm.s32 $0x1B770;
	[sflag:s26] =	ssyncadd.s32 $0xFFFFF000  }
0x9ad: {  	v0 =	vld [tilespmem:s30+$0x0]  }
0x9ae: {  	v1 =	vld [tilespmem:s30+$0xFFFFFFA0]  }
0x9af: {  	v2 =	vld [tilespmem:s30+$0xFFFFFFB0]  }
0x9b0: {  	v3 =	vld [tilespmem:s30+$0xFFFFFFC0]  }
0x9b1: {  	v4 =	vld [tilespmem:s30+$0xFFFFFFD0]  }
0x9b2: {  	v6 =	vld [tilespmem:s30+$0xFFFFFFE0]  }
0x9b3: {  	v7 =	vld [tilespmem:s30+$0xFFFFFFF0]  }
0x9b4: {  	v8 =	vld [tilespmem:s30+$0xFFFFFF90]  }
0x9b5: {  	v9 =	vld.idx.msk [tilespmem:v0+s17+$0x0], $0xffff  }
0x9b6: {  	v10 =	vld.idx.msk [tilespmem:v1+s17+$0x0], $0xffff  }
0x9b7: {  	v5 =	vld.idx.msk [tilespmem:v2+s17+$0x0], $0xffff  }
0x9b8: {  	v3 =	vld.idx.msk [tilespmem:v3+s17+$0x0], $0xffff  }
0x9b9: {  	v0 =	vld.idx.msk [tilespmem:v4+s17+$0x0], $0xffff  }
0x9ba: {  	s1 =	simm.s32 $0x1D740;
	v1 =	vld.idx.msk [tilespmem:v6+s17+$0x0], $0xffff  }
0x9bb: {  	v2 =	vld.idx.msk [tilespmem:v7+s17+$0x0], $0xffff;
	[tilespmem:s1+$0x30] =	vst v9  }
0x9bc: {  	s2 =	simm.s32 $0x0;
	s3 =	simm.s32 $0x1B7F0;
	v4 =	vld.idx.msk [tilespmem:v8+s17+$0x0], $0xffff;
	[tilespmem:s1+$0xFFFFFFD0] =	vst v10  }
.LBB2_104:
0x9bd: {  	v6 =	vld [tilespmem:s3+$0x0];
	s2 =	sadd.s32 $0x80, s2;
	[tilespmem:s1+$0xFFFFFFE0] =	vst v5  }
0x9be: {  	v5 =	vld [tilespmem:s3+$0xFFFFFFA0];
	p5 =	slt.u32 s2, $0xF80;
	[tilespmem:s1+$0xFFFFFFF0] =	vst v3  }
0x9bf: {  	v3 =	vld [tilespmem:s3+$0xFFFFFFB0];
	[tilespmem:s1+$0x0] =	vst v0  }
0x9c0: {  	v0 =	vld [tilespmem:s3+$0xFFFFFFC0];
	[tilespmem:s1+$0x10] =	vst v1  }
0x9c1: {  	v1 =	vld [tilespmem:s3+$0xFFFFFFD0];
	[tilespmem:s1+$0x20] =	vst v2  }
0x9c2: {  	v2 =	vld [tilespmem:s3+$0xFFFFFFE0];
	[tilespmem:s1+$0xFFFFFFC0] =	vst v4  }
0x9c3: {  	v4 =	vld [tilespmem:s3+$0xFFFFFFF0]  }
0x9c4: {  	v7 =	vld [tilespmem:s3+$0xFFFFFF90]  }
0x9c5: {  	v6 =	vld.idx.msk [tilespmem:v6+s17+$0x0], $0xffff  }
0x9c6: {  	v8 =	vld.idx.msk [tilespmem:v5+s17+$0x0], $0xffff  }
0x9c7: {  	v5 =	vld.idx.msk [tilespmem:v3+s17+$0x0], $0xffff  }
.Ltmp51:
0x9c8: {  	v3 =	vld.idx.msk [tilespmem:v0+s17+$0x0], $0xffff;
	(pc) =	sbr.rel @p5 .LBB2_104-.Ltmp51, $4  }
0x9c9: {  	v0 =	vld.idx.msk [tilespmem:v1+s17+$0x0], $0xffff  }
0x9ca: {  	s1 =	sadd.s32 $0x80, s1;
	v1 =	vld.idx.msk [tilespmem:v2+s17+$0x0], $0xffff  }
0x9cb: {  	v2 =	vld.idx.msk [tilespmem:v4+s17+$0x0], $0xffff;
	[tilespmem:s1+$0x30] =	vst v6  }
0x9cc: {  	s3 =	sadd.s32 $0x80, s3;
	v4 =	vld.idx.msk [tilespmem:v7+s17+$0x0], $0xffff;
	[tilespmem:s1+$0xFFFFFFD0] =	vst v8  }
0x9cd: {  	[tilespmem:s1+$0xFFFFFFE0] =	vst v5  }
0x9ce: {  	[tilespmem:s1+$0xFFFFFFF0] =	vst v3  }
0x9cf: {  	[tilespmem:s1+$0x0] =	vst v0  }
0x9d0: {  	[tilespmem:s1+$0x10] =	vst v1  }
0x9d1: {  	[tilespmem:s1+$0x20] =	vst v2  }
0x9d2: {  	s28 =	sadd.s32 $0x1, s28;
	[tilespmem:s1+$0xFFFFFFC0] =	vst v4  }
0x9d3: {  	[hbm4b:s16+s19] =	stream.strided.scatter [tilespmem:s24], [sflag:$0x4], $0x1000, s20, s19, $0x38;
	[tilespmem:$0x1E700] =	vst v63  }
0x9d4: {  	p5 =	sne.s32 s28, s18;
	_ =	swait.ge [sflag:s25], $0x1000  }
.Ltmp52:
0x9d5: {  	[sflag:s25] =	ssyncset.done $0x0;
	(pc) =	sbr.rel @p5 .LBB2_1-.Ltmp52, $4  }
0x9d6: {  	[sflag:s25] =	ssyncadd.s32 $0xFFFFF000  }
0x9d7: {  	_ =	swait.ge [sflag:s26], $0x1000  }
0x9d8: {  	[sflag:s26] =	ssyncset.done $0x0  }
0x9d9: {  	[sflag:s26] =	ssyncadd.s32 $0xFFFFF000  }
0x9da: {  	_ =	sfence.sel $0x180000  }
0x9db: {  	[bflag:$0x0] =	sbarrier.arrive $0xFFFF  }
0x9dc: {  	_ =	strace $0x90000047  }
0x9dd: {  	s0 =	stileid.u32;
	[bflag:$0x2] =	sbarrier.arrive $0xFFFF  }
0x9de: {  	p0 =	sne.s32 s0, $0x0;
	s0 =	rddreg [dreg:$0x3]  }
0x9df: {  	s0 =	sadd.s32 @!p0 $0x100000, s0  }
0x9e0: {  	[sflag:s0] =	ssyncadd.tile.s32 @!p0 $0x1;
	_ =	shalt  }
.Lfunc_end2:
_tile_overlayer_lowered:
.L_overlay_start_2:
0x9e1: {  	(tag) =	ssettag $0x2  }
0x9e2: {  	s0 =	rddreg [dreg:$0x0];
	s2 =	stileid.u32  }
0x9e3: {  	s1 =	rddreg [dreg:$0x1];
	p0 =	sne.s32 s2, $0x0  }
0x9e4: {  	s3 =	rddreg [dreg:$0x2];
	[bflag:$0x3] =	sbarrier.arrive $0xFFFF;
	s2 =	simm.s32 @!p0 $0x1C05  }
0x9e5: {  	[timem:s3], [sflag:s2] =	dma.local @!p0 [hbm:s0], s1  }
0x9e6: {  	s0 =	simm.s32 @!p0 $0x5  }
0x9e7: {  	_ =	swait.ge @!p0 [sflag:s0], s1  }
0x9e8: {  	s1 =	ssub.s32 @!p0 $0x0, s1;
	[sflag:s0] =	ssyncset.done @!p0 $0x0  }
0x9e9: {  	[sflag:s0] =	ssyncadd.s32 @!p0 s1  }
0x9ea: {  	[bflag:$0x3] =	sbarrier.arrive $0xFFFF  }
0x9eb: {  	_ =	shalt  }

</sc_bundles>
